<compile_context>
chip_gen: v7x
topology: tpu7x:2x2x1
jax: 0.10.2.dev20260603
libtpu: 0.0.44.dev20260713+nightly
codegen_flags: <defaults>
</compile_context>

<pallas_src>
import functools

import jax
import jax.numpy as jnp
from jax import lax
from jax.experimental import pallas as pl
from jax.experimental.pallas import tpu as pltpu
from jax.experimental.pallas import tpu_sc as plsc

B = 4
S = 4096
HIDDEN = 1024

NC = 2
NS = 16
NW = NC * NS

TOTAL = B * S
B_PER_W = TOTAL // NW
W_PER_ROW = S // B_PER_W
CHUNK = 16
N_CHUNKS = B_PER_W // CHUNK
NBUF = 6


def _gather_body(idx_hbm, table_hbm, out_hbm, idx_v, rows_v, *sems):
    gsems, ssems, isem = sems[:NBUF], sems[NBUF : 2 * NBUF], sems[2 * NBUF]
    wid = lax.axis_index("s") * NC + lax.axis_index("c")
    row = wid // W_PER_ROW
    col = (wid % W_PER_ROW) * B_PER_W
    head = 128
    pltpu.sync_copy(idx_hbm.at[row, pl.ds(col, head)], idx_v.at[pl.ds(0, head)])
    idx_rest = pltpu.async_copy(
        idx_hbm.at[row, pl.ds(col + head, B_PER_W - head)],
        idx_v.at[pl.ds(head, B_PER_W - head)],
        isem,
    )

    def gather(i):
        return pltpu.async_copy(
            table_hbm.at[idx_v.at[pl.ds(i * CHUNK, CHUNK)]],
            rows_v.at[i % NBUF],
            gsems[i % NBUF],
        )

    def scatter(i):
        return pltpu.async_copy(
            rows_v.at[i % NBUF],
            out_hbm.at[row, pl.ds(col + i * CHUNK, CHUNK)],
            ssems[i % NBUF],
        )

    g = [None] * NBUF
    s = [None] * NBUF
    for i in range(NBUF - 1):
        g[i] = gather(i)
    idx_rest.wait()
    for i in range(N_CHUNKS):
        b = i % NBUF
        nxt = i + NBUF - 1
        if nxt < N_CHUNKS:
            bn = nxt % NBUF
            if s[bn] is not None:
                s[bn].wait()
            g[bn] = gather(nxt)
        g[b].wait()
        s[b] = scatter(i)
    for i in range(max(0, N_CHUNKS - NBUF), N_CHUNKS):
        s[i % NBUF].wait()


@jax.jit
def _embed(x, weight):
    mesh = plsc.VectorSubcoreMesh(core_axis_name="c", subcore_axis_name="s")
    run = functools.partial(
        pl.kernel,
        mesh=mesh,
        out_type=jax.ShapeDtypeStruct((B, S, HIDDEN), jnp.float32),
        scratch_types=[
            pltpu.VMEM((B_PER_W,), jnp.int32),
            pltpu.VMEM((NBUF, CHUNK, HIDDEN), jnp.float32),
        ] + [pltpu.SemaphoreType.DMA] * (2 * NBUF + 1),
    )(_gather_body)
    return run(x, weight)


def kernel(x, weight):
    return _embed(x, weight)

# --- scband reference (transcript-rebuilt; emitter-appended) ---
"""Pipeline reference for scband-embedding-31799937860197 (READ-ONLY COPY).

The authoritative reference and input builder live on the scoring server;
editing this copy changes nothing except your own understanding.
"""

import jax, jax.numpy as jnp
import numpy as np

VOCAB = 100000
HIDDEN = 1024
B = 4
S = 4096
NORMALIZE = False


def setup_inputs(seed: int = 0) -> dict:
    key = jax.random.key(seed)
    k1, k2 = jax.random.split(key)
    # token ids (int32 used in jax to avoid x64 requirement; values < VOCAB)
    x = jax.random.randint(k1, (B, S), 0, VOCAB, dtype=jnp.int32)
    # learned embedding table sized per init_kwargs (vocab_size x hidden_size)
    weight = jax.random.normal(k2, (VOCAB, HIDDEN), dtype=jnp.float32) * 0.02
    return {"x": x, "weight": weight}


def reference(x, weight):
    # Faithful translation of Embedding.forward on the standard (non-indexed) path:
    #   x = self.embedding.forward(x); x = to2(x, out_dtype) -> cast to float32;
    #   if normalize: x *= hidden_size ** 0.5
    out = jnp.take(weight, x, axis=0)
    out = out.astype(jnp.float32)
    if NORMALIZE:
        out = out * (out.shape[-1] ** 0.5)
    return out

if __name__ == "__main__":
    import jax
    _d = setup_inputs()
    print(jax.jit(kernel)(*tuple(_d.values())))

</pallas_src>

<mosaic_0001>
#map = affine_map<(d0, d1) -> (0, 0)>
#map1 = affine_map<(d0, d1) -> (0, 0, 0)>
module attributes {stable_mosaic.version = 14 : i64} {
  func.func @_gather_body(%arg0: i32, %arg1: i32, %arg2: memref<4x4096xi32, #tpu.memory_space<hbm>>, %arg3: memref<100000x1024xf32, #tpu.memory_space<hbm>>, %arg4: memref<4x4096x1024xf32, #tpu.memory_space<hbm>>, %arg5: memref<512xi32, #tpu.memory_space<vmem>>, %arg6: memref<6x16x1024xf32, #tpu.memory_space<vmem>>, %arg7: memref<!tpu.dma_semaphore, #tpu.memory_space<semaphore_mem>>, %arg8: memref<!tpu.dma_semaphore, #tpu.memory_space<semaphore_mem>>, %arg9: memref<!tpu.dma_semaphore, #tpu.memory_space<semaphore_mem>>, %arg10: memref<!tpu.dma_semaphore, #tpu.memory_space<semaphore_mem>>, %arg11: memref<!tpu.dma_semaphore, #tpu.memory_space<semaphore_mem>>, %arg12: memref<!tpu.dma_semaphore, #tpu.memory_space<semaphore_mem>>, %arg13: memref<!tpu.dma_semaphore, #tpu.memory_space<semaphore_mem>>, %arg14: memref<!tpu.dma_semaphore, #tpu.memory_space<semaphore_mem>>, %arg15: memref<!tpu.dma_semaphore, #tpu.memory_space<semaphore_mem>>, %arg16: memref<!tpu.dma_semaphore, #tpu.memory_space<semaphore_mem>>, %arg17: memref<!tpu.dma_semaphore, #tpu.memory_space<semaphore_mem>>, %arg18: memref<!tpu.dma_semaphore, #tpu.memory_space<semaphore_mem>>, %arg19: memref<!tpu.dma_semaphore, #tpu.memory_space<semaphore_mem>>) attributes {dimension_semantics = [#tpu.dimension_semantics<core_parallel>, #tpu.dimension_semantics<subcore_parallel>], iteration_bounds = array<i64: 2, 16>, scalar_prefetch = 0 : i64, scratch_operands = 15 : i64, tpu.core_type = #tpu.core_type<sc_vector_subcore>, window_params = [{transform_indices = #map}, {transform_indices = #map}, {transform_indices = #map1}]} {
    %mul3A = arith.constant 2 : i32
    %mul3A_0 = arith.muli %arg1, %mul3A : i32
    %add3A = arith.addi %mul3A_0, %arg0 : i32
    %jit3A = arith.constant 8 : i32
    %div3A = arith.divsi %add3A, %jit3A : i32
    %sign3A = arith.constant 0 : i32
    %sign3A_1 = arith.cmpi sgt, %add3A, %sign3A : i32
    %sign3A_2 = arith.extui %sign3A_1 : i1 to i32
    %sign3A_3 = arith.constant 0 : i32
    %sign3A_4 = arith.cmpi slt, %add3A, %sign3A_3 : i32
    %sign3A_5 = arith.extui %sign3A_4 : i1 to i32
    %sign3A_6 = arith.subi %sign3A_2, %sign3A_5 : i32
    %sign3A_7 = arith.constant 0 : i32
    %sign3A_8 = arith.cmpi sgt, %jit3A, %sign3A_7 : i32
    %sign3A_9 = arith.extui %sign3A_8 : i1 to i32
    %sign3A_10 = arith.constant 0 : i32
    %sign3A_11 = arith.cmpi slt, %jit3A, %sign3A_10 : i32
    %sign3A_12 = arith.extui %sign3A_11 : i1 to i32
    %sign3A_13 = arith.subi %sign3A_9, %sign3A_12 : i32
    %ne3A = arith.cmpi ne, %sign3A_6, %sign3A_13 : i32
    %rem3A = arith.remsi %add3A, %jit3A : i32
    %ne3A_14 = arith.constant 0 : i32
    %ne3A_15 = arith.cmpi ne, %rem3A, %ne3A_14 : i32
    %and3A = arith.andi %ne3A, %ne3A_15 : i1
    %sub3A = arith.constant 1 : i32
    %sub3A_16 = arith.subi %div3A, %sub3A : i32
    %select_n3A = arith.select %and3A, %sub3A_16, %div3A : i32
    %jit3A_17 = arith.constant 8 : i32
    %eq3A = arith.constant 0 : i32
    %eq3A_18 = arith.cmpi eq, %jit3A_17, %eq3A : i32
    %jit3A_19 = arith.constant 1 : i32
    %select_n3A_20 = arith.select %eq3A_18, %jit3A_19, %jit3A_17 : i32
    %rem3A_21 = arith.remsi %add3A, %select_n3A_20 : i32
    %ne3A_22 = arith.constant 0 : i32
    %ne3A_23 = arith.cmpi ne, %rem3A_21, %ne3A_22 : i32
    %lt3A = arith.constant 0 : i32
    %lt3A_24 = arith.cmpi slt, %rem3A_21, %lt3A : i32
    %lt3A_25 = arith.constant 0 : i32
    %lt3A_26 = arith.cmpi slt, %select_n3A_20, %lt3A_25 : i32
    %ne3A_27 = arith.xori %lt3A_24, %lt3A_26 : i1
    %and3A_28 = arith.andi %ne3A_27, %ne3A_23 : i1
    %add3A_29 = arith.addi %rem3A_21, %select_n3A_20 : i32
    %select_n3A_30 = arith.select %and3A_28, %add3A_29, %rem3A_21 : i32
    %mul3A_31 = arith.constant 512 : i32
    %mul3A_32 = arith.muli %select_n3A_30, %mul3A_31 : i32
    "tpu.region"() ({
      %run_scoped3A = tpu.sem_alloc : memref<!tpu.dma_semaphore, #tpu.memory_space<semaphore_mem>>
      %dma_start3A_1713 = arith.constant 0 : i32
      %dma_start3A_1714 = tpu.memref_slice %arg5[%dma_start3A_1713] : memref<512xi32, #tpu.memory_space<vmem>> -> memref<128xi32, #tpu.memory_space<vmem>>
      %dma_start3A_1715 = tpu.memref_slice %arg2[%select_n3A, %mul3A_32] : memref<4x4096xi32, #tpu.memory_space<hbm>> -> memref<1x128xi32, #tpu.memory_space<hbm>>
      %dma_start3A_1716 = tpu.memref_squeeze %dma_start3A_1715 : memref<1x128xi32, #tpu.memory_space<hbm>> -> memref<128xi32, #tpu.memory_space<hbm>>
      %dma_start3A_1717 = arith.constant 0 : i32
      %dma_start3A_1718 = tpu.memref_slice %arg5[%dma_start3A_1717] : memref<512xi32, #tpu.memory_space<vmem>> -> memref<128xi32, #tpu.memory_space<vmem>>
      %dma_start3A_1719 = tpu.memref_slice %arg2[%select_n3A, %mul3A_32] : memref<4x4096xi32, #tpu.memory_space<hbm>> -> memref<1x128xi32, #tpu.memory_space<hbm>>
      %dma_start3A_1720 = tpu.memref_squeeze %dma_start3A_1719 : memref<1x128xi32, #tpu.memory_space<hbm>> -> memref<128xi32, #tpu.memory_space<hbm>>
      tpu.enqueue_dma source(%dma_start3A_1720 : memref<128xi32, #tpu.memory_space<hbm>>) target(%dma_start3A_1718 : memref<128xi32, #tpu.memory_space<vmem>>) target_semaphore(%run_scoped3A : memref<!tpu.dma_semaphore, #tpu.memory_space<semaphore_mem>>)
      %dma_wait3A_1721 = arith.constant 0 : i32
      %dma_wait3A_1722 = tpu.memref_slice %arg5[%dma_wait3A_1721] : memref<512xi32, #tpu.memory_space<vmem>> -> memref<128xi32, #tpu.memory_space<vmem>>
      %dma_wait3A_1723 = tpu.memref_slice %arg2[%select_n3A, %mul3A_32] : memref<4x4096xi32, #tpu.memory_space<hbm>> -> memref<1x128xi32, #tpu.memory_space<hbm>>
      %dma_wait3A_1724 = tpu.memref_squeeze %dma_wait3A_1723 : memref<1x128xi32, #tpu.memory_space<hbm>> -> memref<128xi32, #tpu.memory_space<hbm>>
      %dma_wait3A_1725 = arith.constant 0 : i32
      %dma_wait3A_1726 = tpu.memref_slice %arg5[%dma_wait3A_1725] : memref<512xi32, #tpu.memory_space<vmem>> -> memref<128xi32, #tpu.memory_space<vmem>>
      %dma_wait3A_1727 = tpu.memref_slice %arg2[%select_n3A, %mul3A_32] : memref<4x4096xi32, #tpu.memory_space<hbm>> -> memref<1x128xi32, #tpu.memory_space<hbm>>
      %dma_wait3A_1728 = tpu.memref_squeeze %dma_wait3A_1727 : memref<1x128xi32, #tpu.memory_space<hbm>> -> memref<128xi32, #tpu.memory_space<hbm>>
      tpu.wait_dma2 semaphore(%run_scoped3A : memref<!tpu.dma_semaphore, #tpu.memory_space<semaphore_mem>>) src(%dma_wait3A_1728 : memref<128xi32, #tpu.memory_space<hbm>>) dst(%dma_wait3A_1726 : memref<128xi32, #tpu.memory_space<vmem>>)
      tpu.yield
    }) : () -> ()
    %add3A_33 = arith.constant 128 : i32
    %add3A_34 = arith.addi %mul3A_32, %add3A_33 : i32
    %dma_start3A = arith.constant 128 : i32
    %dma_start3A_35 = tpu.memref_slice %arg5[%dma_start3A] : memref<512xi32, #tpu.memory_space<vmem>> -> memref<384xi32, #tpu.memory_space<vmem>>
    %dma_start3A_36 = tpu.memref_slice %arg2[%select_n3A, %add3A_34] : memref<4x4096xi32, #tpu.memory_space<hbm>> -> memref<1x384xi32, #tpu.memory_space<hbm>>
    %dma_start3A_37 = tpu.memref_squeeze %dma_start3A_36 : memref<1x384xi32, #tpu.memory_space<hbm>> -> memref<384xi32, #tpu.memory_space<hbm>>
    %dma_start3A_38 = arith.constant 128 : i32
    %dma_start3A_39 = tpu.memref_slice %arg5[%dma_start3A_38] : memref<512xi32, #tpu.memory_space<vmem>> -> memref<384xi32, #tpu.memory_space<vmem>>
    %dma_start3A_40 = tpu.memref_slice %arg2[%select_n3A, %add3A_34] : memref<4x4096xi32, #tpu.memory_space<hbm>> -> memref<1x384xi32, #tpu.memory_space<hbm>>
    %dma_start3A_41 = tpu.memref_squeeze %dma_start3A_40 : memref<1x384xi32, #tpu.memory_space<hbm>> -> memref<384xi32, #tpu.memory_space<hbm>>
    tpu.enqueue_dma source(%dma_start3A_41 : memref<384xi32, #tpu.memory_space<hbm>>) target(%dma_start3A_39 : memref<384xi32, #tpu.memory_space<vmem>>) target_semaphore(%arg19 : memref<!tpu.dma_semaphore, #tpu.memory_space<semaphore_mem>>)
    %dma_start3A_42 = arith.constant 0 : i32
    %dma_start3A_43 = arith.constant 0 : i32
    %dma_start3A_44 = arith.constant 0 : i32
    %dma_start3A_45 = tpu.memref_slice %arg6[%dma_start3A_42, %dma_start3A_43, %dma_start3A_44] : memref<6x16x1024xf32, #tpu.memory_space<vmem>> -> memref<1x16x1024xf32, #tpu.memory_space<vmem>>
    %dma_start3A_46 = tpu.memref_squeeze %dma_start3A_45 : memref<1x16x1024xf32, #tpu.memory_space<vmem>> -> memref<16x1024xf32, #tpu.memory_space<vmem>>
    %dma_start3A_47 = arith.constant 0 : i32
    %dma_start3A_48 = tpu.memref_slice %arg5[%dma_start3A_47] : memref<512xi32, #tpu.memory_space<vmem>> -> memref<16xi32, #tpu.memory_space<vmem>>
    %dma_start3A_49 = arith.constant 0 : i32
    %dma_start3A_50 = arith.constant 0 : i32
    %dma_start3A_51 = tpu.memref_slice %arg3[%dma_start3A_49, %dma_start3A_50] : memref<100000x1024xf32, #tpu.memory_space<hbm>> -> memref<100000x1024xf32, #tpu.memory_space<hbm>>
    tpu.enqueue_indirect_dma source(%dma_start3A_51 : memref<100000x1024xf32, #tpu.memory_space<hbm>>) target(%dma_start3A_46 : memref<16x1024xf32, #tpu.memory_space<vmem>>) offsets(%dma_start3A_48 : memref<16xi32, #tpu.memory_space<vmem>>) semaphore(%arg7 : memref<!tpu.dma_semaphore, #tpu.memory_space<semaphore_mem>>)
    %dma_start3A_52 = arith.constant 1 : i32
    %dma_start3A_53 = arith.constant 0 : i32
    %dma_start3A_54 = arith.constant 0 : i32
    %dma_start3A_55 = tpu.memref_slice %arg6[%dma_start3A_52, %dma_start3A_53, %dma_start3A_54] : memref<6x16x1024xf32, #tpu.memory_space<vmem>> -> memref<1x16x1024xf32, #tpu.memory_space<vmem>>
    %dma_start3A_56 = tpu.memref_squeeze %dma_start3A_55 : memref<1x16x1024xf32, #tpu.memory_space<vmem>> -> memref<16x1024xf32, #tpu.memory_space<vmem>>
    %dma_start3A_57 = arith.constant 16 : i32
    %dma_start3A_58 = tpu.memref_slice %arg5[%dma_start3A_57] : memref<512xi32, #tpu.memory_space<vmem>> -> memref<16xi32, #tpu.memory_space<vmem>>
    %dma_start3A_59 = arith.constant 0 : i32
    %dma_start3A_60 = arith.constant 0 : i32
    %dma_start3A_61 = tpu.memref_slice %arg3[%dma_start3A_59, %dma_start3A_60] : memref<100000x1024xf32, #tpu.memory_space<hbm>> -> memref<100000x1024xf32, #tpu.memory_space<hbm>>
    tpu.enqueue_indirect_dma source(%dma_start3A_61 : memref<100000x1024xf32, #tpu.memory_space<hbm>>) target(%dma_start3A_56 : memref<16x1024xf32, #tpu.memory_space<vmem>>) offsets(%dma_start3A_58 : memref<16xi32, #tpu.memory_space<vmem>>) semaphore(%arg8 : memref<!tpu.dma_semaphore, #tpu.memory_space<semaphore_mem>>)
    %dma_start3A_62 = arith.constant 2 : i32
    %dma_start3A_63 = arith.constant 0 : i32
    %dma_start3A_64 = arith.constant 0 : i32
    %dma_start3A_65 = tpu.memref_slice %arg6[%dma_start3A_62, %dma_start3A_63, %dma_start3A_64] : memref<6x16x1024xf32, #tpu.memory_space<vmem>> -> memref<1x16x1024xf32, #tpu.memory_space<vmem>>
    %dma_start3A_66 = tpu.memref_squeeze %dma_start3A_65 : memref<1x16x1024xf32, #tpu.memory_space<vmem>> -> memref<16x1024xf32, #tpu.memory_space<vmem>>
    %dma_start3A_67 = arith.constant 32 : i32
    %dma_start3A_68 = tpu.memref_slice %arg5[%dma_start3A_67] : memref<512xi32, #tpu.memory_space<vmem>> -> memref<16xi32, #tpu.memory_space<vmem>>
    %dma_start3A_69 = arith.constant 0 : i32
    %dma_start3A_70 = arith.constant 0 : i32
    %dma_start3A_71 = tpu.memref_slice %arg3[%dma_start3A_69, %dma_start3A_70] : memref<100000x1024xf32, #tpu.memory_space<hbm>> -> memref<100000x1024xf32, #tpu.memory_space<hbm>>
    tpu.enqueue_indirect_dma source(%dma_start3A_71 : memref<100000x1024xf32, #tpu.memory_space<hbm>>) target(%dma_start3A_66 : memref<16x1024xf32, #tpu.memory_space<vmem>>) offsets(%dma_start3A_68 : memref<16xi32, #tpu.memory_space<vmem>>) semaphore(%arg9 : memref<!tpu.dma_semaphore, #tpu.memory_space<semaphore_mem>>)
    %dma_start3A_72 = arith.constant 3 : i32
    %dma_start3A_73 = arith.constant 0 : i32
    %dma_start3A_74 = arith.constant 0 : i32
    %dma_start3A_75 = tpu.memref_slice %arg6[%dma_start3A_72, %dma_start3A_73, %dma_start3A_74] : memref<6x16x1024xf32, #tpu.memory_space<vmem>> -> memref<1x16x1024xf32, #tpu.memory_space<vmem>>
    %dma_start3A_76 = tpu.memref_squeeze %dma_start3A_75 : memref<1x16x1024xf32, #tpu.memory_space<vmem>> -> memref<16x1024xf32, #tpu.memory_space<vmem>>
    %dma_start3A_77 = arith.constant 48 : i32
    %dma_start3A_78 = tpu.memref_slice %arg5[%dma_start3A_77] : memref<512xi32, #tpu.memory_space<vmem>> -> memref<16xi32, #tpu.memory_space<vmem>>
    %dma_start3A_79 = arith.constant 0 : i32
    %dma_start3A_80 = arith.constant 0 : i32
    %dma_start3A_81 = tpu.memref_slice %arg3[%dma_start3A_79, %dma_start3A_80] : memref<100000x1024xf32, #tpu.memory_space<hbm>> -> memref<100000x1024xf32, #tpu.memory_space<hbm>>
    tpu.enqueue_indirect_dma source(%dma_start3A_81 : memref<100000x1024xf32, #tpu.memory_space<hbm>>) target(%dma_start3A_76 : memref<16x1024xf32, #tpu.memory_space<vmem>>) offsets(%dma_start3A_78 : memref<16xi32, #tpu.memory_space<vmem>>) semaphore(%arg10 : memref<!tpu.dma_semaphore, #tpu.memory_space<semaphore_mem>>)
    %dma_start3A_82 = arith.constant 4 : i32
    %dma_start3A_83 = arith.constant 0 : i32
    %dma_start3A_84 = arith.constant 0 : i32
    %dma_start3A_85 = tpu.memref_slice %arg6[%dma_start3A_82, %dma_start3A_83, %dma_start3A_84] : memref<6x16x1024xf32, #tpu.memory_space<vmem>> -> memref<1x16x1024xf32, #tpu.memory_space<vmem>>
    %dma_start3A_86 = tpu.memref_squeeze %dma_start3A_85 : memref<1x16x1024xf32, #tpu.memory_space<vmem>> -> memref<16x1024xf32, #tpu.memory_space<vmem>>
    %dma_start3A_87 = arith.constant 64 : i32
    %dma_start3A_88 = tpu.memref_slice %arg5[%dma_start3A_87] : memref<512xi32, #tpu.memory_space<vmem>> -> memref<16xi32, #tpu.memory_space<vmem>>
    %dma_start3A_89 = arith.constant 0 : i32
    %dma_start3A_90 = arith.constant 0 : i32
    %dma_start3A_91 = tpu.memref_slice %arg3[%dma_start3A_89, %dma_start3A_90] : memref<100000x1024xf32, #tpu.memory_space<hbm>> -> memref<100000x1024xf32, #tpu.memory_space<hbm>>
    tpu.enqueue_indirect_dma source(%dma_start3A_91 : memref<100000x1024xf32, #tpu.memory_space<hbm>>) target(%dma_start3A_86 : memref<16x1024xf32, #tpu.memory_space<vmem>>) offsets(%dma_start3A_88 : memref<16xi32, #tpu.memory_space<vmem>>) semaphore(%arg11 : memref<!tpu.dma_semaphore, #tpu.memory_space<semaphore_mem>>)
    %dma_wait3A = arith.constant 128 : i32
    %dma_wait3A_92 = tpu.memref_slice %arg5[%dma_wait3A] : memref<512xi32, #tpu.memory_space<vmem>> -> memref<384xi32, #tpu.memory_space<vmem>>
    %dma_wait3A_93 = tpu.memref_slice %arg2[%select_n3A, %add3A_34] : memref<4x4096xi32, #tpu.memory_space<hbm>> -> memref<1x384xi32, #tpu.memory_space<hbm>>
    %dma_wait3A_94 = tpu.memref_squeeze %dma_wait3A_93 : memref<1x384xi32, #tpu.memory_space<hbm>> -> memref<384xi32, #tpu.memory_space<hbm>>
    %dma_wait3A_95 = arith.constant 128 : i32
    %dma_wait3A_96 = tpu.memref_slice %arg5[%dma_wait3A_95] : memref<512xi32, #tpu.memory_space<vmem>> -> memref<384xi32, #tpu.memory_space<vmem>>
    %dma_wait3A_97 = tpu.memref_slice %arg2[%select_n3A, %add3A_34] : memref<4x4096xi32, #tpu.memory_space<hbm>> -> memref<1x384xi32, #tpu.memory_space<hbm>>
    %dma_wait3A_98 = tpu.memref_squeeze %dma_wait3A_97 : memref<1x384xi32, #tpu.memory_space<hbm>> -> memref<384xi32, #tpu.memory_space<hbm>>
    tpu.wait_dma2 semaphore(%arg19 : memref<!tpu.dma_semaphore, #tpu.memory_space<semaphore_mem>>) src(%dma_wait3A_98 : memref<384xi32, #tpu.memory_space<hbm>>) dst(%dma_wait3A_96 : memref<384xi32, #tpu.memory_space<vmem>>)
    %dma_start3A_99 = arith.constant 5 : i32
    %dma_start3A_100 = arith.constant 0 : i32
    %dma_start3A_101 = arith.constant 0 : i32
    %dma_start3A_102 = tpu.memref_slice %arg6[%dma_start3A_99, %dma_start3A_100, %dma_start3A_101] : memref<6x16x1024xf32, #tpu.memory_space<vmem>> -> memref<1x16x1024xf32, #tpu.memory_space<vmem>>
    %dma_start3A_103 = tpu.memref_squeeze %dma_start3A_102 : memref<1x16x1024xf32, #tpu.memory_space<vmem>> -> memref<16x1024xf32, #tpu.memory_space<vmem>>
    %dma_start3A_104 = arith.constant 80 : i32
    %dma_start3A_105 = tpu.memref_slice %arg5[%dma_start3A_104] : memref<512xi32, #tpu.memory_space<vmem>> -> memref<16xi32, #tpu.memory_space<vmem>>
    %dma_start3A_106 = arith.constant 0 : i32
    %dma_start3A_107 = arith.constant 0 : i32
    %dma_start3A_108 = tpu.memref_slice %arg3[%dma_start3A_106, %dma_start3A_107] : memref<100000x1024xf32, #tpu.memory_space<hbm>> -> memref<100000x1024xf32, #tpu.memory_space<hbm>>
    tpu.enqueue_indirect_dma source(%dma_start3A_108 : memref<100000x1024xf32, #tpu.memory_space<hbm>>) target(%dma_start3A_103 : memref<16x1024xf32, #tpu.memory_space<vmem>>) offsets(%dma_start3A_105 : memref<16xi32, #tpu.memory_space<vmem>>) semaphore(%arg12 : memref<!tpu.dma_semaphore, #tpu.memory_space<semaphore_mem>>)
    %dma_wait3A_109 = arith.constant 0 : i32
    %dma_wait3A_110 = arith.constant 0 : i32
    %dma_wait3A_111 = arith.constant 0 : i32
    %dma_wait3A_112 = tpu.memref_slice %arg6[%dma_wait3A_109, %dma_wait3A_110, %dma_wait3A_111] : memref<6x16x1024xf32, #tpu.memory_space<vmem>> -> memref<1x16x1024xf32, #tpu.memory_space<vmem>>
    %dma_wait3A_113 = tpu.memref_squeeze %dma_wait3A_112 : memref<1x16x1024xf32, #tpu.memory_space<vmem>> -> memref<16x1024xf32, #tpu.memory_space<vmem>>
    %dma_wait3A_114 = arith.constant 0 : i32
    %dma_wait3A_115 = tpu.memref_slice %arg5[%dma_wait3A_114] : memref<512xi32, #tpu.memory_space<vmem>> -> memref<16xi32, #tpu.memory_space<vmem>>
    %dma_wait3A_116 = arith.constant 0 : i32
    %dma_wait3A_117 = arith.constant 0 : i32
    %dma_wait3A_118 = tpu.memref_slice %arg3[%dma_wait3A_116, %dma_wait3A_117] : memref<100000x1024xf32, #tpu.memory_space<hbm>> -> memref<100000x1024xf32, #tpu.memory_space<hbm>>
    tpu.wait_indirect_dma semaphore(%arg7 : memref<!tpu.dma_semaphore, #tpu.memory_space<semaphore_mem>>) src(%dma_wait3A_118 : memref<100000x1024xf32, #tpu.memory_space<hbm>>) dst(%dma_wait3A_113 : memref<16x1024xf32, #tpu.memory_space<vmem>>)
    %add3A_119 = arith.constant 0 : i32
    %add3A_120 = arith.addi %mul3A_32, %add3A_119 : i32
    %dma_start3A_121 = arith.constant 0 : i32
    %dma_start3A_122 = arith.constant 0 : i32
    %dma_start3A_123 = arith.constant 0 : i32
    %dma_start3A_124 = tpu.memref_slice %arg6[%dma_start3A_121, %dma_start3A_122, %dma_start3A_123] : memref<6x16x1024xf32, #tpu.memory_space<vmem>> -> memref<1x16x1024xf32, #tpu.memory_space<vmem>>
    %dma_start3A_125 = tpu.memref_squeeze %dma_start3A_124 : memref<1x16x1024xf32, #tpu.memory_space<vmem>> -> memref<16x1024xf32, #tpu.memory_space<vmem>>
    %dma_start3A_126 = arith.constant 0 : i32
    %dma_start3A_127 = tpu.memref_slice %arg4[%select_n3A, %add3A_120, %dma_start3A_126] : memref<4x4096x1024xf32, #tpu.memory_space<hbm>> -> memref<1x16x1024xf32, #tpu.memory_space<hbm>>
    %dma_start3A_128 = tpu.memref_squeeze %dma_start3A_127 : memref<1x16x1024xf32, #tpu.memory_space<hbm>> -> memref<16x1024xf32, #tpu.memory_space<hbm>>
    %dma_start3A_129 = arith.constant 0 : i32
    %dma_start3A_130 = tpu.memref_slice %arg4[%select_n3A, %add3A_120, %dma_start3A_129] : memref<4x4096x1024xf32, #tpu.memory_space<hbm>> -> memref<1x16x1024xf32, #tpu.memory_space<hbm>>
    %dma_start3A_131 = tpu.memref_squeeze %dma_start3A_130 : memref<1x16x1024xf32, #tpu.memory_space<hbm>> -> memref<16x1024xf32, #tpu.memory_space<hbm>>
    %dma_start3A_132 = arith.constant 0 : i32
    %dma_start3A_133 = arith.constant 0 : i32
    %dma_start3A_134 = tpu.memref_slice %arg6[%dma_start3A_121, %dma_start3A_132, %dma_start3A_133] : memref<6x16x1024xf32, #tpu.memory_space<vmem>> -> memref<1x16x1024xf32, #tpu.memory_space<vmem>>
    %dma_start3A_135 = tpu.memref_squeeze %dma_start3A_134 : memref<1x16x1024xf32, #tpu.memory_space<vmem>> -> memref<16x1024xf32, #tpu.memory_space<vmem>>
    tpu.enqueue_dma source(%dma_start3A_135 : memref<16x1024xf32, #tpu.memory_space<vmem>>) target(%dma_start3A_131 : memref<16x1024xf32, #tpu.memory_space<hbm>>) target_semaphore(%arg13 : memref<!tpu.dma_semaphore, #tpu.memory_space<semaphore_mem>>)
    %dma_wait3A_136 = arith.constant 0 : i32
    %dma_wait3A_137 = arith.constant 0 : i32
    %dma_wait3A_138 = arith.constant 0 : i32
    %dma_wait3A_139 = tpu.memref_slice %arg6[%dma_wait3A_136, %dma_wait3A_137, %dma_wait3A_138] : memref<6x16x1024xf32, #tpu.memory_space<vmem>> -> memref<1x16x1024xf32, #tpu.memory_space<vmem>>
    %dma_wait3A_140 = tpu.memref_squeeze %dma_wait3A_139 : memref<1x16x1024xf32, #tpu.memory_space<vmem>> -> memref<16x1024xf32, #tpu.memory_space<vmem>>
    %dma_wait3A_141 = arith.constant 0 : i32
    %dma_wait3A_142 = tpu.memref_slice %arg4[%select_n3A, %add3A_120, %dma_wait3A_141] : memref<4x4096x1024xf32, #tpu.memory_space<hbm>> -> memref<1x16x1024xf32, #tpu.memory_space<hbm>>
    %dma_wait3A_143 = tpu.memref_squeeze %dma_wait3A_142 : memref<1x16x1024xf32, #tpu.memory_space<hbm>> -> memref<16x1024xf32, #tpu.memory_space<hbm>>
    %dma_wait3A_144 = arith.constant 0 : i32
    %dma_wait3A_145 = tpu.memref_slice %arg4[%select_n3A, %add3A_120, %dma_wait3A_144] : memref<4x4096x1024xf32, #tpu.memory_space<hbm>> -> memref<1x16x1024xf32, #tpu.memory_space<hbm>>
    %dma_wait3A_146 = tpu.memref_squeeze %dma_wait3A_145 : memref<1x16x1024xf32, #tpu.memory_space<hbm>> -> memref<16x1024xf32, #tpu.memory_space<hbm>>
    %dma_wait3A_147 = arith.constant 0 : i32
    %dma_wait3A_148 = arith.constant 0 : i32
    %dma_wait3A_149 = tpu.memref_slice %arg6[%dma_wait3A_136, %dma_wait3A_147, %dma_wait3A_148] : memref<6x16x1024xf32, #tpu.memory_space<vmem>> -> memref<1x16x1024xf32, #tpu.memory_space<vmem>>
    %dma_wait3A_150 = tpu.memref_squeeze %dma_wait3A_149 : memref<1x16x1024xf32, #tpu.memory_space<vmem>> -> memref<16x1024xf32, #tpu.memory_space<vmem>>
    tpu.wait_dma2 semaphore(%arg13 : memref<!tpu.dma_semaphore, #tpu.memory_space<semaphore_mem>>) src(%dma_wait3A_150 : memref<16x1024xf32, #tpu.memory_space<vmem>>) dst(%dma_wait3A_146 : memref<16x1024xf32, #tpu.memory_space<hbm>>)
    %dma_start3A_151 = arith.constant 0 : i32
    %dma_start3A_152 = arith.constant 0 : i32
    %dma_start3A_153 = arith.constant 0 : i32
    %dma_start3A_154 = tpu.memref_slice %arg6[%dma_start3A_151, %dma_start3A_152, %dma_start3A_153] : memref<6x16x1024xf32, #tpu.memory_space<vmem>> -> memref<1x16x1024xf32, #tpu.memory_space<vmem>>
    %dma_start3A_155 = tpu.memref_squeeze %dma_start3A_154 : memref<1x16x1024xf32, #tpu.memory_space<vmem>> -> memref<16x1024xf32, #tpu.memory_space<vmem>>
    %dma_start3A_156 = arith.constant 96 : i32
    %dma_start3A_157 = tpu.memref_slice %arg5[%dma_start3A_156] : memref<512xi32, #tpu.memory_space<vmem>> -> memref<16xi32, #tpu.memory_space<vmem>>
    %dma_start3A_158 = arith.constant 0 : i32
    %dma_start3A_159 = arith.constant 0 : i32
    %dma_start3A_160 = tpu.memref_slice %arg3[%dma_start3A_158, %dma_start3A_159] : memref<100000x1024xf32, #tpu.memory_space<hbm>> -> memref<100000x1024xf32, #tpu.memory_space<hbm>>
    tpu.enqueue_indirect_dma source(%dma_start3A_160 : memref<100000x1024xf32, #tpu.memory_space<hbm>>) target(%dma_start3A_155 : memref<16x1024xf32, #tpu.memory_space<vmem>>) offsets(%dma_start3A_157 : memref<16xi32, #tpu.memory_space<vmem>>) semaphore(%arg7 : memref<!tpu.dma_semaphore, #tpu.memory_space<semaphore_mem>>)
    %dma_wait3A_161 = arith.constant 1 : i32
    %dma_wait3A_162 = arith.constant 0 : i32
    %dma_wait3A_163 = arith.constant 0 : i32
    %dma_wait3A_164 = tpu.memref_slice %arg6[%dma_wait3A_161, %dma_wait3A_162, %dma_wait3A_163] : memref<6x16x1024xf32, #tpu.memory_space<vmem>> -> memref<1x16x1024xf32, #tpu.memory_space<vmem>>
    %dma_wait3A_165 = tpu.memref_squeeze %dma_wait3A_164 : memref<1x16x1024xf32, #tpu.memory_space<vmem>> -> memref<16x1024xf32, #tpu.memory_space<vmem>>
    %dma_wait3A_166 = arith.constant 16 : i32
    %dma_wait3A_167 = tpu.memref_slice %arg5[%dma_wait3A_166] : memref<512xi32, #tpu.memory_space<vmem>> -> memref<16xi32, #tpu.memory_space<vmem>>
    %dma_wait3A_168 = arith.constant 0 : i32
    %dma_wait3A_169 = arith.constant 0 : i32
    %dma_wait3A_170 = tpu.memref_slice %arg3[%dma_wait3A_168, %dma_wait3A_169] : memref<100000x1024xf32, #tpu.memory_space<hbm>> -> memref<100000x1024xf32, #tpu.memory_space<hbm>>
    tpu.wait_indirect_dma semaphore(%arg8 : memref<!tpu.dma_semaphore, #tpu.memory_space<semaphore_mem>>) src(%dma_wait3A_170 : memref<100000x1024xf32, #tpu.memory_space<hbm>>) dst(%dma_wait3A_165 : memref<16x1024xf32, #tpu.memory_space<vmem>>)
    %add3A_171 = arith.constant 16 : i32
    %add3A_172 = arith.addi %mul3A_32, %add3A_171 : i32
    %dma_start3A_173 = arith.constant 1 : i32
    %dma_start3A_174 = arith.constant 0 : i32
    %dma_start3A_175 = arith.constant 0 : i32
    %dma_start3A_176 = tpu.memref_slice %arg6[%dma_start3A_173, %dma_start3A_174, %dma_start3A_175] : memref<6x16x1024xf32, #tpu.memory_space<vmem>> -> memref<1x16x1024xf32, #tpu.memory_space<vmem>>
    %dma_start3A_177 = tpu.memref_squeeze %dma_start3A_176 : memref<1x16x1024xf32, #tpu.memory_space<vmem>> -> memref<16x1024xf32, #tpu.memory_space<vmem>>
    %dma_start3A_178 = arith.constant 0 : i32
    %dma_start3A_179 = tpu.memref_slice %arg4[%select_n3A, %add3A_172, %dma_start3A_178] : memref<4x4096x1024xf32, #tpu.memory_space<hbm>> -> memref<1x16x1024xf32, #tpu.memory_space<hbm>>
    %dma_start3A_180 = tpu.memref_squeeze %dma_start3A_179 : memref<1x16x1024xf32, #tpu.memory_space<hbm>> -> memref<16x1024xf32, #tpu.memory_space<hbm>>
    %dma_start3A_181 = arith.constant 0 : i32
    %dma_start3A_182 = tpu.memref_slice %arg4[%select_n3A, %add3A_172, %dma_start3A_181] : memref<4x4096x1024xf32, #tpu.memory_space<hbm>> -> memref<1x16x1024xf32, #tpu.memory_space<hbm>>
    %dma_start3A_183 = tpu.memref_squeeze %dma_start3A_182 : memref<1x16x1024xf32, #tpu.memory_space<hbm>> -> memref<16x1024xf32, #tpu.memory_space<hbm>>
    %dma_start3A_184 = arith.constant 0 : i32
    %dma_start3A_185 = arith.constant 0 : i32
    %dma_start3A_186 = tpu.memref_slice %arg6[%dma_start3A_173, %dma_start3A_184, %dma_start3A_185] : memref<6x16x1024xf32, #tpu.memory_space<vmem>> -> memref<1x16x1024xf32, #tpu.memory_space<vmem>>
    %dma_start3A_187 = tpu.memref_squeeze %dma_start3A_186 : memref<1x16x1024xf32, #tpu.memory_space<vmem>> -> memref<16x1024xf32, #tpu.memory_space<vmem>>
    tpu.enqueue_dma source(%dma_start3A_187 : memref<16x1024xf32, #tpu.memory_space<vmem>>) target(%dma_start3A_183 : memref<16x1024xf32, #tpu.memory_space<hbm>>) target_semaphore(%arg14 : memref<!tpu.dma_semaphore, #tpu.memory_space<semaphore_mem>>)
    %dma_wait3A_188 = arith.constant 1 : i32
    %dma_wait3A_189 = arith.constant 0 : i32
    %dma_wait3A_190 = arith.constant 0 : i32
    %dma_wait3A_191 = tpu.memref_slice %arg6[%dma_wait3A_188, %dma_wait3A_189, %dma_wait3A_190] : memref<6x16x1024xf32, #tpu.memory_space<vmem>> -> memref<1x16x1024xf32, #tpu.memory_space<vmem>>
    %dma_wait3A_192 = tpu.memref_squeeze %dma_wait3A_191 : memref<1x16x1024xf32, #tpu.memory_space<vmem>> -> memref<16x1024xf32, #tpu.memory_space<vmem>>
    %dma_wait3A_193 = arith.constant 0 : i32
    %dma_wait3A_194 = tpu.memref_slice %arg4[%select_n3A, %add3A_172, %dma_wait3A_193] : memref<4x4096x1024xf32, #tpu.memory_space<hbm>> -> memref<1x16x1024xf32, #tpu.memory_space<hbm>>
    %dma_wait3A_195 = tpu.memref_squeeze %dma_wait3A_194 : memref<1x16x1024xf32, #tpu.memory_space<hbm>> -> memref<16x1024xf32, #tpu.memory_space<hbm>>
    %dma_wait3A_196 = arith.constant 0 : i32
    %dma_wait3A_197 = tpu.memref_slice %arg4[%select_n3A, %add3A_172, %dma_wait3A_196] : memref<4x4096x1024xf32, #tpu.memory_space<hbm>> -> memref<1x16x1024xf32, #tpu.memory_space<hbm>>
    %dma_wait3A_198 = tpu.memref_squeeze %dma_wait3A_197 : memref<1x16x1024xf32, #tpu.memory_space<hbm>> -> memref<16x1024xf32, #tpu.memory_space<hbm>>
    %dma_wait3A_199 = arith.constant 0 : i32
    %dma_wait3A_200 = arith.constant 0 : i32
    %dma_wait3A_201 = tpu.memref_slice %arg6[%dma_wait3A_188, %dma_wait3A_199, %dma_wait3A_200] : memref<6x16x1024xf32, #tpu.memory_space<vmem>> -> memref<1x16x1024xf32, #tpu.memory_space<vmem>>
    %dma_wait3A_202 = tpu.memref_squeeze %dma_wait3A_201 : memref<1x16x1024xf32, #tpu.memory_space<vmem>> -> memref<16x1024xf32, #tpu.memory_space<vmem>>
    tpu.wait_dma2 semaphore(%arg14 : memref<!tpu.dma_semaphore, #tpu.memory_space<semaphore_mem>>) src(%dma_wait3A_202 : memref<16x1024xf32, #tpu.memory_space<vmem>>) dst(%dma_wait3A_198 : memref<16x1024xf32, #tpu.memory_space<hbm>>)
    %dma_start3A_203 = arith.constant 1 : i32
    %dma_start3A_204 = arith.constant 0 : i32
    %dma_start3A_205 = arith.constant 0 : i32
    %dma_start3A_206 = tpu.memref_slice %arg6[%dma_start3A_203, %dma_start3A_204, %dma_start3A_205] : memref<6x16x1024xf32, #tpu.memory_space<vmem>> -> memref<1x16x1024xf32, #tpu.memory_space<vmem>>
    %dma_start3A_207 = tpu.memref_squeeze %dma_start3A_206 : memref<1x16x1024xf32, #tpu.memory_space<vmem>> -> memref<16x1024xf32, #tpu.memory_space<vmem>>
    %dma_start3A_208 = arith.constant 112 : i32
    %dma_start3A_209 = tpu.memref_slice %arg5[%dma_start3A_208] : memref<512xi32, #tpu.memory_space<vmem>> -> memref<16xi32, #tpu.memory_space<vmem>>
    %dma_start3A_210 = arith.constant 0 : i32
    %dma_start3A_211 = arith.constant 0 : i32
    %dma_start3A_212 = tpu.memref_slice %arg3[%dma_start3A_210, %dma_start3A_211] : memref<100000x1024xf32, #tpu.memory_space<hbm>> -> memref<100000x1024xf32, #tpu.memory_space<hbm>>
    tpu.enqueue_indirect_dma source(%dma_start3A_212 : memref<100000x1024xf32, #tpu.memory_space<hbm>>) target(%dma_start3A_207 : memref<16x1024xf32, #tpu.memory_space<vmem>>) offsets(%dma_start3A_209 : memref<16xi32, #tpu.memory_space<vmem>>) semaphore(%arg8 : memref<!tpu.dma_semaphore, #tpu.memory_space<semaphore_mem>>)
    %dma_wait3A_213 = arith.constant 2 : i32
    %dma_wait3A_214 = arith.constant 0 : i32
    %dma_wait3A_215 = arith.constant 0 : i32
    %dma_wait3A_216 = tpu.memref_slice %arg6[%dma_wait3A_213, %dma_wait3A_214, %dma_wait3A_215] : memref<6x16x1024xf32, #tpu.memory_space<vmem>> -> memref<1x16x1024xf32, #tpu.memory_space<vmem>>
    %dma_wait3A_217 = tpu.memref_squeeze %dma_wait3A_216 : memref<1x16x1024xf32, #tpu.memory_space<vmem>> -> memref<16x1024xf32, #tpu.memory_space<vmem>>
    %dma_wait3A_218 = arith.constant 32 : i32
    %dma_wait3A_219 = tpu.memref_slice %arg5[%dma_wait3A_218] : memref<512xi32, #tpu.memory_space<vmem>> -> memref<16xi32, #tpu.memory_space<vmem>>
    %dma_wait3A_220 = arith.constant 0 : i32
    %dma_wait3A_221 = arith.constant 0 : i32
    %dma_wait3A_222 = tpu.memref_slice %arg3[%dma_wait3A_220, %dma_wait3A_221] : memref<100000x1024xf32, #tpu.memory_space<hbm>> -> memref<100000x1024xf32, #tpu.memory_space<hbm>>
    tpu.wait_indirect_dma semaphore(%arg9 : memref<!tpu.dma_semaphore, #tpu.memory_space<semaphore_mem>>) src(%dma_wait3A_222 : memref<100000x1024xf32, #tpu.memory_space<hbm>>) dst(%dma_wait3A_217 : memref<16x1024xf32, #tpu.memory_space<vmem>>)
    %add3A_223 = arith.constant 32 : i32
    %add3A_224 = arith.addi %mul3A_32, %add3A_223 : i32
    %dma_start3A_225 = arith.constant 2 : i32
    %dma_start3A_226 = arith.constant 0 : i32
    %dma_start3A_227 = arith.constant 0 : i32
    %dma_start3A_228 = tpu.memref_slice %arg6[%dma_start3A_225, %dma_start3A_226, %dma_start3A_227] : memref<6x16x1024xf32, #tpu.memory_space<vmem>> -> memref<1x16x1024xf32, #tpu.memory_space<vmem>>
    %dma_start3A_229 = tpu.memref_squeeze %dma_start3A_228 : memref<1x16x1024xf32, #tpu.memory_space<vmem>> -> memref<16x1024xf32, #tpu.memory_space<vmem>>
    %dma_start3A_230 = arith.constant 0 : i32
    %dma_start3A_231 = tpu.memref_slice %arg4[%select_n3A, %add3A_224, %dma_start3A_230] : memref<4x4096x1024xf32, #tpu.memory_space<hbm>> -> memref<1x16x1024xf32, #tpu.memory_space<hbm>>
    %dma_start3A_232 = tpu.memref_squeeze %dma_start3A_231 : memref<1x16x1024xf32, #tpu.memory_space<hbm>> -> memref<16x1024xf32, #tpu.memory_space<hbm>>
    %dma_start3A_233 = arith.constant 0 : i32
    %dma_start3A_234 = tpu.memref_slice %arg4[%select_n3A, %add3A_224, %dma_start3A_233] : memref<4x4096x1024xf32, #tpu.memory_space<hbm>> -> memref<1x16x1024xf32, #tpu.memory_space<hbm>>
    %dma_start3A_235 = tpu.memref_squeeze %dma_start3A_234 : memref<1x16x1024xf32, #tpu.memory_space<hbm>> -> memref<16x1024xf32, #tpu.memory_space<hbm>>
    %dma_start3A_236 = arith.constant 0 : i32
    %dma_start3A_237 = arith.constant 0 : i32
    %dma_start3A_238 = tpu.memref_slice %arg6[%dma_start3A_225, %dma_start3A_236, %dma_start3A_237] : memref<6x16x1024xf32, #tpu.memory_space<vmem>> -> memref<1x16x1024xf32, #tpu.memory_space<vmem>>
    %dma_start3A_239 = tpu.memref_squeeze %dma_start3A_238 : memref<1x16x1024xf32, #tpu.memory_space<vmem>> -> memref<16x1024xf32, #tpu.memory_space<vmem>>
    tpu.enqueue_dma source(%dma_start3A_239 : memref<16x1024xf32, #tpu.memory_space<vmem>>) target(%dma_start3A_235 : memref<16x1024xf32, #tpu.memory_space<hbm>>) target_semaphore(%arg15 : memref<!tpu.dma_semaphore, #tpu.memory_space<semaphore_mem>>)
    %dma_wait3A_240 = arith.constant 2 : i32
    %dma_wait3A_241 = arith.constant 0 : i32
    %dma_wait3A_242 = arith.constant 0 : i32
    %dma_wait3A_243 = tpu.memref_slice %arg6[%dma_wait3A_240, %dma_wait3A_241, %dma_wait3A_242] : memref<6x16x1024xf32, #tpu.memory_space<vmem>> -> memref<1x16x1024xf32, #tpu.memory_space<vmem>>
    %dma_wait3A_244 = tpu.memref_squeeze %dma_wait3A_243 : memref<1x16x1024xf32, #tpu.memory_space<vmem>> -> memref<16x1024xf32, #tpu.memory_space<vmem>>
    %dma_wait3A_245 = arith.constant 0 : i32
    %dma_wait3A_246 = tpu.memref_slice %arg4[%select_n3A, %add3A_224, %dma_wait3A_245] : memref<4x4096x1024xf32, #tpu.memory_space<hbm>> -> memref<1x16x1024xf32, #tpu.memory_space<hbm>>
    %dma_wait3A_247 = tpu.memref_squeeze %dma_wait3A_246 : memref<1x16x1024xf32, #tpu.memory_space<hbm>> -> memref<16x1024xf32, #tpu.memory_space<hbm>>
    %dma_wait3A_248 = arith.constant 0 : i32
    %dma_wait3A_249 = tpu.memref_slice %arg4[%select_n3A, %add3A_224, %dma_wait3A_248] : memref<4x4096x1024xf32, #tpu.memory_space<hbm>> -> memref<1x16x1024xf32, #tpu.memory_space<hbm>>
    %dma_wait3A_250 = tpu.memref_squeeze %dma_wait3A_249 : memref<1x16x1024xf32, #tpu.memory_space<hbm>> -> memref<16x1024xf32, #tpu.memory_space<hbm>>
    %dma_wait3A_251 = arith.constant 0 : i32
    %dma_wait3A_252 = arith.constant 0 : i32
    %dma_wait3A_253 = tpu.memref_slice %arg6[%dma_wait3A_240, %dma_wait3A_251, %dma_wait3A_252] : memref<6x16x1024xf32, #tpu.memory_space<vmem>> -> memref<1x16x1024xf32, #tpu.memory_space<vmem>>
    %dma_wait3A_254 = tpu.memref_squeeze %dma_wait3A_253 : memref<1x16x1024xf32, #tpu.memory_space<vmem>> -> memref<16x1024xf32, #tpu.memory_space<vmem>>
    tpu.wait_dma2 semaphore(%arg15 : memref<!tpu.dma_semaphore, #tpu.memory_space<semaphore_mem>>) src(%dma_wait3A_254 : memref<16x1024xf32, #tpu.memory_space<vmem>>) dst(%dma_wait3A_250 : memref<16x1024xf32, #tpu.memory_space<hbm>>)
    %dma_start3A_255 = arith.constant 2 : i32
    %dma_start3A_256 = arith.constant 0 : i32
    %dma_start3A_257 = arith.constant 0 : i32
    %dma_start3A_258 = tpu.memref_slice %arg6[%dma_start3A_255, %dma_start3A_256, %dma_start3A_257] : memref<6x16x1024xf32, #tpu.memory_space<vmem>> -> memref<1x16x1024xf32, #tpu.memory_space<vmem>>
    %dma_start3A_259 = tpu.memref_squeeze %dma_start3A_258 : memref<1x16x1024xf32, #tpu.memory_space<vmem>> -> memref<16x1024xf32, #tpu.memory_space<vmem>>
    %dma_start3A_260 = arith.constant 128 : i32
    %dma_start3A_261 = tpu.memref_slice %arg5[%dma_start3A_260] : memref<512xi32, #tpu.memory_space<vmem>> -> memref<16xi32, #tpu.memory_space<vmem>>
    %dma_start3A_262 = arith.constant 0 : i32
    %dma_start3A_263 = arith.constant 0 : i32
    %dma_start3A_264 = tpu.memref_slice %arg3[%dma_start3A_262, %dma_start3A_263] : memref<100000x1024xf32, #tpu.memory_space<hbm>> -> memref<100000x1024xf32, #tpu.memory_space<hbm>>
    tpu.enqueue_indirect_dma source(%dma_start3A_264 : memref<100000x1024xf32, #tpu.memory_space<hbm>>) target(%dma_start3A_259 : memref<16x1024xf32, #tpu.memory_space<vmem>>) offsets(%dma_start3A_261 : memref<16xi32, #tpu.memory_space<vmem>>) semaphore(%arg9 : memref<!tpu.dma_semaphore, #tpu.memory_space<semaphore_mem>>)
    %dma_wait3A_265 = arith.constant 3 : i32
    %dma_wait3A_266 = arith.constant 0 : i32
    %dma_wait3A_267 = arith.constant 0 : i32
    %dma_wait3A_268 = tpu.memref_slice %arg6[%dma_wait3A_265, %dma_wait3A_266, %dma_wait3A_267] : memref<6x16x1024xf32, #tpu.memory_space<vmem>> -> memref<1x16x1024xf32, #tpu.memory_space<vmem>>
    %dma_wait3A_269 = tpu.memref_squeeze %dma_wait3A_268 : memref<1x16x1024xf32, #tpu.memory_space<vmem>> -> memref<16x1024xf32, #tpu.memory_space<vmem>>
    %dma_wait3A_270 = arith.constant 48 : i32
    %dma_wait3A_271 = tpu.memref_slice %arg5[%dma_wait3A_270] : memref<512xi32, #tpu.memory_space<vmem>> -> memref<16xi32, #tpu.memory_space<vmem>>
    %dma_wait3A_272 = arith.constant 0 : i32
    %dma_wait3A_273 = arith.constant 0 : i32
    %dma_wait3A_274 = tpu.memref_slice %arg3[%dma_wait3A_272, %dma_wait3A_273] : memref<100000x1024xf32, #tpu.memory_space<hbm>> -> memref<100000x1024xf32, #tpu.memory_space<hbm>>
    tpu.wait_indirect_dma semaphore(%arg10 : memref<!tpu.dma_semaphore, #tpu.memory_space<semaphore_mem>>) src(%dma_wait3A_274 : memref<100000x1024xf32, #tpu.memory_space<hbm>>) dst(%dma_wait3A_269 : memref<16x1024xf32, #tpu.memory_space<vmem>>)
    %add3A_275 = arith.constant 48 : i32
    %add3A_276 = arith.addi %mul3A_32, %add3A_275 : i32
    %dma_start3A_277 = arith.constant 3 : i32
    %dma_start3A_278 = arith.constant 0 : i32
    %dma_start3A_279 = arith.constant 0 : i32
    %dma_start3A_280 = tpu.memref_slice %arg6[%dma_start3A_277, %dma_start3A_278, %dma_start3A_279] : memref<6x16x1024xf32, #tpu.memory_space<vmem>> -> memref<1x16x1024xf32, #tpu.memory_space<vmem>>
    %dma_start3A_281 = tpu.memref_squeeze %dma_start3A_280 : memref<1x16x1024xf32, #tpu.memory_space<vmem>> -> memref<16x1024xf32, #tpu.memory_space<vmem>>
    %dma_start3A_282 = arith.constant 0 : i32
    %dma_start3A_283 = tpu.memref_slice %arg4[%select_n3A, %add3A_276, %dma_start3A_282] : memref<4x4096x1024xf32, #tpu.memory_space<hbm>> -> memref<1x16x1024xf32, #tpu.memory_space<hbm>>
    %dma_start3A_284 = tpu.memref_squeeze %dma_start3A_283 : memref<1x16x1024xf32, #tpu.memory_space<hbm>> -> memref<16x1024xf32, #tpu.memory_space<hbm>>
    %dma_start3A_285 = arith.constant 0 : i32
    %dma_start3A_286 = tpu.memref_slice %arg4[%select_n3A, %add3A_276, %dma_start3A_285] : memref<4x4096x1024xf32, #tpu.memory_space<hbm>> -> memref<1x16x1024xf32, #tpu.memory_space<hbm>>
    %dma_start3A_287 = tpu.memref_squeeze %dma_start3A_286 : memref<1x16x1024xf32, #tpu.memory_space<hbm>> -> memref<16x1024xf32, #tpu.memory_space<hbm>>
    %dma_start3A_288 = arith.constant 0 : i32
    %dma_start3A_289 = arith.constant 0 : i32
    %dma_start3A_290 = tpu.memref_slice %arg6[%dma_start3A_277, %dma_start3A_288, %dma_start3A_289] : memref<6x16x1024xf32, #tpu.memory_space<vmem>> -> memref<1x16x1024xf32, #tpu.memory_space<vmem>>
    %dma_start3A_291 = tpu.memref_squeeze %dma_start3A_290 : memref<1x16x1024xf32, #tpu.memory_space<vmem>> -> memref<16x1024xf32, #tpu.memory_space<vmem>>
    tpu.enqueue_dma source(%dma_start3A_291 : memref<16x1024xf32, #tpu.memory_space<vmem>>) target(%dma_start3A_287 : memref<16x1024xf32, #tpu.memory_space<hbm>>) target_semaphore(%arg16 : memref<!tpu.dma_semaphore, #tpu.memory_space<semaphore_mem>>)
    %dma_wait3A_292 = arith.constant 3 : i32
    %dma_wait3A_293 = arith.constant 0 : i32
    %dma_wait3A_294 = arith.constant 0 : i32
    %dma_wait3A_295 = tpu.memref_slice %arg6[%dma_wait3A_292, %dma_wait3A_293, %dma_wait3A_294] : memref<6x16x1024xf32, #tpu.memory_space<vmem>> -> memref<1x16x1024xf32, #tpu.memory_space<vmem>>
    %dma_wait3A_296 = tpu.memref_squeeze %dma_wait3A_295 : memref<1x16x1024xf32, #tpu.memory_space<vmem>> -> memref<16x1024xf32, #tpu.memory_space<vmem>>
    %dma_wait3A_297 = arith.constant 0 : i32
    %dma_wait3A_298 = tpu.memref_slice %arg4[%select_n3A, %add3A_276, %dma_wait3A_297] : memref<4x4096x1024xf32, #tpu.memory_space<hbm>> -> memref<1x16x1024xf32, #tpu.memory_space<hbm>>
    %dma_wait3A_299 = tpu.memref_squeeze %dma_wait3A_298 : memref<1x16x1024xf32, #tpu.memory_space<hbm>> -> memref<16x1024xf32, #tpu.memory_space<hbm>>
    %dma_wait3A_300 = arith.constant 0 : i32
    %dma_wait3A_301 = tpu.memref_slice %arg4[%select_n3A, %add3A_276, %dma_wait3A_300] : memref<4x4096x1024xf32, #tpu.memory_space<hbm>> -> memref<1x16x1024xf32, #tpu.memory_space<hbm>>
    %dma_wait3A_302 = tpu.memref_squeeze %dma_wait3A_301 : memref<1x16x1024xf32, #tpu.memory_space<hbm>> -> memref<16x1024xf32, #tpu.memory_space<hbm>>
    %dma_wait3A_303 = arith.constant 0 : i32
    %dma_wait3A_304 = arith.constant 0 : i32
    %dma_wait3A_305 = tpu.memref_slice %arg6[%dma_wait3A_292, %dma_wait3A_303, %dma_wait3A_304] : memref<6x16x1024xf32, #tpu.memory_space<vmem>> -> memref<1x16x1024xf32, #tpu.memory_space<vmem>>
    %dma_wait3A_306 = tpu.memref_squeeze %dma_wait3A_305 : memref<1x16x1024xf32, #tpu.memory_space<vmem>> -> memref<16x1024xf32, #tpu.memory_space<vmem>>
    tpu.wait_dma2 semaphore(%arg16 : memref<!tpu.dma_semaphore, #tpu.memory_space<semaphore_mem>>) src(%dma_wait3A_306 : memref<16x1024xf32, #tpu.memory_space<vmem>>) dst(%dma_wait3A_302 : memref<16x1024xf32, #tpu.memory_space<hbm>>)
    %dma_start3A_307 = arith.constant 3 : i32
    %dma_start3A_308 = arith.constant 0 : i32
    %dma_start3A_309 = arith.constant 0 : i32
    %dma_start3A_310 = tpu.memref_slice %arg6[%dma_start3A_307, %dma_start3A_308, %dma_start3A_309] : memref<6x16x1024xf32, #tpu.memory_space<vmem>> -> memref<1x16x1024xf32, #tpu.memory_space<vmem>>
    %dma_start3A_311 = tpu.memref_squeeze %dma_start3A_310 : memref<1x16x1024xf32, #tpu.memory_space<vmem>> -> memref<16x1024xf32, #tpu.memory_space<vmem>>
    %dma_start3A_312 = arith.constant 144 : i32
    %dma_start3A_313 = tpu.memref_slice %arg5[%dma_start3A_312] : memref<512xi32, #tpu.memory_space<vmem>> -> memref<16xi32, #tpu.memory_space<vmem>>
    %dma_start3A_314 = arith.constant 0 : i32
    %dma_start3A_315 = arith.constant 0 : i32
    %dma_start3A_316 = tpu.memref_slice %arg3[%dma_start3A_314, %dma_start3A_315] : memref<100000x1024xf32, #tpu.memory_space<hbm>> -> memref<100000x1024xf32, #tpu.memory_space<hbm>>
    tpu.enqueue_indirect_dma source(%dma_start3A_316 : memref<100000x1024xf32, #tpu.memory_space<hbm>>) target(%dma_start3A_311 : memref<16x1024xf32, #tpu.memory_space<vmem>>) offsets(%dma_start3A_313 : memref<16xi32, #tpu.memory_space<vmem>>) semaphore(%arg10 : memref<!tpu.dma_semaphore, #tpu.memory_space<semaphore_mem>>)
    %dma_wait3A_317 = arith.constant 4 : i32
    %dma_wait3A_318 = arith.constant 0 : i32
    %dma_wait3A_319 = arith.constant 0 : i32
    %dma_wait3A_320 = tpu.memref_slice %arg6[%dma_wait3A_317, %dma_wait3A_318, %dma_wait3A_319] : memref<6x16x1024xf32, #tpu.memory_space<vmem>> -> memref<1x16x1024xf32, #tpu.memory_space<vmem>>
    %dma_wait3A_321 = tpu.memref_squeeze %dma_wait3A_320 : memref<1x16x1024xf32, #tpu.memory_space<vmem>> -> memref<16x1024xf32, #tpu.memory_space<vmem>>
    %dma_wait3A_322 = arith.constant 64 : i32
    %dma_wait3A_323 = tpu.memref_slice %arg5[%dma_wait3A_322] : memref<512xi32, #tpu.memory_space<vmem>> -> memref<16xi32, #tpu.memory_space<vmem>>
    %dma_wait3A_324 = arith.constant 0 : i32
    %dma_wait3A_325 = arith.constant 0 : i32
    %dma_wait3A_326 = tpu.memref_slice %arg3[%dma_wait3A_324, %dma_wait3A_325] : memref<100000x1024xf32, #tpu.memory_space<hbm>> -> memref<100000x1024xf32, #tpu.memory_space<hbm>>
    tpu.wait_indirect_dma semaphore(%arg11 : memref<!tpu.dma_semaphore, #tpu.memory_space<semaphore_mem>>) src(%dma_wait3A_326 : memref<100000x1024xf32, #tpu.memory_space<hbm>>) dst(%dma_wait3A_321 : memref<16x1024xf32, #tpu.memory_space<vmem>>)
    %add3A_327 = arith.constant 64 : i32
    %add3A_328 = arith.addi %mul3A_32, %add3A_327 : i32
    %dma_start3A_329 = arith.constant 4 : i32
    %dma_start3A_330 = arith.constant 0 : i32
    %dma_start3A_331 = arith.constant 0 : i32
    %dma_start3A_332 = tpu.memref_slice %arg6[%dma_start3A_329, %dma_start3A_330, %dma_start3A_331] : memref<6x16x1024xf32, #tpu.memory_space<vmem>> -> memref<1x16x1024xf32, #tpu.memory_space<vmem>>
    %dma_start3A_333 = tpu.memref_squeeze %dma_start3A_332 : memref<1x16x1024xf32, #tpu.memory_space<vmem>> -> memref<16x1024xf32, #tpu.memory_space<vmem>>
    %dma_start3A_334 = arith.constant 0 : i32
    %dma_start3A_335 = tpu.memref_slice %arg4[%select_n3A, %add3A_328, %dma_start3A_334] : memref<4x4096x1024xf32, #tpu.memory_space<hbm>> -> memref<1x16x1024xf32, #tpu.memory_space<hbm>>
    %dma_start3A_336 = tpu.memref_squeeze %dma_start3A_335 : memref<1x16x1024xf32, #tpu.memory_space<hbm>> -> memref<16x1024xf32, #tpu.memory_space<hbm>>
    %dma_start3A_337 = arith.constant 0 : i32
    %dma_start3A_338 = tpu.memref_slice %arg4[%select_n3A, %add3A_328, %dma_start3A_337] : memref<4x4096x1024xf32, #tpu.memory_space<hbm>> -> memref<1x16x1024xf32, #tpu.memory_space<hbm>>
    %dma_start3A_339 = tpu.memref_squeeze %dma_start3A_338 : memref<1x16x1024xf32, #tpu.memory_space<hbm>> -> memref<16x1024xf32, #tpu.memory_space<hbm>>
    %dma_start3A_340 = arith.constant 0 : i32
    %dma_start3A_341 = arith.constant 0 : i32
    %dma_start3A_342 = tpu.memref_slice %arg6[%dma_start3A_329, %dma_start3A_340, %dma_start3A_341] : memref<6x16x1024xf32, #tpu.memory_space<vmem>> -> memref<1x16x1024xf32, #tpu.memory_space<vmem>>
    %dma_start3A_343 = tpu.memref_squeeze %dma_start3A_342 : memref<1x16x1024xf32, #tpu.memory_space<vmem>> -> memref<16x1024xf32, #tpu.memory_space<vmem>>
    tpu.enqueue_dma source(%dma_start3A_343 : memref<16x1024xf32, #tpu.memory_space<vmem>>) target(%dma_start3A_339 : memref<16x1024xf32, #tpu.memory_space<hbm>>) target_semaphore(%arg17 : memref<!tpu.dma_semaphore, #tpu.memory_space<semaphore_mem>>)
    %dma_wait3A_344 = arith.constant 4 : i32
    %dma_wait3A_345 = arith.constant 0 : i32
    %dma_wait3A_346 = arith.constant 0 : i32
    %dma_wait3A_347 = tpu.memref_slice %arg6[%dma_wait3A_344, %dma_wait3A_345, %dma_wait3A_346] : memref<6x16x1024xf32, #tpu.memory_space<vmem>> -> memref<1x16x1024xf32, #tpu.memory_space<vmem>>
    %dma_wait3A_348 = tpu.memref_squeeze %dma_wait3A_347 : memref<1x16x1024xf32, #tpu.memory_space<vmem>> -> memref<16x1024xf32, #tpu.memory_space<vmem>>
    %dma_wait3A_349 = arith.constant 0 : i32
    %dma_wait3A_350 = tpu.memref_slice %arg4[%select_n3A, %add3A_328, %dma_wait3A_349] : memref<4x4096x1024xf32, #tpu.memory_space<hbm>> -> memref<1x16x1024xf32, #tpu.memory_space<hbm>>
    %dma_wait3A_351 = tpu.memref_squeeze %dma_wait3A_350 : memref<1x16x1024xf32, #tpu.memory_space<hbm>> -> memref<16x1024xf32, #tpu.memory_space<hbm>>
    %dma_wait3A_352 = arith.constant 0 : i32
    %dma_wait3A_353 = tpu.memref_slice %arg4[%select_n3A, %add3A_328, %dma_wait3A_352] : memref<4x4096x1024xf32, #tpu.memory_space<hbm>> -> memref<1x16x1024xf32, #tpu.memory_space<hbm>>
    %dma_wait3A_354 = tpu.memref_squeeze %dma_wait3A_353 : memref<1x16x1024xf32, #tpu.memory_space<hbm>> -> memref<16x1024xf32, #tpu.memory_space<hbm>>
    %dma_wait3A_355 = arith.constant 0 : i32
    %dma_wait3A_356 = arith.constant 0 : i32
    %dma_wait3A_357 = tpu.memref_slice %arg6[%dma_wait3A_344, %dma_wait3A_355, %dma_wait3A_356] : memref<6x16x1024xf32, #tpu.memory_space<vmem>> -> memref<1x16x1024xf32, #tpu.memory_space<vmem>>
    %dma_wait3A_358 = tpu.memref_squeeze %dma_wait3A_357 : memref<1x16x1024xf32, #tpu.memory_space<vmem>> -> memref<16x1024xf32, #tpu.memory_space<vmem>>
    tpu.wait_dma2 semaphore(%arg17 : memref<!tpu.dma_semaphore, #tpu.memory_space<semaphore_mem>>) src(%dma_wait3A_358 : memref<16x1024xf32, #tpu.memory_space<vmem>>) dst(%dma_wait3A_354 : memref<16x1024xf32, #tpu.memory_space<hbm>>)
    %dma_start3A_359 = arith.constant 4 : i32
    %dma_start3A_360 = arith.constant 0 : i32
    %dma_start3A_361 = arith.constant 0 : i32
    %dma_start3A_362 = tpu.memref_slice %arg6[%dma_start3A_359, %dma_start3A_360, %dma_start3A_361] : memref<6x16x1024xf32, #tpu.memory_space<vmem>> -> memref<1x16x1024xf32, #tpu.memory_space<vmem>>
    %dma_start3A_363 = tpu.memref_squeeze %dma_start3A_362 : memref<1x16x1024xf32, #tpu.memory_space<vmem>> -> memref<16x1024xf32, #tpu.memory_space<vmem>>
    %dma_start3A_364 = arith.constant 160 : i32
    %dma_start3A_365 = tpu.memref_slice %arg5[%dma_start3A_364] : memref<512xi32, #tpu.memory_space<vmem>> -> memref<16xi32, #tpu.memory_space<vmem>>
    %dma_start3A_366 = arith.constant 0 : i32
    %dma_start3A_367 = arith.constant 0 : i32
    %dma_start3A_368 = tpu.memref_slice %arg3[%dma_start3A_366, %dma_start3A_367] : memref<100000x1024xf32, #tpu.memory_space<hbm>> -> memref<100000x1024xf32, #tpu.memory_space<hbm>>
    tpu.enqueue_indirect_dma source(%dma_start3A_368 : memref<100000x1024xf32, #tpu.memory_space<hbm>>) target(%dma_start3A_363 : memref<16x1024xf32, #tpu.memory_space<vmem>>) offsets(%dma_start3A_365 : memref<16xi32, #tpu.memory_space<vmem>>) semaphore(%arg11 : memref<!tpu.dma_semaphore, #tpu.memory_space<semaphore_mem>>)
    %dma_wait3A_369 = arith.constant 5 : i32
    %dma_wait3A_370 = arith.constant 0 : i32
    %dma_wait3A_371 = arith.constant 0 : i32
    %dma_wait3A_372 = tpu.memref_slice %arg6[%dma_wait3A_369, %dma_wait3A_370, %dma_wait3A_371] : memref<6x16x1024xf32, #tpu.memory_space<vmem>> -> memref<1x16x1024xf32, #tpu.memory_space<vmem>>
    %dma_wait3A_373 = tpu.memref_squeeze %dma_wait3A_372 : memref<1x16x1024xf32, #tpu.memory_space<vmem>> -> memref<16x1024xf32, #tpu.memory_space<vmem>>
    %dma_wait3A_374 = arith.constant 80 : i32
    %dma_wait3A_375 = tpu.memref_slice %arg5[%dma_wait3A_374] : memref<512xi32, #tpu.memory_space<vmem>> -> memref<16xi32, #tpu.memory_space<vmem>>
    %dma_wait3A_376 = arith.constant 0 : i32
    %dma_wait3A_377 = arith.constant 0 : i32
    %dma_wait3A_378 = tpu.memref_slice %arg3[%dma_wait3A_376, %dma_wait3A_377] : memref<100000x1024xf32, #tpu.memory_space<hbm>> -> memref<100000x1024xf32, #tpu.memory_space<hbm>>
    tpu.wait_indirect_dma semaphore(%arg12 : memref<!tpu.dma_semaphore, #tpu.memory_space<semaphore_mem>>) src(%dma_wait3A_378 : memref<100000x1024xf32, #tpu.memory_space<hbm>>) dst(%dma_wait3A_373 : memref<16x1024xf32, #tpu.memory_space<vmem>>)
    %add3A_379 = arith.constant 80 : i32
    %add3A_380 = arith.addi %mul3A_32, %add3A_379 : i32
    %dma_start3A_381 = arith.constant 5 : i32
    %dma_start3A_382 = arith.constant 0 : i32
    %dma_start3A_383 = arith.constant 0 : i32
    %dma_start3A_384 = tpu.memref_slice %arg6[%dma_start3A_381, %dma_start3A_382, %dma_start3A_383] : memref<6x16x1024xf32, #tpu.memory_space<vmem>> -> memref<1x16x1024xf32, #tpu.memory_space<vmem>>
    %dma_start3A_385 = tpu.memref_squeeze %dma_start3A_384 : memref<1x16x1024xf32, #tpu.memory_space<vmem>> -> memref<16x1024xf32, #tpu.memory_space<vmem>>
    %dma_start3A_386 = arith.constant 0 : i32
    %dma_start3A_387 = tpu.memref_slice %arg4[%select_n3A, %add3A_380, %dma_start3A_386] : memref<4x4096x1024xf32, #tpu.memory_space<hbm>> -> memref<1x16x1024xf32, #tpu.memory_space<hbm>>
    %dma_start3A_388 = tpu.memref_squeeze %dma_start3A_387 : memref<1x16x1024xf32, #tpu.memory_space<hbm>> -> memref<16x1024xf32, #tpu.memory_space<hbm>>
    %dma_start3A_389 = arith.constant 0 : i32
    %dma_start3A_390 = tpu.memref_slice %arg4[%select_n3A, %add3A_380, %dma_start3A_389] : memref<4x4096x1024xf32, #tpu.memory_space<hbm>> -> memref<1x16x1024xf32, #tpu.memory_space<hbm>>
    %dma_start3A_391 = tpu.memref_squeeze %dma_start3A_390 : memref<1x16x1024xf32, #tpu.memory_space<hbm>> -> memref<16x1024xf32, #tpu.memory_space<hbm>>
    %dma_start3A_392 = arith.constant 0 : i32
    %dma_start3A_393 = arith.constant 0 : i32
    %dma_start3A_394 = tpu.memref_slice %arg6[%dma_start3A_381, %dma_start3A_392, %dma_start3A_393] : memref<6x16x1024xf32, #tpu.memory_space<vmem>> -> memref<1x16x1024xf32, #tpu.memory_space<vmem>>
    %dma_start3A_395 = tpu.memref_squeeze %dma_start3A_394 : memref<1x16x1024xf32, #tpu.memory_space<vmem>> -> memref<16x1024xf32, #tpu.memory_space<vmem>>
    tpu.enqueue_dma source(%dma_start3A_395 : memref<16x1024xf32, #tpu.memory_space<vmem>>) target(%dma_start3A_391 : memref<16x1024xf32, #tpu.memory_space<hbm>>) target_semaphore(%arg18 : memref<!tpu.dma_semaphore, #tpu.memory_space<semaphore_mem>>)
    %dma_wait3A_396 = arith.constant 5 : i32
    %dma_wait3A_397 = arith.constant 0 : i32
    %dma_wait3A_398 = arith.constant 0 : i32
    %dma_wait3A_399 = tpu.memref_slice %arg6[%dma_wait3A_396, %dma_wait3A_397, %dma_wait3A_398] : memref<6x16x1024xf32, #tpu.memory_space<vmem>> -> memref<1x16x1024xf32, #tpu.memory_space<vmem>>
    %dma_wait3A_400 = tpu.memref_squeeze %dma_wait3A_399 : memref<1x16x1024xf32, #tpu.memory_space<vmem>> -> memref<16x1024xf32, #tpu.memory_space<vmem>>
    %dma_wait3A_401 = arith.constant 0 : i32
    %dma_wait3A_402 = tpu.memref_slice %arg4[%select_n3A, %add3A_380, %dma_wait3A_401] : memref<4x4096x1024xf32, #tpu.memory_space<hbm>> -> memref<1x16x1024xf32, #tpu.memory_space<hbm>>
    %dma_wait3A_403 = tpu.memref_squeeze %dma_wait3A_402 : memref<1x16x1024xf32, #tpu.memory_space<hbm>> -> memref<16x1024xf32, #tpu.memory_space<hbm>>
    %dma_wait3A_404 = arith.constant 0 : i32
    %dma_wait3A_405 = tpu.memref_slice %arg4[%select_n3A, %add3A_380, %dma_wait3A_404] : memref<4x4096x1024xf32, #tpu.memory_space<hbm>> -> memref<1x16x1024xf32, #tpu.memory_space<hbm>>
    %dma_wait3A_406 = tpu.memref_squeeze %dma_wait3A_405 : memref<1x16x1024xf32, #tpu.memory_space<hbm>> -> memref<16x1024xf32, #tpu.memory_space<hbm>>
    %dma_wait3A_407 = arith.constant 0 : i32
    %dma_wait3A_408 = arith.constant 0 : i32
    %dma_wait3A_409 = tpu.memref_slice %arg6[%dma_wait3A_396, %dma_wait3A_407, %dma_wait3A_408] : memref<6x16x1024xf32, #tpu.memory_space<vmem>> -> memref<1x16x1024xf32, #tpu.memory_space<vmem>>
    %dma_wait3A_410 = tpu.memref_squeeze %dma_wait3A_409 : memref<1x16x1024xf32, #tpu.memory_space<vmem>> -> memref<16x1024xf32, #tpu.memory_space<vmem>>
    tpu.wait_dma2 semaphore(%arg18 : memref<!tpu.dma_semaphore, #tpu.memory_space<semaphore_mem>>) src(%dma_wait3A_410 : memref<16x1024xf32, #tpu.memory_space<vmem>>) dst(%dma_wait3A_406 : memref<16x1024xf32, #tpu.memory_space<hbm>>)
    %dma_start3A_411 = arith.constant 5 : i32
    %dma_start3A_412 = arith.constant 0 : i32
    %dma_start3A_413 = arith.constant 0 : i32
    %dma_start3A_414 = tpu.memref_slice %arg6[%dma_start3A_411, %dma_start3A_412, %dma_start3A_413] : memref<6x16x1024xf32, #tpu.memory_space<vmem>> -> memref<1x16x1024xf32, #tpu.memory_space<vmem>>
    %dma_start3A_415 = tpu.memref_squeeze %dma_start3A_414 : memref<1x16x1024xf32, #tpu.memory_space<vmem>> -> memref<16x1024xf32, #tpu.memory_space<vmem>>
    %dma_start3A_416 = arith.constant 176 : i32
    %dma_start3A_417 = tpu.memref_slice %arg5[%dma_start3A_416] : memref<512xi32, #tpu.memory_space<vmem>> -> memref<16xi32, #tpu.memory_space<vmem>>
    %dma_start3A_418 = arith.constant 0 : i32
    %dma_start3A_419 = arith.constant 0 : i32
    %dma_start3A_420 = tpu.memref_slice %arg3[%dma_start3A_418, %dma_start3A_419] : memref<100000x1024xf32, #tpu.memory_space<hbm>> -> memref<100000x1024xf32, #tpu.memory_space<hbm>>
    tpu.enqueue_indirect_dma source(%dma_start3A_420 : memref<100000x1024xf32, #tpu.memory_space<hbm>>) target(%dma_start3A_415 : memref<16x1024xf32, #tpu.memory_space<vmem>>) offsets(%dma_start3A_417 : memref<16xi32, #tpu.memory_space<vmem>>) semaphore(%arg12 : memref<!tpu.dma_semaphore, #tpu.memory_space<semaphore_mem>>)
    %dma_wait3A_421 = arith.constant 0 : i32
    %dma_wait3A_422 = arith.constant 0 : i32
    %dma_wait3A_423 = arith.constant 0 : i32
    %dma_wait3A_424 = tpu.memref_slice %arg6[%dma_wait3A_421, %dma_wait3A_422, %dma_wait3A_423] : memref<6x16x1024xf32, #tpu.memory_space<vmem>> -> memref<1x16x1024xf32, #tpu.memory_space<vmem>>
    %dma_wait3A_425 = tpu.memref_squeeze %dma_wait3A_424 : memref<1x16x1024xf32, #tpu.memory_space<vmem>> -> memref<16x1024xf32, #tpu.memory_space<vmem>>
    %dma_wait3A_426 = arith.constant 96 : i32
    %dma_wait3A_427 = tpu.memref_slice %arg5[%dma_wait3A_426] : memref<512xi32, #tpu.memory_space<vmem>> -> memref<16xi32, #tpu.memory_space<vmem>>
    %dma_wait3A_428 = arith.constant 0 : i32
    %dma_wait3A_429 = arith.constant 0 : i32
    %dma_wait3A_430 = tpu.memref_slice %arg3[%dma_wait3A_428, %dma_wait3A_429] : memref<100000x1024xf32, #tpu.memory_space<hbm>> -> memref<100000x1024xf32, #tpu.memory_space<hbm>>
    tpu.wait_indirect_dma semaphore(%arg7 : memref<!tpu.dma_semaphore, #tpu.memory_space<semaphore_mem>>) src(%dma_wait3A_430 : memref<100000x1024xf32, #tpu.memory_space<hbm>>) dst(%dma_wait3A_425 : memref<16x1024xf32, #tpu.memory_space<vmem>>)
    %add3A_431 = arith.constant 96 : i32
    %add3A_432 = arith.addi %mul3A_32, %add3A_431 : i32
    %dma_start3A_433 = arith.constant 0 : i32
    %dma_start3A_434 = arith.constant 0 : i32
    %dma_start3A_435 = arith.constant 0 : i32
    %dma_start3A_436 = tpu.memref_slice %arg6[%dma_start3A_433, %dma_start3A_434, %dma_start3A_435] : memref<6x16x1024xf32, #tpu.memory_space<vmem>> -> memref<1x16x1024xf32, #tpu.memory_space<vmem>>
    %dma_start3A_437 = tpu.memref_squeeze %dma_start3A_436 : memref<1x16x1024xf32, #tpu.memory_space<vmem>> -> memref<16x1024xf32, #tpu.memory_space<vmem>>
    %dma_start3A_438 = arith.constant 0 : i32
    %dma_start3A_439 = tpu.memref_slice %arg4[%select_n3A, %add3A_432, %dma_start3A_438] : memref<4x4096x1024xf32, #tpu.memory_space<hbm>> -> memref<1x16x1024xf32, #tpu.memory_space<hbm>>
    %dma_start3A_440 = tpu.memref_squeeze %dma_start3A_439 : memref<1x16x1024xf32, #tpu.memory_space<hbm>> -> memref<16x1024xf32, #tpu.memory_space<hbm>>
    %dma_start3A_441 = arith.constant 0 : i32
    %dma_start3A_442 = tpu.memref_slice %arg4[%select_n3A, %add3A_432, %dma_start3A_441] : memref<4x4096x1024xf32, #tpu.memory_space<hbm>> -> memref<1x16x1024xf32, #tpu.memory_space<hbm>>
    %dma_start3A_443 = tpu.memref_squeeze %dma_start3A_442 : memref<1x16x1024xf32, #tpu.memory_space<hbm>> -> memref<16x1024xf32, #tpu.memory_space<hbm>>
    %dma_start3A_444 = arith.constant 0 : i32
    %dma_start3A_445 = arith.constant 0 : i32
    %dma_start3A_446 = tpu.memref_slice %arg6[%dma_start3A_433, %dma_start3A_444, %dma_start3A_445] : memref<6x16x1024xf32, #tpu.memory_space<vmem>> -> memref<1x16x1024xf32, #tpu.memory_space<vmem>>
    %dma_start3A_447 = tpu.memref_squeeze %dma_start3A_446 : memref<1x16x1024xf32, #tpu.memory_space<vmem>> -> memref<16x1024xf32, #tpu.memory_space<vmem>>
    tpu.enqueue_dma source(%dma_start3A_447 : memref<16x1024xf32, #tpu.memory_space<vmem>>) target(%dma_start3A_443 : memref<16x1024xf32, #tpu.memory_space<hbm>>) target_semaphore(%arg13 : memref<!tpu.dma_semaphore, #tpu.memory_space<semaphore_mem>>)
    %dma_wait3A_448 = arith.constant 0 : i32
    %dma_wait3A_449 = arith.constant 0 : i32
    %dma_wait3A_450 = arith.constant 0 : i32
    %dma_wait3A_451 = tpu.memref_slice %arg6[%dma_wait3A_448, %dma_wait3A_449, %dma_wait3A_450] : memref<6x16x1024xf32, #tpu.memory_space<vmem>> -> memref<1x16x1024xf32, #tpu.memory_space<vmem>>
    %dma_wait3A_452 = tpu.memref_squeeze %dma_wait3A_451 : memref<1x16x1024xf32, #tpu.memory_space<vmem>> -> memref<16x1024xf32, #tpu.memory_space<vmem>>
    %dma_wait3A_453 = arith.constant 0 : i32
    %dma_wait3A_454 = tpu.memref_slice %arg4[%select_n3A, %add3A_432, %dma_wait3A_453] : memref<4x4096x1024xf32, #tpu.memory_space<hbm>> -> memref<1x16x1024xf32, #tpu.memory_space<hbm>>
    %dma_wait3A_455 = tpu.memref_squeeze %dma_wait3A_454 : memref<1x16x1024xf32, #tpu.memory_space<hbm>> -> memref<16x1024xf32, #tpu.memory_space<hbm>>
    %dma_wait3A_456 = arith.constant 0 : i32
    %dma_wait3A_457 = tpu.memref_slice %arg4[%select_n3A, %add3A_432, %dma_wait3A_456] : memref<4x4096x1024xf32, #tpu.memory_space<hbm>> -> memref<1x16x1024xf32, #tpu.memory_space<hbm>>
    %dma_wait3A_458 = tpu.memref_squeeze %dma_wait3A_457 : memref<1x16x1024xf32, #tpu.memory_space<hbm>> -> memref<16x1024xf32, #tpu.memory_space<hbm>>
    %dma_wait3A_459 = arith.constant 0 : i32
    %dma_wait3A_460 = arith.constant 0 : i32
    %dma_wait3A_461 = tpu.memref_slice %arg6[%dma_wait3A_448, %dma_wait3A_459, %dma_wait3A_460] : memref<6x16x1024xf32, #tpu.memory_space<vmem>> -> memref<1x16x1024xf32, #tpu.memory_space<vmem>>
    %dma_wait3A_462 = tpu.memref_squeeze %dma_wait3A_461 : memref<1x16x1024xf32, #tpu.memory_space<vmem>> -> memref<16x1024xf32, #tpu.memory_space<vmem>>
    tpu.wait_dma2 semaphore(%arg13 : memref<!tpu.dma_semaphore, #tpu.memory_space<semaphore_mem>>) src(%dma_wait3A_462 : memref<16x1024xf32, #tpu.memory_space<vmem>>) dst(%dma_wait3A_458 : memref<16x1024xf32, #tpu.memory_space<hbm>>)
    %dma_start3A_463 = arith.constant 0 : i32
    %dma_start3A_464 = arith.constant 0 : i32
    %dma_start3A_465 = arith.constant 0 : i32
    %dma_start3A_466 = tpu.memref_slice %arg6[%dma_start3A_463, %dma_start3A_464, %dma_start3A_465] : memref<6x16x1024xf32, #tpu.memory_space<vmem>> -> memref<1x16x1024xf32, #tpu.memory_space<vmem>>
    %dma_start3A_467 = tpu.memref_squeeze %dma_start3A_466 : memref<1x16x1024xf32, #tpu.memory_space<vmem>> -> memref<16x1024xf32, #tpu.memory_space<vmem>>
    %dma_start3A_468 = arith.constant 192 : i32
    %dma_start3A_469 = tpu.memref_slice %arg5[%dma_start3A_468] : memref<512xi32, #tpu.memory_space<vmem>> -> memref<16xi32, #tpu.memory_space<vmem>>
    %dma_start3A_470 = arith.constant 0 : i32
    %dma_start3A_471 = arith.constant 0 : i32
    %dma_start3A_472 = tpu.memref_slice %arg3[%dma_start3A_470, %dma_start3A_471] : memref<100000x1024xf32, #tpu.memory_space<hbm>> -> memref<100000x1024xf32, #tpu.memory_space<hbm>>
    tpu.enqueue_indirect_dma source(%dma_start3A_472 : memref<100000x1024xf32, #tpu.memory_space<hbm>>) target(%dma_start3A_467 : memref<16x1024xf32, #tpu.memory_space<vmem>>) offsets(%dma_start3A_469 : memref<16xi32, #tpu.memory_space<vmem>>) semaphore(%arg7 : memref<!tpu.dma_semaphore, #tpu.memory_space<semaphore_mem>>)
    %dma_wait3A_473 = arith.constant 1 : i32
    %dma_wait3A_474 = arith.constant 0 : i32
    %dma_wait3A_475 = arith.constant 0 : i32
    %dma_wait3A_476 = tpu.memref_slice %arg6[%dma_wait3A_473, %dma_wait3A_474, %dma_wait3A_475] : memref<6x16x1024xf32, #tpu.memory_space<vmem>> -> memref<1x16x1024xf32, #tpu.memory_space<vmem>>
    %dma_wait3A_477 = tpu.memref_squeeze %dma_wait3A_476 : memref<1x16x1024xf32, #tpu.memory_space<vmem>> -> memref<16x1024xf32, #tpu.memory_space<vmem>>
    %dma_wait3A_478 = arith.constant 112 : i32
    %dma_wait3A_479 = tpu.memref_slice %arg5[%dma_wait3A_478] : memref<512xi32, #tpu.memory_space<vmem>> -> memref<16xi32, #tpu.memory_space<vmem>>
    %dma_wait3A_480 = arith.constant 0 : i32
    %dma_wait3A_481 = arith.constant 0 : i32
    %dma_wait3A_482 = tpu.memref_slice %arg3[%dma_wait3A_480, %dma_wait3A_481] : memref<100000x1024xf32, #tpu.memory_space<hbm>> -> memref<100000x1024xf32, #tpu.memory_space<hbm>>
    tpu.wait_indirect_dma semaphore(%arg8 : memref<!tpu.dma_semaphore, #tpu.memory_space<semaphore_mem>>) src(%dma_wait3A_482 : memref<100000x1024xf32, #tpu.memory_space<hbm>>) dst(%dma_wait3A_477 : memref<16x1024xf32, #tpu.memory_space<vmem>>)
    %add3A_483 = arith.constant 112 : i32
    %add3A_484 = arith.addi %mul3A_32, %add3A_483 : i32
    %dma_start3A_485 = arith.constant 1 : i32
    %dma_start3A_486 = arith.constant 0 : i32
    %dma_start3A_487 = arith.constant 0 : i32
    %dma_start3A_488 = tpu.memref_slice %arg6[%dma_start3A_485, %dma_start3A_486, %dma_start3A_487] : memref<6x16x1024xf32, #tpu.memory_space<vmem>> -> memref<1x16x1024xf32, #tpu.memory_space<vmem>>
    %dma_start3A_489 = tpu.memref_squeeze %dma_start3A_488 : memref<1x16x1024xf32, #tpu.memory_space<vmem>> -> memref<16x1024xf32, #tpu.memory_space<vmem>>
    %dma_start3A_490 = arith.constant 0 : i32
    %dma_start3A_491 = tpu.memref_slice %arg4[%select_n3A, %add3A_484, %dma_start3A_490] : memref<4x4096x1024xf32, #tpu.memory_space<hbm>> -> memref<1x16x1024xf32, #tpu.memory_space<hbm>>
    %dma_start3A_492 = tpu.memref_squeeze %dma_start3A_491 : memref<1x16x1024xf32, #tpu.memory_space<hbm>> -> memref<16x1024xf32, #tpu.memory_space<hbm>>
    %dma_start3A_493 = arith.constant 0 : i32
    %dma_start3A_494 = tpu.memref_slice %arg4[%select_n3A, %add3A_484, %dma_start3A_493] : memref<4x4096x1024xf32, #tpu.memory_space<hbm>> -> memref<1x16x1024xf32, #tpu.memory_space<hbm>>
    %dma_start3A_495 = tpu.memref_squeeze %dma_start3A_494 : memref<1x16x1024xf32, #tpu.memory_space<hbm>> -> memref<16x1024xf32, #tpu.memory_space<hbm>>
    %dma_start3A_496 = arith.constant 0 : i32
    %dma_start3A_497 = arith.constant 0 : i32
    %dma_start3A_498 = tpu.memref_slice %arg6[%dma_start3A_485, %dma_start3A_496, %dma_start3A_497] : memref<6x16x1024xf32, #tpu.memory_space<vmem>> -> memref<1x16x1024xf32, #tpu.memory_space<vmem>>
    %dma_start3A_499 = tpu.memref_squeeze %dma_start3A_498 : memref<1x16x1024xf32, #tpu.memory_space<vmem>> -> memref<16x1024xf32, #tpu.memory_space<vmem>>
    tpu.enqueue_dma source(%dma_start3A_499 : memref<16x1024xf32, #tpu.memory_space<vmem>>) target(%dma_start3A_495 : memref<16x1024xf32, #tpu.memory_space<hbm>>) target_semaphore(%arg14 : memref<!tpu.dma_semaphore, #tpu.memory_space<semaphore_mem>>)
    %dma_wait3A_500 = arith.constant 1 : i32
    %dma_wait3A_501 = arith.constant 0 : i32
    %dma_wait3A_502 = arith.constant 0 : i32
    %dma_wait3A_503 = tpu.memref_slice %arg6[%dma_wait3A_500, %dma_wait3A_501, %dma_wait3A_502] : memref<6x16x1024xf32, #tpu.memory_space<vmem>> -> memref<1x16x1024xf32, #tpu.memory_space<vmem>>
    %dma_wait3A_504 = tpu.memref_squeeze %dma_wait3A_503 : memref<1x16x1024xf32, #tpu.memory_space<vmem>> -> memref<16x1024xf32, #tpu.memory_space<vmem>>
    %dma_wait3A_505 = arith.constant 0 : i32
    %dma_wait3A_506 = tpu.memref_slice %arg4[%select_n3A, %add3A_484, %dma_wait3A_505] : memref<4x4096x1024xf32, #tpu.memory_space<hbm>> -> memref<1x16x1024xf32, #tpu.memory_space<hbm>>
    %dma_wait3A_507 = tpu.memref_squeeze %dma_wait3A_506 : memref<1x16x1024xf32, #tpu.memory_space<hbm>> -> memref<16x1024xf32, #tpu.memory_space<hbm>>
    %dma_wait3A_508 = arith.constant 0 : i32
    %dma_wait3A_509 = tpu.memref_slice %arg4[%select_n3A, %add3A_484, %dma_wait3A_508] : memref<4x4096x1024xf32, #tpu.memory_space<hbm>> -> memref<1x16x1024xf32, #tpu.memory_space<hbm>>
    %dma_wait3A_510 = tpu.memref_squeeze %dma_wait3A_509 : memref<1x16x1024xf32, #tpu.memory_space<hbm>> -> memref<16x1024xf32, #tpu.memory_space<hbm>>
    %dma_wait3A_511 = arith.constant 0 : i32
    %dma_wait3A_512 = arith.constant 0 : i32
    %dma_wait3A_513 = tpu.memref_slice %arg6[%dma_wait3A_500, %dma_wait3A_511, %dma_wait3A_512] : memref<6x16x1024xf32, #tpu.memory_space<vmem>> -> memref<1x16x1024xf32, #tpu.memory_space<vmem>>
    %dma_wait3A_514 = tpu.memref_squeeze %dma_wait3A_513 : memref<1x16x1024xf32, #tpu.memory_space<vmem>> -> memref<16x1024xf32, #tpu.memory_space<vmem>>
    tpu.wait_dma2 semaphore(%arg14 : memref<!tpu.dma_semaphore, #tpu.memory_space<semaphore_mem>>) src(%dma_wait3A_514 : memref<16x1024xf32, #tpu.memory_space<vmem>>) dst(%dma_wait3A_510 : memref<16x1024xf32, #tpu.memory_space<hbm>>)
    %dma_start3A_515 = arith.constant 1 : i32
    %dma_start3A_516 = arith.constant 0 : i32
    %dma_start3A_517 = arith.constant 0 : i32
    %dma_start3A_518 = tpu.memref_slice %arg6[%dma_start3A_515, %dma_start3A_516, %dma_start3A_517] : memref<6x16x1024xf32, #tpu.memory_space<vmem>> -> memref<1x16x1024xf32, #tpu.memory_space<vmem>>
    %dma_start3A_519 = tpu.memref_squeeze %dma_start3A_518 : memref<1x16x1024xf32, #tpu.memory_space<vmem>> -> memref<16x1024xf32, #tpu.memory_space<vmem>>
    %dma_start3A_520 = arith.constant 208 : i32
    %dma_start3A_521 = tpu.memref_slice %arg5[%dma_start3A_520] : memref<512xi32, #tpu.memory_space<vmem>> -> memref<16xi32, #tpu.memory_space<vmem>>
    %dma_start3A_522 = arith.constant 0 : i32
    %dma_start3A_523 = arith.constant 0 : i32
    %dma_start3A_524 = tpu.memref_slice %arg3[%dma_start3A_522, %dma_start3A_523] : memref<100000x1024xf32, #tpu.memory_space<hbm>> -> memref<100000x1024xf32, #tpu.memory_space<hbm>>
    tpu.enqueue_indirect_dma source(%dma_start3A_524 : memref<100000x1024xf32, #tpu.memory_space<hbm>>) target(%dma_start3A_519 : memref<16x1024xf32, #tpu.memory_space<vmem>>) offsets(%dma_start3A_521 : memref<16xi32, #tpu.memory_space<vmem>>) semaphore(%arg8 : memref<!tpu.dma_semaphore, #tpu.memory_space<semaphore_mem>>)
    %dma_wait3A_525 = arith.constant 2 : i32
    %dma_wait3A_526 = arith.constant 0 : i32
    %dma_wait3A_527 = arith.constant 0 : i32
    %dma_wait3A_528 = tpu.memref_slice %arg6[%dma_wait3A_525, %dma_wait3A_526, %dma_wait3A_527] : memref<6x16x1024xf32, #tpu.memory_space<vmem>> -> memref<1x16x1024xf32, #tpu.memory_space<vmem>>
    %dma_wait3A_529 = tpu.memref_squeeze %dma_wait3A_528 : memref<1x16x1024xf32, #tpu.memory_space<vmem>> -> memref<16x1024xf32, #tpu.memory_space<vmem>>
    %dma_wait3A_530 = arith.constant 128 : i32
    %dma_wait3A_531 = tpu.memref_slice %arg5[%dma_wait3A_530] : memref<512xi32, #tpu.memory_space<vmem>> -> memref<16xi32, #tpu.memory_space<vmem>>
    %dma_wait3A_532 = arith.constant 0 : i32
    %dma_wait3A_533 = arith.constant 0 : i32
    %dma_wait3A_534 = tpu.memref_slice %arg3[%dma_wait3A_532, %dma_wait3A_533] : memref<100000x1024xf32, #tpu.memory_space<hbm>> -> memref<100000x1024xf32, #tpu.memory_space<hbm>>
    tpu.wait_indirect_dma semaphore(%arg9 : memref<!tpu.dma_semaphore, #tpu.memory_space<semaphore_mem>>) src(%dma_wait3A_534 : memref<100000x1024xf32, #tpu.memory_space<hbm>>) dst(%dma_wait3A_529 : memref<16x1024xf32, #tpu.memory_space<vmem>>)
    %add3A_535 = arith.constant 128 : i32
    %add3A_536 = arith.addi %mul3A_32, %add3A_535 : i32
    %dma_start3A_537 = arith.constant 2 : i32
    %dma_start3A_538 = arith.constant 0 : i32
    %dma_start3A_539 = arith.constant 0 : i32
    %dma_start3A_540 = tpu.memref_slice %arg6[%dma_start3A_537, %dma_start3A_538, %dma_start3A_539] : memref<6x16x1024xf32, #tpu.memory_space<vmem>> -> memref<1x16x1024xf32, #tpu.memory_space<vmem>>
    %dma_start3A_541 = tpu.memref_squeeze %dma_start3A_540 : memref<1x16x1024xf32, #tpu.memory_space<vmem>> -> memref<16x1024xf32, #tpu.memory_space<vmem>>
    %dma_start3A_542 = arith.constant 0 : i32
    %dma_start3A_543 = tpu.memref_slice %arg4[%select_n3A, %add3A_536, %dma_start3A_542] : memref<4x4096x1024xf32, #tpu.memory_space<hbm>> -> memref<1x16x1024xf32, #tpu.memory_space<hbm>>
    %dma_start3A_544 = tpu.memref_squeeze %dma_start3A_543 : memref<1x16x1024xf32, #tpu.memory_space<hbm>> -> memref<16x1024xf32, #tpu.memory_space<hbm>>
    %dma_start3A_545 = arith.constant 0 : i32
    %dma_start3A_546 = tpu.memref_slice %arg4[%select_n3A, %add3A_536, %dma_start3A_545] : memref<4x4096x1024xf32, #tpu.memory_space<hbm>> -> memref<1x16x1024xf32, #tpu.memory_space<hbm>>
    %dma_start3A_547 = tpu.memref_squeeze %dma_start3A_546 : memref<1x16x1024xf32, #tpu.memory_space<hbm>> -> memref<16x1024xf32, #tpu.memory_space<hbm>>
    %dma_start3A_548 = arith.constant 0 : i32
    %dma_start3A_549 = arith.constant 0 : i32
    %dma_start3A_550 = tpu.memref_slice %arg6[%dma_start3A_537, %dma_start3A_548, %dma_start3A_549] : memref<6x16x1024xf32, #tpu.memory_space<vmem>> -> memref<1x16x1024xf32, #tpu.memory_space<vmem>>
    %dma_start3A_551 = tpu.memref_squeeze %dma_start3A_550 : memref<1x16x1024xf32, #tpu.memory_space<vmem>> -> memref<16x1024xf32, #tpu.memory_space<vmem>>
    tpu.enqueue_dma source(%dma_start3A_551 : memref<16x1024xf32, #tpu.memory_space<vmem>>) target(%dma_start3A_547 : memref<16x1024xf32, #tpu.memory_space<hbm>>) target_semaphore(%arg15 : memref<!tpu.dma_semaphore, #tpu.memory_space<semaphore_mem>>)
    %dma_wait3A_552 = arith.constant 2 : i32
    %dma_wait3A_553 = arith.constant 0 : i32
    %dma_wait3A_554 = arith.constant 0 : i32
    %dma_wait3A_555 = tpu.memref_slice %arg6[%dma_wait3A_552, %dma_wait3A_553, %dma_wait3A_554] : memref<6x16x1024xf32, #tpu.memory_space<vmem>> -> memref<1x16x1024xf32, #tpu.memory_space<vmem>>
    %dma_wait3A_556 = tpu.memref_squeeze %dma_wait3A_555 : memref<1x16x1024xf32, #tpu.memory_space<vmem>> -> memref<16x1024xf32, #tpu.memory_space<vmem>>
    %dma_wait3A_557 = arith.constant 0 : i32
    %dma_wait3A_558 = tpu.memref_slice %arg4[%select_n3A, %add3A_536, %dma_wait3A_557] : memref<4x4096x1024xf32, #tpu.memory_space<hbm>> -> memref<1x16x1024xf32, #tpu.memory_space<hbm>>
    %dma_wait3A_559 = tpu.memref_squeeze %dma_wait3A_558 : memref<1x16x1024xf32, #tpu.memory_space<hbm>> -> memref<16x1024xf32, #tpu.memory_space<hbm>>
    %dma_wait3A_560 = arith.constant 0 : i32
    %dma_wait3A_561 = tpu.memref_slice %arg4[%select_n3A, %add3A_536, %dma_wait3A_560] : memref<4x4096x1024xf32, #tpu.memory_space<hbm>> -> memref<1x16x1024xf32, #tpu.memory_space<hbm>>
    %dma_wait3A_562 = tpu.memref_squeeze %dma_wait3A_561 : memref<1x16x1024xf32, #tpu.memory_space<hbm>> -> memref<16x1024xf32, #tpu.memory_space<hbm>>
    %dma_wait3A_563 = arith.constant 0 : i32
    %dma_wait3A_564 = arith.constant 0 : i32
    %dma_wait3A_565 = tpu.memref_slice %arg6[%dma_wait3A_552, %dma_wait3A_563, %dma_wait3A_564] : memref<6x16x1024xf32, #tpu.memory_space<vmem>> -> memref<1x16x1024xf32, #tpu.memory_space<vmem>>
    %dma_wait3A_566 = tpu.memref_squeeze %dma_wait3A_565 : memref<1x16x1024xf32, #tpu.memory_space<vmem>> -> memref<16x1024xf32, #tpu.memory_space<vmem>>
    tpu.wait_dma2 semaphore(%arg15 : memref<!tpu.dma_semaphore, #tpu.memory_space<semaphore_mem>>) src(%dma_wait3A_566 : memref<16x1024xf32, #tpu.memory_space<vmem>>) dst(%dma_wait3A_562 : memref<16x1024xf32, #tpu.memory_space<hbm>>)
    %dma_start3A_567 = arith.constant 2 : i32
    %dma_start3A_568 = arith.constant 0 : i32
    %dma_start3A_569 = arith.constant 0 : i32
    %dma_start3A_570 = tpu.memref_slice %arg6[%dma_start3A_567, %dma_start3A_568, %dma_start3A_569] : memref<6x16x1024xf32, #tpu.memory_space<vmem>> -> memref<1x16x1024xf32, #tpu.memory_space<vmem>>
    %dma_start3A_571 = tpu.memref_squeeze %dma_start3A_570 : memref<1x16x1024xf32, #tpu.memory_space<vmem>> -> memref<16x1024xf32, #tpu.memory_space<vmem>>
    %dma_start3A_572 = arith.constant 224 : i32
    %dma_start3A_573 = tpu.memref_slice %arg5[%dma_start3A_572] : memref<512xi32, #tpu.memory_space<vmem>> -> memref<16xi32, #tpu.memory_space<vmem>>
    %dma_start3A_574 = arith.constant 0 : i32
    %dma_start3A_575 = arith.constant 0 : i32
    %dma_start3A_576 = tpu.memref_slice %arg3[%dma_start3A_574, %dma_start3A_575] : memref<100000x1024xf32, #tpu.memory_space<hbm>> -> memref<100000x1024xf32, #tpu.memory_space<hbm>>
    tpu.enqueue_indirect_dma source(%dma_start3A_576 : memref<100000x1024xf32, #tpu.memory_space<hbm>>) target(%dma_start3A_571 : memref<16x1024xf32, #tpu.memory_space<vmem>>) offsets(%dma_start3A_573 : memref<16xi32, #tpu.memory_space<vmem>>) semaphore(%arg9 : memref<!tpu.dma_semaphore, #tpu.memory_space<semaphore_mem>>)
    %dma_wait3A_577 = arith.constant 3 : i32
    %dma_wait3A_578 = arith.constant 0 : i32
    %dma_wait3A_579 = arith.constant 0 : i32
    %dma_wait3A_580 = tpu.memref_slice %arg6[%dma_wait3A_577, %dma_wait3A_578, %dma_wait3A_579] : memref<6x16x1024xf32, #tpu.memory_space<vmem>> -> memref<1x16x1024xf32, #tpu.memory_space<vmem>>
    %dma_wait3A_581 = tpu.memref_squeeze %dma_wait3A_580 : memref<1x16x1024xf32, #tpu.memory_space<vmem>> -> memref<16x1024xf32, #tpu.memory_space<vmem>>
    %dma_wait3A_582 = arith.constant 144 : i32
    %dma_wait3A_583 = tpu.memref_slice %arg5[%dma_wait3A_582] : memref<512xi32, #tpu.memory_space<vmem>> -> memref<16xi32, #tpu.memory_space<vmem>>
    %dma_wait3A_584 = arith.constant 0 : i32
    %dma_wait3A_585 = arith.constant 0 : i32
    %dma_wait3A_586 = tpu.memref_slice %arg3[%dma_wait3A_584, %dma_wait3A_585] : memref<100000x1024xf32, #tpu.memory_space<hbm>> -> memref<100000x1024xf32, #tpu.memory_space<hbm>>
    tpu.wait_indirect_dma semaphore(%arg10 : memref<!tpu.dma_semaphore, #tpu.memory_space<semaphore_mem>>) src(%dma_wait3A_586 : memref<100000x1024xf32, #tpu.memory_space<hbm>>) dst(%dma_wait3A_581 : memref<16x1024xf32, #tpu.memory_space<vmem>>)
    %add3A_587 = arith.constant 144 : i32
    %add3A_588 = arith.addi %mul3A_32, %add3A_587 : i32
    %dma_start3A_589 = arith.constant 3 : i32
    %dma_start3A_590 = arith.constant 0 : i32
    %dma_start3A_591 = arith.constant 0 : i32
    %dma_start3A_592 = tpu.memref_slice %arg6[%dma_start3A_589, %dma_start3A_590, %dma_start3A_591] : memref<6x16x1024xf32, #tpu.memory_space<vmem>> -> memref<1x16x1024xf32, #tpu.memory_space<vmem>>
    %dma_start3A_593 = tpu.memref_squeeze %dma_start3A_592 : memref<1x16x1024xf32, #tpu.memory_space<vmem>> -> memref<16x1024xf32, #tpu.memory_space<vmem>>
    %dma_start3A_594 = arith.constant 0 : i32
    %dma_start3A_595 = tpu.memref_slice %arg4[%select_n3A, %add3A_588, %dma_start3A_594] : memref<4x4096x1024xf32, #tpu.memory_space<hbm>> -> memref<1x16x1024xf32, #tpu.memory_space<hbm>>
    %dma_start3A_596 = tpu.memref_squeeze %dma_start3A_595 : memref<1x16x1024xf32, #tpu.memory_space<hbm>> -> memref<16x1024xf32, #tpu.memory_space<hbm>>
    %dma_start3A_597 = arith.constant 0 : i32
    %dma_start3A_598 = tpu.memref_slice %arg4[%select_n3A, %add3A_588, %dma_start3A_597] : memref<4x4096x1024xf32, #tpu.memory_space<hbm>> -> memref<1x16x1024xf32, #tpu.memory_space<hbm>>
    %dma_start3A_599 = tpu.memref_squeeze %dma_start3A_598 : memref<1x16x1024xf32, #tpu.memory_space<hbm>> -> memref<16x1024xf32, #tpu.memory_space<hbm>>
    %dma_start3A_600 = arith.constant 0 : i32
    %dma_start3A_601 = arith.constant 0 : i32
    %dma_start3A_602 = tpu.memref_slice %arg6[%dma_start3A_589, %dma_start3A_600, %dma_start3A_601] : memref<6x16x1024xf32, #tpu.memory_space<vmem>> -> memref<1x16x1024xf32, #tpu.memory_space<vmem>>
    %dma_start3A_603 = tpu.memref_squeeze %dma_start3A_602 : memref<1x16x1024xf32, #tpu.memory_space<vmem>> -> memref<16x1024xf32, #tpu.memory_space<vmem>>
    tpu.enqueue_dma source(%dma_start3A_603 : memref<16x1024xf32, #tpu.memory_space<vmem>>) target(%dma_start3A_599 : memref<16x1024xf32, #tpu.memory_space<hbm>>) target_semaphore(%arg16 : memref<!tpu.dma_semaphore, #tpu.memory_space<semaphore_mem>>)
    %dma_wait3A_604 = arith.constant 3 : i32
    %dma_wait3A_605 = arith.constant 0 : i32
    %dma_wait3A_606 = arith.constant 0 : i32
    %dma_wait3A_607 = tpu.memref_slice %arg6[%dma_wait3A_604, %dma_wait3A_605, %dma_wait3A_606] : memref<6x16x1024xf32, #tpu.memory_space<vmem>> -> memref<1x16x1024xf32, #tpu.memory_space<vmem>>
    %dma_wait3A_608 = tpu.memref_squeeze %dma_wait3A_607 : memref<1x16x1024xf32, #tpu.memory_space<vmem>> -> memref<16x1024xf32, #tpu.memory_space<vmem>>
    %dma_wait3A_609 = arith.constant 0 : i32
    %dma_wait3A_610 = tpu.memref_slice %arg4[%select_n3A, %add3A_588, %dma_wait3A_609] : memref<4x4096x1024xf32, #tpu.memory_space<hbm>> -> memref<1x16x1024xf32, #tpu.memory_space<hbm>>
    %dma_wait3A_611 = tpu.memref_squeeze %dma_wait3A_610 : memref<1x16x1024xf32, #tpu.memory_space<hbm>> -> memref<16x1024xf32, #tpu.memory_space<hbm>>
    %dma_wait3A_612 = arith.constant 0 : i32
    %dma_wait3A_613 = tpu.memref_slice %arg4[%select_n3A, %add3A_588, %dma_wait3A_612] : memref<4x4096x1024xf32, #tpu.memory_space<hbm>> -> memref<1x16x1024xf32, #tpu.memory_space<hbm>>
    %dma_wait3A_614 = tpu.memref_squeeze %dma_wait3A_613 : memref<1x16x1024xf32, #tpu.memory_space<hbm>> -> memref<16x1024xf32, #tpu.memory_space<hbm>>
    %dma_wait3A_615 = arith.constant 0 : i32
    %dma_wait3A_616 = arith.constant 0 : i32
    %dma_wait3A_617 = tpu.memref_slice %arg6[%dma_wait3A_604, %dma_wait3A_615, %dma_wait3A_616] : memref<6x16x1024xf32, #tpu.memory_space<vmem>> -> memref<1x16x1024xf32, #tpu.memory_space<vmem>>
    %dma_wait3A_618 = tpu.memref_squeeze %dma_wait3A_617 : memref<1x16x1024xf32, #tpu.memory_space<vmem>> -> memref<16x1024xf32, #tpu.memory_space<vmem>>
    tpu.wait_dma2 semaphore(%arg16 : memref<!tpu.dma_semaphore, #tpu.memory_space<semaphore_mem>>) src(%dma_wait3A_618 : memref<16x1024xf32, #tpu.memory_space<vmem>>) dst(%dma_wait3A_614 : memref<16x1024xf32, #tpu.memory_space<hbm>>)
    %dma_start3A_619 = arith.constant 3 : i32
    %dma_start3A_620 = arith.constant 0 : i32
    %dma_start3A_621 = arith.constant 0 : i32
    %dma_start3A_622 = tpu.memref_slice %arg6[%dma_start3A_619, %dma_start3A_620, %dma_start3A_621] : memref<6x16x1024xf32, #tpu.memory_space<vmem>> -> memref<1x16x1024xf32, #tpu.memory_space<vmem>>
    %dma_start3A_623 = tpu.memref_squeeze %dma_start3A_622 : memref<1x16x1024xf32, #tpu.memory_space<vmem>> -> memref<16x1024xf32, #tpu.memory_space<vmem>>
    %dma_start3A_624 = arith.constant 240 : i32
    %dma_start3A_625 = tpu.memref_slice %arg5[%dma_start3A_624] : memref<512xi32, #tpu.memory_space<vmem>> -> memref<16xi32, #tpu.memory_space<vmem>>
    %dma_start3A_626 = arith.constant 0 : i32
    %dma_start3A_627 = arith.constant 0 : i32
    %dma_start3A_628 = tpu.memref_slice %arg3[%dma_start3A_626, %dma_start3A_627] : memref<100000x1024xf32, #tpu.memory_space<hbm>> -> memref<100000x1024xf32, #tpu.memory_space<hbm>>
    tpu.enqueue_indirect_dma source(%dma_start3A_628 : memref<100000x1024xf32, #tpu.memory_space<hbm>>) target(%dma_start3A_623 : memref<16x1024xf32, #tpu.memory_space<vmem>>) offsets(%dma_start3A_625 : memref<16xi32, #tpu.memory_space<vmem>>) semaphore(%arg10 : memref<!tpu.dma_semaphore, #tpu.memory_space<semaphore_mem>>)
    %dma_wait3A_629 = arith.constant 4 : i32
    %dma_wait3A_630 = arith.constant 0 : i32
    %dma_wait3A_631 = arith.constant 0 : i32
    %dma_wait3A_632 = tpu.memref_slice %arg6[%dma_wait3A_629, %dma_wait3A_630, %dma_wait3A_631] : memref<6x16x1024xf32, #tpu.memory_space<vmem>> -> memref<1x16x1024xf32, #tpu.memory_space<vmem>>
    %dma_wait3A_633 = tpu.memref_squeeze %dma_wait3A_632 : memref<1x16x1024xf32, #tpu.memory_space<vmem>> -> memref<16x1024xf32, #tpu.memory_space<vmem>>
    %dma_wait3A_634 = arith.constant 160 : i32
    %dma_wait3A_635 = tpu.memref_slice %arg5[%dma_wait3A_634] : memref<512xi32, #tpu.memory_space<vmem>> -> memref<16xi32, #tpu.memory_space<vmem>>
    %dma_wait3A_636 = arith.constant 0 : i32
    %dma_wait3A_637 = arith.constant 0 : i32
    %dma_wait3A_638 = tpu.memref_slice %arg3[%dma_wait3A_636, %dma_wait3A_637] : memref<100000x1024xf32, #tpu.memory_space<hbm>> -> memref<100000x1024xf32, #tpu.memory_space<hbm>>
    tpu.wait_indirect_dma semaphore(%arg11 : memref<!tpu.dma_semaphore, #tpu.memory_space<semaphore_mem>>) src(%dma_wait3A_638 : memref<100000x1024xf32, #tpu.memory_space<hbm>>) dst(%dma_wait3A_633 : memref<16x1024xf32, #tpu.memory_space<vmem>>)
    %add3A_639 = arith.constant 160 : i32
    %add3A_640 = arith.addi %mul3A_32, %add3A_639 : i32
    %dma_start3A_641 = arith.constant 4 : i32
    %dma_start3A_642 = arith.constant 0 : i32
    %dma_start3A_643 = arith.constant 0 : i32
    %dma_start3A_644 = tpu.memref_slice %arg6[%dma_start3A_641, %dma_start3A_642, %dma_start3A_643] : memref<6x16x1024xf32, #tpu.memory_space<vmem>> -> memref<1x16x1024xf32, #tpu.memory_space<vmem>>
    %dma_start3A_645 = tpu.memref_squeeze %dma_start3A_644 : memref<1x16x1024xf32, #tpu.memory_space<vmem>> -> memref<16x1024xf32, #tpu.memory_space<vmem>>
    %dma_start3A_646 = arith.constant 0 : i32
    %dma_start3A_647 = tpu.memref_slice %arg4[%select_n3A, %add3A_640, %dma_start3A_646] : memref<4x4096x1024xf32, #tpu.memory_space<hbm>> -> memref<1x16x1024xf32, #tpu.memory_space<hbm>>
    %dma_start3A_648 = tpu.memref_squeeze %dma_start3A_647 : memref<1x16x1024xf32, #tpu.memory_space<hbm>> -> memref<16x1024xf32, #tpu.memory_space<hbm>>
    %dma_start3A_649 = arith.constant 0 : i32
    %dma_start3A_650 = tpu.memref_slice %arg4[%select_n3A, %add3A_640, %dma_start3A_649] : memref<4x4096x1024xf32, #tpu.memory_space<hbm>> -> memref<1x16x1024xf32, #tpu.memory_space<hbm>>
    %dma_start3A_651 = tpu.memref_squeeze %dma_start3A_650 : memref<1x16x1024xf32, #tpu.memory_space<hbm>> -> memref<16x1024xf32, #tpu.memory_space<hbm>>
    %dma_start3A_652 = arith.constant 0 : i32
    %dma_start3A_653 = arith.constant 0 : i32
    %dma_start3A_654 = tpu.memref_slice %arg6[%dma_start3A_641, %dma_start3A_652, %dma_start3A_653] : memref<6x16x1024xf32, #tpu.memory_space<vmem>> -> memref<1x16x1024xf32, #tpu.memory_space<vmem>>
    %dma_start3A_655 = tpu.memref_squeeze %dma_start3A_654 : memref<1x16x1024xf32, #tpu.memory_space<vmem>> -> memref<16x1024xf32, #tpu.memory_space<vmem>>
    tpu.enqueue_dma source(%dma_start3A_655 : memref<16x1024xf32, #tpu.memory_space<vmem>>) target(%dma_start3A_651 : memref<16x1024xf32, #tpu.memory_space<hbm>>) target_semaphore(%arg17 : memref<!tpu.dma_semaphore, #tpu.memory_space<semaphore_mem>>)
    %dma_wait3A_656 = arith.constant 4 : i32
    %dma_wait3A_657 = arith.constant 0 : i32
    %dma_wait3A_658 = arith.constant 0 : i32
    %dma_wait3A_659 = tpu.memref_slice %arg6[%dma_wait3A_656, %dma_wait3A_657, %dma_wait3A_658] : memref<6x16x1024xf32, #tpu.memory_space<vmem>> -> memref<1x16x1024xf32, #tpu.memory_space<vmem>>
    %dma_wait3A_660 = tpu.memref_squeeze %dma_wait3A_659 : memref<1x16x1024xf32, #tpu.memory_space<vmem>> -> memref<16x1024xf32, #tpu.memory_space<vmem>>
    %dma_wait3A_661 = arith.constant 0 : i32
    %dma_wait3A_662 = tpu.memref_slice %arg4[%select_n3A, %add3A_640, %dma_wait3A_661] : memref<4x4096x1024xf32, #tpu.memory_space<hbm>> -> memref<1x16x1024xf32, #tpu.memory_space<hbm>>
    %dma_wait3A_663 = tpu.memref_squeeze %dma_wait3A_662 : memref<1x16x1024xf32, #tpu.memory_space<hbm>> -> memref<16x1024xf32, #tpu.memory_space<hbm>>
    %dma_wait3A_664 = arith.constant 0 : i32
    %dma_wait3A_665 = tpu.memref_slice %arg4[%select_n3A, %add3A_640, %dma_wait3A_664] : memref<4x4096x1024xf32, #tpu.memory_space<hbm>> -> memref<1x16x1024xf32, #tpu.memory_space<hbm>>
    %dma_wait3A_666 = tpu.memref_squeeze %dma_wait3A_665 : memref<1x16x1024xf32, #tpu.memory_space<hbm>> -> memref<16x1024xf32, #tpu.memory_space<hbm>>
    %dma_wait3A_667 = arith.constant 0 : i32
    %dma_wait3A_668 = arith.constant 0 : i32
    %dma_wait3A_669 = tpu.memref_slice %arg6[%dma_wait3A_656, %dma_wait3A_667, %dma_wait3A_668] : memref<6x16x1024xf32, #tpu.memory_space<vmem>> -> memref<1x16x1024xf32, #tpu.memory_space<vmem>>
    %dma_wait3A_670 = tpu.memref_squeeze %dma_wait3A_669 : memref<1x16x1024xf32, #tpu.memory_space<vmem>> -> memref<16x1024xf32, #tpu.memory_space<vmem>>
    tpu.wait_dma2 semaphore(%arg17 : memref<!tpu.dma_semaphore, #tpu.memory_space<semaphore_mem>>) src(%dma_wait3A_670 : memref<16x1024xf32, #tpu.memory_space<vmem>>) dst(%dma_wait3A_666 : memref<16x1024xf32, #tpu.memory_space<hbm>>)
    %dma_start3A_671 = arith.constant 4 : i32
    %dma_start3A_672 = arith.constant 0 : i32
    %dma_start3A_673 = arith.constant 0 : i32
    %dma_start3A_674 = tpu.memref_slice %arg6[%dma_start3A_671, %dma_start3A_672, %dma_start3A_673] : memref<6x16x1024xf32, #tpu.memory_space<vmem>> -> memref<1x16x1024xf32, #tpu.memory_space<vmem>>
    %dma_start3A_675 = tpu.memref_squeeze %dma_start3A_674 : memref<1x16x1024xf32, #tpu.memory_space<vmem>> -> memref<16x1024xf32, #tpu.memory_space<vmem>>
    %dma_start3A_676 = arith.constant 256 : i32
    %dma_start3A_677 = tpu.memref_slice %arg5[%dma_start3A_676] : memref<512xi32, #tpu.memory_space<vmem>> -> memref<16xi32, #tpu.memory_space<vmem>>
    %dma_start3A_678 = arith.constant 0 : i32
    %dma_start3A_679 = arith.constant 0 : i32
    %dma_start3A_680 = tpu.memref_slice %arg3[%dma_start3A_678, %dma_start3A_679] : memref<100000x1024xf32, #tpu.memory_space<hbm>> -> memref<100000x1024xf32, #tpu.memory_space<hbm>>
    tpu.enqueue_indirect_dma source(%dma_start3A_680 : memref<100000x1024xf32, #tpu.memory_space<hbm>>) target(%dma_start3A_675 : memref<16x1024xf32, #tpu.memory_space<vmem>>) offsets(%dma_start3A_677 : memref<16xi32, #tpu.memory_space<vmem>>) semaphore(%arg11 : memref<!tpu.dma_semaphore, #tpu.memory_space<semaphore_mem>>)
    %dma_wait3A_681 = arith.constant 5 : i32
    %dma_wait3A_682 = arith.constant 0 : i32
    %dma_wait3A_683 = arith.constant 0 : i32
    %dma_wait3A_684 = tpu.memref_slice %arg6[%dma_wait3A_681, %dma_wait3A_682, %dma_wait3A_683] : memref<6x16x1024xf32, #tpu.memory_space<vmem>> -> memref<1x16x1024xf32, #tpu.memory_space<vmem>>
    %dma_wait3A_685 = tpu.memref_squeeze %dma_wait3A_684 : memref<1x16x1024xf32, #tpu.memory_space<vmem>> -> memref<16x1024xf32, #tpu.memory_space<vmem>>
    %dma_wait3A_686 = arith.constant 176 : i32
    %dma_wait3A_687 = tpu.memref_slice %arg5[%dma_wait3A_686] : memref<512xi32, #tpu.memory_space<vmem>> -> memref<16xi32, #tpu.memory_space<vmem>>
    %dma_wait3A_688 = arith.constant 0 : i32
    %dma_wait3A_689 = arith.constant 0 : i32
    %dma_wait3A_690 = tpu.memref_slice %arg3[%dma_wait3A_688, %dma_wait3A_689] : memref<100000x1024xf32, #tpu.memory_space<hbm>> -> memref<100000x1024xf32, #tpu.memory_space<hbm>>
    tpu.wait_indirect_dma semaphore(%arg12 : memref<!tpu.dma_semaphore, #tpu.memory_space<semaphore_mem>>) src(%dma_wait3A_690 : memref<100000x1024xf32, #tpu.memory_space<hbm>>) dst(%dma_wait3A_685 : memref<16x1024xf32, #tpu.memory_space<vmem>>)
    %add3A_691 = arith.constant 176 : i32
    %add3A_692 = arith.addi %mul3A_32, %add3A_691 : i32
    %dma_start3A_693 = arith.constant 5 : i32
    %dma_start3A_694 = arith.constant 0 : i32
    %dma_start3A_695 = arith.constant 0 : i32
    %dma_start3A_696 = tpu.memref_slice %arg6[%dma_start3A_693, %dma_start3A_694, %dma_start3A_695] : memref<6x16x1024xf32, #tpu.memory_space<vmem>> -> memref<1x16x1024xf32, #tpu.memory_space<vmem>>
    %dma_start3A_697 = tpu.memref_squeeze %dma_start3A_696 : memref<1x16x1024xf32, #tpu.memory_space<vmem>> -> memref<16x1024xf32, #tpu.memory_space<vmem>>
    %dma_start3A_698 = arith.constant 0 : i32
    %dma_start3A_699 = tpu.memref_slice %arg4[%select_n3A, %add3A_692, %dma_start3A_698] : memref<4x4096x1024xf32, #tpu.memory_space<hbm>> -> memref<1x16x1024xf32, #tpu.memory_space<hbm>>
    %dma_start3A_700 = tpu.memref_squeeze %dma_start3A_699 : memref<1x16x1024xf32, #tpu.memory_space<hbm>> -> memref<16x1024xf32, #tpu.memory_space<hbm>>
    %dma_start3A_701 = arith.constant 0 : i32
    %dma_start3A_702 = tpu.memref_slice %arg4[%select_n3A, %add3A_692, %dma_start3A_701] : memref<4x4096x1024xf32, #tpu.memory_space<hbm>> -> memref<1x16x1024xf32, #tpu.memory_space<hbm>>
    %dma_start3A_703 = tpu.memref_squeeze %dma_start3A_702 : memref<1x16x1024xf32, #tpu.memory_space<hbm>> -> memref<16x1024xf32, #tpu.memory_space<hbm>>
    %dma_start3A_704 = arith.constant 0 : i32
    %dma_start3A_705 = arith.constant 0 : i32
    %dma_start3A_706 = tpu.memref_slice %arg6[%dma_start3A_693, %dma_start3A_704, %dma_start3A_705] : memref<6x16x1024xf32, #tpu.memory_space<vmem>> -> memref<1x16x1024xf32, #tpu.memory_space<vmem>>
    %dma_start3A_707 = tpu.memref_squeeze %dma_start3A_706 : memref<1x16x1024xf32, #tpu.memory_space<vmem>> -> memref<16x1024xf32, #tpu.memory_space<vmem>>
    tpu.enqueue_dma source(%dma_start3A_707 : memref<16x1024xf32, #tpu.memory_space<vmem>>) target(%dma_start3A_703 : memref<16x1024xf32, #tpu.memory_space<hbm>>) target_semaphore(%arg18 : memref<!tpu.dma_semaphore, #tpu.memory_space<semaphore_mem>>)
    %dma_wait3A_708 = arith.constant 5 : i32
    %dma_wait3A_709 = arith.constant 0 : i32
    %dma_wait3A_710 = arith.constant 0 : i32
    %dma_wait3A_711 = tpu.memref_slice %arg6[%dma_wait3A_708, %dma_wait3A_709, %dma_wait3A_710] : memref<6x16x1024xf32, #tpu.memory_space<vmem>> -> memref<1x16x1024xf32, #tpu.memory_space<vmem>>
    %dma_wait3A_712 = tpu.memref_squeeze %dma_wait3A_711 : memref<1x16x1024xf32, #tpu.memory_space<vmem>> -> memref<16x1024xf32, #tpu.memory_space<vmem>>
    %dma_wait3A_713 = arith.constant 0 : i32
    %dma_wait3A_714 = tpu.memref_slice %arg4[%select_n3A, %add3A_692, %dma_wait3A_713] : memref<4x4096x1024xf32, #tpu.memory_space<hbm>> -> memref<1x16x1024xf32, #tpu.memory_space<hbm>>
    %dma_wait3A_715 = tpu.memref_squeeze %dma_wait3A_714 : memref<1x16x1024xf32, #tpu.memory_space<hbm>> -> memref<16x1024xf32, #tpu.memory_space<hbm>>
    %dma_wait3A_716 = arith.constant 0 : i32
    %dma_wait3A_717 = tpu.memref_slice %arg4[%select_n3A, %add3A_692, %dma_wait3A_716] : memref<4x4096x1024xf32, #tpu.memory_space<hbm>> -> memref<1x16x1024xf32, #tpu.memory_space<hbm>>
    %dma_wait3A_718 = tpu.memref_squeeze %dma_wait3A_717 : memref<1x16x1024xf32, #tpu.memory_space<hbm>> -> memref<16x1024xf32, #tpu.memory_space<hbm>>
    %dma_wait3A_719 = arith.constant 0 : i32
    %dma_wait3A_720 = arith.constant 0 : i32
    %dma_wait3A_721 = tpu.memref_slice %arg6[%dma_wait3A_708, %dma_wait3A_719, %dma_wait3A_720] : memref<6x16x1024xf32, #tpu.memory_space<vmem>> -> memref<1x16x1024xf32, #tpu.memory_space<vmem>>
    %dma_wait3A_722 = tpu.memref_squeeze %dma_wait3A_721 : memref<1x16x1024xf32, #tpu.memory_space<vmem>> -> memref<16x1024xf32, #tpu.memory_space<vmem>>
    tpu.wait_dma2 semaphore(%arg18 : memref<!tpu.dma_semaphore, #tpu.memory_space<semaphore_mem>>) src(%dma_wait3A_722 : memref<16x1024xf32, #tpu.memory_space<vmem>>) dst(%dma_wait3A_718 : memref<16x1024xf32, #tpu.memory_space<hbm>>)
    %dma_start3A_723 = arith.constant 5 : i32
    %dma_start3A_724 = arith.constant 0 : i32
    %dma_start3A_725 = arith.constant 0 : i32
    %dma_start3A_726 = tpu.memref_slice %arg6[%dma_start3A_723, %dma_start3A_724, %dma_start3A_725] : memref<6x16x1024xf32, #tpu.memory_space<vmem>> -> memref<1x16x1024xf32, #tpu.memory_space<vmem>>
    %dma_start3A_727 = tpu.memref_squeeze %dma_start3A_726 : memref<1x16x1024xf32, #tpu.memory_space<vmem>> -> memref<16x1024xf32, #tpu.memory_space<vmem>>
    %dma_start3A_728 = arith.constant 272 : i32
    %dma_start3A_729 = tpu.memref_slice %arg5[%dma_start3A_728] : memref<512xi32, #tpu.memory_space<vmem>> -> memref<16xi32, #tpu.memory_space<vmem>>
    %dma_start3A_730 = arith.constant 0 : i32
    %dma_start3A_731 = arith.constant 0 : i32
    %dma_start3A_732 = tpu.memref_slice %arg3[%dma_start3A_730, %dma_start3A_731] : memref<100000x1024xf32, #tpu.memory_space<hbm>> -> memref<100000x1024xf32, #tpu.memory_space<hbm>>
    tpu.enqueue_indirect_dma source(%dma_start3A_732 : memref<100000x1024xf32, #tpu.memory_space<hbm>>) target(%dma_start3A_727 : memref<16x1024xf32, #tpu.memory_space<vmem>>) offsets(%dma_start3A_729 : memref<16xi32, #tpu.memory_space<vmem>>) semaphore(%arg12 : memref<!tpu.dma_semaphore, #tpu.memory_space<semaphore_mem>>)
    %dma_wait3A_733 = arith.constant 0 : i32
    %dma_wait3A_734 = arith.constant 0 : i32
    %dma_wait3A_735 = arith.constant 0 : i32
    %dma_wait3A_736 = tpu.memref_slice %arg6[%dma_wait3A_733, %dma_wait3A_734, %dma_wait3A_735] : memref<6x16x1024xf32, #tpu.memory_space<vmem>> -> memref<1x16x1024xf32, #tpu.memory_space<vmem>>
    %dma_wait3A_737 = tpu.memref_squeeze %dma_wait3A_736 : memref<1x16x1024xf32, #tpu.memory_space<vmem>> -> memref<16x1024xf32, #tpu.memory_space<vmem>>
    %dma_wait3A_738 = arith.constant 192 : i32
    %dma_wait3A_739 = tpu.memref_slice %arg5[%dma_wait3A_738] : memref<512xi32, #tpu.memory_space<vmem>> -> memref<16xi32, #tpu.memory_space<vmem>>
    %dma_wait3A_740 = arith.constant 0 : i32
    %dma_wait3A_741 = arith.constant 0 : i32
    %dma_wait3A_742 = tpu.memref_slice %arg3[%dma_wait3A_740, %dma_wait3A_741] : memref<100000x1024xf32, #tpu.memory_space<hbm>> -> memref<100000x1024xf32, #tpu.memory_space<hbm>>
    tpu.wait_indirect_dma semaphore(%arg7 : memref<!tpu.dma_semaphore, #tpu.memory_space<semaphore_mem>>) src(%dma_wait3A_742 : memref<100000x1024xf32, #tpu.memory_space<hbm>>) dst(%dma_wait3A_737 : memref<16x1024xf32, #tpu.memory_space<vmem>>)
    %add3A_743 = arith.constant 192 : i32
    %add3A_744 = arith.addi %mul3A_32, %add3A_743 : i32
    %dma_start3A_745 = arith.constant 0 : i32
    %dma_start3A_746 = arith.constant 0 : i32
    %dma_start3A_747 = arith.constant 0 : i32
    %dma_start3A_748 = tpu.memref_slice %arg6[%dma_start3A_745, %dma_start3A_746, %dma_start3A_747] : memref<6x16x1024xf32, #tpu.memory_space<vmem>> -> memref<1x16x1024xf32, #tpu.memory_space<vmem>>
    %dma_start3A_749 = tpu.memref_squeeze %dma_start3A_748 : memref<1x16x1024xf32, #tpu.memory_space<vmem>> -> memref<16x1024xf32, #tpu.memory_space<vmem>>
    %dma_start3A_750 = arith.constant 0 : i32
    %dma_start3A_751 = tpu.memref_slice %arg4[%select_n3A, %add3A_744, %dma_start3A_750] : memref<4x4096x1024xf32, #tpu.memory_space<hbm>> -> memref<1x16x1024xf32, #tpu.memory_space<hbm>>
    %dma_start3A_752 = tpu.memref_squeeze %dma_start3A_751 : memref<1x16x1024xf32, #tpu.memory_space<hbm>> -> memref<16x1024xf32, #tpu.memory_space<hbm>>
    %dma_start3A_753 = arith.constant 0 : i32
    %dma_start3A_754 = tpu.memref_slice %arg4[%select_n3A, %add3A_744, %dma_start3A_753] : memref<4x4096x1024xf32, #tpu.memory_space<hbm>> -> memref<1x16x1024xf32, #tpu.memory_space<hbm>>
    %dma_start3A_755 = tpu.memref_squeeze %dma_start3A_754 : memref<1x16x1024xf32, #tpu.memory_space<hbm>> -> memref<16x1024xf32, #tpu.memory_space<hbm>>
    %dma_start3A_756 = arith.constant 0 : i32
    %dma_start3A_757 = arith.constant 0 : i32
    %dma_start3A_758 = tpu.memref_slice %arg6[%dma_start3A_745, %dma_start3A_756, %dma_start3A_757] : memref<6x16x1024xf32, #tpu.memory_space<vmem>> -> memref<1x16x1024xf32, #tpu.memory_space<vmem>>
    %dma_start3A_759 = tpu.memref_squeeze %dma_start3A_758 : memref<1x16x1024xf32, #tpu.memory_space<vmem>> -> memref<16x1024xf32, #tpu.memory_space<vmem>>
    tpu.enqueue_dma source(%dma_start3A_759 : memref<16x1024xf32, #tpu.memory_space<vmem>>) target(%dma_start3A_755 : memref<16x1024xf32, #tpu.memory_space<hbm>>) target_semaphore(%arg13 : memref<!tpu.dma_semaphore, #tpu.memory_space<semaphore_mem>>)
    %dma_wait3A_760 = arith.constant 0 : i32
    %dma_wait3A_761 = arith.constant 0 : i32
    %dma_wait3A_762 = arith.constant 0 : i32
    %dma_wait3A_763 = tpu.memref_slice %arg6[%dma_wait3A_760, %dma_wait3A_761, %dma_wait3A_762] : memref<6x16x1024xf32, #tpu.memory_space<vmem>> -> memref<1x16x1024xf32, #tpu.memory_space<vmem>>
    %dma_wait3A_764 = tpu.memref_squeeze %dma_wait3A_763 : memref<1x16x1024xf32, #tpu.memory_space<vmem>> -> memref<16x1024xf32, #tpu.memory_space<vmem>>
    %dma_wait3A_765 = arith.constant 0 : i32
    %dma_wait3A_766 = tpu.memref_slice %arg4[%select_n3A, %add3A_744, %dma_wait3A_765] : memref<4x4096x1024xf32, #tpu.memory_space<hbm>> -> memref<1x16x1024xf32, #tpu.memory_space<hbm>>
    %dma_wait3A_767 = tpu.memref_squeeze %dma_wait3A_766 : memref<1x16x1024xf32, #tpu.memory_space<hbm>> -> memref<16x1024xf32, #tpu.memory_space<hbm>>
    %dma_wait3A_768 = arith.constant 0 : i32
    %dma_wait3A_769 = tpu.memref_slice %arg4[%select_n3A, %add3A_744, %dma_wait3A_768] : memref<4x4096x1024xf32, #tpu.memory_space<hbm>> -> memref<1x16x1024xf32, #tpu.memory_space<hbm>>
    %dma_wait3A_770 = tpu.memref_squeeze %dma_wait3A_769 : memref<1x16x1024xf32, #tpu.memory_space<hbm>> -> memref<16x1024xf32, #tpu.memory_space<hbm>>
    %dma_wait3A_771 = arith.constant 0 : i32
    %dma_wait3A_772 = arith.constant 0 : i32
    %dma_wait3A_773 = tpu.memref_slice %arg6[%dma_wait3A_760, %dma_wait3A_771, %dma_wait3A_772] : memref<6x16x1024xf32, #tpu.memory_space<vmem>> -> memref<1x16x1024xf32, #tpu.memory_space<vmem>>
    %dma_wait3A_774 = tpu.memref_squeeze %dma_wait3A_773 : memref<1x16x1024xf32, #tpu.memory_space<vmem>> -> memref<16x1024xf32, #tpu.memory_space<vmem>>
    tpu.wait_dma2 semaphore(%arg13 : memref<!tpu.dma_semaphore, #tpu.memory_space<semaphore_mem>>) src(%dma_wait3A_774 : memref<16x1024xf32, #tpu.memory_space<vmem>>) dst(%dma_wait3A_770 : memref<16x1024xf32, #tpu.memory_space<hbm>>)
    %dma_start3A_775 = arith.constant 0 : i32
    %dma_start3A_776 = arith.constant 0 : i32
    %dma_start3A_777 = arith.constant 0 : i32
    %dma_start3A_778 = tpu.memref_slice %arg6[%dma_start3A_775, %dma_start3A_776, %dma_start3A_777] : memref<6x16x1024xf32, #tpu.memory_space<vmem>> -> memref<1x16x1024xf32, #tpu.memory_space<vmem>>
    %dma_start3A_779 = tpu.memref_squeeze %dma_start3A_778 : memref<1x16x1024xf32, #tpu.memory_space<vmem>> -> memref<16x1024xf32, #tpu.memory_space<vmem>>
    %dma_start3A_780 = arith.constant 288 : i32
    %dma_start3A_781 = tpu.memref_slice %arg5[%dma_start3A_780] : memref<512xi32, #tpu.memory_space<vmem>> -> memref<16xi32, #tpu.memory_space<vmem>>
    %dma_start3A_782 = arith.constant 0 : i32
    %dma_start3A_783 = arith.constant 0 : i32
    %dma_start3A_784 = tpu.memref_slice %arg3[%dma_start3A_782, %dma_start3A_783] : memref<100000x1024xf32, #tpu.memory_space<hbm>> -> memref<100000x1024xf32, #tpu.memory_space<hbm>>
    tpu.enqueue_indirect_dma source(%dma_start3A_784 : memref<100000x1024xf32, #tpu.memory_space<hbm>>) target(%dma_start3A_779 : memref<16x1024xf32, #tpu.memory_space<vmem>>) offsets(%dma_start3A_781 : memref<16xi32, #tpu.memory_space<vmem>>) semaphore(%arg7 : memref<!tpu.dma_semaphore, #tpu.memory_space<semaphore_mem>>)
    %dma_wait3A_785 = arith.constant 1 : i32
    %dma_wait3A_786 = arith.constant 0 : i32
    %dma_wait3A_787 = arith.constant 0 : i32
    %dma_wait3A_788 = tpu.memref_slice %arg6[%dma_wait3A_785, %dma_wait3A_786, %dma_wait3A_787] : memref<6x16x1024xf32, #tpu.memory_space<vmem>> -> memref<1x16x1024xf32, #tpu.memory_space<vmem>>
    %dma_wait3A_789 = tpu.memref_squeeze %dma_wait3A_788 : memref<1x16x1024xf32, #tpu.memory_space<vmem>> -> memref<16x1024xf32, #tpu.memory_space<vmem>>
    %dma_wait3A_790 = arith.constant 208 : i32
    %dma_wait3A_791 = tpu.memref_slice %arg5[%dma_wait3A_790] : memref<512xi32, #tpu.memory_space<vmem>> -> memref<16xi32, #tpu.memory_space<vmem>>
    %dma_wait3A_792 = arith.constant 0 : i32
    %dma_wait3A_793 = arith.constant 0 : i32
    %dma_wait3A_794 = tpu.memref_slice %arg3[%dma_wait3A_792, %dma_wait3A_793] : memref<100000x1024xf32, #tpu.memory_space<hbm>> -> memref<100000x1024xf32, #tpu.memory_space<hbm>>
    tpu.wait_indirect_dma semaphore(%arg8 : memref<!tpu.dma_semaphore, #tpu.memory_space<semaphore_mem>>) src(%dma_wait3A_794 : memref<100000x1024xf32, #tpu.memory_space<hbm>>) dst(%dma_wait3A_789 : memref<16x1024xf32, #tpu.memory_space<vmem>>)
    %add3A_795 = arith.constant 208 : i32
    %add3A_796 = arith.addi %mul3A_32, %add3A_795 : i32
    %dma_start3A_797 = arith.constant 1 : i32
    %dma_start3A_798 = arith.constant 0 : i32
    %dma_start3A_799 = arith.constant 0 : i32
    %dma_start3A_800 = tpu.memref_slice %arg6[%dma_start3A_797, %dma_start3A_798, %dma_start3A_799] : memref<6x16x1024xf32, #tpu.memory_space<vmem>> -> memref<1x16x1024xf32, #tpu.memory_space<vmem>>
    %dma_start3A_801 = tpu.memref_squeeze %dma_start3A_800 : memref<1x16x1024xf32, #tpu.memory_space<vmem>> -> memref<16x1024xf32, #tpu.memory_space<vmem>>
    %dma_start3A_802 = arith.constant 0 : i32
    %dma_start3A_803 = tpu.memref_slice %arg4[%select_n3A, %add3A_796, %dma_start3A_802] : memref<4x4096x1024xf32, #tpu.memory_space<hbm>> -> memref<1x16x1024xf32, #tpu.memory_space<hbm>>
    %dma_start3A_804 = tpu.memref_squeeze %dma_start3A_803 : memref<1x16x1024xf32, #tpu.memory_space<hbm>> -> memref<16x1024xf32, #tpu.memory_space<hbm>>
    %dma_start3A_805 = arith.constant 0 : i32
    %dma_start3A_806 = tpu.memref_slice %arg4[%select_n3A, %add3A_796, %dma_start3A_805] : memref<4x4096x1024xf32, #tpu.memory_space<hbm>> -> memref<1x16x1024xf32, #tpu.memory_space<hbm>>
    %dma_start3A_807 = tpu.memref_squeeze %dma_start3A_806 : memref<1x16x1024xf32, #tpu.memory_space<hbm>> -> memref<16x1024xf32, #tpu.memory_space<hbm>>
    %dma_start3A_808 = arith.constant 0 : i32
    %dma_start3A_809 = arith.constant 0 : i32
    %dma_start3A_810 = tpu.memref_slice %arg6[%dma_start3A_797, %dma_start3A_808, %dma_start3A_809] : memref<6x16x1024xf32, #tpu.memory_space<vmem>> -> memref<1x16x1024xf32, #tpu.memory_space<vmem>>
    %dma_start3A_811 = tpu.memref_squeeze %dma_start3A_810 : memref<1x16x1024xf32, #tpu.memory_space<vmem>> -> memref<16x1024xf32, #tpu.memory_space<vmem>>
    tpu.enqueue_dma source(%dma_start3A_811 : memref<16x1024xf32, #tpu.memory_space<vmem>>) target(%dma_start3A_807 : memref<16x1024xf32, #tpu.memory_space<hbm>>) target_semaphore(%arg14 : memref<!tpu.dma_semaphore, #tpu.memory_space<semaphore_mem>>)
    %dma_wait3A_812 = arith.constant 1 : i32
    %dma_wait3A_813 = arith.constant 0 : i32
    %dma_wait3A_814 = arith.constant 0 : i32
    %dma_wait3A_815 = tpu.memref_slice %arg6[%dma_wait3A_812, %dma_wait3A_813, %dma_wait3A_814] : memref<6x16x1024xf32, #tpu.memory_space<vmem>> -> memref<1x16x1024xf32, #tpu.memory_space<vmem>>
    %dma_wait3A_816 = tpu.memref_squeeze %dma_wait3A_815 : memref<1x16x1024xf32, #tpu.memory_space<vmem>> -> memref<16x1024xf32, #tpu.memory_space<vmem>>
    %dma_wait3A_817 = arith.constant 0 : i32
    %dma_wait3A_818 = tpu.memref_slice %arg4[%select_n3A, %add3A_796, %dma_wait3A_817] : memref<4x4096x1024xf32, #tpu.memory_space<hbm>> -> memref<1x16x1024xf32, #tpu.memory_space<hbm>>
    %dma_wait3A_819 = tpu.memref_squeeze %dma_wait3A_818 : memref<1x16x1024xf32, #tpu.memory_space<hbm>> -> memref<16x1024xf32, #tpu.memory_space<hbm>>
    %dma_wait3A_820 = arith.constant 0 : i32
    %dma_wait3A_821 = tpu.memref_slice %arg4[%select_n3A, %add3A_796, %dma_wait3A_820] : memref<4x4096x1024xf32, #tpu.memory_space<hbm>> -> memref<1x16x1024xf32, #tpu.memory_space<hbm>>
    %dma_wait3A_822 = tpu.memref_squeeze %dma_wait3A_821 : memref<1x16x1024xf32, #tpu.memory_space<hbm>> -> memref<16x1024xf32, #tpu.memory_space<hbm>>
    %dma_wait3A_823 = arith.constant 0 : i32
    %dma_wait3A_824 = arith.constant 0 : i32
    %dma_wait3A_825 = tpu.memref_slice %arg6[%dma_wait3A_812, %dma_wait3A_823, %dma_wait3A_824] : memref<6x16x1024xf32, #tpu.memory_space<vmem>> -> memref<1x16x1024xf32, #tpu.memory_space<vmem>>
    %dma_wait3A_826 = tpu.memref_squeeze %dma_wait3A_825 : memref<1x16x1024xf32, #tpu.memory_space<vmem>> -> memref<16x1024xf32, #tpu.memory_space<vmem>>
    tpu.wait_dma2 semaphore(%arg14 : memref<!tpu.dma_semaphore, #tpu.memory_space<semaphore_mem>>) src(%dma_wait3A_826 : memref<16x1024xf32, #tpu.memory_space<vmem>>) dst(%dma_wait3A_822 : memref<16x1024xf32, #tpu.memory_space<hbm>>)
    %dma_start3A_827 = arith.constant 1 : i32
    %dma_start3A_828 = arith.constant 0 : i32
    %dma_start3A_829 = arith.constant 0 : i32
    %dma_start3A_830 = tpu.memref_slice %arg6[%dma_start3A_827, %dma_start3A_828, %dma_start3A_829] : memref<6x16x1024xf32, #tpu.memory_space<vmem>> -> memref<1x16x1024xf32, #tpu.memory_space<vmem>>
    %dma_start3A_831 = tpu.memref_squeeze %dma_start3A_830 : memref<1x16x1024xf32, #tpu.memory_space<vmem>> -> memref<16x1024xf32, #tpu.memory_space<vmem>>
    %dma_start3A_832 = arith.constant 304 : i32
    %dma_start3A_833 = tpu.memref_slice %arg5[%dma_start3A_832] : memref<512xi32, #tpu.memory_space<vmem>> -> memref<16xi32, #tpu.memory_space<vmem>>
    %dma_start3A_834 = arith.constant 0 : i32
    %dma_start3A_835 = arith.constant 0 : i32
    %dma_start3A_836 = tpu.memref_slice %arg3[%dma_start3A_834, %dma_start3A_835] : memref<100000x1024xf32, #tpu.memory_space<hbm>> -> memref<100000x1024xf32, #tpu.memory_space<hbm>>
    tpu.enqueue_indirect_dma source(%dma_start3A_836 : memref<100000x1024xf32, #tpu.memory_space<hbm>>) target(%dma_start3A_831 : memref<16x1024xf32, #tpu.memory_space<vmem>>) offsets(%dma_start3A_833 : memref<16xi32, #tpu.memory_space<vmem>>) semaphore(%arg8 : memref<!tpu.dma_semaphore, #tpu.memory_space<semaphore_mem>>)
    %dma_wait3A_837 = arith.constant 2 : i32
    %dma_wait3A_838 = arith.constant 0 : i32
    %dma_wait3A_839 = arith.constant 0 : i32
    %dma_wait3A_840 = tpu.memref_slice %arg6[%dma_wait3A_837, %dma_wait3A_838, %dma_wait3A_839] : memref<6x16x1024xf32, #tpu.memory_space<vmem>> -> memref<1x16x1024xf32, #tpu.memory_space<vmem>>
    %dma_wait3A_841 = tpu.memref_squeeze %dma_wait3A_840 : memref<1x16x1024xf32, #tpu.memory_space<vmem>> -> memref<16x1024xf32, #tpu.memory_space<vmem>>
    %dma_wait3A_842 = arith.constant 224 : i32
    %dma_wait3A_843 = tpu.memref_slice %arg5[%dma_wait3A_842] : memref<512xi32, #tpu.memory_space<vmem>> -> memref<16xi32, #tpu.memory_space<vmem>>
    %dma_wait3A_844 = arith.constant 0 : i32
    %dma_wait3A_845 = arith.constant 0 : i32
    %dma_wait3A_846 = tpu.memref_slice %arg3[%dma_wait3A_844, %dma_wait3A_845] : memref<100000x1024xf32, #tpu.memory_space<hbm>> -> memref<100000x1024xf32, #tpu.memory_space<hbm>>
    tpu.wait_indirect_dma semaphore(%arg9 : memref<!tpu.dma_semaphore, #tpu.memory_space<semaphore_mem>>) src(%dma_wait3A_846 : memref<100000x1024xf32, #tpu.memory_space<hbm>>) dst(%dma_wait3A_841 : memref<16x1024xf32, #tpu.memory_space<vmem>>)
    %add3A_847 = arith.constant 224 : i32
    %add3A_848 = arith.addi %mul3A_32, %add3A_847 : i32
    %dma_start3A_849 = arith.constant 2 : i32
    %dma_start3A_850 = arith.constant 0 : i32
    %dma_start3A_851 = arith.constant 0 : i32
    %dma_start3A_852 = tpu.memref_slice %arg6[%dma_start3A_849, %dma_start3A_850, %dma_start3A_851] : memref<6x16x1024xf32, #tpu.memory_space<vmem>> -> memref<1x16x1024xf32, #tpu.memory_space<vmem>>
    %dma_start3A_853 = tpu.memref_squeeze %dma_start3A_852 : memref<1x16x1024xf32, #tpu.memory_space<vmem>> -> memref<16x1024xf32, #tpu.memory_space<vmem>>
    %dma_start3A_854 = arith.constant 0 : i32
    %dma_start3A_855 = tpu.memref_slice %arg4[%select_n3A, %add3A_848, %dma_start3A_854] : memref<4x4096x1024xf32, #tpu.memory_space<hbm>> -> memref<1x16x1024xf32, #tpu.memory_space<hbm>>
    %dma_start3A_856 = tpu.memref_squeeze %dma_start3A_855 : memref<1x16x1024xf32, #tpu.memory_space<hbm>> -> memref<16x1024xf32, #tpu.memory_space<hbm>>
    %dma_start3A_857 = arith.constant 0 : i32
    %dma_start3A_858 = tpu.memref_slice %arg4[%select_n3A, %add3A_848, %dma_start3A_857] : memref<4x4096x1024xf32, #tpu.memory_space<hbm>> -> memref<1x16x1024xf32, #tpu.memory_space<hbm>>
    %dma_start3A_859 = tpu.memref_squeeze %dma_start3A_858 : memref<1x16x1024xf32, #tpu.memory_space<hbm>> -> memref<16x1024xf32, #tpu.memory_space<hbm>>
    %dma_start3A_860 = arith.constant 0 : i32
    %dma_start3A_861 = arith.constant 0 : i32
    %dma_start3A_862 = tpu.memref_slice %arg6[%dma_start3A_849, %dma_start3A_860, %dma_start3A_861] : memref<6x16x1024xf32, #tpu.memory_space<vmem>> -> memref<1x16x1024xf32, #tpu.memory_space<vmem>>
    %dma_start3A_863 = tpu.memref_squeeze %dma_start3A_862 : memref<1x16x1024xf32, #tpu.memory_space<vmem>> -> memref<16x1024xf32, #tpu.memory_space<vmem>>
    tpu.enqueue_dma source(%dma_start3A_863 : memref<16x1024xf32, #tpu.memory_space<vmem>>) target(%dma_start3A_859 : memref<16x1024xf32, #tpu.memory_space<hbm>>) target_semaphore(%arg15 : memref<!tpu.dma_semaphore, #tpu.memory_space<semaphore_mem>>)
    %dma_wait3A_864 = arith.constant 2 : i32
    %dma_wait3A_865 = arith.constant 0 : i32
    %dma_wait3A_866 = arith.constant 0 : i32
    %dma_wait3A_867 = tpu.memref_slice %arg6[%dma_wait3A_864, %dma_wait3A_865, %dma_wait3A_866] : memref<6x16x1024xf32, #tpu.memory_space<vmem>> -> memref<1x16x1024xf32, #tpu.memory_space<vmem>>
    %dma_wait3A_868 = tpu.memref_squeeze %dma_wait3A_867 : memref<1x16x1024xf32, #tpu.memory_space<vmem>> -> memref<16x1024xf32, #tpu.memory_space<vmem>>
    %dma_wait3A_869 = arith.constant 0 : i32
    %dma_wait3A_870 = tpu.memref_slice %arg4[%select_n3A, %add3A_848, %dma_wait3A_869] : memref<4x4096x1024xf32, #tpu.memory_space<hbm>> -> memref<1x16x1024xf32, #tpu.memory_space<hbm>>
    %dma_wait3A_871 = tpu.memref_squeeze %dma_wait3A_870 : memref<1x16x1024xf32, #tpu.memory_space<hbm>> -> memref<16x1024xf32, #tpu.memory_space<hbm>>
    %dma_wait3A_872 = arith.constant 0 : i32
    %dma_wait3A_873 = tpu.memref_slice %arg4[%select_n3A, %add3A_848, %dma_wait3A_872] : memref<4x4096x1024xf32, #tpu.memory_space<hbm>> -> memref<1x16x1024xf32, #tpu.memory_space<hbm>>
    %dma_wait3A_874 = tpu.memref_squeeze %dma_wait3A_873 : memref<1x16x1024xf32, #tpu.memory_space<hbm>> -> memref<16x1024xf32, #tpu.memory_space<hbm>>
    %dma_wait3A_875 = arith.constant 0 : i32
    %dma_wait3A_876 = arith.constant 0 : i32
    %dma_wait3A_877 = tpu.memref_slice %arg6[%dma_wait3A_864, %dma_wait3A_875, %dma_wait3A_876] : memref<6x16x1024xf32, #tpu.memory_space<vmem>> -> memref<1x16x1024xf32, #tpu.memory_space<vmem>>
    %dma_wait3A_878 = tpu.memref_squeeze %dma_wait3A_877 : memref<1x16x1024xf32, #tpu.memory_space<vmem>> -> memref<16x1024xf32, #tpu.memory_space<vmem>>
    tpu.wait_dma2 semaphore(%arg15 : memref<!tpu.dma_semaphore, #tpu.memory_space<semaphore_mem>>) src(%dma_wait3A_878 : memref<16x1024xf32, #tpu.memory_space<vmem>>) dst(%dma_wait3A_874 : memref<16x1024xf32, #tpu.memory_space<hbm>>)
    %dma_start3A_879 = arith.constant 2 : i32
    %dma_start3A_880 = arith.constant 0 : i32
    %dma_start3A_881 = arith.constant 0 : i32
    %dma_start3A_882 = tpu.memref_slice %arg6[%dma_start3A_879, %dma_start3A_880, %dma_start3A_881] : memref<6x16x1024xf32, #tpu.memory_space<vmem>> -> memref<1x16x1024xf32, #tpu.memory_space<vmem>>
    %dma_start3A_883 = tpu.memref_squeeze %dma_start3A_882 : memref<1x16x1024xf32, #tpu.memory_space<vmem>> -> memref<16x1024xf32, #tpu.memory_space<vmem>>
    %dma_start3A_884 = arith.constant 320 : i32
    %dma_start3A_885 = tpu.memref_slice %arg5[%dma_start3A_884] : memref<512xi32, #tpu.memory_space<vmem>> -> memref<16xi32, #tpu.memory_space<vmem>>
    %dma_start3A_886 = arith.constant 0 : i32
    %dma_start3A_887 = arith.constant 0 : i32
    %dma_start3A_888 = tpu.memref_slice %arg3[%dma_start3A_886, %dma_start3A_887] : memref<100000x1024xf32, #tpu.memory_space<hbm>> -> memref<100000x1024xf32, #tpu.memory_space<hbm>>
    tpu.enqueue_indirect_dma source(%dma_start3A_888 : memref<100000x1024xf32, #tpu.memory_space<hbm>>) target(%dma_start3A_883 : memref<16x1024xf32, #tpu.memory_space<vmem>>) offsets(%dma_start3A_885 : memref<16xi32, #tpu.memory_space<vmem>>) semaphore(%arg9 : memref<!tpu.dma_semaphore, #tpu.memory_space<semaphore_mem>>)
    %dma_wait3A_889 = arith.constant 3 : i32
    %dma_wait3A_890 = arith.constant 0 : i32
    %dma_wait3A_891 = arith.constant 0 : i32
    %dma_wait3A_892 = tpu.memref_slice %arg6[%dma_wait3A_889, %dma_wait3A_890, %dma_wait3A_891] : memref<6x16x1024xf32, #tpu.memory_space<vmem>> -> memref<1x16x1024xf32, #tpu.memory_space<vmem>>
    %dma_wait3A_893 = tpu.memref_squeeze %dma_wait3A_892 : memref<1x16x1024xf32, #tpu.memory_space<vmem>> -> memref<16x1024xf32, #tpu.memory_space<vmem>>
    %dma_wait3A_894 = arith.constant 240 : i32
    %dma_wait3A_895 = tpu.memref_slice %arg5[%dma_wait3A_894] : memref<512xi32, #tpu.memory_space<vmem>> -> memref<16xi32, #tpu.memory_space<vmem>>
    %dma_wait3A_896 = arith.constant 0 : i32
    %dma_wait3A_897 = arith.constant 0 : i32
    %dma_wait3A_898 = tpu.memref_slice %arg3[%dma_wait3A_896, %dma_wait3A_897] : memref<100000x1024xf32, #tpu.memory_space<hbm>> -> memref<100000x1024xf32, #tpu.memory_space<hbm>>
    tpu.wait_indirect_dma semaphore(%arg10 : memref<!tpu.dma_semaphore, #tpu.memory_space<semaphore_mem>>) src(%dma_wait3A_898 : memref<100000x1024xf32, #tpu.memory_space<hbm>>) dst(%dma_wait3A_893 : memref<16x1024xf32, #tpu.memory_space<vmem>>)
    %add3A_899 = arith.constant 240 : i32
    %add3A_900 = arith.addi %mul3A_32, %add3A_899 : i32
    %dma_start3A_901 = arith.constant 3 : i32
    %dma_start3A_902 = arith.constant 0 : i32
    %dma_start3A_903 = arith.constant 0 : i32
    %dma_start3A_904 = tpu.memref_slice %arg6[%dma_start3A_901, %dma_start3A_902, %dma_start3A_903] : memref<6x16x1024xf32, #tpu.memory_space<vmem>> -> memref<1x16x1024xf32, #tpu.memory_space<vmem>>
    %dma_start3A_905 = tpu.memref_squeeze %dma_start3A_904 : memref<1x16x1024xf32, #tpu.memory_space<vmem>> -> memref<16x1024xf32, #tpu.memory_space<vmem>>
    %dma_start3A_906 = arith.constant 0 : i32
    %dma_start3A_907 = tpu.memref_slice %arg4[%select_n3A, %add3A_900, %dma_start3A_906] : memref<4x4096x1024xf32, #tpu.memory_space<hbm>> -> memref<1x16x1024xf32, #tpu.memory_space<hbm>>
    %dma_start3A_908 = tpu.memref_squeeze %dma_start3A_907 : memref<1x16x1024xf32, #tpu.memory_space<hbm>> -> memref<16x1024xf32, #tpu.memory_space<hbm>>
    %dma_start3A_909 = arith.constant 0 : i32
    %dma_start3A_910 = tpu.memref_slice %arg4[%select_n3A, %add3A_900, %dma_start3A_909] : memref<4x4096x1024xf32, #tpu.memory_space<hbm>> -> memref<1x16x1024xf32, #tpu.memory_space<hbm>>
    %dma_start3A_911 = tpu.memref_squeeze %dma_start3A_910 : memref<1x16x1024xf32, #tpu.memory_space<hbm>> -> memref<16x1024xf32, #tpu.memory_space<hbm>>
    %dma_start3A_912 = arith.constant 0 : i32
    %dma_start3A_913 = arith.constant 0 : i32
    %dma_start3A_914 = tpu.memref_slice %arg6[%dma_start3A_901, %dma_start3A_912, %dma_start3A_913] : memref<6x16x1024xf32, #tpu.memory_space<vmem>> -> memref<1x16x1024xf32, #tpu.memory_space<vmem>>
    %dma_start3A_915 = tpu.memref_squeeze %dma_start3A_914 : memref<1x16x1024xf32, #tpu.memory_space<vmem>> -> memref<16x1024xf32, #tpu.memory_space<vmem>>
    tpu.enqueue_dma source(%dma_start3A_915 : memref<16x1024xf32, #tpu.memory_space<vmem>>) target(%dma_start3A_911 : memref<16x1024xf32, #tpu.memory_space<hbm>>) target_semaphore(%arg16 : memref<!tpu.dma_semaphore, #tpu.memory_space<semaphore_mem>>)
    %dma_wait3A_916 = arith.constant 3 : i32
    %dma_wait3A_917 = arith.constant 0 : i32
    %dma_wait3A_918 = arith.constant 0 : i32
    %dma_wait3A_919 = tpu.memref_slice %arg6[%dma_wait3A_916, %dma_wait3A_917, %dma_wait3A_918] : memref<6x16x1024xf32, #tpu.memory_space<vmem>> -> memref<1x16x1024xf32, #tpu.memory_space<vmem>>
    %dma_wait3A_920 = tpu.memref_squeeze %dma_wait3A_919 : memref<1x16x1024xf32, #tpu.memory_space<vmem>> -> memref<16x1024xf32, #tpu.memory_space<vmem>>
    %dma_wait3A_921 = arith.constant 0 : i32
    %dma_wait3A_922 = tpu.memref_slice %arg4[%select_n3A, %add3A_900, %dma_wait3A_921] : memref<4x4096x1024xf32, #tpu.memory_space<hbm>> -> memref<1x16x1024xf32, #tpu.memory_space<hbm>>
    %dma_wait3A_923 = tpu.memref_squeeze %dma_wait3A_922 : memref<1x16x1024xf32, #tpu.memory_space<hbm>> -> memref<16x1024xf32, #tpu.memory_space<hbm>>
    %dma_wait3A_924 = arith.constant 0 : i32
    %dma_wait3A_925 = tpu.memref_slice %arg4[%select_n3A, %add3A_900, %dma_wait3A_924] : memref<4x4096x1024xf32, #tpu.memory_space<hbm>> -> memref<1x16x1024xf32, #tpu.memory_space<hbm>>
    %dma_wait3A_926 = tpu.memref_squeeze %dma_wait3A_925 : memref<1x16x1024xf32, #tpu.memory_space<hbm>> -> memref<16x1024xf32, #tpu.memory_space<hbm>>
    %dma_wait3A_927 = arith.constant 0 : i32
    %dma_wait3A_928 = arith.constant 0 : i32
    %dma_wait3A_929 = tpu.memref_slice %arg6[%dma_wait3A_916, %dma_wait3A_927, %dma_wait3A_928] : memref<6x16x1024xf32, #tpu.memory_space<vmem>> -> memref<1x16x1024xf32, #tpu.memory_space<vmem>>
    %dma_wait3A_930 = tpu.memref_squeeze %dma_wait3A_929 : memref<1x16x1024xf32, #tpu.memory_space<vmem>> -> memref<16x1024xf32, #tpu.memory_space<vmem>>
    tpu.wait_dma2 semaphore(%arg16 : memref<!tpu.dma_semaphore, #tpu.memory_space<semaphore_mem>>) src(%dma_wait3A_930 : memref<16x1024xf32, #tpu.memory_space<vmem>>) dst(%dma_wait3A_926 : memref<16x1024xf32, #tpu.memory_space<hbm>>)
    %dma_start3A_931 = arith.constant 3 : i32
    %dma_start3A_932 = arith.constant 0 : i32
    %dma_start3A_933 = arith.constant 0 : i32
    %dma_start3A_934 = tpu.memref_slice %arg6[%dma_start3A_931, %dma_start3A_932, %dma_start3A_933] : memref<6x16x1024xf32, #tpu.memory_space<vmem>> -> memref<1x16x1024xf32, #tpu.memory_space<vmem>>
    %dma_start3A_935 = tpu.memref_squeeze %dma_start3A_934 : memref<1x16x1024xf32, #tpu.memory_space<vmem>> -> memref<16x1024xf32, #tpu.memory_space<vmem>>
    %dma_start3A_936 = arith.constant 336 : i32
    %dma_start3A_937 = tpu.memref_slice %arg5[%dma_start3A_936] : memref<512xi32, #tpu.memory_space<vmem>> -> memref<16xi32, #tpu.memory_space<vmem>>
    %dma_start3A_938 = arith.constant 0 : i32
    %dma_start3A_939 = arith.constant 0 : i32
    %dma_start3A_940 = tpu.memref_slice %arg3[%dma_start3A_938, %dma_start3A_939] : memref<100000x1024xf32, #tpu.memory_space<hbm>> -> memref<100000x1024xf32, #tpu.memory_space<hbm>>
    tpu.enqueue_indirect_dma source(%dma_start3A_940 : memref<100000x1024xf32, #tpu.memory_space<hbm>>) target(%dma_start3A_935 : memref<16x1024xf32, #tpu.memory_space<vmem>>) offsets(%dma_start3A_937 : memref<16xi32, #tpu.memory_space<vmem>>) semaphore(%arg10 : memref<!tpu.dma_semaphore, #tpu.memory_space<semaphore_mem>>)
    %dma_wait3A_941 = arith.constant 4 : i32
    %dma_wait3A_942 = arith.constant 0 : i32
    %dma_wait3A_943 = arith.constant 0 : i32
    %dma_wait3A_944 = tpu.memref_slice %arg6[%dma_wait3A_941, %dma_wait3A_942, %dma_wait3A_943] : memref<6x16x1024xf32, #tpu.memory_space<vmem>> -> memref<1x16x1024xf32, #tpu.memory_space<vmem>>
    %dma_wait3A_945 = tpu.memref_squeeze %dma_wait3A_944 : memref<1x16x1024xf32, #tpu.memory_space<vmem>> -> memref<16x1024xf32, #tpu.memory_space<vmem>>
    %dma_wait3A_946 = arith.constant 256 : i32
    %dma_wait3A_947 = tpu.memref_slice %arg5[%dma_wait3A_946] : memref<512xi32, #tpu.memory_space<vmem>> -> memref<16xi32, #tpu.memory_space<vmem>>
    %dma_wait3A_948 = arith.constant 0 : i32
    %dma_wait3A_949 = arith.constant 0 : i32
    %dma_wait3A_950 = tpu.memref_slice %arg3[%dma_wait3A_948, %dma_wait3A_949] : memref<100000x1024xf32, #tpu.memory_space<hbm>> -> memref<100000x1024xf32, #tpu.memory_space<hbm>>
    tpu.wait_indirect_dma semaphore(%arg11 : memref<!tpu.dma_semaphore, #tpu.memory_space<semaphore_mem>>) src(%dma_wait3A_950 : memref<100000x1024xf32, #tpu.memory_space<hbm>>) dst(%dma_wait3A_945 : memref<16x1024xf32, #tpu.memory_space<vmem>>)
    %add3A_951 = arith.constant 256 : i32
    %add3A_952 = arith.addi %mul3A_32, %add3A_951 : i32
    %dma_start3A_953 = arith.constant 4 : i32
    %dma_start3A_954 = arith.constant 0 : i32
    %dma_start3A_955 = arith.constant 0 : i32
    %dma_start3A_956 = tpu.memref_slice %arg6[%dma_start3A_953, %dma_start3A_954, %dma_start3A_955] : memref<6x16x1024xf32, #tpu.memory_space<vmem>> -> memref<1x16x1024xf32, #tpu.memory_space<vmem>>
    %dma_start3A_957 = tpu.memref_squeeze %dma_start3A_956 : memref<1x16x1024xf32, #tpu.memory_space<vmem>> -> memref<16x1024xf32, #tpu.memory_space<vmem>>
    %dma_start3A_958 = arith.constant 0 : i32
    %dma_start3A_959 = tpu.memref_slice %arg4[%select_n3A, %add3A_952, %dma_start3A_958] : memref<4x4096x1024xf32, #tpu.memory_space<hbm>> -> memref<1x16x1024xf32, #tpu.memory_space<hbm>>
    %dma_start3A_960 = tpu.memref_squeeze %dma_start3A_959 : memref<1x16x1024xf32, #tpu.memory_space<hbm>> -> memref<16x1024xf32, #tpu.memory_space<hbm>>
    %dma_start3A_961 = arith.constant 0 : i32
    %dma_start3A_962 = tpu.memref_slice %arg4[%select_n3A, %add3A_952, %dma_start3A_961] : memref<4x4096x1024xf32, #tpu.memory_space<hbm>> -> memref<1x16x1024xf32, #tpu.memory_space<hbm>>
    %dma_start3A_963 = tpu.memref_squeeze %dma_start3A_962 : memref<1x16x1024xf32, #tpu.memory_space<hbm>> -> memref<16x1024xf32, #tpu.memory_space<hbm>>
    %dma_start3A_964 = arith.constant 0 : i32
    %dma_start3A_965 = arith.constant 0 : i32
    %dma_start3A_966 = tpu.memref_slice %arg6[%dma_start3A_953, %dma_start3A_964, %dma_start3A_965] : memref<6x16x1024xf32, #tpu.memory_space<vmem>> -> memref<1x16x1024xf32, #tpu.memory_space<vmem>>
    %dma_start3A_967 = tpu.memref_squeeze %dma_start3A_966 : memref<1x16x1024xf32, #tpu.memory_space<vmem>> -> memref<16x1024xf32, #tpu.memory_space<vmem>>
    tpu.enqueue_dma source(%dma_start3A_967 : memref<16x1024xf32, #tpu.memory_space<vmem>>) target(%dma_start3A_963 : memref<16x1024xf32, #tpu.memory_space<hbm>>) target_semaphore(%arg17 : memref<!tpu.dma_semaphore, #tpu.memory_space<semaphore_mem>>)
    %dma_wait3A_968 = arith.constant 4 : i32
    %dma_wait3A_969 = arith.constant 0 : i32
    %dma_wait3A_970 = arith.constant 0 : i32
    %dma_wait3A_971 = tpu.memref_slice %arg6[%dma_wait3A_968, %dma_wait3A_969, %dma_wait3A_970] : memref<6x16x1024xf32, #tpu.memory_space<vmem>> -> memref<1x16x1024xf32, #tpu.memory_space<vmem>>
    %dma_wait3A_972 = tpu.memref_squeeze %dma_wait3A_971 : memref<1x16x1024xf32, #tpu.memory_space<vmem>> -> memref<16x1024xf32, #tpu.memory_space<vmem>>
    %dma_wait3A_973 = arith.constant 0 : i32
    %dma_wait3A_974 = tpu.memref_slice %arg4[%select_n3A, %add3A_952, %dma_wait3A_973] : memref<4x4096x1024xf32, #tpu.memory_space<hbm>> -> memref<1x16x1024xf32, #tpu.memory_space<hbm>>
    %dma_wait3A_975 = tpu.memref_squeeze %dma_wait3A_974 : memref<1x16x1024xf32, #tpu.memory_space<hbm>> -> memref<16x1024xf32, #tpu.memory_space<hbm>>
    %dma_wait3A_976 = arith.constant 0 : i32
    %dma_wait3A_977 = tpu.memref_slice %arg4[%select_n3A, %add3A_952, %dma_wait3A_976] : memref<4x4096x1024xf32, #tpu.memory_space<hbm>> -> memref<1x16x1024xf32, #tpu.memory_space<hbm>>
    %dma_wait3A_978 = tpu.memref_squeeze %dma_wait3A_977 : memref<1x16x1024xf32, #tpu.memory_space<hbm>> -> memref<16x1024xf32, #tpu.memory_space<hbm>>
    %dma_wait3A_979 = arith.constant 0 : i32
    %dma_wait3A_980 = arith.constant 0 : i32
    %dma_wait3A_981 = tpu.memref_slice %arg6[%dma_wait3A_968, %dma_wait3A_979, %dma_wait3A_980] : memref<6x16x1024xf32, #tpu.memory_space<vmem>> -> memref<1x16x1024xf32, #tpu.memory_space<vmem>>
    %dma_wait3A_982 = tpu.memref_squeeze %dma_wait3A_981 : memref<1x16x1024xf32, #tpu.memory_space<vmem>> -> memref<16x1024xf32, #tpu.memory_space<vmem>>
    tpu.wait_dma2 semaphore(%arg17 : memref<!tpu.dma_semaphore, #tpu.memory_space<semaphore_mem>>) src(%dma_wait3A_982 : memref<16x1024xf32, #tpu.memory_space<vmem>>) dst(%dma_wait3A_978 : memref<16x1024xf32, #tpu.memory_space<hbm>>)
    %dma_start3A_983 = arith.constant 4 : i32
    %dma_start3A_984 = arith.constant 0 : i32
    %dma_start3A_985 = arith.constant 0 : i32
    %dma_start3A_986 = tpu.memref_slice %arg6[%dma_start3A_983, %dma_start3A_984, %dma_start3A_985] : memref<6x16x1024xf32, #tpu.memory_space<vmem>> -> memref<1x16x1024xf32, #tpu.memory_space<vmem>>
    %dma_start3A_987 = tpu.memref_squeeze %dma_start3A_986 : memref<1x16x1024xf32, #tpu.memory_space<vmem>> -> memref<16x1024xf32, #tpu.memory_space<vmem>>
    %dma_start3A_988 = arith.constant 352 : i32
    %dma_start3A_989 = tpu.memref_slice %arg5[%dma_start3A_988] : memref<512xi32, #tpu.memory_space<vmem>> -> memref<16xi32, #tpu.memory_space<vmem>>
    %dma_start3A_990 = arith.constant 0 : i32
    %dma_start3A_991 = arith.constant 0 : i32
    %dma_start3A_992 = tpu.memref_slice %arg3[%dma_start3A_990, %dma_start3A_991] : memref<100000x1024xf32, #tpu.memory_space<hbm>> -> memref<100000x1024xf32, #tpu.memory_space<hbm>>
    tpu.enqueue_indirect_dma source(%dma_start3A_992 : memref<100000x1024xf32, #tpu.memory_space<hbm>>) target(%dma_start3A_987 : memref<16x1024xf32, #tpu.memory_space<vmem>>) offsets(%dma_start3A_989 : memref<16xi32, #tpu.memory_space<vmem>>) semaphore(%arg11 : memref<!tpu.dma_semaphore, #tpu.memory_space<semaphore_mem>>)
    %dma_wait3A_993 = arith.constant 5 : i32
    %dma_wait3A_994 = arith.constant 0 : i32
    %dma_wait3A_995 = arith.constant 0 : i32
    %dma_wait3A_996 = tpu.memref_slice %arg6[%dma_wait3A_993, %dma_wait3A_994, %dma_wait3A_995] : memref<6x16x1024xf32, #tpu.memory_space<vmem>> -> memref<1x16x1024xf32, #tpu.memory_space<vmem>>
    %dma_wait3A_997 = tpu.memref_squeeze %dma_wait3A_996 : memref<1x16x1024xf32, #tpu.memory_space<vmem>> -> memref<16x1024xf32, #tpu.memory_space<vmem>>
    %dma_wait3A_998 = arith.constant 272 : i32
    %dma_wait3A_999 = tpu.memref_slice %arg5[%dma_wait3A_998] : memref<512xi32, #tpu.memory_space<vmem>> -> memref<16xi32, #tpu.memory_space<vmem>>
    %dma_wait3A_1000 = arith.constant 0 : i32
    %dma_wait3A_1001 = arith.constant 0 : i32
    %dma_wait3A_1002 = tpu.memref_slice %arg3[%dma_wait3A_1000, %dma_wait3A_1001] : memref<100000x1024xf32, #tpu.memory_space<hbm>> -> memref<100000x1024xf32, #tpu.memory_space<hbm>>
    tpu.wait_indirect_dma semaphore(%arg12 : memref<!tpu.dma_semaphore, #tpu.memory_space<semaphore_mem>>) src(%dma_wait3A_1002 : memref<100000x1024xf32, #tpu.memory_space<hbm>>) dst(%dma_wait3A_997 : memref<16x1024xf32, #tpu.memory_space<vmem>>)
    %add3A_1003 = arith.constant 272 : i32
    %add3A_1004 = arith.addi %mul3A_32, %add3A_1003 : i32
    %dma_start3A_1005 = arith.constant 5 : i32
    %dma_start3A_1006 = arith.constant 0 : i32
    %dma_start3A_1007 = arith.constant 0 : i32
    %dma_start3A_1008 = tpu.memref_slice %arg6[%dma_start3A_1005, %dma_start3A_1006, %dma_start3A_1007] : memref<6x16x1024xf32, #tpu.memory_space<vmem>> -> memref<1x16x1024xf32, #tpu.memory_space<vmem>>
    %dma_start3A_1009 = tpu.memref_squeeze %dma_start3A_1008 : memref<1x16x1024xf32, #tpu.memory_space<vmem>> -> memref<16x1024xf32, #tpu.memory_space<vmem>>
    %dma_start3A_1010 = arith.constant 0 : i32
    %dma_start3A_1011 = tpu.memref_slice %arg4[%select_n3A, %add3A_1004, %dma_start3A_1010] : memref<4x4096x1024xf32, #tpu.memory_space<hbm>> -> memref<1x16x1024xf32, #tpu.memory_space<hbm>>
    %dma_start3A_1012 = tpu.memref_squeeze %dma_start3A_1011 : memref<1x16x1024xf32, #tpu.memory_space<hbm>> -> memref<16x1024xf32, #tpu.memory_space<hbm>>
    %dma_start3A_1013 = arith.constant 0 : i32
    %dma_start3A_1014 = tpu.memref_slice %arg4[%select_n3A, %add3A_1004, %dma_start3A_1013] : memref<4x4096x1024xf32, #tpu.memory_space<hbm>> -> memref<1x16x1024xf32, #tpu.memory_space<hbm>>
    %dma_start3A_1015 = tpu.memref_squeeze %dma_start3A_1014 : memref<1x16x1024xf32, #tpu.memory_space<hbm>> -> memref<16x1024xf32, #tpu.memory_space<hbm>>
    %dma_start3A_1016 = arith.constant 0 : i32
    %dma_start3A_1017 = arith.constant 0 : i32
    %dma_start3A_1018 = tpu.memref_slice %arg6[%dma_start3A_1005, %dma_start3A_1016, %dma_start3A_1017] : memref<6x16x1024xf32, #tpu.memory_space<vmem>> -> memref<1x16x1024xf32, #tpu.memory_space<vmem>>
    %dma_start3A_1019 = tpu.memref_squeeze %dma_start3A_1018 : memref<1x16x1024xf32, #tpu.memory_space<vmem>> -> memref<16x1024xf32, #tpu.memory_space<vmem>>
    tpu.enqueue_dma source(%dma_start3A_1019 : memref<16x1024xf32, #tpu.memory_space<vmem>>) target(%dma_start3A_1015 : memref<16x1024xf32, #tpu.memory_space<hbm>>) target_semaphore(%arg18 : memref<!tpu.dma_semaphore, #tpu.memory_space<semaphore_mem>>)
    %dma_wait3A_1020 = arith.constant 5 : i32
    %dma_wait3A_1021 = arith.constant 0 : i32
    %dma_wait3A_1022 = arith.constant 0 : i32
    %dma_wait3A_1023 = tpu.memref_slice %arg6[%dma_wait3A_1020, %dma_wait3A_1021, %dma_wait3A_1022] : memref<6x16x1024xf32, #tpu.memory_space<vmem>> -> memref<1x16x1024xf32, #tpu.memory_space<vmem>>
    %dma_wait3A_1024 = tpu.memref_squeeze %dma_wait3A_1023 : memref<1x16x1024xf32, #tpu.memory_space<vmem>> -> memref<16x1024xf32, #tpu.memory_space<vmem>>
    %dma_wait3A_1025 = arith.constant 0 : i32
    %dma_wait3A_1026 = tpu.memref_slice %arg4[%select_n3A, %add3A_1004, %dma_wait3A_1025] : memref<4x4096x1024xf32, #tpu.memory_space<hbm>> -> memref<1x16x1024xf32, #tpu.memory_space<hbm>>
    %dma_wait3A_1027 = tpu.memref_squeeze %dma_wait3A_1026 : memref<1x16x1024xf32, #tpu.memory_space<hbm>> -> memref<16x1024xf32, #tpu.memory_space<hbm>>
    %dma_wait3A_1028 = arith.constant 0 : i32
    %dma_wait3A_1029 = tpu.memref_slice %arg4[%select_n3A, %add3A_1004, %dma_wait3A_1028] : memref<4x4096x1024xf32, #tpu.memory_space<hbm>> -> memref<1x16x1024xf32, #tpu.memory_space<hbm>>
    %dma_wait3A_1030 = tpu.memref_squeeze %dma_wait3A_1029 : memref<1x16x1024xf32, #tpu.memory_space<hbm>> -> memref<16x1024xf32, #tpu.memory_space<hbm>>
    %dma_wait3A_1031 = arith.constant 0 : i32
    %dma_wait3A_1032 = arith.constant 0 : i32
    %dma_wait3A_1033 = tpu.memref_slice %arg6[%dma_wait3A_1020, %dma_wait3A_1031, %dma_wait3A_1032] : memref<6x16x1024xf32, #tpu.memory_space<vmem>> -> memref<1x16x1024xf32, #tpu.memory_space<vmem>>
    %dma_wait3A_1034 = tpu.memref_squeeze %dma_wait3A_1033 : memref<1x16x1024xf32, #tpu.memory_space<vmem>> -> memref<16x1024xf32, #tpu.memory_space<vmem>>
    tpu.wait_dma2 semaphore(%arg18 : memref<!tpu.dma_semaphore, #tpu.memory_space<semaphore_mem>>) src(%dma_wait3A_1034 : memref<16x1024xf32, #tpu.memory_space<vmem>>) dst(%dma_wait3A_1030 : memref<16x1024xf32, #tpu.memory_space<hbm>>)
    %dma_start3A_1035 = arith.constant 5 : i32
    %dma_start3A_1036 = arith.constant 0 : i32
    %dma_start3A_1037 = arith.constant 0 : i32
    %dma_start3A_1038 = tpu.memref_slice %arg6[%dma_start3A_1035, %dma_start3A_1036, %dma_start3A_1037] : memref<6x16x1024xf32, #tpu.memory_space<vmem>> -> memref<1x16x1024xf32, #tpu.memory_space<vmem>>
    %dma_start3A_1039 = tpu.memref_squeeze %dma_start3A_1038 : memref<1x16x1024xf32, #tpu.memory_space<vmem>> -> memref<16x1024xf32, #tpu.memory_space<vmem>>
    %dma_start3A_1040 = arith.constant 368 : i32
    %dma_start3A_1041 = tpu.memref_slice %arg5[%dma_start3A_1040] : memref<512xi32, #tpu.memory_space<vmem>> -> memref<16xi32, #tpu.memory_space<vmem>>
    %dma_start3A_1042 = arith.constant 0 : i32
    %dma_start3A_1043 = arith.constant 0 : i32
    %dma_start3A_1044 = tpu.memref_slice %arg3[%dma_start3A_1042, %dma_start3A_1043] : memref<100000x1024xf32, #tpu.memory_space<hbm>> -> memref<100000x1024xf32, #tpu.memory_space<hbm>>
    tpu.enqueue_indirect_dma source(%dma_start3A_1044 : memref<100000x1024xf32, #tpu.memory_space<hbm>>) target(%dma_start3A_1039 : memref<16x1024xf32, #tpu.memory_space<vmem>>) offsets(%dma_start3A_1041 : memref<16xi32, #tpu.memory_space<vmem>>) semaphore(%arg12 : memref<!tpu.dma_semaphore, #tpu.memory_space<semaphore_mem>>)
    %dma_wait3A_1045 = arith.constant 0 : i32
    %dma_wait3A_1046 = arith.constant 0 : i32
    %dma_wait3A_1047 = arith.constant 0 : i32
    %dma_wait3A_1048 = tpu.memref_slice %arg6[%dma_wait3A_1045, %dma_wait3A_1046, %dma_wait3A_1047] : memref<6x16x1024xf32, #tpu.memory_space<vmem>> -> memref<1x16x1024xf32, #tpu.memory_space<vmem>>
    %dma_wait3A_1049 = tpu.memref_squeeze %dma_wait3A_1048 : memref<1x16x1024xf32, #tpu.memory_space<vmem>> -> memref<16x1024xf32, #tpu.memory_space<vmem>>
    %dma_wait3A_1050 = arith.constant 288 : i32
    %dma_wait3A_1051 = tpu.memref_slice %arg5[%dma_wait3A_1050] : memref<512xi32, #tpu.memory_space<vmem>> -> memref<16xi32, #tpu.memory_space<vmem>>
    %dma_wait3A_1052 = arith.constant 0 : i32
    %dma_wait3A_1053 = arith.constant 0 : i32
    %dma_wait3A_1054 = tpu.memref_slice %arg3[%dma_wait3A_1052, %dma_wait3A_1053] : memref<100000x1024xf32, #tpu.memory_space<hbm>> -> memref<100000x1024xf32, #tpu.memory_space<hbm>>
    tpu.wait_indirect_dma semaphore(%arg7 : memref<!tpu.dma_semaphore, #tpu.memory_space<semaphore_mem>>) src(%dma_wait3A_1054 : memref<100000x1024xf32, #tpu.memory_space<hbm>>) dst(%dma_wait3A_1049 : memref<16x1024xf32, #tpu.memory_space<vmem>>)
    %add3A_1055 = arith.constant 288 : i32
    %add3A_1056 = arith.addi %mul3A_32, %add3A_1055 : i32
    %dma_start3A_1057 = arith.constant 0 : i32
    %dma_start3A_1058 = arith.constant 0 : i32
    %dma_start3A_1059 = arith.constant 0 : i32
    %dma_start3A_1060 = tpu.memref_slice %arg6[%dma_start3A_1057, %dma_start3A_1058, %dma_start3A_1059] : memref<6x16x1024xf32, #tpu.memory_space<vmem>> -> memref<1x16x1024xf32, #tpu.memory_space<vmem>>
    %dma_start3A_1061 = tpu.memref_squeeze %dma_start3A_1060 : memref<1x16x1024xf32, #tpu.memory_space<vmem>> -> memref<16x1024xf32, #tpu.memory_space<vmem>>
    %dma_start3A_1062 = arith.constant 0 : i32
    %dma_start3A_1063 = tpu.memref_slice %arg4[%select_n3A, %add3A_1056, %dma_start3A_1062] : memref<4x4096x1024xf32, #tpu.memory_space<hbm>> -> memref<1x16x1024xf32, #tpu.memory_space<hbm>>
    %dma_start3A_1064 = tpu.memref_squeeze %dma_start3A_1063 : memref<1x16x1024xf32, #tpu.memory_space<hbm>> -> memref<16x1024xf32, #tpu.memory_space<hbm>>
    %dma_start3A_1065 = arith.constant 0 : i32
    %dma_start3A_1066 = tpu.memref_slice %arg4[%select_n3A, %add3A_1056, %dma_start3A_1065] : memref<4x4096x1024xf32, #tpu.memory_space<hbm>> -> memref<1x16x1024xf32, #tpu.memory_space<hbm>>
    %dma_start3A_1067 = tpu.memref_squeeze %dma_start3A_1066 : memref<1x16x1024xf32, #tpu.memory_space<hbm>> -> memref<16x1024xf32, #tpu.memory_space<hbm>>
    %dma_start3A_1068 = arith.constant 0 : i32
    %dma_start3A_1069 = arith.constant 0 : i32
    %dma_start3A_1070 = tpu.memref_slice %arg6[%dma_start3A_1057, %dma_start3A_1068, %dma_start3A_1069] : memref<6x16x1024xf32, #tpu.memory_space<vmem>> -> memref<1x16x1024xf32, #tpu.memory_space<vmem>>
    %dma_start3A_1071 = tpu.memref_squeeze %dma_start3A_1070 : memref<1x16x1024xf32, #tpu.memory_space<vmem>> -> memref<16x1024xf32, #tpu.memory_space<vmem>>
    tpu.enqueue_dma source(%dma_start3A_1071 : memref<16x1024xf32, #tpu.memory_space<vmem>>) target(%dma_start3A_1067 : memref<16x1024xf32, #tpu.memory_space<hbm>>) target_semaphore(%arg13 : memref<!tpu.dma_semaphore, #tpu.memory_space<semaphore_mem>>)
    %dma_wait3A_1072 = arith.constant 0 : i32
    %dma_wait3A_1073 = arith.constant 0 : i32
    %dma_wait3A_1074 = arith.constant 0 : i32
    %dma_wait3A_1075 = tpu.memref_slice %arg6[%dma_wait3A_1072, %dma_wait3A_1073, %dma_wait3A_1074] : memref<6x16x1024xf32, #tpu.memory_space<vmem>> -> memref<1x16x1024xf32, #tpu.memory_space<vmem>>
    %dma_wait3A_1076 = tpu.memref_squeeze %dma_wait3A_1075 : memref<1x16x1024xf32, #tpu.memory_space<vmem>> -> memref<16x1024xf32, #tpu.memory_space<vmem>>
    %dma_wait3A_1077 = arith.constant 0 : i32
    %dma_wait3A_1078 = tpu.memref_slice %arg4[%select_n3A, %add3A_1056, %dma_wait3A_1077] : memref<4x4096x1024xf32, #tpu.memory_space<hbm>> -> memref<1x16x1024xf32, #tpu.memory_space<hbm>>
    %dma_wait3A_1079 = tpu.memref_squeeze %dma_wait3A_1078 : memref<1x16x1024xf32, #tpu.memory_space<hbm>> -> memref<16x1024xf32, #tpu.memory_space<hbm>>
    %dma_wait3A_1080 = arith.constant 0 : i32
    %dma_wait3A_1081 = tpu.memref_slice %arg4[%select_n3A, %add3A_1056, %dma_wait3A_1080] : memref<4x4096x1024xf32, #tpu.memory_space<hbm>> -> memref<1x16x1024xf32, #tpu.memory_space<hbm>>
    %dma_wait3A_1082 = tpu.memref_squeeze %dma_wait3A_1081 : memref<1x16x1024xf32, #tpu.memory_space<hbm>> -> memref<16x1024xf32, #tpu.memory_space<hbm>>
    %dma_wait3A_1083 = arith.constant 0 : i32
    %dma_wait3A_1084 = arith.constant 0 : i32
    %dma_wait3A_1085 = tpu.memref_slice %arg6[%dma_wait3A_1072, %dma_wait3A_1083, %dma_wait3A_1084] : memref<6x16x1024xf32, #tpu.memory_space<vmem>> -> memref<1x16x1024xf32, #tpu.memory_space<vmem>>
    %dma_wait3A_1086 = tpu.memref_squeeze %dma_wait3A_1085 : memref<1x16x1024xf32, #tpu.memory_space<vmem>> -> memref<16x1024xf32, #tpu.memory_space<vmem>>
    tpu.wait_dma2 semaphore(%arg13 : memref<!tpu.dma_semaphore, #tpu.memory_space<semaphore_mem>>) src(%dma_wait3A_1086 : memref<16x1024xf32, #tpu.memory_space<vmem>>) dst(%dma_wait3A_1082 : memref<16x1024xf32, #tpu.memory_space<hbm>>)
    %dma_start3A_1087 = arith.constant 0 : i32
    %dma_start3A_1088 = arith.constant 0 : i32
    %dma_start3A_1089 = arith.constant 0 : i32
    %dma_start3A_1090 = tpu.memref_slice %arg6[%dma_start3A_1087, %dma_start3A_1088, %dma_start3A_1089] : memref<6x16x1024xf32, #tpu.memory_space<vmem>> -> memref<1x16x1024xf32, #tpu.memory_space<vmem>>
    %dma_start3A_1091 = tpu.memref_squeeze %dma_start3A_1090 : memref<1x16x1024xf32, #tpu.memory_space<vmem>> -> memref<16x1024xf32, #tpu.memory_space<vmem>>
    %dma_start3A_1092 = arith.constant 384 : i32
    %dma_start3A_1093 = tpu.memref_slice %arg5[%dma_start3A_1092] : memref<512xi32, #tpu.memory_space<vmem>> -> memref<16xi32, #tpu.memory_space<vmem>>
    %dma_start3A_1094 = arith.constant 0 : i32
    %dma_start3A_1095 = arith.constant 0 : i32
    %dma_start3A_1096 = tpu.memref_slice %arg3[%dma_start3A_1094, %dma_start3A_1095] : memref<100000x1024xf32, #tpu.memory_space<hbm>> -> memref<100000x1024xf32, #tpu.memory_space<hbm>>
    tpu.enqueue_indirect_dma source(%dma_start3A_1096 : memref<100000x1024xf32, #tpu.memory_space<hbm>>) target(%dma_start3A_1091 : memref<16x1024xf32, #tpu.memory_space<vmem>>) offsets(%dma_start3A_1093 : memref<16xi32, #tpu.memory_space<vmem>>) semaphore(%arg7 : memref<!tpu.dma_semaphore, #tpu.memory_space<semaphore_mem>>)
    %dma_wait3A_1097 = arith.constant 1 : i32
    %dma_wait3A_1098 = arith.constant 0 : i32
    %dma_wait3A_1099 = arith.constant 0 : i32
    %dma_wait3A_1100 = tpu.memref_slice %arg6[%dma_wait3A_1097, %dma_wait3A_1098, %dma_wait3A_1099] : memref<6x16x1024xf32, #tpu.memory_space<vmem>> -> memref<1x16x1024xf32, #tpu.memory_space<vmem>>
    %dma_wait3A_1101 = tpu.memref_squeeze %dma_wait3A_1100 : memref<1x16x1024xf32, #tpu.memory_space<vmem>> -> memref<16x1024xf32, #tpu.memory_space<vmem>>
    %dma_wait3A_1102 = arith.constant 304 : i32
    %dma_wait3A_1103 = tpu.memref_slice %arg5[%dma_wait3A_1102] : memref<512xi32, #tpu.memory_space<vmem>> -> memref<16xi32, #tpu.memory_space<vmem>>
    %dma_wait3A_1104 = arith.constant 0 : i32
    %dma_wait3A_1105 = arith.constant 0 : i32
    %dma_wait3A_1106 = tpu.memref_slice %arg3[%dma_wait3A_1104, %dma_wait3A_1105] : memref<100000x1024xf32, #tpu.memory_space<hbm>> -> memref<100000x1024xf32, #tpu.memory_space<hbm>>
    tpu.wait_indirect_dma semaphore(%arg8 : memref<!tpu.dma_semaphore, #tpu.memory_space<semaphore_mem>>) src(%dma_wait3A_1106 : memref<100000x1024xf32, #tpu.memory_space<hbm>>) dst(%dma_wait3A_1101 : memref<16x1024xf32, #tpu.memory_space<vmem>>)
    %add3A_1107 = arith.constant 304 : i32
    %add3A_1108 = arith.addi %mul3A_32, %add3A_1107 : i32
    %dma_start3A_1109 = arith.constant 1 : i32
    %dma_start3A_1110 = arith.constant 0 : i32
    %dma_start3A_1111 = arith.constant 0 : i32
    %dma_start3A_1112 = tpu.memref_slice %arg6[%dma_start3A_1109, %dma_start3A_1110, %dma_start3A_1111] : memref<6x16x1024xf32, #tpu.memory_space<vmem>> -> memref<1x16x1024xf32, #tpu.memory_space<vmem>>
    %dma_start3A_1113 = tpu.memref_squeeze %dma_start3A_1112 : memref<1x16x1024xf32, #tpu.memory_space<vmem>> -> memref<16x1024xf32, #tpu.memory_space<vmem>>
    %dma_start3A_1114 = arith.constant 0 : i32
    %dma_start3A_1115 = tpu.memref_slice %arg4[%select_n3A, %add3A_1108, %dma_start3A_1114] : memref<4x4096x1024xf32, #tpu.memory_space<hbm>> -> memref<1x16x1024xf32, #tpu.memory_space<hbm>>
    %dma_start3A_1116 = tpu.memref_squeeze %dma_start3A_1115 : memref<1x16x1024xf32, #tpu.memory_space<hbm>> -> memref<16x1024xf32, #tpu.memory_space<hbm>>
    %dma_start3A_1117 = arith.constant 0 : i32
    %dma_start3A_1118 = tpu.memref_slice %arg4[%select_n3A, %add3A_1108, %dma_start3A_1117] : memref<4x4096x1024xf32, #tpu.memory_space<hbm>> -> memref<1x16x1024xf32, #tpu.memory_space<hbm>>
    %dma_start3A_1119 = tpu.memref_squeeze %dma_start3A_1118 : memref<1x16x1024xf32, #tpu.memory_space<hbm>> -> memref<16x1024xf32, #tpu.memory_space<hbm>>
    %dma_start3A_1120 = arith.constant 0 : i32
    %dma_start3A_1121 = arith.constant 0 : i32
    %dma_start3A_1122 = tpu.memref_slice %arg6[%dma_start3A_1109, %dma_start3A_1120, %dma_start3A_1121] : memref<6x16x1024xf32, #tpu.memory_space<vmem>> -> memref<1x16x1024xf32, #tpu.memory_space<vmem>>
    %dma_start3A_1123 = tpu.memref_squeeze %dma_start3A_1122 : memref<1x16x1024xf32, #tpu.memory_space<vmem>> -> memref<16x1024xf32, #tpu.memory_space<vmem>>
    tpu.enqueue_dma source(%dma_start3A_1123 : memref<16x1024xf32, #tpu.memory_space<vmem>>) target(%dma_start3A_1119 : memref<16x1024xf32, #tpu.memory_space<hbm>>) target_semaphore(%arg14 : memref<!tpu.dma_semaphore, #tpu.memory_space<semaphore_mem>>)
    %dma_wait3A_1124 = arith.constant 1 : i32
    %dma_wait3A_1125 = arith.constant 0 : i32
    %dma_wait3A_1126 = arith.constant 0 : i32
    %dma_wait3A_1127 = tpu.memref_slice %arg6[%dma_wait3A_1124, %dma_wait3A_1125, %dma_wait3A_1126] : memref<6x16x1024xf32, #tpu.memory_space<vmem>> -> memref<1x16x1024xf32, #tpu.memory_space<vmem>>
    %dma_wait3A_1128 = tpu.memref_squeeze %dma_wait3A_1127 : memref<1x16x1024xf32, #tpu.memory_space<vmem>> -> memref<16x1024xf32, #tpu.memory_space<vmem>>
    %dma_wait3A_1129 = arith.constant 0 : i32
    %dma_wait3A_1130 = tpu.memref_slice %arg4[%select_n3A, %add3A_1108, %dma_wait3A_1129] : memref<4x4096x1024xf32, #tpu.memory_space<hbm>> -> memref<1x16x1024xf32, #tpu.memory_space<hbm>>
    %dma_wait3A_1131 = tpu.memref_squeeze %dma_wait3A_1130 : memref<1x16x1024xf32, #tpu.memory_space<hbm>> -> memref<16x1024xf32, #tpu.memory_space<hbm>>
    %dma_wait3A_1132 = arith.constant 0 : i32
    %dma_wait3A_1133 = tpu.memref_slice %arg4[%select_n3A, %add3A_1108, %dma_wait3A_1132] : memref<4x4096x1024xf32, #tpu.memory_space<hbm>> -> memref<1x16x1024xf32, #tpu.memory_space<hbm>>
    %dma_wait3A_1134 = tpu.memref_squeeze %dma_wait3A_1133 : memref<1x16x1024xf32, #tpu.memory_space<hbm>> -> memref<16x1024xf32, #tpu.memory_space<hbm>>
    %dma_wait3A_1135 = arith.constant 0 : i32
    %dma_wait3A_1136 = arith.constant 0 : i32
    %dma_wait3A_1137 = tpu.memref_slice %arg6[%dma_wait3A_1124, %dma_wait3A_1135, %dma_wait3A_1136] : memref<6x16x1024xf32, #tpu.memory_space<vmem>> -> memref<1x16x1024xf32, #tpu.memory_space<vmem>>
    %dma_wait3A_1138 = tpu.memref_squeeze %dma_wait3A_1137 : memref<1x16x1024xf32, #tpu.memory_space<vmem>> -> memref<16x1024xf32, #tpu.memory_space<vmem>>
    tpu.wait_dma2 semaphore(%arg14 : memref<!tpu.dma_semaphore, #tpu.memory_space<semaphore_mem>>) src(%dma_wait3A_1138 : memref<16x1024xf32, #tpu.memory_space<vmem>>) dst(%dma_wait3A_1134 : memref<16x1024xf32, #tpu.memory_space<hbm>>)
    %dma_start3A_1139 = arith.constant 1 : i32
    %dma_start3A_1140 = arith.constant 0 : i32
    %dma_start3A_1141 = arith.constant 0 : i32
    %dma_start3A_1142 = tpu.memref_slice %arg6[%dma_start3A_1139, %dma_start3A_1140, %dma_start3A_1141] : memref<6x16x1024xf32, #tpu.memory_space<vmem>> -> memref<1x16x1024xf32, #tpu.memory_space<vmem>>
    %dma_start3A_1143 = tpu.memref_squeeze %dma_start3A_1142 : memref<1x16x1024xf32, #tpu.memory_space<vmem>> -> memref<16x1024xf32, #tpu.memory_space<vmem>>
    %dma_start3A_1144 = arith.constant 400 : i32
    %dma_start3A_1145 = tpu.memref_slice %arg5[%dma_start3A_1144] : memref<512xi32, #tpu.memory_space<vmem>> -> memref<16xi32, #tpu.memory_space<vmem>>
    %dma_start3A_1146 = arith.constant 0 : i32
    %dma_start3A_1147 = arith.constant 0 : i32
    %dma_start3A_1148 = tpu.memref_slice %arg3[%dma_start3A_1146, %dma_start3A_1147] : memref<100000x1024xf32, #tpu.memory_space<hbm>> -> memref<100000x1024xf32, #tpu.memory_space<hbm>>
    tpu.enqueue_indirect_dma source(%dma_start3A_1148 : memref<100000x1024xf32, #tpu.memory_space<hbm>>) target(%dma_start3A_1143 : memref<16x1024xf32, #tpu.memory_space<vmem>>) offsets(%dma_start3A_1145 : memref<16xi32, #tpu.memory_space<vmem>>) semaphore(%arg8 : memref<!tpu.dma_semaphore, #tpu.memory_space<semaphore_mem>>)
    %dma_wait3A_1149 = arith.constant 2 : i32
    %dma_wait3A_1150 = arith.constant 0 : i32
    %dma_wait3A_1151 = arith.constant 0 : i32
    %dma_wait3A_1152 = tpu.memref_slice %arg6[%dma_wait3A_1149, %dma_wait3A_1150, %dma_wait3A_1151] : memref<6x16x1024xf32, #tpu.memory_space<vmem>> -> memref<1x16x1024xf32, #tpu.memory_space<vmem>>
    %dma_wait3A_1153 = tpu.memref_squeeze %dma_wait3A_1152 : memref<1x16x1024xf32, #tpu.memory_space<vmem>> -> memref<16x1024xf32, #tpu.memory_space<vmem>>
    %dma_wait3A_1154 = arith.constant 320 : i32
    %dma_wait3A_1155 = tpu.memref_slice %arg5[%dma_wait3A_1154] : memref<512xi32, #tpu.memory_space<vmem>> -> memref<16xi32, #tpu.memory_space<vmem>>
    %dma_wait3A_1156 = arith.constant 0 : i32
    %dma_wait3A_1157 = arith.constant 0 : i32
    %dma_wait3A_1158 = tpu.memref_slice %arg3[%dma_wait3A_1156, %dma_wait3A_1157] : memref<100000x1024xf32, #tpu.memory_space<hbm>> -> memref<100000x1024xf32, #tpu.memory_space<hbm>>
    tpu.wait_indirect_dma semaphore(%arg9 : memref<!tpu.dma_semaphore, #tpu.memory_space<semaphore_mem>>) src(%dma_wait3A_1158 : memref<100000x1024xf32, #tpu.memory_space<hbm>>) dst(%dma_wait3A_1153 : memref<16x1024xf32, #tpu.memory_space<vmem>>)
    %add3A_1159 = arith.constant 320 : i32
    %add3A_1160 = arith.addi %mul3A_32, %add3A_1159 : i32
    %dma_start3A_1161 = arith.constant 2 : i32
    %dma_start3A_1162 = arith.constant 0 : i32
    %dma_start3A_1163 = arith.constant 0 : i32
    %dma_start3A_1164 = tpu.memref_slice %arg6[%dma_start3A_1161, %dma_start3A_1162, %dma_start3A_1163] : memref<6x16x1024xf32, #tpu.memory_space<vmem>> -> memref<1x16x1024xf32, #tpu.memory_space<vmem>>
    %dma_start3A_1165 = tpu.memref_squeeze %dma_start3A_1164 : memref<1x16x1024xf32, #tpu.memory_space<vmem>> -> memref<16x1024xf32, #tpu.memory_space<vmem>>
    %dma_start3A_1166 = arith.constant 0 : i32
    %dma_start3A_1167 = tpu.memref_slice %arg4[%select_n3A, %add3A_1160, %dma_start3A_1166] : memref<4x4096x1024xf32, #tpu.memory_space<hbm>> -> memref<1x16x1024xf32, #tpu.memory_space<hbm>>
    %dma_start3A_1168 = tpu.memref_squeeze %dma_start3A_1167 : memref<1x16x1024xf32, #tpu.memory_space<hbm>> -> memref<16x1024xf32, #tpu.memory_space<hbm>>
    %dma_start3A_1169 = arith.constant 0 : i32
    %dma_start3A_1170 = tpu.memref_slice %arg4[%select_n3A, %add3A_1160, %dma_start3A_1169] : memref<4x4096x1024xf32, #tpu.memory_space<hbm>> -> memref<1x16x1024xf32, #tpu.memory_space<hbm>>
    %dma_start3A_1171 = tpu.memref_squeeze %dma_start3A_1170 : memref<1x16x1024xf32, #tpu.memory_space<hbm>> -> memref<16x1024xf32, #tpu.memory_space<hbm>>
    %dma_start3A_1172 = arith.constant 0 : i32
    %dma_start3A_1173 = arith.constant 0 : i32
    %dma_start3A_1174 = tpu.memref_slice %arg6[%dma_start3A_1161, %dma_start3A_1172, %dma_start3A_1173] : memref<6x16x1024xf32, #tpu.memory_space<vmem>> -> memref<1x16x1024xf32, #tpu.memory_space<vmem>>
    %dma_start3A_1175 = tpu.memref_squeeze %dma_start3A_1174 : memref<1x16x1024xf32, #tpu.memory_space<vmem>> -> memref<16x1024xf32, #tpu.memory_space<vmem>>
    tpu.enqueue_dma source(%dma_start3A_1175 : memref<16x1024xf32, #tpu.memory_space<vmem>>) target(%dma_start3A_1171 : memref<16x1024xf32, #tpu.memory_space<hbm>>) target_semaphore(%arg15 : memref<!tpu.dma_semaphore, #tpu.memory_space<semaphore_mem>>)
    %dma_wait3A_1176 = arith.constant 2 : i32
    %dma_wait3A_1177 = arith.constant 0 : i32
    %dma_wait3A_1178 = arith.constant 0 : i32
    %dma_wait3A_1179 = tpu.memref_slice %arg6[%dma_wait3A_1176, %dma_wait3A_1177, %dma_wait3A_1178] : memref<6x16x1024xf32, #tpu.memory_space<vmem>> -> memref<1x16x1024xf32, #tpu.memory_space<vmem>>
    %dma_wait3A_1180 = tpu.memref_squeeze %dma_wait3A_1179 : memref<1x16x1024xf32, #tpu.memory_space<vmem>> -> memref<16x1024xf32, #tpu.memory_space<vmem>>
    %dma_wait3A_1181 = arith.constant 0 : i32
    %dma_wait3A_1182 = tpu.memref_slice %arg4[%select_n3A, %add3A_1160, %dma_wait3A_1181] : memref<4x4096x1024xf32, #tpu.memory_space<hbm>> -> memref<1x16x1024xf32, #tpu.memory_space<hbm>>
    %dma_wait3A_1183 = tpu.memref_squeeze %dma_wait3A_1182 : memref<1x16x1024xf32, #tpu.memory_space<hbm>> -> memref<16x1024xf32, #tpu.memory_space<hbm>>
    %dma_wait3A_1184 = arith.constant 0 : i32
    %dma_wait3A_1185 = tpu.memref_slice %arg4[%select_n3A, %add3A_1160, %dma_wait3A_1184] : memref<4x4096x1024xf32, #tpu.memory_space<hbm>> -> memref<1x16x1024xf32, #tpu.memory_space<hbm>>
    %dma_wait3A_1186 = tpu.memref_squeeze %dma_wait3A_1185 : memref<1x16x1024xf32, #tpu.memory_space<hbm>> -> memref<16x1024xf32, #tpu.memory_space<hbm>>
    %dma_wait3A_1187 = arith.constant 0 : i32
    %dma_wait3A_1188 = arith.constant 0 : i32
    %dma_wait3A_1189 = tpu.memref_slice %arg6[%dma_wait3A_1176, %dma_wait3A_1187, %dma_wait3A_1188] : memref<6x16x1024xf32, #tpu.memory_space<vmem>> -> memref<1x16x1024xf32, #tpu.memory_space<vmem>>
    %dma_wait3A_1190 = tpu.memref_squeeze %dma_wait3A_1189 : memref<1x16x1024xf32, #tpu.memory_space<vmem>> -> memref<16x1024xf32, #tpu.memory_space<vmem>>
    tpu.wait_dma2 semaphore(%arg15 : memref<!tpu.dma_semaphore, #tpu.memory_space<semaphore_mem>>) src(%dma_wait3A_1190 : memref<16x1024xf32, #tpu.memory_space<vmem>>) dst(%dma_wait3A_1186 : memref<16x1024xf32, #tpu.memory_space<hbm>>)
    %dma_start3A_1191 = arith.constant 2 : i32
    %dma_start3A_1192 = arith.constant 0 : i32
    %dma_start3A_1193 = arith.constant 0 : i32
    %dma_start3A_1194 = tpu.memref_slice %arg6[%dma_start3A_1191, %dma_start3A_1192, %dma_start3A_1193] : memref<6x16x1024xf32, #tpu.memory_space<vmem>> -> memref<1x16x1024xf32, #tpu.memory_space<vmem>>
    %dma_start3A_1195 = tpu.memref_squeeze %dma_start3A_1194 : memref<1x16x1024xf32, #tpu.memory_space<vmem>> -> memref<16x1024xf32, #tpu.memory_space<vmem>>
    %dma_start3A_1196 = arith.constant 416 : i32
    %dma_start3A_1197 = tpu.memref_slice %arg5[%dma_start3A_1196] : memref<512xi32, #tpu.memory_space<vmem>> -> memref<16xi32, #tpu.memory_space<vmem>>
    %dma_start3A_1198 = arith.constant 0 : i32
    %dma_start3A_1199 = arith.constant 0 : i32
    %dma_start3A_1200 = tpu.memref_slice %arg3[%dma_start3A_1198, %dma_start3A_1199] : memref<100000x1024xf32, #tpu.memory_space<hbm>> -> memref<100000x1024xf32, #tpu.memory_space<hbm>>
    tpu.enqueue_indirect_dma source(%dma_start3A_1200 : memref<100000x1024xf32, #tpu.memory_space<hbm>>) target(%dma_start3A_1195 : memref<16x1024xf32, #tpu.memory_space<vmem>>) offsets(%dma_start3A_1197 : memref<16xi32, #tpu.memory_space<vmem>>) semaphore(%arg9 : memref<!tpu.dma_semaphore, #tpu.memory_space<semaphore_mem>>)
    %dma_wait3A_1201 = arith.constant 3 : i32
    %dma_wait3A_1202 = arith.constant 0 : i32
    %dma_wait3A_1203 = arith.constant 0 : i32
    %dma_wait3A_1204 = tpu.memref_slice %arg6[%dma_wait3A_1201, %dma_wait3A_1202, %dma_wait3A_1203] : memref<6x16x1024xf32, #tpu.memory_space<vmem>> -> memref<1x16x1024xf32, #tpu.memory_space<vmem>>
    %dma_wait3A_1205 = tpu.memref_squeeze %dma_wait3A_1204 : memref<1x16x1024xf32, #tpu.memory_space<vmem>> -> memref<16x1024xf32, #tpu.memory_space<vmem>>
    %dma_wait3A_1206 = arith.constant 336 : i32
    %dma_wait3A_1207 = tpu.memref_slice %arg5[%dma_wait3A_1206] : memref<512xi32, #tpu.memory_space<vmem>> -> memref<16xi32, #tpu.memory_space<vmem>>
    %dma_wait3A_1208 = arith.constant 0 : i32
    %dma_wait3A_1209 = arith.constant 0 : i32
    %dma_wait3A_1210 = tpu.memref_slice %arg3[%dma_wait3A_1208, %dma_wait3A_1209] : memref<100000x1024xf32, #tpu.memory_space<hbm>> -> memref<100000x1024xf32, #tpu.memory_space<hbm>>
    tpu.wait_indirect_dma semaphore(%arg10 : memref<!tpu.dma_semaphore, #tpu.memory_space<semaphore_mem>>) src(%dma_wait3A_1210 : memref<100000x1024xf32, #tpu.memory_space<hbm>>) dst(%dma_wait3A_1205 : memref<16x1024xf32, #tpu.memory_space<vmem>>)
    %add3A_1211 = arith.constant 336 : i32
    %add3A_1212 = arith.addi %mul3A_32, %add3A_1211 : i32
    %dma_start3A_1213 = arith.constant 3 : i32
    %dma_start3A_1214 = arith.constant 0 : i32
    %dma_start3A_1215 = arith.constant 0 : i32
    %dma_start3A_1216 = tpu.memref_slice %arg6[%dma_start3A_1213, %dma_start3A_1214, %dma_start3A_1215] : memref<6x16x1024xf32, #tpu.memory_space<vmem>> -> memref<1x16x1024xf32, #tpu.memory_space<vmem>>
    %dma_start3A_1217 = tpu.memref_squeeze %dma_start3A_1216 : memref<1x16x1024xf32, #tpu.memory_space<vmem>> -> memref<16x1024xf32, #tpu.memory_space<vmem>>
    %dma_start3A_1218 = arith.constant 0 : i32
    %dma_start3A_1219 = tpu.memref_slice %arg4[%select_n3A, %add3A_1212, %dma_start3A_1218] : memref<4x4096x1024xf32, #tpu.memory_space<hbm>> -> memref<1x16x1024xf32, #tpu.memory_space<hbm>>
    %dma_start3A_1220 = tpu.memref_squeeze %dma_start3A_1219 : memref<1x16x1024xf32, #tpu.memory_space<hbm>> -> memref<16x1024xf32, #tpu.memory_space<hbm>>
    %dma_start3A_1221 = arith.constant 0 : i32
    %dma_start3A_1222 = tpu.memref_slice %arg4[%select_n3A, %add3A_1212, %dma_start3A_1221] : memref<4x4096x1024xf32, #tpu.memory_space<hbm>> -> memref<1x16x1024xf32, #tpu.memory_space<hbm>>
    %dma_start3A_1223 = tpu.memref_squeeze %dma_start3A_1222 : memref<1x16x1024xf32, #tpu.memory_space<hbm>> -> memref<16x1024xf32, #tpu.memory_space<hbm>>
    %dma_start3A_1224 = arith.constant 0 : i32
    %dma_start3A_1225 = arith.constant 0 : i32
    %dma_start3A_1226 = tpu.memref_slice %arg6[%dma_start3A_1213, %dma_start3A_1224, %dma_start3A_1225] : memref<6x16x1024xf32, #tpu.memory_space<vmem>> -> memref<1x16x1024xf32, #tpu.memory_space<vmem>>
    %dma_start3A_1227 = tpu.memref_squeeze %dma_start3A_1226 : memref<1x16x1024xf32, #tpu.memory_space<vmem>> -> memref<16x1024xf32, #tpu.memory_space<vmem>>
    tpu.enqueue_dma source(%dma_start3A_1227 : memref<16x1024xf32, #tpu.memory_space<vmem>>) target(%dma_start3A_1223 : memref<16x1024xf32, #tpu.memory_space<hbm>>) target_semaphore(%arg16 : memref<!tpu.dma_semaphore, #tpu.memory_space<semaphore_mem>>)
    %dma_wait3A_1228 = arith.constant 3 : i32
    %dma_wait3A_1229 = arith.constant 0 : i32
    %dma_wait3A_1230 = arith.constant 0 : i32
    %dma_wait3A_1231 = tpu.memref_slice %arg6[%dma_wait3A_1228, %dma_wait3A_1229, %dma_wait3A_1230] : memref<6x16x1024xf32, #tpu.memory_space<vmem>> -> memref<1x16x1024xf32, #tpu.memory_space<vmem>>
    %dma_wait3A_1232 = tpu.memref_squeeze %dma_wait3A_1231 : memref<1x16x1024xf32, #tpu.memory_space<vmem>> -> memref<16x1024xf32, #tpu.memory_space<vmem>>
    %dma_wait3A_1233 = arith.constant 0 : i32
    %dma_wait3A_1234 = tpu.memref_slice %arg4[%select_n3A, %add3A_1212, %dma_wait3A_1233] : memref<4x4096x1024xf32, #tpu.memory_space<hbm>> -> memref<1x16x1024xf32, #tpu.memory_space<hbm>>
    %dma_wait3A_1235 = tpu.memref_squeeze %dma_wait3A_1234 : memref<1x16x1024xf32, #tpu.memory_space<hbm>> -> memref<16x1024xf32, #tpu.memory_space<hbm>>
    %dma_wait3A_1236 = arith.constant 0 : i32
    %dma_wait3A_1237 = tpu.memref_slice %arg4[%select_n3A, %add3A_1212, %dma_wait3A_1236] : memref<4x4096x1024xf32, #tpu.memory_space<hbm>> -> memref<1x16x1024xf32, #tpu.memory_space<hbm>>
    %dma_wait3A_1238 = tpu.memref_squeeze %dma_wait3A_1237 : memref<1x16x1024xf32, #tpu.memory_space<hbm>> -> memref<16x1024xf32, #tpu.memory_space<hbm>>
    %dma_wait3A_1239 = arith.constant 0 : i32
    %dma_wait3A_1240 = arith.constant 0 : i32
    %dma_wait3A_1241 = tpu.memref_slice %arg6[%dma_wait3A_1228, %dma_wait3A_1239, %dma_wait3A_1240] : memref<6x16x1024xf32, #tpu.memory_space<vmem>> -> memref<1x16x1024xf32, #tpu.memory_space<vmem>>
    %dma_wait3A_1242 = tpu.memref_squeeze %dma_wait3A_1241 : memref<1x16x1024xf32, #tpu.memory_space<vmem>> -> memref<16x1024xf32, #tpu.memory_space<vmem>>
    tpu.wait_dma2 semaphore(%arg16 : memref<!tpu.dma_semaphore, #tpu.memory_space<semaphore_mem>>) src(%dma_wait3A_1242 : memref<16x1024xf32, #tpu.memory_space<vmem>>) dst(%dma_wait3A_1238 : memref<16x1024xf32, #tpu.memory_space<hbm>>)
    %dma_start3A_1243 = arith.constant 3 : i32
    %dma_start3A_1244 = arith.constant 0 : i32
    %dma_start3A_1245 = arith.constant 0 : i32
    %dma_start3A_1246 = tpu.memref_slice %arg6[%dma_start3A_1243, %dma_start3A_1244, %dma_start3A_1245] : memref<6x16x1024xf32, #tpu.memory_space<vmem>> -> memref<1x16x1024xf32, #tpu.memory_space<vmem>>
    %dma_start3A_1247 = tpu.memref_squeeze %dma_start3A_1246 : memref<1x16x1024xf32, #tpu.memory_space<vmem>> -> memref<16x1024xf32, #tpu.memory_space<vmem>>
    %dma_start3A_1248 = arith.constant 432 : i32
    %dma_start3A_1249 = tpu.memref_slice %arg5[%dma_start3A_1248] : memref<512xi32, #tpu.memory_space<vmem>> -> memref<16xi32, #tpu.memory_space<vmem>>
    %dma_start3A_1250 = arith.constant 0 : i32
    %dma_start3A_1251 = arith.constant 0 : i32
    %dma_start3A_1252 = tpu.memref_slice %arg3[%dma_start3A_1250, %dma_start3A_1251] : memref<100000x1024xf32, #tpu.memory_space<hbm>> -> memref<100000x1024xf32, #tpu.memory_space<hbm>>
    tpu.enqueue_indirect_dma source(%dma_start3A_1252 : memref<100000x1024xf32, #tpu.memory_space<hbm>>) target(%dma_start3A_1247 : memref<16x1024xf32, #tpu.memory_space<vmem>>) offsets(%dma_start3A_1249 : memref<16xi32, #tpu.memory_space<vmem>>) semaphore(%arg10 : memref<!tpu.dma_semaphore, #tpu.memory_space<semaphore_mem>>)
    %dma_wait3A_1253 = arith.constant 4 : i32
    %dma_wait3A_1254 = arith.constant 0 : i32
    %dma_wait3A_1255 = arith.constant 0 : i32
    %dma_wait3A_1256 = tpu.memref_slice %arg6[%dma_wait3A_1253, %dma_wait3A_1254, %dma_wait3A_1255] : memref<6x16x1024xf32, #tpu.memory_space<vmem>> -> memref<1x16x1024xf32, #tpu.memory_space<vmem>>
    %dma_wait3A_1257 = tpu.memref_squeeze %dma_wait3A_1256 : memref<1x16x1024xf32, #tpu.memory_space<vmem>> -> memref<16x1024xf32, #tpu.memory_space<vmem>>
    %dma_wait3A_1258 = arith.constant 352 : i32
    %dma_wait3A_1259 = tpu.memref_slice %arg5[%dma_wait3A_1258] : memref<512xi32, #tpu.memory_space<vmem>> -> memref<16xi32, #tpu.memory_space<vmem>>
    %dma_wait3A_1260 = arith.constant 0 : i32
    %dma_wait3A_1261 = arith.constant 0 : i32
    %dma_wait3A_1262 = tpu.memref_slice %arg3[%dma_wait3A_1260, %dma_wait3A_1261] : memref<100000x1024xf32, #tpu.memory_space<hbm>> -> memref<100000x1024xf32, #tpu.memory_space<hbm>>
    tpu.wait_indirect_dma semaphore(%arg11 : memref<!tpu.dma_semaphore, #tpu.memory_space<semaphore_mem>>) src(%dma_wait3A_1262 : memref<100000x1024xf32, #tpu.memory_space<hbm>>) dst(%dma_wait3A_1257 : memref<16x1024xf32, #tpu.memory_space<vmem>>)
    %add3A_1263 = arith.constant 352 : i32
    %add3A_1264 = arith.addi %mul3A_32, %add3A_1263 : i32
    %dma_start3A_1265 = arith.constant 4 : i32
    %dma_start3A_1266 = arith.constant 0 : i32
    %dma_start3A_1267 = arith.constant 0 : i32
    %dma_start3A_1268 = tpu.memref_slice %arg6[%dma_start3A_1265, %dma_start3A_1266, %dma_start3A_1267] : memref<6x16x1024xf32, #tpu.memory_space<vmem>> -> memref<1x16x1024xf32, #tpu.memory_space<vmem>>
    %dma_start3A_1269 = tpu.memref_squeeze %dma_start3A_1268 : memref<1x16x1024xf32, #tpu.memory_space<vmem>> -> memref<16x1024xf32, #tpu.memory_space<vmem>>
    %dma_start3A_1270 = arith.constant 0 : i32
    %dma_start3A_1271 = tpu.memref_slice %arg4[%select_n3A, %add3A_1264, %dma_start3A_1270] : memref<4x4096x1024xf32, #tpu.memory_space<hbm>> -> memref<1x16x1024xf32, #tpu.memory_space<hbm>>
    %dma_start3A_1272 = tpu.memref_squeeze %dma_start3A_1271 : memref<1x16x1024xf32, #tpu.memory_space<hbm>> -> memref<16x1024xf32, #tpu.memory_space<hbm>>
    %dma_start3A_1273 = arith.constant 0 : i32
    %dma_start3A_1274 = tpu.memref_slice %arg4[%select_n3A, %add3A_1264, %dma_start3A_1273] : memref<4x4096x1024xf32, #tpu.memory_space<hbm>> -> memref<1x16x1024xf32, #tpu.memory_space<hbm>>
    %dma_start3A_1275 = tpu.memref_squeeze %dma_start3A_1274 : memref<1x16x1024xf32, #tpu.memory_space<hbm>> -> memref<16x1024xf32, #tpu.memory_space<hbm>>
    %dma_start3A_1276 = arith.constant 0 : i32
    %dma_start3A_1277 = arith.constant 0 : i32
    %dma_start3A_1278 = tpu.memref_slice %arg6[%dma_start3A_1265, %dma_start3A_1276, %dma_start3A_1277] : memref<6x16x1024xf32, #tpu.memory_space<vmem>> -> memref<1x16x1024xf32, #tpu.memory_space<vmem>>
    %dma_start3A_1279 = tpu.memref_squeeze %dma_start3A_1278 : memref<1x16x1024xf32, #tpu.memory_space<vmem>> -> memref<16x1024xf32, #tpu.memory_space<vmem>>
    tpu.enqueue_dma source(%dma_start3A_1279 : memref<16x1024xf32, #tpu.memory_space<vmem>>) target(%dma_start3A_1275 : memref<16x1024xf32, #tpu.memory_space<hbm>>) target_semaphore(%arg17 : memref<!tpu.dma_semaphore, #tpu.memory_space<semaphore_mem>>)
    %dma_wait3A_1280 = arith.constant 4 : i32
    %dma_wait3A_1281 = arith.constant 0 : i32
    %dma_wait3A_1282 = arith.constant 0 : i32
    %dma_wait3A_1283 = tpu.memref_slice %arg6[%dma_wait3A_1280, %dma_wait3A_1281, %dma_wait3A_1282] : memref<6x16x1024xf32, #tpu.memory_space<vmem>> -> memref<1x16x1024xf32, #tpu.memory_space<vmem>>
    %dma_wait3A_1284 = tpu.memref_squeeze %dma_wait3A_1283 : memref<1x16x1024xf32, #tpu.memory_space<vmem>> -> memref<16x1024xf32, #tpu.memory_space<vmem>>
    %dma_wait3A_1285 = arith.constant 0 : i32
    %dma_wait3A_1286 = tpu.memref_slice %arg4[%select_n3A, %add3A_1264, %dma_wait3A_1285] : memref<4x4096x1024xf32, #tpu.memory_space<hbm>> -> memref<1x16x1024xf32, #tpu.memory_space<hbm>>
    %dma_wait3A_1287 = tpu.memref_squeeze %dma_wait3A_1286 : memref<1x16x1024xf32, #tpu.memory_space<hbm>> -> memref<16x1024xf32, #tpu.memory_space<hbm>>
    %dma_wait3A_1288 = arith.constant 0 : i32
    %dma_wait3A_1289 = tpu.memref_slice %arg4[%select_n3A, %add3A_1264, %dma_wait3A_1288] : memref<4x4096x1024xf32, #tpu.memory_space<hbm>> -> memref<1x16x1024xf32, #tpu.memory_space<hbm>>
    %dma_wait3A_1290 = tpu.memref_squeeze %dma_wait3A_1289 : memref<1x16x1024xf32, #tpu.memory_space<hbm>> -> memref<16x1024xf32, #tpu.memory_space<hbm>>
    %dma_wait3A_1291 = arith.constant 0 : i32
    %dma_wait3A_1292 = arith.constant 0 : i32
    %dma_wait3A_1293 = tpu.memref_slice %arg6[%dma_wait3A_1280, %dma_wait3A_1291, %dma_wait3A_1292] : memref<6x16x1024xf32, #tpu.memory_space<vmem>> -> memref<1x16x1024xf32, #tpu.memory_space<vmem>>
    %dma_wait3A_1294 = tpu.memref_squeeze %dma_wait3A_1293 : memref<1x16x1024xf32, #tpu.memory_space<vmem>> -> memref<16x1024xf32, #tpu.memory_space<vmem>>
    tpu.wait_dma2 semaphore(%arg17 : memref<!tpu.dma_semaphore, #tpu.memory_space<semaphore_mem>>) src(%dma_wait3A_1294 : memref<16x1024xf32, #tpu.memory_space<vmem>>) dst(%dma_wait3A_1290 : memref<16x1024xf32, #tpu.memory_space<hbm>>)
    %dma_start3A_1295 = arith.constant 4 : i32
    %dma_start3A_1296 = arith.constant 0 : i32
    %dma_start3A_1297 = arith.constant 0 : i32
    %dma_start3A_1298 = tpu.memref_slice %arg6[%dma_start3A_1295, %dma_start3A_1296, %dma_start3A_1297] : memref<6x16x1024xf32, #tpu.memory_space<vmem>> -> memref<1x16x1024xf32, #tpu.memory_space<vmem>>
    %dma_start3A_1299 = tpu.memref_squeeze %dma_start3A_1298 : memref<1x16x1024xf32, #tpu.memory_space<vmem>> -> memref<16x1024xf32, #tpu.memory_space<vmem>>
    %dma_start3A_1300 = arith.constant 448 : i32
    %dma_start3A_1301 = tpu.memref_slice %arg5[%dma_start3A_1300] : memref<512xi32, #tpu.memory_space<vmem>> -> memref<16xi32, #tpu.memory_space<vmem>>
    %dma_start3A_1302 = arith.constant 0 : i32
    %dma_start3A_1303 = arith.constant 0 : i32
    %dma_start3A_1304 = tpu.memref_slice %arg3[%dma_start3A_1302, %dma_start3A_1303] : memref<100000x1024xf32, #tpu.memory_space<hbm>> -> memref<100000x1024xf32, #tpu.memory_space<hbm>>
    tpu.enqueue_indirect_dma source(%dma_start3A_1304 : memref<100000x1024xf32, #tpu.memory_space<hbm>>) target(%dma_start3A_1299 : memref<16x1024xf32, #tpu.memory_space<vmem>>) offsets(%dma_start3A_1301 : memref<16xi32, #tpu.memory_space<vmem>>) semaphore(%arg11 : memref<!tpu.dma_semaphore, #tpu.memory_space<semaphore_mem>>)
    %dma_wait3A_1305 = arith.constant 5 : i32
    %dma_wait3A_1306 = arith.constant 0 : i32
    %dma_wait3A_1307 = arith.constant 0 : i32
    %dma_wait3A_1308 = tpu.memref_slice %arg6[%dma_wait3A_1305, %dma_wait3A_1306, %dma_wait3A_1307] : memref<6x16x1024xf32, #tpu.memory_space<vmem>> -> memref<1x16x1024xf32, #tpu.memory_space<vmem>>
    %dma_wait3A_1309 = tpu.memref_squeeze %dma_wait3A_1308 : memref<1x16x1024xf32, #tpu.memory_space<vmem>> -> memref<16x1024xf32, #tpu.memory_space<vmem>>
    %dma_wait3A_1310 = arith.constant 368 : i32
    %dma_wait3A_1311 = tpu.memref_slice %arg5[%dma_wait3A_1310] : memref<512xi32, #tpu.memory_space<vmem>> -> memref<16xi32, #tpu.memory_space<vmem>>
    %dma_wait3A_1312 = arith.constant 0 : i32
    %dma_wait3A_1313 = arith.constant 0 : i32
    %dma_wait3A_1314 = tpu.memref_slice %arg3[%dma_wait3A_1312, %dma_wait3A_1313] : memref<100000x1024xf32, #tpu.memory_space<hbm>> -> memref<100000x1024xf32, #tpu.memory_space<hbm>>
    tpu.wait_indirect_dma semaphore(%arg12 : memref<!tpu.dma_semaphore, #tpu.memory_space<semaphore_mem>>) src(%dma_wait3A_1314 : memref<100000x1024xf32, #tpu.memory_space<hbm>>) dst(%dma_wait3A_1309 : memref<16x1024xf32, #tpu.memory_space<vmem>>)
    %add3A_1315 = arith.constant 368 : i32
    %add3A_1316 = arith.addi %mul3A_32, %add3A_1315 : i32
    %dma_start3A_1317 = arith.constant 5 : i32
    %dma_start3A_1318 = arith.constant 0 : i32
    %dma_start3A_1319 = arith.constant 0 : i32
    %dma_start3A_1320 = tpu.memref_slice %arg6[%dma_start3A_1317, %dma_start3A_1318, %dma_start3A_1319] : memref<6x16x1024xf32, #tpu.memory_space<vmem>> -> memref<1x16x1024xf32, #tpu.memory_space<vmem>>
    %dma_start3A_1321 = tpu.memref_squeeze %dma_start3A_1320 : memref<1x16x1024xf32, #tpu.memory_space<vmem>> -> memref<16x1024xf32, #tpu.memory_space<vmem>>
    %dma_start3A_1322 = arith.constant 0 : i32
    %dma_start3A_1323 = tpu.memref_slice %arg4[%select_n3A, %add3A_1316, %dma_start3A_1322] : memref<4x4096x1024xf32, #tpu.memory_space<hbm>> -> memref<1x16x1024xf32, #tpu.memory_space<hbm>>
    %dma_start3A_1324 = tpu.memref_squeeze %dma_start3A_1323 : memref<1x16x1024xf32, #tpu.memory_space<hbm>> -> memref<16x1024xf32, #tpu.memory_space<hbm>>
    %dma_start3A_1325 = arith.constant 0 : i32
    %dma_start3A_1326 = tpu.memref_slice %arg4[%select_n3A, %add3A_1316, %dma_start3A_1325] : memref<4x4096x1024xf32, #tpu.memory_space<hbm>> -> memref<1x16x1024xf32, #tpu.memory_space<hbm>>
    %dma_start3A_1327 = tpu.memref_squeeze %dma_start3A_1326 : memref<1x16x1024xf32, #tpu.memory_space<hbm>> -> memref<16x1024xf32, #tpu.memory_space<hbm>>
    %dma_start3A_1328 = arith.constant 0 : i32
    %dma_start3A_1329 = arith.constant 0 : i32
    %dma_start3A_1330 = tpu.memref_slice %arg6[%dma_start3A_1317, %dma_start3A_1328, %dma_start3A_1329] : memref<6x16x1024xf32, #tpu.memory_space<vmem>> -> memref<1x16x1024xf32, #tpu.memory_space<vmem>>
    %dma_start3A_1331 = tpu.memref_squeeze %dma_start3A_1330 : memref<1x16x1024xf32, #tpu.memory_space<vmem>> -> memref<16x1024xf32, #tpu.memory_space<vmem>>
    tpu.enqueue_dma source(%dma_start3A_1331 : memref<16x1024xf32, #tpu.memory_space<vmem>>) target(%dma_start3A_1327 : memref<16x1024xf32, #tpu.memory_space<hbm>>) target_semaphore(%arg18 : memref<!tpu.dma_semaphore, #tpu.memory_space<semaphore_mem>>)
    %dma_wait3A_1332 = arith.constant 5 : i32
    %dma_wait3A_1333 = arith.constant 0 : i32
    %dma_wait3A_1334 = arith.constant 0 : i32
    %dma_wait3A_1335 = tpu.memref_slice %arg6[%dma_wait3A_1332, %dma_wait3A_1333, %dma_wait3A_1334] : memref<6x16x1024xf32, #tpu.memory_space<vmem>> -> memref<1x16x1024xf32, #tpu.memory_space<vmem>>
    %dma_wait3A_1336 = tpu.memref_squeeze %dma_wait3A_1335 : memref<1x16x1024xf32, #tpu.memory_space<vmem>> -> memref<16x1024xf32, #tpu.memory_space<vmem>>
    %dma_wait3A_1337 = arith.constant 0 : i32
    %dma_wait3A_1338 = tpu.memref_slice %arg4[%select_n3A, %add3A_1316, %dma_wait3A_1337] : memref<4x4096x1024xf32, #tpu.memory_space<hbm>> -> memref<1x16x1024xf32, #tpu.memory_space<hbm>>
    %dma_wait3A_1339 = tpu.memref_squeeze %dma_wait3A_1338 : memref<1x16x1024xf32, #tpu.memory_space<hbm>> -> memref<16x1024xf32, #tpu.memory_space<hbm>>
    %dma_wait3A_1340 = arith.constant 0 : i32
    %dma_wait3A_1341 = tpu.memref_slice %arg4[%select_n3A, %add3A_1316, %dma_wait3A_1340] : memref<4x4096x1024xf32, #tpu.memory_space<hbm>> -> memref<1x16x1024xf32, #tpu.memory_space<hbm>>
    %dma_wait3A_1342 = tpu.memref_squeeze %dma_wait3A_1341 : memref<1x16x1024xf32, #tpu.memory_space<hbm>> -> memref<16x1024xf32, #tpu.memory_space<hbm>>
    %dma_wait3A_1343 = arith.constant 0 : i32
    %dma_wait3A_1344 = arith.constant 0 : i32
    %dma_wait3A_1345 = tpu.memref_slice %arg6[%dma_wait3A_1332, %dma_wait3A_1343, %dma_wait3A_1344] : memref<6x16x1024xf32, #tpu.memory_space<vmem>> -> memref<1x16x1024xf32, #tpu.memory_space<vmem>>
    %dma_wait3A_1346 = tpu.memref_squeeze %dma_wait3A_1345 : memref<1x16x1024xf32, #tpu.memory_space<vmem>> -> memref<16x1024xf32, #tpu.memory_space<vmem>>
    tpu.wait_dma2 semaphore(%arg18 : memref<!tpu.dma_semaphore, #tpu.memory_space<semaphore_mem>>) src(%dma_wait3A_1346 : memref<16x1024xf32, #tpu.memory_space<vmem>>) dst(%dma_wait3A_1342 : memref<16x1024xf32, #tpu.memory_space<hbm>>)
    %dma_start3A_1347 = arith.constant 5 : i32
    %dma_start3A_1348 = arith.constant 0 : i32
    %dma_start3A_1349 = arith.constant 0 : i32
    %dma_start3A_1350 = tpu.memref_slice %arg6[%dma_start3A_1347, %dma_start3A_1348, %dma_start3A_1349] : memref<6x16x1024xf32, #tpu.memory_space<vmem>> -> memref<1x16x1024xf32, #tpu.memory_space<vmem>>
    %dma_start3A_1351 = tpu.memref_squeeze %dma_start3A_1350 : memref<1x16x1024xf32, #tpu.memory_space<vmem>> -> memref<16x1024xf32, #tpu.memory_space<vmem>>
    %dma_start3A_1352 = arith.constant 464 : i32
    %dma_start3A_1353 = tpu.memref_slice %arg5[%dma_start3A_1352] : memref<512xi32, #tpu.memory_space<vmem>> -> memref<16xi32, #tpu.memory_space<vmem>>
    %dma_start3A_1354 = arith.constant 0 : i32
    %dma_start3A_1355 = arith.constant 0 : i32
    %dma_start3A_1356 = tpu.memref_slice %arg3[%dma_start3A_1354, %dma_start3A_1355] : memref<100000x1024xf32, #tpu.memory_space<hbm>> -> memref<100000x1024xf32, #tpu.memory_space<hbm>>
    tpu.enqueue_indirect_dma source(%dma_start3A_1356 : memref<100000x1024xf32, #tpu.memory_space<hbm>>) target(%dma_start3A_1351 : memref<16x1024xf32, #tpu.memory_space<vmem>>) offsets(%dma_start3A_1353 : memref<16xi32, #tpu.memory_space<vmem>>) semaphore(%arg12 : memref<!tpu.dma_semaphore, #tpu.memory_space<semaphore_mem>>)
    %dma_wait3A_1357 = arith.constant 0 : i32
    %dma_wait3A_1358 = arith.constant 0 : i32
    %dma_wait3A_1359 = arith.constant 0 : i32
    %dma_wait3A_1360 = tpu.memref_slice %arg6[%dma_wait3A_1357, %dma_wait3A_1358, %dma_wait3A_1359] : memref<6x16x1024xf32, #tpu.memory_space<vmem>> -> memref<1x16x1024xf32, #tpu.memory_space<vmem>>
    %dma_wait3A_1361 = tpu.memref_squeeze %dma_wait3A_1360 : memref<1x16x1024xf32, #tpu.memory_space<vmem>> -> memref<16x1024xf32, #tpu.memory_space<vmem>>
    %dma_wait3A_1362 = arith.constant 384 : i32
    %dma_wait3A_1363 = tpu.memref_slice %arg5[%dma_wait3A_1362] : memref<512xi32, #tpu.memory_space<vmem>> -> memref<16xi32, #tpu.memory_space<vmem>>
    %dma_wait3A_1364 = arith.constant 0 : i32
    %dma_wait3A_1365 = arith.constant 0 : i32
    %dma_wait3A_1366 = tpu.memref_slice %arg3[%dma_wait3A_1364, %dma_wait3A_1365] : memref<100000x1024xf32, #tpu.memory_space<hbm>> -> memref<100000x1024xf32, #tpu.memory_space<hbm>>
    tpu.wait_indirect_dma semaphore(%arg7 : memref<!tpu.dma_semaphore, #tpu.memory_space<semaphore_mem>>) src(%dma_wait3A_1366 : memref<100000x1024xf32, #tpu.memory_space<hbm>>) dst(%dma_wait3A_1361 : memref<16x1024xf32, #tpu.memory_space<vmem>>)
    %add3A_1367 = arith.constant 384 : i32
    %add3A_1368 = arith.addi %mul3A_32, %add3A_1367 : i32
    %dma_start3A_1369 = arith.constant 0 : i32
    %dma_start3A_1370 = arith.constant 0 : i32
    %dma_start3A_1371 = arith.constant 0 : i32
    %dma_start3A_1372 = tpu.memref_slice %arg6[%dma_start3A_1369, %dma_start3A_1370, %dma_start3A_1371] : memref<6x16x1024xf32, #tpu.memory_space<vmem>> -> memref<1x16x1024xf32, #tpu.memory_space<vmem>>
    %dma_start3A_1373 = tpu.memref_squeeze %dma_start3A_1372 : memref<1x16x1024xf32, #tpu.memory_space<vmem>> -> memref<16x1024xf32, #tpu.memory_space<vmem>>
    %dma_start3A_1374 = arith.constant 0 : i32
    %dma_start3A_1375 = tpu.memref_slice %arg4[%select_n3A, %add3A_1368, %dma_start3A_1374] : memref<4x4096x1024xf32, #tpu.memory_space<hbm>> -> memref<1x16x1024xf32, #tpu.memory_space<hbm>>
    %dma_start3A_1376 = tpu.memref_squeeze %dma_start3A_1375 : memref<1x16x1024xf32, #tpu.memory_space<hbm>> -> memref<16x1024xf32, #tpu.memory_space<hbm>>
    %dma_start3A_1377 = arith.constant 0 : i32
    %dma_start3A_1378 = tpu.memref_slice %arg4[%select_n3A, %add3A_1368, %dma_start3A_1377] : memref<4x4096x1024xf32, #tpu.memory_space<hbm>> -> memref<1x16x1024xf32, #tpu.memory_space<hbm>>
    %dma_start3A_1379 = tpu.memref_squeeze %dma_start3A_1378 : memref<1x16x1024xf32, #tpu.memory_space<hbm>> -> memref<16x1024xf32, #tpu.memory_space<hbm>>
    %dma_start3A_1380 = arith.constant 0 : i32
    %dma_start3A_1381 = arith.constant 0 : i32
    %dma_start3A_1382 = tpu.memref_slice %arg6[%dma_start3A_1369, %dma_start3A_1380, %dma_start3A_1381] : memref<6x16x1024xf32, #tpu.memory_space<vmem>> -> memref<1x16x1024xf32, #tpu.memory_space<vmem>>
    %dma_start3A_1383 = tpu.memref_squeeze %dma_start3A_1382 : memref<1x16x1024xf32, #tpu.memory_space<vmem>> -> memref<16x1024xf32, #tpu.memory_space<vmem>>
    tpu.enqueue_dma source(%dma_start3A_1383 : memref<16x1024xf32, #tpu.memory_space<vmem>>) target(%dma_start3A_1379 : memref<16x1024xf32, #tpu.memory_space<hbm>>) target_semaphore(%arg13 : memref<!tpu.dma_semaphore, #tpu.memory_space<semaphore_mem>>)
    %dma_wait3A_1384 = arith.constant 0 : i32
    %dma_wait3A_1385 = arith.constant 0 : i32
    %dma_wait3A_1386 = arith.constant 0 : i32
    %dma_wait3A_1387 = tpu.memref_slice %arg6[%dma_wait3A_1384, %dma_wait3A_1385, %dma_wait3A_1386] : memref<6x16x1024xf32, #tpu.memory_space<vmem>> -> memref<1x16x1024xf32, #tpu.memory_space<vmem>>
    %dma_wait3A_1388 = tpu.memref_squeeze %dma_wait3A_1387 : memref<1x16x1024xf32, #tpu.memory_space<vmem>> -> memref<16x1024xf32, #tpu.memory_space<vmem>>
    %dma_wait3A_1389 = arith.constant 0 : i32
    %dma_wait3A_1390 = tpu.memref_slice %arg4[%select_n3A, %add3A_1368, %dma_wait3A_1389] : memref<4x4096x1024xf32, #tpu.memory_space<hbm>> -> memref<1x16x1024xf32, #tpu.memory_space<hbm>>
    %dma_wait3A_1391 = tpu.memref_squeeze %dma_wait3A_1390 : memref<1x16x1024xf32, #tpu.memory_space<hbm>> -> memref<16x1024xf32, #tpu.memory_space<hbm>>
    %dma_wait3A_1392 = arith.constant 0 : i32
    %dma_wait3A_1393 = tpu.memref_slice %arg4[%select_n3A, %add3A_1368, %dma_wait3A_1392] : memref<4x4096x1024xf32, #tpu.memory_space<hbm>> -> memref<1x16x1024xf32, #tpu.memory_space<hbm>>
    %dma_wait3A_1394 = tpu.memref_squeeze %dma_wait3A_1393 : memref<1x16x1024xf32, #tpu.memory_space<hbm>> -> memref<16x1024xf32, #tpu.memory_space<hbm>>
    %dma_wait3A_1395 = arith.constant 0 : i32
    %dma_wait3A_1396 = arith.constant 0 : i32
    %dma_wait3A_1397 = tpu.memref_slice %arg6[%dma_wait3A_1384, %dma_wait3A_1395, %dma_wait3A_1396] : memref<6x16x1024xf32, #tpu.memory_space<vmem>> -> memref<1x16x1024xf32, #tpu.memory_space<vmem>>
    %dma_wait3A_1398 = tpu.memref_squeeze %dma_wait3A_1397 : memref<1x16x1024xf32, #tpu.memory_space<vmem>> -> memref<16x1024xf32, #tpu.memory_space<vmem>>
    tpu.wait_dma2 semaphore(%arg13 : memref<!tpu.dma_semaphore, #tpu.memory_space<semaphore_mem>>) src(%dma_wait3A_1398 : memref<16x1024xf32, #tpu.memory_space<vmem>>) dst(%dma_wait3A_1394 : memref<16x1024xf32, #tpu.memory_space<hbm>>)
    %dma_start3A_1399 = arith.constant 0 : i32
    %dma_start3A_1400 = arith.constant 0 : i32
    %dma_start3A_1401 = arith.constant 0 : i32
    %dma_start3A_1402 = tpu.memref_slice %arg6[%dma_start3A_1399, %dma_start3A_1400, %dma_start3A_1401] : memref<6x16x1024xf32, #tpu.memory_space<vmem>> -> memref<1x16x1024xf32, #tpu.memory_space<vmem>>
    %dma_start3A_1403 = tpu.memref_squeeze %dma_start3A_1402 : memref<1x16x1024xf32, #tpu.memory_space<vmem>> -> memref<16x1024xf32, #tpu.memory_space<vmem>>
    %dma_start3A_1404 = arith.constant 480 : i32
    %dma_start3A_1405 = tpu.memref_slice %arg5[%dma_start3A_1404] : memref<512xi32, #tpu.memory_space<vmem>> -> memref<16xi32, #tpu.memory_space<vmem>>
    %dma_start3A_1406 = arith.constant 0 : i32
    %dma_start3A_1407 = arith.constant 0 : i32
    %dma_start3A_1408 = tpu.memref_slice %arg3[%dma_start3A_1406, %dma_start3A_1407] : memref<100000x1024xf32, #tpu.memory_space<hbm>> -> memref<100000x1024xf32, #tpu.memory_space<hbm>>
    tpu.enqueue_indirect_dma source(%dma_start3A_1408 : memref<100000x1024xf32, #tpu.memory_space<hbm>>) target(%dma_start3A_1403 : memref<16x1024xf32, #tpu.memory_space<vmem>>) offsets(%dma_start3A_1405 : memref<16xi32, #tpu.memory_space<vmem>>) semaphore(%arg7 : memref<!tpu.dma_semaphore, #tpu.memory_space<semaphore_mem>>)
    %dma_wait3A_1409 = arith.constant 1 : i32
    %dma_wait3A_1410 = arith.constant 0 : i32
    %dma_wait3A_1411 = arith.constant 0 : i32
    %dma_wait3A_1412 = tpu.memref_slice %arg6[%dma_wait3A_1409, %dma_wait3A_1410, %dma_wait3A_1411] : memref<6x16x1024xf32, #tpu.memory_space<vmem>> -> memref<1x16x1024xf32, #tpu.memory_space<vmem>>
    %dma_wait3A_1413 = tpu.memref_squeeze %dma_wait3A_1412 : memref<1x16x1024xf32, #tpu.memory_space<vmem>> -> memref<16x1024xf32, #tpu.memory_space<vmem>>
    %dma_wait3A_1414 = arith.constant 400 : i32
    %dma_wait3A_1415 = tpu.memref_slice %arg5[%dma_wait3A_1414] : memref<512xi32, #tpu.memory_space<vmem>> -> memref<16xi32, #tpu.memory_space<vmem>>
    %dma_wait3A_1416 = arith.constant 0 : i32
    %dma_wait3A_1417 = arith.constant 0 : i32
    %dma_wait3A_1418 = tpu.memref_slice %arg3[%dma_wait3A_1416, %dma_wait3A_1417] : memref<100000x1024xf32, #tpu.memory_space<hbm>> -> memref<100000x1024xf32, #tpu.memory_space<hbm>>
    tpu.wait_indirect_dma semaphore(%arg8 : memref<!tpu.dma_semaphore, #tpu.memory_space<semaphore_mem>>) src(%dma_wait3A_1418 : memref<100000x1024xf32, #tpu.memory_space<hbm>>) dst(%dma_wait3A_1413 : memref<16x1024xf32, #tpu.memory_space<vmem>>)
    %add3A_1419 = arith.constant 400 : i32
    %add3A_1420 = arith.addi %mul3A_32, %add3A_1419 : i32
    %dma_start3A_1421 = arith.constant 1 : i32
    %dma_start3A_1422 = arith.constant 0 : i32
    %dma_start3A_1423 = arith.constant 0 : i32
    %dma_start3A_1424 = tpu.memref_slice %arg6[%dma_start3A_1421, %dma_start3A_1422, %dma_start3A_1423] : memref<6x16x1024xf32, #tpu.memory_space<vmem>> -> memref<1x16x1024xf32, #tpu.memory_space<vmem>>
    %dma_start3A_1425 = tpu.memref_squeeze %dma_start3A_1424 : memref<1x16x1024xf32, #tpu.memory_space<vmem>> -> memref<16x1024xf32, #tpu.memory_space<vmem>>
    %dma_start3A_1426 = arith.constant 0 : i32
    %dma_start3A_1427 = tpu.memref_slice %arg4[%select_n3A, %add3A_1420, %dma_start3A_1426] : memref<4x4096x1024xf32, #tpu.memory_space<hbm>> -> memref<1x16x1024xf32, #tpu.memory_space<hbm>>
    %dma_start3A_1428 = tpu.memref_squeeze %dma_start3A_1427 : memref<1x16x1024xf32, #tpu.memory_space<hbm>> -> memref<16x1024xf32, #tpu.memory_space<hbm>>
    %dma_start3A_1429 = arith.constant 0 : i32
    %dma_start3A_1430 = tpu.memref_slice %arg4[%select_n3A, %add3A_1420, %dma_start3A_1429] : memref<4x4096x1024xf32, #tpu.memory_space<hbm>> -> memref<1x16x1024xf32, #tpu.memory_space<hbm>>
    %dma_start3A_1431 = tpu.memref_squeeze %dma_start3A_1430 : memref<1x16x1024xf32, #tpu.memory_space<hbm>> -> memref<16x1024xf32, #tpu.memory_space<hbm>>
    %dma_start3A_1432 = arith.constant 0 : i32
    %dma_start3A_1433 = arith.constant 0 : i32
    %dma_start3A_1434 = tpu.memref_slice %arg6[%dma_start3A_1421, %dma_start3A_1432, %dma_start3A_1433] : memref<6x16x1024xf32, #tpu.memory_space<vmem>> -> memref<1x16x1024xf32, #tpu.memory_space<vmem>>
    %dma_start3A_1435 = tpu.memref_squeeze %dma_start3A_1434 : memref<1x16x1024xf32, #tpu.memory_space<vmem>> -> memref<16x1024xf32, #tpu.memory_space<vmem>>
    tpu.enqueue_dma source(%dma_start3A_1435 : memref<16x1024xf32, #tpu.memory_space<vmem>>) target(%dma_start3A_1431 : memref<16x1024xf32, #tpu.memory_space<hbm>>) target_semaphore(%arg14 : memref<!tpu.dma_semaphore, #tpu.memory_space<semaphore_mem>>)
    %dma_wait3A_1436 = arith.constant 1 : i32
    %dma_wait3A_1437 = arith.constant 0 : i32
    %dma_wait3A_1438 = arith.constant 0 : i32
    %dma_wait3A_1439 = tpu.memref_slice %arg6[%dma_wait3A_1436, %dma_wait3A_1437, %dma_wait3A_1438] : memref<6x16x1024xf32, #tpu.memory_space<vmem>> -> memref<1x16x1024xf32, #tpu.memory_space<vmem>>
    %dma_wait3A_1440 = tpu.memref_squeeze %dma_wait3A_1439 : memref<1x16x1024xf32, #tpu.memory_space<vmem>> -> memref<16x1024xf32, #tpu.memory_space<vmem>>
    %dma_wait3A_1441 = arith.constant 0 : i32
    %dma_wait3A_1442 = tpu.memref_slice %arg4[%select_n3A, %add3A_1420, %dma_wait3A_1441] : memref<4x4096x1024xf32, #tpu.memory_space<hbm>> -> memref<1x16x1024xf32, #tpu.memory_space<hbm>>
    %dma_wait3A_1443 = tpu.memref_squeeze %dma_wait3A_1442 : memref<1x16x1024xf32, #tpu.memory_space<hbm>> -> memref<16x1024xf32, #tpu.memory_space<hbm>>
    %dma_wait3A_1444 = arith.constant 0 : i32
    %dma_wait3A_1445 = tpu.memref_slice %arg4[%select_n3A, %add3A_1420, %dma_wait3A_1444] : memref<4x4096x1024xf32, #tpu.memory_space<hbm>> -> memref<1x16x1024xf32, #tpu.memory_space<hbm>>
    %dma_wait3A_1446 = tpu.memref_squeeze %dma_wait3A_1445 : memref<1x16x1024xf32, #tpu.memory_space<hbm>> -> memref<16x1024xf32, #tpu.memory_space<hbm>>
    %dma_wait3A_1447 = arith.constant 0 : i32
    %dma_wait3A_1448 = arith.constant 0 : i32
    %dma_wait3A_1449 = tpu.memref_slice %arg6[%dma_wait3A_1436, %dma_wait3A_1447, %dma_wait3A_1448] : memref<6x16x1024xf32, #tpu.memory_space<vmem>> -> memref<1x16x1024xf32, #tpu.memory_space<vmem>>
    %dma_wait3A_1450 = tpu.memref_squeeze %dma_wait3A_1449 : memref<1x16x1024xf32, #tpu.memory_space<vmem>> -> memref<16x1024xf32, #tpu.memory_space<vmem>>
    tpu.wait_dma2 semaphore(%arg14 : memref<!tpu.dma_semaphore, #tpu.memory_space<semaphore_mem>>) src(%dma_wait3A_1450 : memref<16x1024xf32, #tpu.memory_space<vmem>>) dst(%dma_wait3A_1446 : memref<16x1024xf32, #tpu.memory_space<hbm>>)
    %dma_start3A_1451 = arith.constant 1 : i32
    %dma_start3A_1452 = arith.constant 0 : i32
    %dma_start3A_1453 = arith.constant 0 : i32
    %dma_start3A_1454 = tpu.memref_slice %arg6[%dma_start3A_1451, %dma_start3A_1452, %dma_start3A_1453] : memref<6x16x1024xf32, #tpu.memory_space<vmem>> -> memref<1x16x1024xf32, #tpu.memory_space<vmem>>
    %dma_start3A_1455 = tpu.memref_squeeze %dma_start3A_1454 : memref<1x16x1024xf32, #tpu.memory_space<vmem>> -> memref<16x1024xf32, #tpu.memory_space<vmem>>
    %dma_start3A_1456 = arith.constant 496 : i32
    %dma_start3A_1457 = tpu.memref_slice %arg5[%dma_start3A_1456] : memref<512xi32, #tpu.memory_space<vmem>> -> memref<16xi32, #tpu.memory_space<vmem>>
    %dma_start3A_1458 = arith.constant 0 : i32
    %dma_start3A_1459 = arith.constant 0 : i32
    %dma_start3A_1460 = tpu.memref_slice %arg3[%dma_start3A_1458, %dma_start3A_1459] : memref<100000x1024xf32, #tpu.memory_space<hbm>> -> memref<100000x1024xf32, #tpu.memory_space<hbm>>
    tpu.enqueue_indirect_dma source(%dma_start3A_1460 : memref<100000x1024xf32, #tpu.memory_space<hbm>>) target(%dma_start3A_1455 : memref<16x1024xf32, #tpu.memory_space<vmem>>) offsets(%dma_start3A_1457 : memref<16xi32, #tpu.memory_space<vmem>>) semaphore(%arg8 : memref<!tpu.dma_semaphore, #tpu.memory_space<semaphore_mem>>)
    %dma_wait3A_1461 = arith.constant 2 : i32
    %dma_wait3A_1462 = arith.constant 0 : i32
    %dma_wait3A_1463 = arith.constant 0 : i32
    %dma_wait3A_1464 = tpu.memref_slice %arg6[%dma_wait3A_1461, %dma_wait3A_1462, %dma_wait3A_1463] : memref<6x16x1024xf32, #tpu.memory_space<vmem>> -> memref<1x16x1024xf32, #tpu.memory_space<vmem>>
    %dma_wait3A_1465 = tpu.memref_squeeze %dma_wait3A_1464 : memref<1x16x1024xf32, #tpu.memory_space<vmem>> -> memref<16x1024xf32, #tpu.memory_space<vmem>>
    %dma_wait3A_1466 = arith.constant 416 : i32
    %dma_wait3A_1467 = tpu.memref_slice %arg5[%dma_wait3A_1466] : memref<512xi32, #tpu.memory_space<vmem>> -> memref<16xi32, #tpu.memory_space<vmem>>
    %dma_wait3A_1468 = arith.constant 0 : i32
    %dma_wait3A_1469 = arith.constant 0 : i32
    %dma_wait3A_1470 = tpu.memref_slice %arg3[%dma_wait3A_1468, %dma_wait3A_1469] : memref<100000x1024xf32, #tpu.memory_space<hbm>> -> memref<100000x1024xf32, #tpu.memory_space<hbm>>
    tpu.wait_indirect_dma semaphore(%arg9 : memref<!tpu.dma_semaphore, #tpu.memory_space<semaphore_mem>>) src(%dma_wait3A_1470 : memref<100000x1024xf32, #tpu.memory_space<hbm>>) dst(%dma_wait3A_1465 : memref<16x1024xf32, #tpu.memory_space<vmem>>)
    %add3A_1471 = arith.constant 416 : i32
    %add3A_1472 = arith.addi %mul3A_32, %add3A_1471 : i32
    %dma_start3A_1473 = arith.constant 2 : i32
    %dma_start3A_1474 = arith.constant 0 : i32
    %dma_start3A_1475 = arith.constant 0 : i32
    %dma_start3A_1476 = tpu.memref_slice %arg6[%dma_start3A_1473, %dma_start3A_1474, %dma_start3A_1475] : memref<6x16x1024xf32, #tpu.memory_space<vmem>> -> memref<1x16x1024xf32, #tpu.memory_space<vmem>>
    %dma_start3A_1477 = tpu.memref_squeeze %dma_start3A_1476 : memref<1x16x1024xf32, #tpu.memory_space<vmem>> -> memref<16x1024xf32, #tpu.memory_space<vmem>>
    %dma_start3A_1478 = arith.constant 0 : i32
    %dma_start3A_1479 = tpu.memref_slice %arg4[%select_n3A, %add3A_1472, %dma_start3A_1478] : memref<4x4096x1024xf32, #tpu.memory_space<hbm>> -> memref<1x16x1024xf32, #tpu.memory_space<hbm>>
    %dma_start3A_1480 = tpu.memref_squeeze %dma_start3A_1479 : memref<1x16x1024xf32, #tpu.memory_space<hbm>> -> memref<16x1024xf32, #tpu.memory_space<hbm>>
    %dma_start3A_1481 = arith.constant 0 : i32
    %dma_start3A_1482 = tpu.memref_slice %arg4[%select_n3A, %add3A_1472, %dma_start3A_1481] : memref<4x4096x1024xf32, #tpu.memory_space<hbm>> -> memref<1x16x1024xf32, #tpu.memory_space<hbm>>
    %dma_start3A_1483 = tpu.memref_squeeze %dma_start3A_1482 : memref<1x16x1024xf32, #tpu.memory_space<hbm>> -> memref<16x1024xf32, #tpu.memory_space<hbm>>
    %dma_start3A_1484 = arith.constant 0 : i32
    %dma_start3A_1485 = arith.constant 0 : i32
    %dma_start3A_1486 = tpu.memref_slice %arg6[%dma_start3A_1473, %dma_start3A_1484, %dma_start3A_1485] : memref<6x16x1024xf32, #tpu.memory_space<vmem>> -> memref<1x16x1024xf32, #tpu.memory_space<vmem>>
    %dma_start3A_1487 = tpu.memref_squeeze %dma_start3A_1486 : memref<1x16x1024xf32, #tpu.memory_space<vmem>> -> memref<16x1024xf32, #tpu.memory_space<vmem>>
    tpu.enqueue_dma source(%dma_start3A_1487 : memref<16x1024xf32, #tpu.memory_space<vmem>>) target(%dma_start3A_1483 : memref<16x1024xf32, #tpu.memory_space<hbm>>) target_semaphore(%arg15 : memref<!tpu.dma_semaphore, #tpu.memory_space<semaphore_mem>>)
    %dma_wait3A_1488 = arith.constant 3 : i32
    %dma_wait3A_1489 = arith.constant 0 : i32
    %dma_wait3A_1490 = arith.constant 0 : i32
    %dma_wait3A_1491 = tpu.memref_slice %arg6[%dma_wait3A_1488, %dma_wait3A_1489, %dma_wait3A_1490] : memref<6x16x1024xf32, #tpu.memory_space<vmem>> -> memref<1x16x1024xf32, #tpu.memory_space<vmem>>
    %dma_wait3A_1492 = tpu.memref_squeeze %dma_wait3A_1491 : memref<1x16x1024xf32, #tpu.memory_space<vmem>> -> memref<16x1024xf32, #tpu.memory_space<vmem>>
    %dma_wait3A_1493 = arith.constant 432 : i32
    %dma_wait3A_1494 = tpu.memref_slice %arg5[%dma_wait3A_1493] : memref<512xi32, #tpu.memory_space<vmem>> -> memref<16xi32, #tpu.memory_space<vmem>>
    %dma_wait3A_1495 = arith.constant 0 : i32
    %dma_wait3A_1496 = arith.constant 0 : i32
    %dma_wait3A_1497 = tpu.memref_slice %arg3[%dma_wait3A_1495, %dma_wait3A_1496] : memref<100000x1024xf32, #tpu.memory_space<hbm>> -> memref<100000x1024xf32, #tpu.memory_space<hbm>>
    tpu.wait_indirect_dma semaphore(%arg10 : memref<!tpu.dma_semaphore, #tpu.memory_space<semaphore_mem>>) src(%dma_wait3A_1497 : memref<100000x1024xf32, #tpu.memory_space<hbm>>) dst(%dma_wait3A_1492 : memref<16x1024xf32, #tpu.memory_space<vmem>>)
    %add3A_1498 = arith.constant 432 : i32
    %add3A_1499 = arith.addi %mul3A_32, %add3A_1498 : i32
    %dma_start3A_1500 = arith.constant 3 : i32
    %dma_start3A_1501 = arith.constant 0 : i32
    %dma_start3A_1502 = arith.constant 0 : i32
    %dma_start3A_1503 = tpu.memref_slice %arg6[%dma_start3A_1500, %dma_start3A_1501, %dma_start3A_1502] : memref<6x16x1024xf32, #tpu.memory_space<vmem>> -> memref<1x16x1024xf32, #tpu.memory_space<vmem>>
    %dma_start3A_1504 = tpu.memref_squeeze %dma_start3A_1503 : memref<1x16x1024xf32, #tpu.memory_space<vmem>> -> memref<16x1024xf32, #tpu.memory_space<vmem>>
    %dma_start3A_1505 = arith.constant 0 : i32
    %dma_start3A_1506 = tpu.memref_slice %arg4[%select_n3A, %add3A_1499, %dma_start3A_1505] : memref<4x4096x1024xf32, #tpu.memory_space<hbm>> -> memref<1x16x1024xf32, #tpu.memory_space<hbm>>
    %dma_start3A_1507 = tpu.memref_squeeze %dma_start3A_1506 : memref<1x16x1024xf32, #tpu.memory_space<hbm>> -> memref<16x1024xf32, #tpu.memory_space<hbm>>
    %dma_start3A_1508 = arith.constant 0 : i32
    %dma_start3A_1509 = tpu.memref_slice %arg4[%select_n3A, %add3A_1499, %dma_start3A_1508] : memref<4x4096x1024xf32, #tpu.memory_space<hbm>> -> memref<1x16x1024xf32, #tpu.memory_space<hbm>>
    %dma_start3A_1510 = tpu.memref_squeeze %dma_start3A_1509 : memref<1x16x1024xf32, #tpu.memory_space<hbm>> -> memref<16x1024xf32, #tpu.memory_space<hbm>>
    %dma_start3A_1511 = arith.constant 0 : i32
    %dma_start3A_1512 = arith.constant 0 : i32
    %dma_start3A_1513 = tpu.memref_slice %arg6[%dma_start3A_1500, %dma_start3A_1511, %dma_start3A_1512] : memref<6x16x1024xf32, #tpu.memory_space<vmem>> -> memref<1x16x1024xf32, #tpu.memory_space<vmem>>
    %dma_start3A_1514 = tpu.memref_squeeze %dma_start3A_1513 : memref<1x16x1024xf32, #tpu.memory_space<vmem>> -> memref<16x1024xf32, #tpu.memory_space<vmem>>
    tpu.enqueue_dma source(%dma_start3A_1514 : memref<16x1024xf32, #tpu.memory_space<vmem>>) target(%dma_start3A_1510 : memref<16x1024xf32, #tpu.memory_space<hbm>>) target_semaphore(%arg16 : memref<!tpu.dma_semaphore, #tpu.memory_space<semaphore_mem>>)
    %dma_wait3A_1515 = arith.constant 4 : i32
    %dma_wait3A_1516 = arith.constant 0 : i32
    %dma_wait3A_1517 = arith.constant 0 : i32
    %dma_wait3A_1518 = tpu.memref_slice %arg6[%dma_wait3A_1515, %dma_wait3A_1516, %dma_wait3A_1517] : memref<6x16x1024xf32, #tpu.memory_space<vmem>> -> memref<1x16x1024xf32, #tpu.memory_space<vmem>>
    %dma_wait3A_1519 = tpu.memref_squeeze %dma_wait3A_1518 : memref<1x16x1024xf32, #tpu.memory_space<vmem>> -> memref<16x1024xf32, #tpu.memory_space<vmem>>
    %dma_wait3A_1520 = arith.constant 448 : i32
    %dma_wait3A_1521 = tpu.memref_slice %arg5[%dma_wait3A_1520] : memref<512xi32, #tpu.memory_space<vmem>> -> memref<16xi32, #tpu.memory_space<vmem>>
    %dma_wait3A_1522 = arith.constant 0 : i32
    %dma_wait3A_1523 = arith.constant 0 : i32
    %dma_wait3A_1524 = tpu.memref_slice %arg3[%dma_wait3A_1522, %dma_wait3A_1523] : memref<100000x1024xf32, #tpu.memory_space<hbm>> -> memref<100000x1024xf32, #tpu.memory_space<hbm>>
    tpu.wait_indirect_dma semaphore(%arg11 : memref<!tpu.dma_semaphore, #tpu.memory_space<semaphore_mem>>) src(%dma_wait3A_1524 : memref<100000x1024xf32, #tpu.memory_space<hbm>>) dst(%dma_wait3A_1519 : memref<16x1024xf32, #tpu.memory_space<vmem>>)
    %add3A_1525 = arith.constant 448 : i32
    %add3A_1526 = arith.addi %mul3A_32, %add3A_1525 : i32
    %dma_start3A_1527 = arith.constant 4 : i32
    %dma_start3A_1528 = arith.constant 0 : i32
    %dma_start3A_1529 = arith.constant 0 : i32
    %dma_start3A_1530 = tpu.memref_slice %arg6[%dma_start3A_1527, %dma_start3A_1528, %dma_start3A_1529] : memref<6x16x1024xf32, #tpu.memory_space<vmem>> -> memref<1x16x1024xf32, #tpu.memory_space<vmem>>
    %dma_start3A_1531 = tpu.memref_squeeze %dma_start3A_1530 : memref<1x16x1024xf32, #tpu.memory_space<vmem>> -> memref<16x1024xf32, #tpu.memory_space<vmem>>
    %dma_start3A_1532 = arith.constant 0 : i32
    %dma_start3A_1533 = tpu.memref_slice %arg4[%select_n3A, %add3A_1526, %dma_start3A_1532] : memref<4x4096x1024xf32, #tpu.memory_space<hbm>> -> memref<1x16x1024xf32, #tpu.memory_space<hbm>>
    %dma_start3A_1534 = tpu.memref_squeeze %dma_start3A_1533 : memref<1x16x1024xf32, #tpu.memory_space<hbm>> -> memref<16x1024xf32, #tpu.memory_space<hbm>>
    %dma_start3A_1535 = arith.constant 0 : i32
    %dma_start3A_1536 = tpu.memref_slice %arg4[%select_n3A, %add3A_1526, %dma_start3A_1535] : memref<4x4096x1024xf32, #tpu.memory_space<hbm>> -> memref<1x16x1024xf32, #tpu.memory_space<hbm>>
    %dma_start3A_1537 = tpu.memref_squeeze %dma_start3A_1536 : memref<1x16x1024xf32, #tpu.memory_space<hbm>> -> memref<16x1024xf32, #tpu.memory_space<hbm>>
    %dma_start3A_1538 = arith.constant 0 : i32
    %dma_start3A_1539 = arith.constant 0 : i32
    %dma_start3A_1540 = tpu.memref_slice %arg6[%dma_start3A_1527, %dma_start3A_1538, %dma_start3A_1539] : memref<6x16x1024xf32, #tpu.memory_space<vmem>> -> memref<1x16x1024xf32, #tpu.memory_space<vmem>>
    %dma_start3A_1541 = tpu.memref_squeeze %dma_start3A_1540 : memref<1x16x1024xf32, #tpu.memory_space<vmem>> -> memref<16x1024xf32, #tpu.memory_space<vmem>>
    tpu.enqueue_dma source(%dma_start3A_1541 : memref<16x1024xf32, #tpu.memory_space<vmem>>) target(%dma_start3A_1537 : memref<16x1024xf32, #tpu.memory_space<hbm>>) target_semaphore(%arg17 : memref<!tpu.dma_semaphore, #tpu.memory_space<semaphore_mem>>)
    %dma_wait3A_1542 = arith.constant 5 : i32
    %dma_wait3A_1543 = arith.constant 0 : i32
    %dma_wait3A_1544 = arith.constant 0 : i32
    %dma_wait3A_1545 = tpu.memref_slice %arg6[%dma_wait3A_1542, %dma_wait3A_1543, %dma_wait3A_1544] : memref<6x16x1024xf32, #tpu.memory_space<vmem>> -> memref<1x16x1024xf32, #tpu.memory_space<vmem>>
    %dma_wait3A_1546 = tpu.memref_squeeze %dma_wait3A_1545 : memref<1x16x1024xf32, #tpu.memory_space<vmem>> -> memref<16x1024xf32, #tpu.memory_space<vmem>>
    %dma_wait3A_1547 = arith.constant 464 : i32
    %dma_wait3A_1548 = tpu.memref_slice %arg5[%dma_wait3A_1547] : memref<512xi32, #tpu.memory_space<vmem>> -> memref<16xi32, #tpu.memory_space<vmem>>
    %dma_wait3A_1549 = arith.constant 0 : i32
    %dma_wait3A_1550 = arith.constant 0 : i32
    %dma_wait3A_1551 = tpu.memref_slice %arg3[%dma_wait3A_1549, %dma_wait3A_1550] : memref<100000x1024xf32, #tpu.memory_space<hbm>> -> memref<100000x1024xf32, #tpu.memory_space<hbm>>
    tpu.wait_indirect_dma semaphore(%arg12 : memref<!tpu.dma_semaphore, #tpu.memory_space<semaphore_mem>>) src(%dma_wait3A_1551 : memref<100000x1024xf32, #tpu.memory_space<hbm>>) dst(%dma_wait3A_1546 : memref<16x1024xf32, #tpu.memory_space<vmem>>)
    %add3A_1552 = arith.constant 464 : i32
    %add3A_1553 = arith.addi %mul3A_32, %add3A_1552 : i32
    %dma_start3A_1554 = arith.constant 5 : i32
    %dma_start3A_1555 = arith.constant 0 : i32
    %dma_start3A_1556 = arith.constant 0 : i32
    %dma_start3A_1557 = tpu.memref_slice %arg6[%dma_start3A_1554, %dma_start3A_1555, %dma_start3A_1556] : memref<6x16x1024xf32, #tpu.memory_space<vmem>> -> memref<1x16x1024xf32, #tpu.memory_space<vmem>>
    %dma_start3A_1558 = tpu.memref_squeeze %dma_start3A_1557 : memref<1x16x1024xf32, #tpu.memory_space<vmem>> -> memref<16x1024xf32, #tpu.memory_space<vmem>>
    %dma_start3A_1559 = arith.constant 0 : i32
    %dma_start3A_1560 = tpu.memref_slice %arg4[%select_n3A, %add3A_1553, %dma_start3A_1559] : memref<4x4096x1024xf32, #tpu.memory_space<hbm>> -> memref<1x16x1024xf32, #tpu.memory_space<hbm>>
    %dma_start3A_1561 = tpu.memref_squeeze %dma_start3A_1560 : memref<1x16x1024xf32, #tpu.memory_space<hbm>> -> memref<16x1024xf32, #tpu.memory_space<hbm>>
    %dma_start3A_1562 = arith.constant 0 : i32
    %dma_start3A_1563 = tpu.memref_slice %arg4[%select_n3A, %add3A_1553, %dma_start3A_1562] : memref<4x4096x1024xf32, #tpu.memory_space<hbm>> -> memref<1x16x1024xf32, #tpu.memory_space<hbm>>
    %dma_start3A_1564 = tpu.memref_squeeze %dma_start3A_1563 : memref<1x16x1024xf32, #tpu.memory_space<hbm>> -> memref<16x1024xf32, #tpu.memory_space<hbm>>
    %dma_start3A_1565 = arith.constant 0 : i32
    %dma_start3A_1566 = arith.constant 0 : i32
    %dma_start3A_1567 = tpu.memref_slice %arg6[%dma_start3A_1554, %dma_start3A_1565, %dma_start3A_1566] : memref<6x16x1024xf32, #tpu.memory_space<vmem>> -> memref<1x16x1024xf32, #tpu.memory_space<vmem>>
    %dma_start3A_1568 = tpu.memref_squeeze %dma_start3A_1567 : memref<1x16x1024xf32, #tpu.memory_space<vmem>> -> memref<16x1024xf32, #tpu.memory_space<vmem>>
    tpu.enqueue_dma source(%dma_start3A_1568 : memref<16x1024xf32, #tpu.memory_space<vmem>>) target(%dma_start3A_1564 : memref<16x1024xf32, #tpu.memory_space<hbm>>) target_semaphore(%arg18 : memref<!tpu.dma_semaphore, #tpu.memory_space<semaphore_mem>>)
    %dma_wait3A_1569 = arith.constant 0 : i32
    %dma_wait3A_1570 = arith.constant 0 : i32
    %dma_wait3A_1571 = arith.constant 0 : i32
    %dma_wait3A_1572 = tpu.memref_slice %arg6[%dma_wait3A_1569, %dma_wait3A_1570, %dma_wait3A_1571] : memref<6x16x1024xf32, #tpu.memory_space<vmem>> -> memref<1x16x1024xf32, #tpu.memory_space<vmem>>
    %dma_wait3A_1573 = tpu.memref_squeeze %dma_wait3A_1572 : memref<1x16x1024xf32, #tpu.memory_space<vmem>> -> memref<16x1024xf32, #tpu.memory_space<vmem>>
    %dma_wait3A_1574 = arith.constant 480 : i32
    %dma_wait3A_1575 = tpu.memref_slice %arg5[%dma_wait3A_1574] : memref<512xi32, #tpu.memory_space<vmem>> -> memref<16xi32, #tpu.memory_space<vmem>>
    %dma_wait3A_1576 = arith.constant 0 : i32
    %dma_wait3A_1577 = arith.constant 0 : i32
    %dma_wait3A_1578 = tpu.memref_slice %arg3[%dma_wait3A_1576, %dma_wait3A_1577] : memref<100000x1024xf32, #tpu.memory_space<hbm>> -> memref<100000x1024xf32, #tpu.memory_space<hbm>>
    tpu.wait_indirect_dma semaphore(%arg7 : memref<!tpu.dma_semaphore, #tpu.memory_space<semaphore_mem>>) src(%dma_wait3A_1578 : memref<100000x1024xf32, #tpu.memory_space<hbm>>) dst(%dma_wait3A_1573 : memref<16x1024xf32, #tpu.memory_space<vmem>>)
    %add3A_1579 = arith.constant 480 : i32
    %add3A_1580 = arith.addi %mul3A_32, %add3A_1579 : i32
    %dma_start3A_1581 = arith.constant 0 : i32
    %dma_start3A_1582 = arith.constant 0 : i32
    %dma_start3A_1583 = arith.constant 0 : i32
    %dma_start3A_1584 = tpu.memref_slice %arg6[%dma_start3A_1581, %dma_start3A_1582, %dma_start3A_1583] : memref<6x16x1024xf32, #tpu.memory_space<vmem>> -> memref<1x16x1024xf32, #tpu.memory_space<vmem>>
    %dma_start3A_1585 = tpu.memref_squeeze %dma_start3A_1584 : memref<1x16x1024xf32, #tpu.memory_space<vmem>> -> memref<16x1024xf32, #tpu.memory_space<vmem>>
    %dma_start3A_1586 = arith.constant 0 : i32
    %dma_start3A_1587 = tpu.memref_slice %arg4[%select_n3A, %add3A_1580, %dma_start3A_1586] : memref<4x4096x1024xf32, #tpu.memory_space<hbm>> -> memref<1x16x1024xf32, #tpu.memory_space<hbm>>
    %dma_start3A_1588 = tpu.memref_squeeze %dma_start3A_1587 : memref<1x16x1024xf32, #tpu.memory_space<hbm>> -> memref<16x1024xf32, #tpu.memory_space<hbm>>
    %dma_start3A_1589 = arith.constant 0 : i32
    %dma_start3A_1590 = tpu.memref_slice %arg4[%select_n3A, %add3A_1580, %dma_start3A_1589] : memref<4x4096x1024xf32, #tpu.memory_space<hbm>> -> memref<1x16x1024xf32, #tpu.memory_space<hbm>>
    %dma_start3A_1591 = tpu.memref_squeeze %dma_start3A_1590 : memref<1x16x1024xf32, #tpu.memory_space<hbm>> -> memref<16x1024xf32, #tpu.memory_space<hbm>>
    %dma_start3A_1592 = arith.constant 0 : i32
    %dma_start3A_1593 = arith.constant 0 : i32
    %dma_start3A_1594 = tpu.memref_slice %arg6[%dma_start3A_1581, %dma_start3A_1592, %dma_start3A_1593] : memref<6x16x1024xf32, #tpu.memory_space<vmem>> -> memref<1x16x1024xf32, #tpu.memory_space<vmem>>
    %dma_start3A_1595 = tpu.memref_squeeze %dma_start3A_1594 : memref<1x16x1024xf32, #tpu.memory_space<vmem>> -> memref<16x1024xf32, #tpu.memory_space<vmem>>
    tpu.enqueue_dma source(%dma_start3A_1595 : memref<16x1024xf32, #tpu.memory_space<vmem>>) target(%dma_start3A_1591 : memref<16x1024xf32, #tpu.memory_space<hbm>>) target_semaphore(%arg13 : memref<!tpu.dma_semaphore, #tpu.memory_space<semaphore_mem>>)
    %dma_wait3A_1596 = arith.constant 1 : i32
    %dma_wait3A_1597 = arith.constant 0 : i32
    %dma_wait3A_1598 = arith.constant 0 : i32
    %dma_wait3A_1599 = tpu.memref_slice %arg6[%dma_wait3A_1596, %dma_wait3A_1597, %dma_wait3A_1598] : memref<6x16x1024xf32, #tpu.memory_space<vmem>> -> memref<1x16x1024xf32, #tpu.memory_space<vmem>>
    %dma_wait3A_1600 = tpu.memref_squeeze %dma_wait3A_1599 : memref<1x16x1024xf32, #tpu.memory_space<vmem>> -> memref<16x1024xf32, #tpu.memory_space<vmem>>
    %dma_wait3A_1601 = arith.constant 496 : i32
    %dma_wait3A_1602 = tpu.memref_slice %arg5[%dma_wait3A_1601] : memref<512xi32, #tpu.memory_space<vmem>> -> memref<16xi32, #tpu.memory_space<vmem>>
    %dma_wait3A_1603 = arith.constant 0 : i32
    %dma_wait3A_1604 = arith.constant 0 : i32
    %dma_wait3A_1605 = tpu.memref_slice %arg3[%dma_wait3A_1603, %dma_wait3A_1604] : memref<100000x1024xf32, #tpu.memory_space<hbm>> -> memref<100000x1024xf32, #tpu.memory_space<hbm>>
    tpu.wait_indirect_dma semaphore(%arg8 : memref<!tpu.dma_semaphore, #tpu.memory_space<semaphore_mem>>) src(%dma_wait3A_1605 : memref<100000x1024xf32, #tpu.memory_space<hbm>>) dst(%dma_wait3A_1600 : memref<16x1024xf32, #tpu.memory_space<vmem>>)
    %add3A_1606 = arith.constant 496 : i32
    %add3A_1607 = arith.addi %mul3A_32, %add3A_1606 : i32
    %dma_start3A_1608 = arith.constant 1 : i32
    %dma_start3A_1609 = arith.constant 0 : i32
    %dma_start3A_1610 = arith.constant 0 : i32
    %dma_start3A_1611 = tpu.memref_slice %arg6[%dma_start3A_1608, %dma_start3A_1609, %dma_start3A_1610] : memref<6x16x1024xf32, #tpu.memory_space<vmem>> -> memref<1x16x1024xf32, #tpu.memory_space<vmem>>
    %dma_start3A_1612 = tpu.memref_squeeze %dma_start3A_1611 : memref<1x16x1024xf32, #tpu.memory_space<vmem>> -> memref<16x1024xf32, #tpu.memory_space<vmem>>
    %dma_start3A_1613 = arith.constant 0 : i32
    %dma_start3A_1614 = tpu.memref_slice %arg4[%select_n3A, %add3A_1607, %dma_start3A_1613] : memref<4x4096x1024xf32, #tpu.memory_space<hbm>> -> memref<1x16x1024xf32, #tpu.memory_space<hbm>>
    %dma_start3A_1615 = tpu.memref_squeeze %dma_start3A_1614 : memref<1x16x1024xf32, #tpu.memory_space<hbm>> -> memref<16x1024xf32, #tpu.memory_space<hbm>>
    %dma_start3A_1616 = arith.constant 0 : i32
    %dma_start3A_1617 = tpu.memref_slice %arg4[%select_n3A, %add3A_1607, %dma_start3A_1616] : memref<4x4096x1024xf32, #tpu.memory_space<hbm>> -> memref<1x16x1024xf32, #tpu.memory_space<hbm>>
    %dma_start3A_1618 = tpu.memref_squeeze %dma_start3A_1617 : memref<1x16x1024xf32, #tpu.memory_space<hbm>> -> memref<16x1024xf32, #tpu.memory_space<hbm>>
    %dma_start3A_1619 = arith.constant 0 : i32
    %dma_start3A_1620 = arith.constant 0 : i32
    %dma_start3A_1621 = tpu.memref_slice %arg6[%dma_start3A_1608, %dma_start3A_1619, %dma_start3A_1620] : memref<6x16x1024xf32, #tpu.memory_space<vmem>> -> memref<1x16x1024xf32, #tpu.memory_space<vmem>>
    %dma_start3A_1622 = tpu.memref_squeeze %dma_start3A_1621 : memref<1x16x1024xf32, #tpu.memory_space<vmem>> -> memref<16x1024xf32, #tpu.memory_space<vmem>>
    tpu.enqueue_dma source(%dma_start3A_1622 : memref<16x1024xf32, #tpu.memory_space<vmem>>) target(%dma_start3A_1618 : memref<16x1024xf32, #tpu.memory_space<hbm>>) target_semaphore(%arg14 : memref<!tpu.dma_semaphore, #tpu.memory_space<semaphore_mem>>)
    %dma_wait3A_1623 = arith.constant 2 : i32
    %dma_wait3A_1624 = arith.constant 0 : i32
    %dma_wait3A_1625 = arith.constant 0 : i32
    %dma_wait3A_1626 = tpu.memref_slice %arg6[%dma_wait3A_1623, %dma_wait3A_1624, %dma_wait3A_1625] : memref<6x16x1024xf32, #tpu.memory_space<vmem>> -> memref<1x16x1024xf32, #tpu.memory_space<vmem>>
    %dma_wait3A_1627 = tpu.memref_squeeze %dma_wait3A_1626 : memref<1x16x1024xf32, #tpu.memory_space<vmem>> -> memref<16x1024xf32, #tpu.memory_space<vmem>>
    %dma_wait3A_1628 = arith.constant 0 : i32
    %dma_wait3A_1629 = tpu.memref_slice %arg4[%select_n3A, %add3A_1472, %dma_wait3A_1628] : memref<4x4096x1024xf32, #tpu.memory_space<hbm>> -> memref<1x16x1024xf32, #tpu.memory_space<hbm>>
    %dma_wait3A_1630 = tpu.memref_squeeze %dma_wait3A_1629 : memref<1x16x1024xf32, #tpu.memory_space<hbm>> -> memref<16x1024xf32, #tpu.memory_space<hbm>>
    %dma_wait3A_1631 = arith.constant 0 : i32
    %dma_wait3A_1632 = tpu.memref_slice %arg4[%select_n3A, %add3A_1472, %dma_wait3A_1631] : memref<4x4096x1024xf32, #tpu.memory_space<hbm>> -> memref<1x16x1024xf32, #tpu.memory_space<hbm>>
    %dma_wait3A_1633 = tpu.memref_squeeze %dma_wait3A_1632 : memref<1x16x1024xf32, #tpu.memory_space<hbm>> -> memref<16x1024xf32, #tpu.memory_space<hbm>>
    %dma_wait3A_1634 = arith.constant 0 : i32
    %dma_wait3A_1635 = arith.constant 0 : i32
    %dma_wait3A_1636 = tpu.memref_slice %arg6[%dma_wait3A_1623, %dma_wait3A_1634, %dma_wait3A_1635] : memref<6x16x1024xf32, #tpu.memory_space<vmem>> -> memref<1x16x1024xf32, #tpu.memory_space<vmem>>
    %dma_wait3A_1637 = tpu.memref_squeeze %dma_wait3A_1636 : memref<1x16x1024xf32, #tpu.memory_space<vmem>> -> memref<16x1024xf32, #tpu.memory_space<vmem>>
    tpu.wait_dma2 semaphore(%arg15 : memref<!tpu.dma_semaphore, #tpu.memory_space<semaphore_mem>>) src(%dma_wait3A_1637 : memref<16x1024xf32, #tpu.memory_space<vmem>>) dst(%dma_wait3A_1633 : memref<16x1024xf32, #tpu.memory_space<hbm>>)
    %dma_wait3A_1638 = arith.constant 3 : i32
    %dma_wait3A_1639 = arith.constant 0 : i32
    %dma_wait3A_1640 = arith.constant 0 : i32
    %dma_wait3A_1641 = tpu.memref_slice %arg6[%dma_wait3A_1638, %dma_wait3A_1639, %dma_wait3A_1640] : memref<6x16x1024xf32, #tpu.memory_space<vmem>> -> memref<1x16x1024xf32, #tpu.memory_space<vmem>>
    %dma_wait3A_1642 = tpu.memref_squeeze %dma_wait3A_1641 : memref<1x16x1024xf32, #tpu.memory_space<vmem>> -> memref<16x1024xf32, #tpu.memory_space<vmem>>
    %dma_wait3A_1643 = arith.constant 0 : i32
    %dma_wait3A_1644 = tpu.memref_slice %arg4[%select_n3A, %add3A_1499, %dma_wait3A_1643] : memref<4x4096x1024xf32, #tpu.memory_space<hbm>> -> memref<1x16x1024xf32, #tpu.memory_space<hbm>>
    %dma_wait3A_1645 = tpu.memref_squeeze %dma_wait3A_1644 : memref<1x16x1024xf32, #tpu.memory_space<hbm>> -> memref<16x1024xf32, #tpu.memory_space<hbm>>
    %dma_wait3A_1646 = arith.constant 0 : i32
    %dma_wait3A_1647 = tpu.memref_slice %arg4[%select_n3A, %add3A_1499, %dma_wait3A_1646] : memref<4x4096x1024xf32, #tpu.memory_space<hbm>> -> memref<1x16x1024xf32, #tpu.memory_space<hbm>>
    %dma_wait3A_1648 = tpu.memref_squeeze %dma_wait3A_1647 : memref<1x16x1024xf32, #tpu.memory_space<hbm>> -> memref<16x1024xf32, #tpu.memory_space<hbm>>
    %dma_wait3A_1649 = arith.constant 0 : i32
    %dma_wait3A_1650 = arith.constant 0 : i32
    %dma_wait3A_1651 = tpu.memref_slice %arg6[%dma_wait3A_1638, %dma_wait3A_1649, %dma_wait3A_1650] : memref<6x16x1024xf32, #tpu.memory_space<vmem>> -> memref<1x16x1024xf32, #tpu.memory_space<vmem>>
    %dma_wait3A_1652 = tpu.memref_squeeze %dma_wait3A_1651 : memref<1x16x1024xf32, #tpu.memory_space<vmem>> -> memref<16x1024xf32, #tpu.memory_space<vmem>>
    tpu.wait_dma2 semaphore(%arg16 : memref<!tpu.dma_semaphore, #tpu.memory_space<semaphore_mem>>) src(%dma_wait3A_1652 : memref<16x1024xf32, #tpu.memory_space<vmem>>) dst(%dma_wait3A_1648 : memref<16x1024xf32, #tpu.memory_space<hbm>>)
    %dma_wait3A_1653 = arith.constant 4 : i32
    %dma_wait3A_1654 = arith.constant 0 : i32
    %dma_wait3A_1655 = arith.constant 0 : i32
    %dma_wait3A_1656 = tpu.memref_slice %arg6[%dma_wait3A_1653, %dma_wait3A_1654, %dma_wait3A_1655] : memref<6x16x1024xf32, #tpu.memory_space<vmem>> -> memref<1x16x1024xf32, #tpu.memory_space<vmem>>
    %dma_wait3A_1657 = tpu.memref_squeeze %dma_wait3A_1656 : memref<1x16x1024xf32, #tpu.memory_space<vmem>> -> memref<16x1024xf32, #tpu.memory_space<vmem>>
    %dma_wait3A_1658 = arith.constant 0 : i32
    %dma_wait3A_1659 = tpu.memref_slice %arg4[%select_n3A, %add3A_1526, %dma_wait3A_1658] : memref<4x4096x1024xf32, #tpu.memory_space<hbm>> -> memref<1x16x1024xf32, #tpu.memory_space<hbm>>
    %dma_wait3A_1660 = tpu.memref_squeeze %dma_wait3A_1659 : memref<1x16x1024xf32, #tpu.memory_space<hbm>> -> memref<16x1024xf32, #tpu.memory_space<hbm>>
    %dma_wait3A_1661 = arith.constant 0 : i32
    %dma_wait3A_1662 = tpu.memref_slice %arg4[%select_n3A, %add3A_1526, %dma_wait3A_1661] : memref<4x4096x1024xf32, #tpu.memory_space<hbm>> -> memref<1x16x1024xf32, #tpu.memory_space<hbm>>
    %dma_wait3A_1663 = tpu.memref_squeeze %dma_wait3A_1662 : memref<1x16x1024xf32, #tpu.memory_space<hbm>> -> memref<16x1024xf32, #tpu.memory_space<hbm>>
    %dma_wait3A_1664 = arith.constant 0 : i32
    %dma_wait3A_1665 = arith.constant 0 : i32
    %dma_wait3A_1666 = tpu.memref_slice %arg6[%dma_wait3A_1653, %dma_wait3A_1664, %dma_wait3A_1665] : memref<6x16x1024xf32, #tpu.memory_space<vmem>> -> memref<1x16x1024xf32, #tpu.memory_space<vmem>>
    %dma_wait3A_1667 = tpu.memref_squeeze %dma_wait3A_1666 : memref<1x16x1024xf32, #tpu.memory_space<vmem>> -> memref<16x1024xf32, #tpu.memory_space<vmem>>
    tpu.wait_dma2 semaphore(%arg17 : memref<!tpu.dma_semaphore, #tpu.memory_space<semaphore_mem>>) src(%dma_wait3A_1667 : memref<16x1024xf32, #tpu.memory_space<vmem>>) dst(%dma_wait3A_1663 : memref<16x1024xf32, #tpu.memory_space<hbm>>)
    %dma_wait3A_1668 = arith.constant 5 : i32
    %dma_wait3A_1669 = arith.constant 0 : i32
    %dma_wait3A_1670 = arith.constant 0 : i32
    %dma_wait3A_1671 = tpu.memref_slice %arg6[%dma_wait3A_1668, %dma_wait3A_1669, %dma_wait3A_1670] : memref<6x16x1024xf32, #tpu.memory_space<vmem>> -> memref<1x16x1024xf32, #tpu.memory_space<vmem>>
    %dma_wait3A_1672 = tpu.memref_squeeze %dma_wait3A_1671 : memref<1x16x1024xf32, #tpu.memory_space<vmem>> -> memref<16x1024xf32, #tpu.memory_space<vmem>>
    %dma_wait3A_1673 = arith.constant 0 : i32
    %dma_wait3A_1674 = tpu.memref_slice %arg4[%select_n3A, %add3A_1553, %dma_wait3A_1673] : memref<4x4096x1024xf32, #tpu.memory_space<hbm>> -> memref<1x16x1024xf32, #tpu.memory_space<hbm>>
    %dma_wait3A_1675 = tpu.memref_squeeze %dma_wait3A_1674 : memref<1x16x1024xf32, #tpu.memory_space<hbm>> -> memref<16x1024xf32, #tpu.memory_space<hbm>>
    %dma_wait3A_1676 = arith.constant 0 : i32
    %dma_wait3A_1677 = tpu.memref_slice %arg4[%select_n3A, %add3A_1553, %dma_wait3A_1676] : memref<4x4096x1024xf32, #tpu.memory_space<hbm>> -> memref<1x16x1024xf32, #tpu.memory_space<hbm>>
    %dma_wait3A_1678 = tpu.memref_squeeze %dma_wait3A_1677 : memref<1x16x1024xf32, #tpu.memory_space<hbm>> -> memref<16x1024xf32, #tpu.memory_space<hbm>>
    %dma_wait3A_1679 = arith.constant 0 : i32
    %dma_wait3A_1680 = arith.constant 0 : i32
    %dma_wait3A_1681 = tpu.memref_slice %arg6[%dma_wait3A_1668, %dma_wait3A_1679, %dma_wait3A_1680] : memref<6x16x1024xf32, #tpu.memory_space<vmem>> -> memref<1x16x1024xf32, #tpu.memory_space<vmem>>
    %dma_wait3A_1682 = tpu.memref_squeeze %dma_wait3A_1681 : memref<1x16x1024xf32, #tpu.memory_space<vmem>> -> memref<16x1024xf32, #tpu.memory_space<vmem>>
    tpu.wait_dma2 semaphore(%arg18 : memref<!tpu.dma_semaphore, #tpu.memory_space<semaphore_mem>>) src(%dma_wait3A_1682 : memref<16x1024xf32, #tpu.memory_space<vmem>>) dst(%dma_wait3A_1678 : memref<16x1024xf32, #tpu.memory_space<hbm>>)
    %dma_wait3A_1683 = arith.constant 0 : i32
    %dma_wait3A_1684 = arith.constant 0 : i32
    %dma_wait3A_1685 = arith.constant 0 : i32
    %dma_wait3A_1686 = tpu.memref_slice %arg6[%dma_wait3A_1683, %dma_wait3A_1684, %dma_wait3A_1685] : memref<6x16x1024xf32, #tpu.memory_space<vmem>> -> memref<1x16x1024xf32, #tpu.memory_space<vmem>>
    %dma_wait3A_1687 = tpu.memref_squeeze %dma_wait3A_1686 : memref<1x16x1024xf32, #tpu.memory_space<vmem>> -> memref<16x1024xf32, #tpu.memory_space<vmem>>
    %dma_wait3A_1688 = arith.constant 0 : i32
    %dma_wait3A_1689 = tpu.memref_slice %arg4[%select_n3A, %add3A_1580, %dma_wait3A_1688] : memref<4x4096x1024xf32, #tpu.memory_space<hbm>> -> memref<1x16x1024xf32, #tpu.memory_space<hbm>>
    %dma_wait3A_1690 = tpu.memref_squeeze %dma_wait3A_1689 : memref<1x16x1024xf32, #tpu.memory_space<hbm>> -> memref<16x1024xf32, #tpu.memory_space<hbm>>
    %dma_wait3A_1691 = arith.constant 0 : i32
    %dma_wait3A_1692 = tpu.memref_slice %arg4[%select_n3A, %add3A_1580, %dma_wait3A_1691] : memref<4x4096x1024xf32, #tpu.memory_space<hbm>> -> memref<1x16x1024xf32, #tpu.memory_space<hbm>>
    %dma_wait3A_1693 = tpu.memref_squeeze %dma_wait3A_1692 : memref<1x16x1024xf32, #tpu.memory_space<hbm>> -> memref<16x1024xf32, #tpu.memory_space<hbm>>
    %dma_wait3A_1694 = arith.constant 0 : i32
    %dma_wait3A_1695 = arith.constant 0 : i32
    %dma_wait3A_1696 = tpu.memref_slice %arg6[%dma_wait3A_1683, %dma_wait3A_1694, %dma_wait3A_1695] : memref<6x16x1024xf32, #tpu.memory_space<vmem>> -> memref<1x16x1024xf32, #tpu.memory_space<vmem>>
    %dma_wait3A_1697 = tpu.memref_squeeze %dma_wait3A_1696 : memref<1x16x1024xf32, #tpu.memory_space<vmem>> -> memref<16x1024xf32, #tpu.memory_space<vmem>>
    tpu.wait_dma2 semaphore(%arg13 : memref<!tpu.dma_semaphore, #tpu.memory_space<semaphore_mem>>) src(%dma_wait3A_1697 : memref<16x1024xf32, #tpu.memory_space<vmem>>) dst(%dma_wait3A_1693 : memref<16x1024xf32, #tpu.memory_space<hbm>>)
    %dma_wait3A_1698 = arith.constant 1 : i32
    %dma_wait3A_1699 = arith.constant 0 : i32
    %dma_wait3A_1700 = arith.constant 0 : i32
    %dma_wait3A_1701 = tpu.memref_slice %arg6[%dma_wait3A_1698, %dma_wait3A_1699, %dma_wait3A_1700] : memref<6x16x1024xf32, #tpu.memory_space<vmem>> -> memref<1x16x1024xf32, #tpu.memory_space<vmem>>
    %dma_wait3A_1702 = tpu.memref_squeeze %dma_wait3A_1701 : memref<1x16x1024xf32, #tpu.memory_space<vmem>> -> memref<16x1024xf32, #tpu.memory_space<vmem>>
    %dma_wait3A_1703 = arith.constant 0 : i32
    %dma_wait3A_1704 = tpu.memref_slice %arg4[%select_n3A, %add3A_1607, %dma_wait3A_1703] : memref<4x4096x1024xf32, #tpu.memory_space<hbm>> -> memref<1x16x1024xf32, #tpu.memory_space<hbm>>
    %dma_wait3A_1705 = tpu.memref_squeeze %dma_wait3A_1704 : memref<1x16x1024xf32, #tpu.memory_space<hbm>> -> memref<16x1024xf32, #tpu.memory_space<hbm>>
    %dma_wait3A_1706 = arith.constant 0 : i32
    %dma_wait3A_1707 = tpu.memref_slice %arg4[%select_n3A, %add3A_1607, %dma_wait3A_1706] : memref<4x4096x1024xf32, #tpu.memory_space<hbm>> -> memref<1x16x1024xf32, #tpu.memory_space<hbm>>
    %dma_wait3A_1708 = tpu.memref_squeeze %dma_wait3A_1707 : memref<1x16x1024xf32, #tpu.memory_space<hbm>> -> memref<16x1024xf32, #tpu.memory_space<hbm>>
    %dma_wait3A_1709 = arith.constant 0 : i32
    %dma_wait3A_1710 = arith.constant 0 : i32
    %dma_wait3A_1711 = tpu.memref_slice %arg6[%dma_wait3A_1698, %dma_wait3A_1709, %dma_wait3A_1710] : memref<6x16x1024xf32, #tpu.memory_space<vmem>> -> memref<1x16x1024xf32, #tpu.memory_space<vmem>>
    %dma_wait3A_1712 = tpu.memref_squeeze %dma_wait3A_1711 : memref<1x16x1024xf32, #tpu.memory_space<vmem>> -> memref<16x1024xf32, #tpu.memory_space<vmem>>
    tpu.wait_dma2 semaphore(%arg14 : memref<!tpu.dma_semaphore, #tpu.memory_space<semaphore_mem>>) src(%dma_wait3A_1712 : memref<16x1024xf32, #tpu.memory_space<vmem>>) dst(%dma_wait3A_1708 : memref<16x1024xf32, #tpu.memory_space<hbm>>)
    return
  }
}

</mosaic_0001>

<sc_bundles>
// kernel: _embed.3.cloned.1.call-start
scs
__scs_entry_jumppad:
0x0: {  	(pc) =	sbr.rel $0x88, $3  }
0x1: {  	(tag) =	ssettag $0x0;
	lr =	simm.s32 $0x1  }
0x2: {  	[smem:$0x3F9F] =	sst lr;
	_ =	strace $0xD0000000  }
0x3: {  	_ = 	snop  }
0x4: {  	_ = 	snop  }
0x5: {  	_ = 	snop  }
0x6: {  	_ = 	snop  }
0x7: {  	_ = 	snop  }
__scs_overlays_trampoline_lowered:
0x8: {  	[smem:$0x3FAE] =	sst s0  }
0x9: {  	[smem:$0x3FAF] =	sst s1  }
0xa: {  	[smem:$0x3FB0] =	sst s2  }
0xb: {  	[smem:$0x3FB1] =	sst s3  }
0xc: {  	[smem:$0x3FB2] =	sst s4  }
0xd: {  	[smem:$0x3FB3] =	sst s5  }
0xe: {  	[smem:$0x3FB4] =	sst s6  }
0xf: {  	[smem:$0x3FB5] =	sst s7  }
0x10: {  	[smem:$0x3FB6] =	sst s8  }
0x11: {  	[smem:$0x3FB7] =	sst s9;
	s0 =	simm.s32 @!p0 $0x0  }
0x12: {  	s1 =	sld [smem:$0x3F9D];
	s0 =	simm.s32 @p0 $0x1  }
0x13: {  	[smem:$0x3FB8] =	sst s0;
	s0 =	simm.s32 @!p1 $0x0  }
0x14: {  	s2 =	sld [smem:$0x3F9C];
	s0 =	simm.s32 @p1 $0x1  }
0x15: {  	[smem:$0x3FB9] =	sst s0;
	s0 =	simm.s32 @!p2 $0x0  }
0x16: {  	s3 =	sld [smem:$0x3FDB];
	s0 =	simm.s32 @p2 $0x1  }
0x17: {  	s4 =	simm.s32 $0x1BF5;
	[smem:$0x3FBB] =	sst s0  }
0x18: {  	s0 =	sld [smem:$0x3F9E];
	_ =	swait.ge [sflag:s4], $0x0  }
0x19: {  	s7 =	sld [smem:$0x3F9F]  }
0x1a: {  	s8 =	sadd.s32 $0xFFFFE003, lr  }
0x1b: {  	s9 =	sadd.s32 $0xFFFFFEF7, lr;
	s5 =	simm.s32 $0xFFFFFFFF;
	p2 =	slt.u32 s8, $0xFFFFF086  }
0x1c: {  	p1 =	slt.u32 s9, $0xF7A;
	s5 =	simm.s32 @!p2 $0x0  }
0x1d: {  	s5 =	simm.s32 @p1 $0x1;
	p0 =	seq.s32 s7, s2  }
0x1e: {  	s7 =	smul.u32 @!p0 $0xF7A, s2;
	p2 =	seq.s32 @!p0 s5, $0x0  }
0x1f: {  	s9 =	smul.u32 $0xF7A, s1;
	s8 =	simm.s32 @!p0 $0x1BF5;
	p2 =	por !p2, p0  }
0x20: {  	[sflag:s8] =	ssyncset.s32 @!p0 $0xFFFFF086;
	s6 =	sadd.s32 @!p0 s3, s7;
	s7 =	simm.s32 @!p0 $0x108  }
0x21: {  	s3 =	sadd.s32 s3, s9;
	s6 =	sadd.s32 @!p0 $0x88, s6;
	s7 =	simm.s32 @p2 $0x1082  }
0x22: {  	[simem:s7], [sflag:s8] =	dma.local @!p0 [hbm:s6], $0xF7A  }
0x23: {  	s9 =	sor.u32 $0xD0000000, s2;
	s6 =	simm.s32 $0x108;
	_ =	swait.ge @!p0 [sflag:s8], $0x0  }
0x24: {  	s3 =	sadd.s32 $0x88, s3;
	s6 =	simm.s32 @!p1 $0x1082;
	[sflag:s4] =	ssyncset.s32 $0xFFFFF086  }
0x25: {  	[simem:s6], [sflag:s4] =	dma.local [hbm:s3], $0xF7A  }
0x26: {  	[smem:$0x3F9F] =	sst s1;
	(tag) =	ssettag s2;
	_ =	strace s9  }
0x27: {  	s1 =	sld [smem:$0x3FAF]  }
0x28: {  	s2 =	sld [smem:$0x3FB0]  }
0x29: {  	s4 =	sld [smem:$0x3FB2]  }
0x2a: {  	p0 =	seq.s32 s5, $0x0;
	s5 =	sld [smem:$0x3FB3]  }
0x2b: {  	s6 =	sld [smem:$0x3FB4]  }
0x2c: {  	s7 =	sld [smem:$0x3FB5]  }
0x2d: {  	s3 =	simm.s32 $0x108;
	s8 =	sld [smem:$0x3FB6]  }
0x2e: {  	s3 =	simm.s32 @!p0 $0x1082;
	s9 =	sld [smem:$0x3FB7]  }
0x2f: {  	lr =	sadd.s32 s0, s3;
	s0 =	sld [smem:$0x3FAE]  }
0x30: {  	s3 =	sld [smem:$0x3FB1]  }
0x31: {  	[smem:$0x3FBA] =	sst s10  }
0x32: {  	s10 =	sld [smem:$0x3FB8];
	_ =	sdelay $0x3  }
0x33: {  	p0 =	seq.s32 s10, $0x1;
	s10 =	sld [smem:$0x3FBA];
	_ =	sdelay $0x3  }
0x34: {  	[smem:$0x3FBA] =	sst s10  }
0x35: {  	s10 =	sld [smem:$0x3FB9];
	_ =	sdelay $0x3  }
0x36: {  	p1 =	seq.s32 s10, $0x1;
	s10 =	sld [smem:$0x3FBA];
	_ =	sdelay $0x3  }
0x37: {  	[smem:$0x3FBA] =	sst s10  }
0x38: {  	s10 =	sld [smem:$0x3FBB]  }
0x39: {  	_ = 	snop;
	(pc) =	sbr.ind lr, $3  }
0x3a: {  	_ = 	snop  }
0x3b: {  	_ = 	snop  }
0x3c: {  	p2 =	seq.s32 s10, $0x1;
	s10 =	sld [smem:$0x3FBA]  }
0x3d: {  	_ =	shalt  }
0x3e: {  	_ =	shalt  }
0x3f: {  	_ =	shalt  }
0x40: {  	_ =	shalt  }
0x41: {  	_ =	shalt  }
0x42: {  	_ =	shalt  }
0x43: {  	_ =	shalt  }
0x44: {  	_ =	shalt  }
0x45: {  	_ =	shalt  }
0x46: {  	_ =	shalt  }
0x47: {  	_ =	shalt  }
0x48: {  	_ =	shalt  }
0x49: {  	_ =	shalt  }
0x4a: {  	_ =	shalt  }
0x4b: {  	_ =	shalt  }
0x4c: {  	_ =	shalt  }
0x4d: {  	_ =	shalt  }
0x4e: {  	_ =	shalt  }
0x4f: {  	_ =	shalt  }
0x50: {  	_ =	shalt  }
0x51: {  	_ =	shalt  }
0x52: {  	_ =	shalt  }
0x53: {  	_ =	shalt  }
0x54: {  	_ =	shalt  }
0x55: {  	_ =	shalt  }
0x56: {  	_ =	shalt  }
0x57: {  	_ =	shalt  }
0x58: {  	_ =	shalt  }
0x59: {  	_ =	shalt  }
0x5a: {  	_ =	shalt  }
0x5b: {  	_ =	shalt  }
0x5c: {  	_ =	shalt  }
0x5d: {  	_ =	shalt  }
0x5e: {  	_ =	shalt  }
0x5f: {  	_ =	shalt  }
0x60: {  	_ =	shalt  }
0x61: {  	_ =	shalt  }
0x62: {  	_ =	shalt  }
0x63: {  	_ =	shalt  }
0x64: {  	_ =	shalt  }
0x65: {  	_ =	shalt  }
0x66: {  	_ =	shalt  }
0x67: {  	_ =	shalt  }
0x68: {  	_ =	shalt  }
0x69: {  	_ =	shalt  }
0x6a: {  	_ =	shalt  }
0x6b: {  	_ =	shalt  }
0x6c: {  	_ =	shalt  }
0x6d: {  	_ =	shalt  }
0x6e: {  	_ =	shalt  }
0x6f: {  	_ =	shalt  }
0x70: {  	_ =	shalt  }
0x71: {  	_ =	shalt  }
0x72: {  	_ =	shalt  }
0x73: {  	_ =	shalt  }
0x74: {  	_ =	shalt  }
0x75: {  	_ =	shalt  }
0x76: {  	_ =	shalt  }
0x77: {  	_ =	shalt  }
0x78: {  	_ =	shalt  }
0x79: {  	_ =	shalt  }
0x7a: {  	_ =	shalt  }
0x7b: {  	_ =	shalt  }
0x7c: {  	_ =	shalt  }
0x7d: {  	_ =	shalt  }
0x7e: {  	_ =	shalt  }
0x7f: {  	_ =	shalt  }
0x80: {  	_ =	shalt  }
0x81: {  	_ =	shalt  }
0x82: {  	_ =	shalt  }
0x83: {  	_ =	shalt  }
0x84: {  	_ =	shalt  }
0x85: {  	_ =	shalt  }
0x86: {  	_ =	shalt  }
0x87: {  	_ =	shalt  }
.Lfunc_end0:
.L_simem_size_0:
called_computation_lowered:
.L_overlay_start_0:
0x88: {  	s2 =	sld [smem:$0x3FD9]  }
0x89: {  	s3 =	sld [smem:$0x3FFE];
	_ =	sdelay $0x1  }
0x8a: {  	s1 =	srdreg.scid  }
0x8b: {  	s0 =	sand.u32 $0x1, s1  }
0x8c: {  	s18 =	sshll.u32 s0, $0xA;
	s2 =	sadd.s32 s3, s2  }
0x8d: {  	s2 =	sadd.s32 s2, s18  }
0x8e: {  	[smem:$0x3FC6] =	sst s2  }
0x8f: {  	_ = 	snop  }
0x90: {  	s2 =	sld [smem:$0x3FC9]  }
0x91: {  	s19 =	sld [smem:$0x3FC8]  }
0x92: {  	s4 =	sld [smem:$0x3FD0];
	(tm) =	ssettm $0x1  }
0x93: {  	s5 =	sld [smem:$0x3FFB];
	_ =	sdelay $0x3  }
0x94: {  	_ =	strace s5  }
0x95: {  	s5 =	sld [smem:$0x3FFC];
	_ =	sdelay $0x3  }
0x96: {  	_ =	strace s5  }
0x97: {  	s5 =	sld [smem:$0x3FFD];
	_ =	sdelay $0x3  }
0x98: {  	_ =	strace s5  }
0x99: {  	_ =	strace $0x8FFFFFFF  }
0x9a: {  	s20 =	sld [smem:$0x3FDB];
	_ =	sdelay $0x1  }
0x9b: {  	s6 =	simm.s32 $_scs_section_size  }
0x9c: {  	s7 =	simm.s32 $_size__tile_overlayer_lowered;
	s8 =	simm.s32 $_tile_overlayer_lowered  }
0x9d: {  	s23 =	simm.s32 $0x1BFF;
	s22 =	sshll.u32 s8, $0x1;
	s5 =	sadd.s32 s6, s20  }
0x9e: {  	s9 =	simm.s32 $0x0;
	s21 =	sshll.u32 s7, $0x1;
	s7 =	sadd.s32 s22, s5  }
0x9f: {  	[timem:s9], [sflag:s23] =	dma.local [hbm:s7], s21  }
0xa0: {  	_ =	swait.ge [sflag:s23], s21  }
0xa1: {  	s6 =	ssub.s32 $0x0, s21;
	[sflag:s23] =	ssyncset.done $0x0  }
0xa2: {  	[sflag:s23] =	ssyncadd.s32 s6;
	_ =	sdelay $0x1  }
0xa3: {  	s24 =	simm.s32 $0x1B8B  }
0xa4: {  	_ =	swait.ge [sflag:s24], $0x1  }
0xa5: {  	[sflag:s24] =	ssyncset.done $0x0  }
0xa6: {  	s25 =	simm.s32 $0x1B8E;
	[sflag:s24] =	ssyncadd.s32 $0xFFFFFFFF  }
0xa7: {  	s26 =	simm.s32 $execute0_lowered;
	[smem:$0x3FD2] =	sst s25  }
0xa8: {  	s6 =	sshll.u32 s26, $0x1;
	_ =	strace $0x80000046;
	[dreg:$0x1] =	wrdreg $0xFFFFFFFF  }
0xa9: {  	s28 =	simm.s32 $_size_execute0_lowered;
	s5 =	sadd.s32 s5, s6;
	[dreg:$0x0] =	wrdreg $0x0  }
0xaa: {  	s6 =	sshll.u32 s28, $0x1;
	[dreg:$0x2] =	wrdreg s5  }
0xab: {  	[dreg:$0x3] =	wrdreg s6  }
0xac: {  	[dreg:$0x4] =	wrdreg $0xC0  }
0xad: {  	_ =	task [dreg:s9], $0x5FFFF  }
0xae: {  	[dreg:$0x1] =	wrdreg $0xFFFFFFFF  }
0xaf: {  	[dreg:$0x0] =	wrdreg $0x60  }
0xb0: {  	[dreg:$0x2] =	wrdreg s2  }
0xb1: {  	[dreg:$0x3] =	wrdreg s19  }
0xb2: {  	[dreg:$0x4] =	wrdreg s4  }
0xb3: {  	[dreg:$0x5] =	wrdreg $0x9  }
0xb4: {  	_ =	task.clear_ibuf [dreg:s9], $0x6FFFF;
	_ =	strace $0x90000046  }
0xb5: {  	s29 =	simm.s32 $0x9;
	_ =	strace $0x80000048  }
0xb6: {  	_ =	swait.ge [sflag:s29], $0x1  }
0xb7: {  	[sflag:s29] =	ssyncadd.s32 $0xFFFFFFFF  }
0xb8: {  	_ =	strace $0x90000048  }
0xb9: {  	_ =	sfence  }
0xba: {  	s30 =	sld [smem:$0x0];
	_ =	sdelay $0x2  }
0xbb: {  	s31 =	sshll.u32 s1, $0xD;
	s1 =	sshrl.u32 s1, $0x2  }
0xbc: {  	s3 =	sand.u32 $0x4000, s31;
	s1 =	sadd.s32 s1, s30  }
0xbd: {  	s0 =	sor.u32 s3, s0;
	s1 =	sshll.u32 s1, $0x11  }
0xbe: {  	s0 =	sor.u32 s1, s0  }
0xbf: {  	s0 =	sadd.s32 $0x8F2B, s0  }
0xc0: {  	[sflag:s0] =	ssyncadd.remote.s32 $0x1  }
0xc1: {  	_ =	sfence.sel $0xFFFF  }
0xc2: {  	[dreg:$0x0] =	wrdreg $0xFFFFFFFF;
	(pc) =	sbr.abs _section_cstart, $3  }
0xc3: {  	[dreg:$0x1] =	wrdreg $0xFFFFFFFF  }
0xc4: {  	_ =	task.clear_ibuf [dreg:s9], $0x2FFFF;
	_ =	strace $0x9FFFFFFF  }
0xc5: {  	(tm) =	ssettm $0x7FFFFFFF  }
tec
execute0_lowered:
.L_overlay_start_1:
0x0: {  	(tag) =	ssettag $0x1  }
0x1: {  	s1 =	rddreg [dreg:$0x0]  }
0x2: {  	s2 =	rddreg [dreg:$0x1]  }
0x3: {  	s4 =	rddreg [dreg:$0x2]  }
0x4: {  	s6 =	stileid.u32;
	s0 =	srdreg.scid  }
0x5: {  	s3 =	simm.s32 $0x0;
	s5 =	sshll.u32 s6, $0x1;
	s0 =	sand.u32 $0x1, s0  }
0x6: {  	[smem:$0x7FF] =	sst s3;
	s6 =	sshrl.u32 s6, $0x2;
	s5 =	sand.u32 $0x6, s5  }
0x7: {  	s9 =	sshll.u32 s6, $0x7;
	_ =	strace $0x80000047;
	s5 =	sor.u32 s0, s5  }
0x8: {  	s6 =	sshll.u32 s6, $0x16;
	s7 =	sshll.u32 s5, $0x9;
	s8 =	sshll.u32 s5, $0xB  }
0x9: {  	s5 =	sshll.u32 s5, $0x13;
	s8 =	sor.u32 s9, s8;
	s7 =	sor.u32 $0x80, s7  }
0xa: {  	s5 =	sor.u32 s6, s5;
	s10 =	sshll.u32 s7, $0x2;
	s8 =	sshrl.u32 s8, $0x3  }
0xb: {  	s5 =	sshrl.u32 s5, $0x3;
	s9 =	sor.u32 s9, s10;
	s8 =	sadd.s32 s1, s8  }
0xc: {  	s9 =	sshrl.u32 s9, $0x3;
	[dreg:$0x4] =	wrdreg s8;
	s8 =	sadd.s32 s4, s5  }
0xd: {  	s1 =	sadd.s32 s1, s9;
	[smem:$0x7FC] =	sst s8  }
0xe: {  	s22 =	sadd.s32 $0x800, s8;
	[dreg:$0x5] =	wrdreg s1  }
0xf: {  	s23 =	sadd.s32 $0x1000, s8;
	[dreg:$0x6] =	wrdreg s22  }
0x10: {  	s24 =	sadd.s32 $0x1800, s8;
	[dreg:$0x7] =	wrdreg s23  }
0x11: {  	s25 =	sadd.s32 $0x2000, s8;
	[dreg:$0x8] =	wrdreg s24  }
0x12: {  	s26 =	sadd.s32 $0x2800, s8;
	[dreg:$0x9] =	wrdreg s25  }
0x13: {  	s29 =	sadd.s32 $0x3000, s8;
	[dreg:$0xa] =	wrdreg s26  }
0x14: {  	s28 =	sshll.u32 s7, $0xA;
	s31 =	sadd.s32 $0x3800, s8;
	[dreg:$0xb] =	wrdreg s29  }
0x15: {  	s5 =	sor.u32 s6, s28;
	s6 =	sadd.s32 $0x5000, s8;
	[dreg:$0xc] =	wrdreg s31  }
0x16: {  	s7 =	sadd.s32 $0x5800, s8;
	[dreg:$0xf] =	wrdreg s6  }
0x17: {  	s9 =	sadd.s32 $0x6000, s8;
	[dreg:$0x10] =	wrdreg s7  }
0x18: {  	s10 =	sadd.s32 $0x6800, s8;
	[dreg:$0x11] =	wrdreg s9  }
0x19: {  	s11 =	sadd.s32 $0x7000, s8;
	[dreg:$0x12] =	wrdreg s10  }
0x1a: {  	s12 =	sadd.s32 $0x7800, s8;
	[dreg:$0x13] =	wrdreg s11  }
0x1b: {  	s13 =	sadd.s32 $0x8000, s8;
	[dreg:$0x14] =	wrdreg s12  }
0x1c: {  	s14 =	sadd.s32 $0x8800, s8;
	[dreg:$0x15] =	wrdreg s13  }
0x1d: {  	s15 =	sadd.s32 $0x9000, s8;
	[dreg:$0x16] =	wrdreg s14  }
0x1e: {  	s16 =	sadd.s32 $0x9800, s8;
	[dreg:$0x17] =	wrdreg s15  }
0x1f: {  	s17 =	sadd.s32 $0xA000, s8;
	[dreg:$0x18] =	wrdreg s16  }
0x20: {  	s30 =	simm.s32 $0x2;
	s18 =	sadd.s32 $0xA800, s8;
	[dreg:$0x19] =	wrdreg s17  }
0x21: {  	s0 =	ssub.s32 $0x2, s0;
	s19 =	sadd.s32 $0xB000, s8;
	[dreg:$0x1a] =	wrdreg s18  }
0x22: {  	s5 =	sshrl.u32 s5, $0x3;
	s20 =	sadd.s32 $0xB800, s8;
	[dreg:$0x1b] =	wrdreg s19  }
0x23: {  	s21 =	sadd.s32 $0xC000, s8;
	s28 =	sadd.s32 $0xE800, s8;
	[dreg:$0x1c] =	wrdreg s20  }
0x24: {  	s4 =	sadd.s32 s4, s5;
	s5 =	sadd.s32 $0x4800, s8;
	[dreg:$0x1d] =	wrdreg s21  }
0x25: {  	s22 =	sadd.s32 $0xC800, s8;
	s23 =	sadd.s32 $0xD000, s8;
	s24 =	sadd.s32 $0xD800, s8  }
0x26: {  	s25 =	sshrl.u32 s0, $0x1;
	s26 =	sadd.s32 $0xE000, s8;
	[smem:$0x7FA] =	sst s28  }
0x27: {  	s29 =	sadd.s32 $0xF000, s8;
	s6 =	sadd.s32 $0x200, s2;
	[dreg:$0xd] =	wrdreg s4  }
0x28: {  	s31 =	sadd.s32 $0xF800, s8;
	s7 =	sadd.s32 $0x300, s2;
	[dreg:$0xe] =	wrdreg s5  }
0x29: {  	s11 =	simm.s32 $0x1;
	s9 =	simm.s32 $0x7;
	[dreg:$0x1e] =	wrdreg s22  }
0x2a: {  	s12 =	simm.s32 $0x9;
	s13 =	simm.s32 $0x4;
	[dreg:$0x1f] =	wrdreg s23  }
0x2b: {  	s14 =	simm.s32 $0xA;
	s15 =	simm.s32 $0x5;
	[smem:$0x7F8] =	sst s24  }
0x2c: {  	s16 =	simm.s32 $0xB;
	s17 =	simm.s32 $0x6;
	[smem:$0x7F9] =	sst s26  }
0x2d: {  	v2 =	vlaneseq.u32;
	s18 =	simm.s32 $0xC;
	s0 =	ssub.s32 s0, s25;
	[smem:$0x7FB] =	sst s29  }
0x2e: {  	vm0 =	vmmov $0xffff;
	v1 =	vshrl.u32 v2, $0x3;
	s5 =	sadd.s32 $0x100, s2;
	[smem:$0x7FD] =	sst s31;
	s23 =	simm.s32 $0x3  }
0x2f: {  	v0 =	vand.u32 $0x7, v2;
	v2 =	vor.u32 $0x8, v2;
	v1 =	vmul.u32 $0x8, v1;
	s25 =	simm.s32 $0x200;
	s4 =	smax.u32 s0, $0x1;
	s0 =	simm.s32 $0x8  }
.LBB2_1:
0x30: {  	[smem:$0x7F7] =	sst s4  }
0x31: {  	s20 =	rddreg [dreg:$0x4];
	s21 =	simm.s32 $0xE  }
0x32: {  	[tilespmem:s3], [sflag:$0xE] =	stream.linear.gather [hbm4b:s20+s3], $0x80, $0x38;
	[tilespmem:$0x18200] =	vst v63  }
0x33: {  	_ =	swait.ge [sflag:s21], $0x80  }
0x34: {  	[sflag:s21] =	ssyncset.done $0x0  }
0x35: {  	s10 =	simm.s32 $0x80;
	s8 =	rddreg [dreg:$0x5];
	[sflag:s21] =	ssyncadd.s32 $0xFFFFFF80  }
0x36: {  	[tilespmem:s10], [sflag:$0xD] =	stream.strided.gather [hbm4b:s8+s10], $0x180, s25, s10, $0x38;
	[tilespmem:$0x18200] =	vst v63  }
0x37: {  	v3 =	vld [tilespmem:$0x0];
	_ =	sdelay $0x4  }
0x38: {  	v4 =	vshll.u32 v3, $0x3  }
0x39: {  	v3 =	vand.u32 $0x7, v3;
	v4 =	vand.u32 $0xFFFFFFC0, v4  }
0x3a: {  	v3 =	vor.u32 v3, v4  }
0x3b: {  	v4 =	vperm.xlane v3, v0;
	_ =	sdelay $0x1  }
0x3c: {  	v4 =	vadd.s32 v1, v4;
	_ =	sdelay $0x4  }
0x3d: {  	[tilespmem:s25], [sflag:$0x1] =	stream.indirect_vreg.gather [hbm4b:s2+s3], $0x80, v4, vm0, $0xb8;
	[tilespmem:$0x18200] =	vst v63  }
0x3e: {  	s19 =	simm.s32 $0xA00;
	v3 =	vperm.xlane v3, v2  }
0x3f: {  	[tilespmem:s19], [sflag:$0x1] =	stream.indirect_vreg.gather [hbm4b:s5+s3], $0x80, v4, vm0, $0xb8;
	[tilespmem:$0x18200] =	vst v63  }
0x40: {  	s20 =	simm.s32 $0x1200;
	v3 =	vadd.s32 v1, v3  }
0x41: {  	[tilespmem:s20], [sflag:$0x1] =	stream.indirect_vreg.gather [hbm4b:s6+s3], $0x80, v4, vm0, $0xb8;
	[tilespmem:$0x18200] =	vst v63  }
0x42: {  	s21 =	simm.s32 $0x1A00  }
0x43: {  	[tilespmem:s21], [sflag:$0x1] =	stream.indirect_vreg.gather [hbm4b:s7+s3], $0x80, v4, vm0, $0xb8;
	[tilespmem:$0x18200] =	vst v63  }
0x44: {  	s24 =	simm.s32 $0x2200  }
0x45: {  	[tilespmem:s24], [sflag:$0x1] =	stream.indirect_vreg.gather [hbm4b:s2+s3], $0x80, v3, vm0, $0xb8;
	[tilespmem:$0x18200] =	vst v63  }
0x46: {  	s26 =	simm.s32 $0x2A00  }
0x47: {  	[tilespmem:s26], [sflag:$0x1] =	stream.indirect_vreg.gather [hbm4b:s5+s3], $0x80, v3, vm0, $0xb8;
	[tilespmem:$0x18200] =	vst v63  }
0x48: {  	s28 =	simm.s32 $0x3200  }
0x49: {  	[tilespmem:s28], [sflag:$0x1] =	stream.indirect_vreg.gather [hbm4b:s6+s3], $0x80, v3, vm0, $0xb8;
	[tilespmem:$0x18200] =	vst v63  }
0x4a: {  	s29 =	simm.s32 $0x3A00  }
0x4b: {  	[tilespmem:s29], [sflag:$0x1] =	stream.indirect_vreg.gather [hbm4b:s7+s3], $0x80, v3, vm0, $0xb8;
	[tilespmem:$0x18200] =	vst v63  }
0x4c: {  	v3 =	vld [tilespmem:$0x10];
	_ =	sdelay $0x4  }
0x4d: {  	v33 =	vshll.u32 v3, $0x3  }
0x4e: {  	v3 =	vand.u32 $0x7, v3;
	v4 =	vand.u32 $0xFFFFFFC0, v33  }
0x4f: {  	v3 =	vor.u32 v3, v4  }
0x50: {  	v4 =	vperm.xlane v3, v0;
	_ =	sdelay $0x1  }
0x51: {  	v4 =	vadd.s32 v1, v4;
	_ =	sdelay $0x3  }
0x52: {  	s1 =	simm.s32 $0x4200  }
0x53: {  	[tilespmem:s1], [sflag:$0x2] =	stream.indirect_vreg.gather [hbm4b:s2+s3], $0x80, v4, vm0, $0xb8;
	[tilespmem:$0x18200] =	vst v63  }
0x54: {  	s31 =	simm.s32 $0x4A00;
	v3 =	vperm.xlane v3, v2  }
0x55: {  	[tilespmem:s31], [sflag:$0x2] =	stream.indirect_vreg.gather [hbm4b:s5+s3], $0x80, v4, vm0, $0xb8;
	[tilespmem:$0x18200] =	vst v63  }
0x56: {  	v3 =	vadd.s32 v1, v3;
	s1 =	simm.s32 $0x5200  }
0x57: {  	[tilespmem:s1], [sflag:$0x2] =	stream.indirect_vreg.gather [hbm4b:s6+s3], $0x80, v4, vm0, $0xb8;
	[tilespmem:$0x18200] =	vst v63  }
0x58: {  	s4 =	simm.s32 $0x5A00  }
0x59: {  	[tilespmem:s4], [sflag:$0x2] =	stream.indirect_vreg.gather [hbm4b:s7+s3], $0x80, v4, vm0, $0xb8;
	[tilespmem:$0x18200] =	vst v63  }
0x5a: {  	s8 =	simm.s32 $0x6200  }
0x5b: {  	[tilespmem:s8], [sflag:$0x2] =	stream.indirect_vreg.gather [hbm4b:s2+s3], $0x80, v3, vm0, $0xb8;
	[tilespmem:$0x18200] =	vst v63  }
0x5c: {  	s10 =	simm.s32 $0x6A00  }
0x5d: {  	[tilespmem:s10], [sflag:$0x2] =	stream.indirect_vreg.gather [hbm4b:s5+s3], $0x80, v3, vm0, $0xb8;
	[tilespmem:$0x18200] =	vst v63  }
0x5e: {  	s19 =	simm.s32 $0x7200  }
0x5f: {  	[tilespmem:s19], [sflag:$0x2] =	stream.indirect_vreg.gather [hbm4b:s6+s3], $0x80, v3, vm0, $0xb8;
	[tilespmem:$0x18200] =	vst v63  }
0x60: {  	s21 =	simm.s32 $0x7A00  }
0x61: {  	[tilespmem:s21], [sflag:$0x2] =	stream.indirect_vreg.gather [hbm4b:s7+s3], $0x80, v3, vm0, $0xb8;
	[tilespmem:$0x18200] =	vst v63  }
0x62: {  	v3 =	vld [tilespmem:$0x20];
	_ =	sdelay $0x4  }
0x63: {  	v34 =	vshll.u32 v3, $0x3  }
0x64: {  	v3 =	vand.u32 $0x7, v3;
	v4 =	vand.u32 $0xFFFFFFC0, v34  }
0x65: {  	v3 =	vor.u32 v3, v4  }
0x66: {  	v4 =	vperm.xlane v3, v0;
	_ =	sdelay $0x1  }
0x67: {  	v4 =	vadd.s32 v1, v4;
	_ =	sdelay $0x3  }
0x68: {  	s24 =	simm.s32 $0x8200  }
0x69: {  	[tilespmem:s24], [sflag:$0x3] =	stream.indirect_vreg.gather [hbm4b:s2+s3], $0x80, v4, vm0, $0xb8;
	[tilespmem:$0x18200] =	vst v63  }
0x6a: {  	s28 =	simm.s32 $0x8A00;
	v3 =	vperm.xlane v3, v2  }
0x6b: {  	[tilespmem:s28], [sflag:$0x3] =	stream.indirect_vreg.gather [hbm4b:s5+s3], $0x80, v4, vm0, $0xb8;
	[tilespmem:$0x18200] =	vst v63  }
0x6c: {  	s29 =	simm.s32 $0x9200;
	v3 =	vadd.s32 v1, v3  }
0x6d: {  	[tilespmem:s29], [sflag:$0x3] =	stream.indirect_vreg.gather [hbm4b:s6+s3], $0x80, v4, vm0, $0xb8;
	[tilespmem:$0x18200] =	vst v63  }
0x6e: {  	s31 =	simm.s32 $0x9A00  }
0x6f: {  	[tilespmem:s31], [sflag:$0x3] =	stream.indirect_vreg.gather [hbm4b:s7+s3], $0x80, v4, vm0, $0xb8;
	[tilespmem:$0x18200] =	vst v63  }
0x70: {  	s4 =	simm.s32 $0xA200  }
0x71: {  	[tilespmem:s4], [sflag:$0x3] =	stream.indirect_vreg.gather [hbm4b:s2+s3], $0x80, v3, vm0, $0xb8;
	[tilespmem:$0x18200] =	vst v63  }
0x72: {  	s8 =	simm.s32 $0xAA00  }
0x73: {  	[tilespmem:s8], [sflag:$0x3] =	stream.indirect_vreg.gather [hbm4b:s5+s3], $0x80, v3, vm0, $0xb8;
	[tilespmem:$0x18200] =	vst v63  }
0x74: {  	s10 =	simm.s32 $0xB200  }
0x75: {  	[tilespmem:s10], [sflag:$0x3] =	stream.indirect_vreg.gather [hbm4b:s6+s3], $0x80, v3, vm0, $0xb8;
	[tilespmem:$0x18200] =	vst v63  }
0x76: {  	s19 =	simm.s32 $0xBA00  }
0x77: {  	[tilespmem:s19], [sflag:$0x3] =	stream.indirect_vreg.gather [hbm4b:s7+s3], $0x80, v3, vm0, $0xb8;
	[tilespmem:$0x18200] =	vst v63  }
0x78: {  	v3 =	vld [tilespmem:$0x30];
	_ =	sdelay $0x4  }
0x79: {  	v35 =	vshll.u32 v3, $0x3  }
0x7a: {  	v3 =	vand.u32 $0x7, v3;
	v4 =	vand.u32 $0xFFFFFFC0, v35  }
0x7b: {  	v3 =	vor.u32 v3, v4  }
0x7c: {  	v4 =	vperm.xlane v3, v0;
	_ =	sdelay $0x1  }
0x7d: {  	v4 =	vadd.s32 v1, v4;
	_ =	sdelay $0x3  }
0x7e: {  	s20 =	simm.s32 $0xC200  }
0x7f: {  	[tilespmem:s20], [sflag:$0x4] =	stream.indirect_vreg.gather [hbm4b:s2+s3], $0x80, v4, vm0, $0xb8;
	[tilespmem:$0x18200] =	vst v63  }
0x80: {  	s24 =	simm.s32 $0xCA00;
	v3 =	vperm.xlane v3, v2  }
0x81: {  	[tilespmem:s24], [sflag:$0x4] =	stream.indirect_vreg.gather [hbm4b:s5+s3], $0x80, v4, vm0, $0xb8;
	[tilespmem:$0x18200] =	vst v63  }
0x82: {  	s28 =	simm.s32 $0xD200;
	v3 =	vadd.s32 v1, v3  }
0x83: {  	[tilespmem:s28], [sflag:$0x4] =	stream.indirect_vreg.gather [hbm4b:s6+s3], $0x80, v4, vm0, $0xb8;
	[tilespmem:$0x18200] =	vst v63  }
0x84: {  	s4 =	simm.s32 $0xDA00  }
0x85: {  	[tilespmem:s4], [sflag:$0x4] =	stream.indirect_vreg.gather [hbm4b:s7+s3], $0x80, v4, vm0, $0xb8;
	[tilespmem:$0x18200] =	vst v63  }
0x86: {  	s8 =	simm.s32 $0xE200  }
0x87: {  	[tilespmem:s8], [sflag:$0x4] =	stream.indirect_vreg.gather [hbm4b:s2+s3], $0x80, v3, vm0, $0xb8;
	[tilespmem:$0x18200] =	vst v63  }
0x88: {  	s10 =	simm.s32 $0xEA00  }
0x89: {  	[tilespmem:s10], [sflag:$0x4] =	stream.indirect_vreg.gather [hbm4b:s5+s3], $0x80, v3, vm0, $0xb8;
	[tilespmem:$0x18200] =	vst v63  }
0x8a: {  	s19 =	simm.s32 $0xF200  }
0x8b: {  	[tilespmem:s19], [sflag:$0x4] =	stream.indirect_vreg.gather [hbm4b:s6+s3], $0x80, v3, vm0, $0xb8;
	[tilespmem:$0x18200] =	vst v63  }
0x8c: {  	s20 =	simm.s32 $0xFA00  }
0x8d: {  	[tilespmem:s20], [sflag:$0x4] =	stream.indirect_vreg.gather [hbm4b:s7+s3], $0x80, v3, vm0, $0xb8;
	[tilespmem:$0x18200] =	vst v63  }
0x8e: {  	v3 =	vld [tilespmem:$0x40];
	_ =	sdelay $0x4  }
0x8f: {  	v36 =	vshll.u32 v3, $0x3  }
0x90: {  	v3 =	vand.u32 $0x7, v3;
	v4 =	vand.u32 $0xFFFFFFC0, v36  }
0x91: {  	v3 =	vor.u32 v3, v4  }
0x92: {  	v4 =	vperm.xlane v3, v0;
	_ =	sdelay $0x1  }
0x93: {  	v4 =	vadd.s32 v1, v4;
	_ =	sdelay $0x3  }
0x94: {  	s24 =	simm.s32 $0x10200  }
0x95: {  	[tilespmem:s24], [sflag:$0x5] =	stream.indirect_vreg.gather [hbm4b:s2+s3], $0x80, v4, vm0, $0xb8;
	[tilespmem:$0x18200] =	vst v63  }
0x96: {  	s19 =	simm.s32 $0x10A00;
	v3 =	vperm.xlane v3, v2  }
0x97: {  	[tilespmem:s19], [sflag:$0x5] =	stream.indirect_vreg.gather [hbm4b:s5+s3], $0x80, v4, vm0, $0xb8;
	[tilespmem:$0x18200] =	vst v63  }
0x98: {  	s28 =	simm.s32 $0x11200;
	v3 =	vadd.s32 v1, v3  }
0x99: {  	[tilespmem:s28], [sflag:$0x5] =	stream.indirect_vreg.gather [hbm4b:s6+s3], $0x80, v4, vm0, $0xb8;
	[tilespmem:$0x18200] =	vst v63  }
0x9a: {  	s1 =	simm.s32 $0x11A00  }
0x9b: {  	[tilespmem:s1], [sflag:$0x5] =	stream.indirect_vreg.gather [hbm4b:s7+s3], $0x80, v4, vm0, $0xb8;
	[tilespmem:$0x18200] =	vst v63  }
0x9c: {  	s4 =	simm.s32 $0x12200  }
0x9d: {  	[tilespmem:s4], [sflag:$0x5] =	stream.indirect_vreg.gather [hbm4b:s2+s3], $0x80, v3, vm0, $0xb8;
	[tilespmem:$0x18200] =	vst v63  }
0x9e: {  	s8 =	simm.s32 $0x12A00  }
0x9f: {  	[tilespmem:s8], [sflag:$0x5] =	stream.indirect_vreg.gather [hbm4b:s5+s3], $0x80, v3, vm0, $0xb8;
	[tilespmem:$0x18200] =	vst v63  }
0xa0: {  	s10 =	simm.s32 $0x13200  }
0xa1: {  	[tilespmem:s10], [sflag:$0x5] =	stream.indirect_vreg.gather [hbm4b:s6+s3], $0x80, v3, vm0, $0xb8;
	[tilespmem:$0x18200] =	vst v63  }
0xa2: {  	s20 =	simm.s32 $0x13A00;
	s24 =	simm.s32 $0xD  }
0xa3: {  	[tilespmem:s20], [sflag:$0x5] =	stream.indirect_vreg.gather [hbm4b:s7+s3], $0x80, v3, vm0, $0xb8;
	[tilespmem:$0x18200] =	vst v63  }
0xa4: {  	_ =	swait.ge [sflag:s24], $0x180  }
0xa5: {  	[sflag:s24] =	ssyncset.done $0x0  }
0xa6: {  	[sflag:s24] =	ssyncadd.s32 $0xFFFFFE80  }
0xa7: {  	v3 =	vld [tilespmem:$0x50];
	_ =	sdelay $0x4  }
0xa8: {  	v37 =	vshll.u32 v3, $0x3  }
0xa9: {  	v3 =	vand.u32 $0x7, v3;
	v4 =	vand.u32 $0xFFFFFFC0, v37  }
0xaa: {  	v3 =	vor.u32 v3, v4  }
0xab: {  	v4 =	vperm.xlane v3, v0;
	_ =	sdelay $0x1  }
0xac: {  	v4 =	vadd.s32 v1, v4;
	_ =	sdelay $0x3  }
0xad: {  	s28 =	simm.s32 $0x14200  }
0xae: {  	[tilespmem:s28], [sflag:$0x6] =	stream.indirect_vreg.gather [hbm4b:s2+s3], $0x80, v4, vm0, $0xb8;
	[tilespmem:$0x18200] =	vst v63  }
0xaf: {  	s1 =	simm.s32 $0x14A00;
	v3 =	vperm.xlane v3, v2  }
0xb0: {  	[tilespmem:s1], [sflag:$0x6] =	stream.indirect_vreg.gather [hbm4b:s5+s3], $0x80, v4, vm0, $0xb8;
	[tilespmem:$0x18200] =	vst v63  }
0xb1: {  	s4 =	simm.s32 $0x15200;
	v3 =	vadd.s32 v1, v3  }
0xb2: {  	[tilespmem:s4], [sflag:$0x6] =	stream.indirect_vreg.gather [hbm4b:s6+s3], $0x80, v4, vm0, $0xb8;
	[tilespmem:$0x18200] =	vst v63  }
0xb3: {  	s8 =	simm.s32 $0x15A00  }
0xb4: {  	[tilespmem:s8], [sflag:$0x6] =	stream.indirect_vreg.gather [hbm4b:s7+s3], $0x80, v4, vm0, $0xb8;
	[tilespmem:$0x18200] =	vst v63  }
0xb5: {  	s10 =	simm.s32 $0x16200  }
0xb6: {  	[tilespmem:s10], [sflag:$0x6] =	stream.indirect_vreg.gather [hbm4b:s2+s3], $0x80, v3, vm0, $0xb8;
	[tilespmem:$0x18200] =	vst v63  }
0xb7: {  	s19 =	simm.s32 $0x16A00  }
0xb8: {  	[tilespmem:s19], [sflag:$0x6] =	stream.indirect_vreg.gather [hbm4b:s5+s3], $0x80, v3, vm0, $0xb8;
	[tilespmem:$0x18200] =	vst v63  }
0xb9: {  	s24 =	simm.s32 $0x17200  }
0xba: {  	[tilespmem:s24], [sflag:$0x6] =	stream.indirect_vreg.gather [hbm4b:s6+s3], $0x80, v3, vm0, $0xb8;
	[tilespmem:$0x18200] =	vst v63  }
0xbb: {  	s28 =	simm.s32 $0x17A00  }
0xbc: {  	[tilespmem:s28], [sflag:$0x6] =	stream.indirect_vreg.gather [hbm4b:s7+s3], $0x80, v3, vm0, $0xb8;
	[tilespmem:$0x18200] =	vst v63  }
0xbd: {  	_ =	swait.ge [sflag:s11], $0x4000  }
0xbe: {  	s1 =	sld [smem:$0x7FC]  }
0xbf: {  	[sflag:s11] =	ssyncset.done $0x0  }
0xc0: {  	[sflag:s11] =	ssyncadd.s32 $0xFFFFC000  }
0xc1: {  	[hbm4b:s1+s3] =	stream.linear.scatter [tilespmem:s25], [sflag:$0x7], $0x4000, $0x38;
	[tilespmem:$0x18200] =	vst v63  }
0xc2: {  	_ =	swait.ge [sflag:s9], $0x4000  }
0xc3: {  	[sflag:s9] =	ssyncset.done $0x0  }
0xc4: {  	[sflag:s9] =	ssyncadd.s32 $0xFFFFC000  }
0xc5: {  	v3 =	vld [tilespmem:$0x60];
	_ =	sdelay $0x4  }
0xc6: {  	v38 =	vshll.u32 v3, $0x3  }
0xc7: {  	v3 =	vand.u32 $0x7, v3;
	v4 =	vand.u32 $0xFFFFFFC0, v38  }
0xc8: {  	v3 =	vor.u32 v3, v4  }
0xc9: {  	v4 =	vperm.xlane v3, v0;
	_ =	sdelay $0x1  }
0xca: {  	v4 =	vadd.s32 v1, v4;
	_ =	sdelay $0x4  }
0xcb: {  	[tilespmem:s25], [sflag:$0x1] =	stream.indirect_vreg.gather [hbm4b:s2+s3], $0x80, v4, vm0, $0xb8;
	[tilespmem:$0x18200] =	vst v63  }
0xcc: {  	s22 =	simm.s32 $0xA00;
	v3 =	vperm.xlane v3, v2  }
0xcd: {  	[tilespmem:s22], [sflag:$0x1] =	stream.indirect_vreg.gather [hbm4b:s5+s3], $0x80, v4, vm0, $0xb8;
	[tilespmem:$0x18200] =	vst v63  }
0xce: {  	v3 =	vadd.s32 v1, v3;
	s22 =	simm.s32 $0x1200  }
0xcf: {  	[tilespmem:s22], [sflag:$0x1] =	stream.indirect_vreg.gather [hbm4b:s6+s3], $0x80, v4, vm0, $0xb8;
	[tilespmem:$0x18200] =	vst v63  }
0xd0: {  	s10 =	simm.s32 $0x1A00  }
0xd1: {  	[tilespmem:s10], [sflag:$0x1] =	stream.indirect_vreg.gather [hbm4b:s7+s3], $0x80, v4, vm0, $0xb8;
	[tilespmem:$0x18200] =	vst v63  }
0xd2: {  	s24 =	simm.s32 $0x2200  }
0xd3: {  	[tilespmem:s24], [sflag:$0x1] =	stream.indirect_vreg.gather [hbm4b:s2+s3], $0x80, v3, vm0, $0xb8;
	[tilespmem:$0x18200] =	vst v63  }
0xd4: {  	s8 =	simm.s32 $0x2A00  }
0xd5: {  	[tilespmem:s8], [sflag:$0x1] =	stream.indirect_vreg.gather [hbm4b:s5+s3], $0x80, v3, vm0, $0xb8;
	[tilespmem:$0x18200] =	vst v63  }
0xd6: {  	s28 =	simm.s32 $0x3200  }
0xd7: {  	[tilespmem:s28], [sflag:$0x1] =	stream.indirect_vreg.gather [hbm4b:s6+s3], $0x80, v3, vm0, $0xb8;
	[tilespmem:$0x18200] =	vst v63  }
0xd8: {  	s26 =	simm.s32 $0x3A00  }
0xd9: {  	[tilespmem:s26], [sflag:$0x1] =	stream.indirect_vreg.gather [hbm4b:s7+s3], $0x80, v3, vm0, $0xb8;
	[tilespmem:$0x18200] =	vst v63  }
0xda: {  	_ =	swait.ge [sflag:s30], $0x4000  }
0xdb: {  	[sflag:s30] =	ssyncset.done $0x0  }
0xdc: {  	s19 =	simm.s32 $0x4200;
	s4 =	rddreg [dreg:$0x6];
	[sflag:s30] =	ssyncadd.s32 $0xFFFFC000  }
0xdd: {  	[hbm4b:s4+s3] =	stream.linear.scatter [tilespmem:s19], [sflag:$0x8], $0x4000, $0x38;
	[tilespmem:$0x18200] =	vst v63  }
0xde: {  	_ =	swait.ge [sflag:s0], $0x4000  }
0xdf: {  	[sflag:s0] =	ssyncset.done $0x0  }
0xe0: {  	[sflag:s0] =	ssyncadd.s32 $0xFFFFC000  }
0xe1: {  	v3 =	vld [tilespmem:$0x70];
	_ =	sdelay $0x4  }
0xe2: {  	v39 =	vshll.u32 v3, $0x3  }
0xe3: {  	v3 =	vand.u32 $0x7, v3;
	v4 =	vand.u32 $0xFFFFFFC0, v39  }
0xe4: {  	v3 =	vor.u32 v3, v4  }
0xe5: {  	v4 =	vperm.xlane v3, v0;
	_ =	sdelay $0x1  }
0xe6: {  	v4 =	vadd.s32 v1, v4;
	_ =	sdelay $0x4  }
0xe7: {  	[tilespmem:s19], [sflag:$0x2] =	stream.indirect_vreg.gather [hbm4b:s2+s3], $0x80, v4, vm0, $0xb8;
	[tilespmem:$0x18200] =	vst v63  }
0xe8: {  	s20 =	simm.s32 $0x4A00;
	v3 =	vperm.xlane v3, v2  }
0xe9: {  	[tilespmem:s20], [sflag:$0x2] =	stream.indirect_vreg.gather [hbm4b:s5+s3], $0x80, v4, vm0, $0xb8;
	[tilespmem:$0x18200] =	vst v63  }
0xea: {  	s26 =	simm.s32 $0x5200;
	v3 =	vadd.s32 v1, v3  }
0xeb: {  	[tilespmem:s26], [sflag:$0x2] =	stream.indirect_vreg.gather [hbm4b:s6+s3], $0x80, v4, vm0, $0xb8;
	[tilespmem:$0x18200] =	vst v63  }
0xec: {  	s4 =	simm.s32 $0x5A00  }
0xed: {  	[tilespmem:s4], [sflag:$0x2] =	stream.indirect_vreg.gather [hbm4b:s7+s3], $0x80, v4, vm0, $0xb8;
	[tilespmem:$0x18200] =	vst v63  }
0xee: {  	s20 =	simm.s32 $0x6200  }
0xef: {  	[tilespmem:s20], [sflag:$0x2] =	stream.indirect_vreg.gather [hbm4b:s2+s3], $0x80, v3, vm0, $0xb8;
	[tilespmem:$0x18200] =	vst v63  }
0xf0: {  	s26 =	simm.s32 $0x6A00  }
0xf1: {  	[tilespmem:s26], [sflag:$0x2] =	stream.indirect_vreg.gather [hbm4b:s5+s3], $0x80, v3, vm0, $0xb8;
	[tilespmem:$0x18200] =	vst v63  }
0xf2: {  	s4 =	simm.s32 $0x7200  }
0xf3: {  	[tilespmem:s4], [sflag:$0x2] =	stream.indirect_vreg.gather [hbm4b:s6+s3], $0x80, v3, vm0, $0xb8;
	[tilespmem:$0x18200] =	vst v63  }
0xf4: {  	s20 =	simm.s32 $0x7A00  }
0xf5: {  	[tilespmem:s20], [sflag:$0x2] =	stream.indirect_vreg.gather [hbm4b:s7+s3], $0x80, v3, vm0, $0xb8;
	[tilespmem:$0x18200] =	vst v63  }
0xf6: {  	_ =	swait.ge [sflag:s23], $0x4000  }
0xf7: {  	[sflag:s23] =	ssyncset.done $0x0  }
0xf8: {  	s1 =	simm.s32 $0x8200;
	s26 =	rddreg [dreg:$0x7];
	[sflag:s23] =	ssyncadd.s32 $0xFFFFC000  }
0xf9: {  	[hbm4b:s26+s3] =	stream.linear.scatter [tilespmem:s1], [sflag:$0x9], $0x4000, $0x38;
	[tilespmem:$0x18200] =	vst v63  }
0xfa: {  	_ =	swait.ge [sflag:s12], $0x4000  }
0xfb: {  	[sflag:s12] =	ssyncset.done $0x0  }
0xfc: {  	[sflag:s12] =	ssyncadd.s32 $0xFFFFC000  }
0xfd: {  	v3 =	vld [tilespmem:$0x80];
	_ =	sdelay $0x4  }
0xfe: {  	v40 =	vshll.u32 v3, $0x3  }
0xff: {  	v3 =	vand.u32 $0x7, v3;
	v4 =	vand.u32 $0xFFFFFFC0, v40  }
0x100: {  	v3 =	vor.u32 v3, v4  }
0x101: {  	v4 =	vperm.xlane v3, v0;
	_ =	sdelay $0x1  }
0x102: {  	v4 =	vadd.s32 v1, v4;
	_ =	sdelay $0x4  }
0x103: {  	[tilespmem:s1], [sflag:$0x3] =	stream.indirect_vreg.gather [hbm4b:s2+s3], $0x80, v4, vm0, $0xb8;
	[tilespmem:$0x18200] =	vst v63  }
0x104: {  	s21 =	simm.s32 $0x8A00;
	v3 =	vperm.xlane v3, v2  }
0x105: {  	[tilespmem:s21], [sflag:$0x3] =	stream.indirect_vreg.gather [hbm4b:s5+s3], $0x80, v4, vm0, $0xb8;
	[tilespmem:$0x18200] =	vst v63  }
0x106: {  	v3 =	vadd.s32 v1, v3;
	s21 =	simm.s32 $0x9200  }
0x107: {  	[tilespmem:s21], [sflag:$0x3] =	stream.indirect_vreg.gather [hbm4b:s6+s3], $0x80, v4, vm0, $0xb8;
	[tilespmem:$0x18200] =	vst v63  }
0x108: {  	s26 =	simm.s32 $0x9A00  }
0x109: {  	[tilespmem:s26], [sflag:$0x3] =	stream.indirect_vreg.gather [hbm4b:s7+s3], $0x80, v4, vm0, $0xb8;
	[tilespmem:$0x18200] =	vst v63  }
0x10a: {  	s31 =	simm.s32 $0xA200  }
0x10b: {  	[tilespmem:s31], [sflag:$0x3] =	stream.indirect_vreg.gather [hbm4b:s2+s3], $0x80, v3, vm0, $0xb8;
	[tilespmem:$0x18200] =	vst v63  }
0x10c: {  	s4 =	simm.s32 $0xAA00  }
0x10d: {  	[tilespmem:s4], [sflag:$0x3] =	stream.indirect_vreg.gather [hbm4b:s5+s3], $0x80, v3, vm0, $0xb8;
	[tilespmem:$0x18200] =	vst v63  }
0x10e: {  	s20 =	simm.s32 $0xB200  }
0x10f: {  	[tilespmem:s20], [sflag:$0x3] =	stream.indirect_vreg.gather [hbm4b:s6+s3], $0x80, v3, vm0, $0xb8;
	[tilespmem:$0x18200] =	vst v63  }
0x110: {  	s29 =	simm.s32 $0xBA00  }
0x111: {  	[tilespmem:s29], [sflag:$0x3] =	stream.indirect_vreg.gather [hbm4b:s7+s3], $0x80, v3, vm0, $0xb8;
	[tilespmem:$0x18200] =	vst v63  }
0x112: {  	_ =	swait.ge [sflag:s13], $0x4000  }
0x113: {  	[sflag:s13] =	ssyncset.done $0x0  }
0x114: {  	s26 =	simm.s32 $0xC200;
	s21 =	rddreg [dreg:$0x8];
	[sflag:s13] =	ssyncadd.s32 $0xFFFFC000  }
0x115: {  	[hbm4b:s21+s3] =	stream.linear.scatter [tilespmem:s26], [sflag:$0xA], $0x4000, $0x38;
	[tilespmem:$0x18200] =	vst v63  }
0x116: {  	_ =	swait.ge [sflag:s14], $0x4000  }
0x117: {  	[sflag:s14] =	ssyncset.done $0x0  }
0x118: {  	[sflag:s14] =	ssyncadd.s32 $0xFFFFC000  }
0x119: {  	v3 =	vld [tilespmem:$0x90];
	_ =	sdelay $0x4  }
0x11a: {  	v41 =	vshll.u32 v3, $0x3  }
0x11b: {  	v3 =	vand.u32 $0x7, v3;
	v4 =	vand.u32 $0xFFFFFFC0, v41  }
0x11c: {  	v3 =	vor.u32 v3, v4  }
0x11d: {  	v4 =	vperm.xlane v3, v0;
	_ =	sdelay $0x1  }
0x11e: {  	v4 =	vadd.s32 v1, v4;
	_ =	sdelay $0x4  }
0x11f: {  	[tilespmem:s26], [sflag:$0x4] =	stream.indirect_vreg.gather [hbm4b:s2+s3], $0x80, v4, vm0, $0xb8;
	[tilespmem:$0x18200] =	vst v63  }
0x120: {  	s29 =	simm.s32 $0xCA00;
	v3 =	vperm.xlane v3, v2  }
0x121: {  	[tilespmem:s29], [sflag:$0x4] =	stream.indirect_vreg.gather [hbm4b:s5+s3], $0x80, v4, vm0, $0xb8;
	[tilespmem:$0x18200] =	vst v63  }
0x122: {  	s31 =	simm.s32 $0xD200;
	v3 =	vadd.s32 v1, v3  }
0x123: {  	[tilespmem:s31], [sflag:$0x4] =	stream.indirect_vreg.gather [hbm4b:s6+s3], $0x80, v4, vm0, $0xb8;
	[tilespmem:$0x18200] =	vst v63  }
0x124: {  	s4 =	simm.s32 $0xDA00  }
0x125: {  	[tilespmem:s4], [sflag:$0x4] =	stream.indirect_vreg.gather [hbm4b:s7+s3], $0x80, v4, vm0, $0xb8;
	[tilespmem:$0x18200] =	vst v63  }
0x126: {  	s20 =	simm.s32 $0xE200  }
0x127: {  	[tilespmem:s20], [sflag:$0x4] =	stream.indirect_vreg.gather [hbm4b:s2+s3], $0x80, v3, vm0, $0xb8;
	[tilespmem:$0x18200] =	vst v63  }
0x128: {  	s21 =	simm.s32 $0xEA00  }
0x129: {  	[tilespmem:s21], [sflag:$0x4] =	stream.indirect_vreg.gather [hbm4b:s5+s3], $0x80, v3, vm0, $0xb8;
	[tilespmem:$0x18200] =	vst v63  }
0x12a: {  	s26 =	simm.s32 $0xF200  }
0x12b: {  	[tilespmem:s26], [sflag:$0x4] =	stream.indirect_vreg.gather [hbm4b:s6+s3], $0x80, v3, vm0, $0xb8;
	[tilespmem:$0x18200] =	vst v63  }
0x12c: {  	s29 =	simm.s32 $0xFA00  }
0x12d: {  	[tilespmem:s29], [sflag:$0x4] =	stream.indirect_vreg.gather [hbm4b:s7+s3], $0x80, v3, vm0, $0xb8;
	[tilespmem:$0x18200] =	vst v63  }
0x12e: {  	_ =	swait.ge [sflag:s15], $0x4000  }
0x12f: {  	[sflag:s15] =	ssyncset.done $0x0  }
0x130: {  	s1 =	simm.s32 $0x10200;
	s31 =	rddreg [dreg:$0x9];
	[sflag:s15] =	ssyncadd.s32 $0xFFFFC000  }
0x131: {  	[hbm4b:s31+s3] =	stream.linear.scatter [tilespmem:s1], [sflag:$0xB], $0x4000, $0x38;
	[tilespmem:$0x18200] =	vst v63  }
0x132: {  	_ =	swait.ge [sflag:s16], $0x4000  }
0x133: {  	[sflag:s16] =	ssyncset.done $0x0  }
0x134: {  	[sflag:s16] =	ssyncadd.s32 $0xFFFFC000  }
0x135: {  	v3 =	vld [tilespmem:$0xA0];
	_ =	sdelay $0x4  }
0x136: {  	v42 =	vshll.u32 v3, $0x3  }
0x137: {  	v3 =	vand.u32 $0x7, v3;
	v4 =	vand.u32 $0xFFFFFFC0, v42  }
0x138: {  	v3 =	vor.u32 v3, v4  }
0x139: {  	v4 =	vperm.xlane v3, v0;
	_ =	sdelay $0x1  }
0x13a: {  	v4 =	vadd.s32 v1, v4;
	_ =	sdelay $0x4  }
0x13b: {  	[tilespmem:s1], [sflag:$0x5] =	stream.indirect_vreg.gather [hbm4b:s2+s3], $0x80, v4, vm0, $0xb8;
	[tilespmem:$0x18200] =	vst v63  }
0x13c: {  	s4 =	simm.s32 $0x10A00;
	v3 =	vperm.xlane v3, v2  }
0x13d: {  	[tilespmem:s4], [sflag:$0x5] =	stream.indirect_vreg.gather [hbm4b:s5+s3], $0x80, v4, vm0, $0xb8;
	[tilespmem:$0x18200] =	vst v63  }
0x13e: {  	s26 =	simm.s32 $0x11200;
	v3 =	vadd.s32 v1, v3  }
0x13f: {  	[tilespmem:s26], [sflag:$0x5] =	stream.indirect_vreg.gather [hbm4b:s6+s3], $0x80, v4, vm0, $0xb8;
	[tilespmem:$0x18200] =	vst v63  }
0x140: {  	s4 =	simm.s32 $0x11A00  }
0x141: {  	[tilespmem:s4], [sflag:$0x5] =	stream.indirect_vreg.gather [hbm4b:s7+s3], $0x80, v4, vm0, $0xb8;
	[tilespmem:$0x18200] =	vst v63  }
0x142: {  	s29 =	simm.s32 $0x12200  }
0x143: {  	[tilespmem:s29], [sflag:$0x5] =	stream.indirect_vreg.gather [hbm4b:s2+s3], $0x80, v3, vm0, $0xb8;
	[tilespmem:$0x18200] =	vst v63  }
0x144: {  	s31 =	simm.s32 $0x12A00  }
0x145: {  	[tilespmem:s31], [sflag:$0x5] =	stream.indirect_vreg.gather [hbm4b:s5+s3], $0x80, v3, vm0, $0xb8;
	[tilespmem:$0x18200] =	vst v63  }
0x146: {  	s20 =	simm.s32 $0x13200  }
0x147: {  	[tilespmem:s20], [sflag:$0x5] =	stream.indirect_vreg.gather [hbm4b:s6+s3], $0x80, v3, vm0, $0xb8;
	[tilespmem:$0x18200] =	vst v63  }
0x148: {  	s21 =	simm.s32 $0x13A00  }
0x149: {  	[tilespmem:s21], [sflag:$0x5] =	stream.indirect_vreg.gather [hbm4b:s7+s3], $0x80, v3, vm0, $0xb8;
	[tilespmem:$0x18200] =	vst v63  }
0x14a: {  	_ =	swait.ge [sflag:s17], $0x4000  }
0x14b: {  	[sflag:s17] =	ssyncset.done $0x0  }
0x14c: {  	s21 =	simm.s32 $0x14200;
	s1 =	rddreg [dreg:$0xa];
	[sflag:s17] =	ssyncadd.s32 $0xFFFFC000  }
0x14d: {  	[hbm4b:s1+s3] =	stream.linear.scatter [tilespmem:s21], [sflag:$0xC], $0x4000, $0x38;
	[tilespmem:$0x18200] =	vst v63  }
0x14e: {  	_ =	swait.ge [sflag:s18], $0x4000  }
0x14f: {  	[sflag:s18] =	ssyncset.done $0x0  }
0x150: {  	[sflag:s18] =	ssyncadd.s32 $0xFFFFC000  }
0x151: {  	v3 =	vld [tilespmem:$0xB0];
	_ =	sdelay $0x4  }
0x152: {  	v43 =	vshll.u32 v3, $0x3  }
0x153: {  	v3 =	vand.u32 $0x7, v3;
	v4 =	vand.u32 $0xFFFFFFC0, v43  }
0x154: {  	v3 =	vor.u32 v3, v4  }
0x155: {  	v4 =	vperm.xlane v3, v0;
	_ =	sdelay $0x1  }
0x156: {  	v4 =	vadd.s32 v1, v4;
	_ =	sdelay $0x4  }
0x157: {  	[tilespmem:s21], [sflag:$0x6] =	stream.indirect_vreg.gather [hbm4b:s2+s3], $0x80, v4, vm0, $0xb8;
	[tilespmem:$0x18200] =	vst v63  }
0x158: {  	v3 =	vperm.xlane v3, v2;
	s21 =	simm.s32 $0x14A00  }
0x159: {  	[tilespmem:s21], [sflag:$0x6] =	stream.indirect_vreg.gather [hbm4b:s5+s3], $0x80, v4, vm0, $0xb8;
	[tilespmem:$0x18200] =	vst v63  }
0x15a: {  	s20 =	simm.s32 $0x15200;
	v3 =	vadd.s32 v1, v3  }
0x15b: {  	[tilespmem:s20], [sflag:$0x6] =	stream.indirect_vreg.gather [hbm4b:s6+s3], $0x80, v4, vm0, $0xb8;
	[tilespmem:$0x18200] =	vst v63  }
0x15c: {  	s21 =	simm.s32 $0x15A00  }
0x15d: {  	[tilespmem:s21], [sflag:$0x6] =	stream.indirect_vreg.gather [hbm4b:s7+s3], $0x80, v4, vm0, $0xb8;
	[tilespmem:$0x18200] =	vst v63  }
0x15e: {  	s20 =	simm.s32 $0x16200  }
0x15f: {  	[tilespmem:s20], [sflag:$0x6] =	stream.indirect_vreg.gather [hbm4b:s2+s3], $0x80, v3, vm0, $0xb8;
	[tilespmem:$0x18200] =	vst v63  }
0x160: {  	s21 =	simm.s32 $0x16A00  }
0x161: {  	[tilespmem:s21], [sflag:$0x6] =	stream.indirect_vreg.gather [hbm4b:s5+s3], $0x80, v3, vm0, $0xb8;
	[tilespmem:$0x18200] =	vst v63  }
0x162: {  	s20 =	simm.s32 $0x17200  }
0x163: {  	[tilespmem:s20], [sflag:$0x6] =	stream.indirect_vreg.gather [hbm4b:s6+s3], $0x80, v3, vm0, $0xb8;
	[tilespmem:$0x18200] =	vst v63  }
0x164: {  	s21 =	simm.s32 $0x17A00  }
0x165: {  	[tilespmem:s21], [sflag:$0x6] =	stream.indirect_vreg.gather [hbm4b:s7+s3], $0x80, v3, vm0, $0xb8;
	[tilespmem:$0x18200] =	vst v63  }
0x166: {  	_ =	swait.ge [sflag:s11], $0x4000  }
0x167: {  	[sflag:s11] =	ssyncset.done $0x0  }
0x168: {  	s1 =	rddreg [dreg:$0xb];
	[sflag:s11] =	ssyncadd.s32 $0xFFFFC000  }
0x169: {  	[hbm4b:s1+s3] =	stream.linear.scatter [tilespmem:s25], [sflag:$0x7], $0x4000, $0x38;
	[tilespmem:$0x18200] =	vst v63  }
0x16a: {  	_ =	swait.ge [sflag:s9], $0x4000  }
0x16b: {  	[sflag:s9] =	ssyncset.done $0x0  }
0x16c: {  	[sflag:s9] =	ssyncadd.s32 $0xFFFFC000  }
0x16d: {  	v3 =	vld [tilespmem:$0xC0];
	_ =	sdelay $0x4  }
0x16e: {  	v44 =	vshll.u32 v3, $0x3  }
0x16f: {  	v3 =	vand.u32 $0x7, v3;
	v4 =	vand.u32 $0xFFFFFFC0, v44  }
0x170: {  	v3 =	vor.u32 v3, v4  }
0x171: {  	v4 =	vperm.xlane v3, v0;
	_ =	sdelay $0x1  }
0x172: {  	v4 =	vadd.s32 v1, v4;
	_ =	sdelay $0x4  }
0x173: {  	[tilespmem:s25], [sflag:$0x1] =	stream.indirect_vreg.gather [hbm4b:s2+s3], $0x80, v4, vm0, $0xb8;
	[tilespmem:$0x18200] =	vst v63  }
0x174: {  	s21 =	simm.s32 $0xA00;
	v3 =	vperm.xlane v3, v2  }
0x175: {  	[tilespmem:s21], [sflag:$0x1] =	stream.indirect_vreg.gather [hbm4b:s5+s3], $0x80, v4, vm0, $0xb8;
	[tilespmem:$0x18200] =	vst v63  }
0x176: {  	v3 =	vadd.s32 v1, v3  }
0x177: {  	[tilespmem:s22], [sflag:$0x1] =	stream.indirect_vreg.gather [hbm4b:s6+s3], $0x80, v4, vm0, $0xb8;
	[tilespmem:$0x18200] =	vst v63  }
0x178: {  	_ = 	snop  }
0x179: {  	[tilespmem:s10], [sflag:$0x1] =	stream.indirect_vreg.gather [hbm4b:s7+s3], $0x80, v4, vm0, $0xb8;
	[tilespmem:$0x18200] =	vst v63  }
0x17a: {  	_ = 	snop  }
0x17b: {  	[tilespmem:s24], [sflag:$0x1] =	stream.indirect_vreg.gather [hbm4b:s2+s3], $0x80, v3, vm0, $0xb8;
	[tilespmem:$0x18200] =	vst v63  }
0x17c: {  	_ = 	snop  }
0x17d: {  	[tilespmem:s8], [sflag:$0x1] =	stream.indirect_vreg.gather [hbm4b:s5+s3], $0x80, v3, vm0, $0xb8;
	[tilespmem:$0x18200] =	vst v63  }
0x17e: {  	_ = 	snop  }
0x17f: {  	[tilespmem:s28], [sflag:$0x1] =	stream.indirect_vreg.gather [hbm4b:s6+s3], $0x80, v3, vm0, $0xb8;
	[tilespmem:$0x18200] =	vst v63  }
0x180: {  	s28 =	simm.s32 $0x3A00  }
0x181: {  	[tilespmem:s28], [sflag:$0x1] =	stream.indirect_vreg.gather [hbm4b:s7+s3], $0x80, v3, vm0, $0xb8;
	[tilespmem:$0x18200] =	vst v63  }
0x182: {  	_ =	swait.ge [sflag:s30], $0x4000  }
0x183: {  	[sflag:s30] =	ssyncset.done $0x0  }
0x184: {  	s8 =	simm.s32 $0x4200;
	s1 =	rddreg [dreg:$0xc];
	[sflag:s30] =	ssyncadd.s32 $0xFFFFC000  }
0x185: {  	[hbm4b:s1+s3] =	stream.linear.scatter [tilespmem:s8], [sflag:$0x8], $0x4000, $0x38;
	[tilespmem:$0x18200] =	vst v63  }
0x186: {  	_ =	swait.ge [sflag:s0], $0x4000  }
0x187: {  	[sflag:s0] =	ssyncset.done $0x0  }
0x188: {  	[sflag:s0] =	ssyncadd.s32 $0xFFFFC000  }
0x189: {  	v3 =	vld [tilespmem:$0xD0];
	_ =	sdelay $0x4  }
0x18a: {  	v45 =	vshll.u32 v3, $0x3  }
0x18b: {  	v3 =	vand.u32 $0x7, v3;
	v4 =	vand.u32 $0xFFFFFFC0, v45  }
0x18c: {  	v3 =	vor.u32 v3, v4  }
0x18d: {  	v4 =	vperm.xlane v3, v0;
	_ =	sdelay $0x1  }
0x18e: {  	v4 =	vadd.s32 v1, v4;
	_ =	sdelay $0x4  }
0x18f: {  	[tilespmem:s8], [sflag:$0x2] =	stream.indirect_vreg.gather [hbm4b:s2+s3], $0x80, v4, vm0, $0xb8;
	[tilespmem:$0x18200] =	vst v63  }
0x190: {  	s10 =	simm.s32 $0x4A00;
	v3 =	vperm.xlane v3, v2  }
0x191: {  	[tilespmem:s10], [sflag:$0x2] =	stream.indirect_vreg.gather [hbm4b:s5+s3], $0x80, v4, vm0, $0xb8;
	[tilespmem:$0x18200] =	vst v63  }
0x192: {  	s19 =	simm.s32 $0x5200;
	v3 =	vadd.s32 v1, v3  }
0x193: {  	[tilespmem:s19], [sflag:$0x2] =	stream.indirect_vreg.gather [hbm4b:s6+s3], $0x80, v4, vm0, $0xb8;
	[tilespmem:$0x18200] =	vst v63  }
0x194: {  	s19 =	simm.s32 $0x5A00  }
0x195: {  	[tilespmem:s19], [sflag:$0x2] =	stream.indirect_vreg.gather [hbm4b:s7+s3], $0x80, v4, vm0, $0xb8;
	[tilespmem:$0x18200] =	vst v63  }
0x196: {  	s20 =	simm.s32 $0x6200  }
0x197: {  	[tilespmem:s20], [sflag:$0x2] =	stream.indirect_vreg.gather [hbm4b:s2+s3], $0x80, v3, vm0, $0xb8;
	[tilespmem:$0x18200] =	vst v63  }
0x198: {  	s21 =	simm.s32 $0x6A00  }
0x199: {  	[tilespmem:s21], [sflag:$0x2] =	stream.indirect_vreg.gather [hbm4b:s5+s3], $0x80, v3, vm0, $0xb8;
	[tilespmem:$0x18200] =	vst v63  }
0x19a: {  	s22 =	simm.s32 $0x7200  }
0x19b: {  	[tilespmem:s22], [sflag:$0x2] =	stream.indirect_vreg.gather [hbm4b:s6+s3], $0x80, v3, vm0, $0xb8;
	[tilespmem:$0x18200] =	vst v63  }
0x19c: {  	s24 =	simm.s32 $0x7A00  }
0x19d: {  	[tilespmem:s24], [sflag:$0x2] =	stream.indirect_vreg.gather [hbm4b:s7+s3], $0x80, v3, vm0, $0xb8;
	[tilespmem:$0x18200] =	vst v63  }
0x19e: {  	_ =	swait.ge [sflag:s23], $0x4000  }
0x19f: {  	[sflag:s23] =	ssyncset.done $0x0  }
0x1a0: {  	s1 =	simm.s32 $0x8200;
	s28 =	rddreg [dreg:$0xd];
	[sflag:s23] =	ssyncadd.s32 $0xFFFFC000  }
0x1a1: {  	[hbm4b:s28+s3] =	stream.linear.scatter [tilespmem:s1], [sflag:$0x9], $0x4000, $0x38;
	[tilespmem:$0x18200] =	vst v63  }
0x1a2: {  	_ =	swait.ge [sflag:s12], $0x4000  }
0x1a3: {  	[sflag:s12] =	ssyncset.done $0x0  }
0x1a4: {  	[sflag:s12] =	ssyncadd.s32 $0xFFFFC000  }
0x1a5: {  	v3 =	vld [tilespmem:$0xE0];
	_ =	sdelay $0x4  }
0x1a6: {  	v46 =	vshll.u32 v3, $0x3  }
0x1a7: {  	v3 =	vand.u32 $0x7, v3;
	v4 =	vand.u32 $0xFFFFFFC0, v46  }
0x1a8: {  	v3 =	vor.u32 v3, v4  }
0x1a9: {  	v4 =	vperm.xlane v3, v0;
	_ =	sdelay $0x1  }
0x1aa: {  	v4 =	vadd.s32 v1, v4;
	_ =	sdelay $0x4  }
0x1ab: {  	[tilespmem:s1], [sflag:$0x3] =	stream.indirect_vreg.gather [hbm4b:s2+s3], $0x80, v4, vm0, $0xb8;
	[tilespmem:$0x18200] =	vst v63  }
0x1ac: {  	s8 =	simm.s32 $0x8A00;
	v3 =	vperm.xlane v3, v2  }
0x1ad: {  	[tilespmem:s8], [sflag:$0x3] =	stream.indirect_vreg.gather [hbm4b:s5+s3], $0x80, v4, vm0, $0xb8;
	[tilespmem:$0x18200] =	vst v63  }
0x1ae: {  	s28 =	simm.s32 $0x9200;
	v3 =	vadd.s32 v1, v3  }
0x1af: {  	[tilespmem:s28], [sflag:$0x3] =	stream.indirect_vreg.gather [hbm4b:s6+s3], $0x80, v4, vm0, $0xb8;
	[tilespmem:$0x18200] =	vst v63  }
0x1b0: {  	s10 =	simm.s32 $0x9A00  }
0x1b1: {  	[tilespmem:s10], [sflag:$0x3] =	stream.indirect_vreg.gather [hbm4b:s7+s3], $0x80, v4, vm0, $0xb8;
	[tilespmem:$0x18200] =	vst v63  }
0x1b2: {  	s20 =	simm.s32 $0xA200  }
0x1b3: {  	[tilespmem:s20], [sflag:$0x3] =	stream.indirect_vreg.gather [hbm4b:s2+s3], $0x80, v3, vm0, $0xb8;
	[tilespmem:$0x18200] =	vst v63  }
0x1b4: {  	s21 =	simm.s32 $0xAA00  }
0x1b5: {  	[tilespmem:s21], [sflag:$0x3] =	stream.indirect_vreg.gather [hbm4b:s5+s3], $0x80, v3, vm0, $0xb8;
	[tilespmem:$0x18200] =	vst v63  }
0x1b6: {  	s22 =	simm.s32 $0xB200  }
0x1b7: {  	[tilespmem:s22], [sflag:$0x3] =	stream.indirect_vreg.gather [hbm4b:s6+s3], $0x80, v3, vm0, $0xb8;
	[tilespmem:$0x18200] =	vst v63  }
0x1b8: {  	s24 =	simm.s32 $0xBA00  }
0x1b9: {  	[tilespmem:s24], [sflag:$0x3] =	stream.indirect_vreg.gather [hbm4b:s7+s3], $0x80, v3, vm0, $0xb8;
	[tilespmem:$0x18200] =	vst v63  }
0x1ba: {  	_ =	swait.ge [sflag:s13], $0x4000  }
0x1bb: {  	[sflag:s13] =	ssyncset.done $0x0  }
0x1bc: {  	s8 =	simm.s32 $0xC200;
	s1 =	rddreg [dreg:$0xe];
	[sflag:s13] =	ssyncadd.s32 $0xFFFFC000  }
0x1bd: {  	[hbm4b:s1+s3] =	stream.linear.scatter [tilespmem:s8], [sflag:$0xA], $0x4000, $0x38;
	[tilespmem:$0x18200] =	vst v63  }
0x1be: {  	_ =	swait.ge [sflag:s14], $0x4000  }
0x1bf: {  	[sflag:s14] =	ssyncset.done $0x0  }
0x1c0: {  	[sflag:s14] =	ssyncadd.s32 $0xFFFFC000  }
0x1c1: {  	v3 =	vld [tilespmem:$0xF0];
	_ =	sdelay $0x4  }
0x1c2: {  	v47 =	vshll.u32 v3, $0x3  }
0x1c3: {  	v3 =	vand.u32 $0x7, v3;
	v4 =	vand.u32 $0xFFFFFFC0, v47  }
0x1c4: {  	v3 =	vor.u32 v3, v4  }
0x1c5: {  	v4 =	vperm.xlane v3, v0;
	_ =	sdelay $0x1  }
0x1c6: {  	v4 =	vadd.s32 v1, v4;
	_ =	sdelay $0x4  }
0x1c7: {  	[tilespmem:s8], [sflag:$0x4] =	stream.indirect_vreg.gather [hbm4b:s2+s3], $0x80, v4, vm0, $0xb8;
	[tilespmem:$0x18200] =	vst v63  }
0x1c8: {  	s24 =	simm.s32 $0xCA00;
	v3 =	vperm.xlane v3, v2  }
0x1c9: {  	[tilespmem:s24], [sflag:$0x4] =	stream.indirect_vreg.gather [hbm4b:s5+s3], $0x80, v4, vm0, $0xb8;
	[tilespmem:$0x18200] =	vst v63  }
0x1ca: {  	s10 =	simm.s32 $0xD200;
	v3 =	vadd.s32 v1, v3  }
0x1cb: {  	[tilespmem:s10], [sflag:$0x4] =	stream.indirect_vreg.gather [hbm4b:s6+s3], $0x80, v4, vm0, $0xb8;
	[tilespmem:$0x18200] =	vst v63  }
0x1cc: {  	s20 =	simm.s32 $0xDA00  }
0x1cd: {  	[tilespmem:s20], [sflag:$0x4] =	stream.indirect_vreg.gather [hbm4b:s7+s3], $0x80, v4, vm0, $0xb8;
	[tilespmem:$0x18200] =	vst v63  }
0x1ce: {  	s22 =	simm.s32 $0xE200  }
0x1cf: {  	[tilespmem:s22], [sflag:$0x4] =	stream.indirect_vreg.gather [hbm4b:s2+s3], $0x80, v3, vm0, $0xb8;
	[tilespmem:$0x18200] =	vst v63  }
0x1d0: {  	s22 =	simm.s32 $0xEA00  }
0x1d1: {  	[tilespmem:s22], [sflag:$0x4] =	stream.indirect_vreg.gather [hbm4b:s5+s3], $0x80, v3, vm0, $0xb8;
	[tilespmem:$0x18200] =	vst v63  }
0x1d2: {  	s8 =	simm.s32 $0xF200  }
0x1d3: {  	[tilespmem:s8], [sflag:$0x4] =	stream.indirect_vreg.gather [hbm4b:s6+s3], $0x80, v3, vm0, $0xb8;
	[tilespmem:$0x18200] =	vst v63  }
0x1d4: {  	s8 =	simm.s32 $0xFA00  }
0x1d5: {  	[tilespmem:s8], [sflag:$0x4] =	stream.indirect_vreg.gather [hbm4b:s7+s3], $0x80, v3, vm0, $0xb8;
	[tilespmem:$0x18200] =	vst v63  }
0x1d6: {  	_ =	swait.ge [sflag:s15], $0x4000  }
0x1d7: {  	[sflag:s15] =	ssyncset.done $0x0  }
0x1d8: {  	s1 =	simm.s32 $0x10200;
	s10 =	rddreg [dreg:$0xf];
	[sflag:s15] =	ssyncadd.s32 $0xFFFFC000  }
0x1d9: {  	[hbm4b:s10+s3] =	stream.linear.scatter [tilespmem:s1], [sflag:$0xB], $0x4000, $0x38;
	[tilespmem:$0x18200] =	vst v63  }
0x1da: {  	_ =	swait.ge [sflag:s16], $0x4000  }
0x1db: {  	[sflag:s16] =	ssyncset.done $0x0  }
0x1dc: {  	[sflag:s16] =	ssyncadd.s32 $0xFFFFC000  }
0x1dd: {  	v3 =	vld [tilespmem:$0x100];
	_ =	sdelay $0x4  }
0x1de: {  	v48 =	vshll.u32 v3, $0x3  }
0x1df: {  	v3 =	vand.u32 $0x7, v3;
	v4 =	vand.u32 $0xFFFFFFC0, v48  }
0x1e0: {  	v3 =	vor.u32 v3, v4  }
0x1e1: {  	v4 =	vperm.xlane v3, v0;
	_ =	sdelay $0x1  }
0x1e2: {  	v4 =	vadd.s32 v1, v4;
	_ =	sdelay $0x4  }
0x1e3: {  	[tilespmem:s1], [sflag:$0x5] =	stream.indirect_vreg.gather [hbm4b:s2+s3], $0x80, v4, vm0, $0xb8;
	[tilespmem:$0x18200] =	vst v63  }
0x1e4: {  	s20 =	simm.s32 $0x10A00;
	v3 =	vperm.xlane v3, v2  }
0x1e5: {  	[tilespmem:s20], [sflag:$0x5] =	stream.indirect_vreg.gather [hbm4b:s5+s3], $0x80, v4, vm0, $0xb8;
	[tilespmem:$0x18200] =	vst v63  }
0x1e6: {  	v3 =	vadd.s32 v1, v3  }
0x1e7: {  	[tilespmem:s26], [sflag:$0x5] =	stream.indirect_vreg.gather [hbm4b:s6+s3], $0x80, v4, vm0, $0xb8;
	[tilespmem:$0x18200] =	vst v63  }
0x1e8: {  	_ = 	snop  }
0x1e9: {  	[tilespmem:s4], [sflag:$0x5] =	stream.indirect_vreg.gather [hbm4b:s7+s3], $0x80, v4, vm0, $0xb8;
	[tilespmem:$0x18200] =	vst v63  }
0x1ea: {  	_ = 	snop  }
0x1eb: {  	[tilespmem:s29], [sflag:$0x5] =	stream.indirect_vreg.gather [hbm4b:s2+s3], $0x80, v3, vm0, $0xb8;
	[tilespmem:$0x18200] =	vst v63  }
0x1ec: {  	_ = 	snop  }
0x1ed: {  	[tilespmem:s31], [sflag:$0x5] =	stream.indirect_vreg.gather [hbm4b:s5+s3], $0x80, v3, vm0, $0xb8;
	[tilespmem:$0x18200] =	vst v63  }
0x1ee: {  	s10 =	simm.s32 $0x13200  }
0x1ef: {  	[tilespmem:s10], [sflag:$0x5] =	stream.indirect_vreg.gather [hbm4b:s6+s3], $0x80, v3, vm0, $0xb8;
	[tilespmem:$0x18200] =	vst v63  }
0x1f0: {  	s20 =	simm.s32 $0x13A00  }
0x1f1: {  	[tilespmem:s20], [sflag:$0x5] =	stream.indirect_vreg.gather [hbm4b:s7+s3], $0x80, v3, vm0, $0xb8;
	[tilespmem:$0x18200] =	vst v63  }
0x1f2: {  	_ =	swait.ge [sflag:s17], $0x4000  }
0x1f3: {  	[sflag:s17] =	ssyncset.done $0x0  }
0x1f4: {  	s29 =	simm.s32 $0x14200;
	s26 =	rddreg [dreg:$0x10];
	[sflag:s17] =	ssyncadd.s32 $0xFFFFC000  }
0x1f5: {  	[hbm4b:s26+s3] =	stream.linear.scatter [tilespmem:s29], [sflag:$0xC], $0x4000, $0x38;
	[tilespmem:$0x18200] =	vst v63  }
0x1f6: {  	_ =	swait.ge [sflag:s18], $0x4000  }
0x1f7: {  	[sflag:s18] =	ssyncset.done $0x0  }
0x1f8: {  	[sflag:s18] =	ssyncadd.s32 $0xFFFFC000  }
0x1f9: {  	v3 =	vld [tilespmem:$0x110];
	_ =	sdelay $0x4  }
0x1fa: {  	v49 =	vshll.u32 v3, $0x3  }
0x1fb: {  	v3 =	vand.u32 $0x7, v3;
	v4 =	vand.u32 $0xFFFFFFC0, v49  }
0x1fc: {  	v3 =	vor.u32 v3, v4  }
0x1fd: {  	v4 =	vperm.xlane v3, v0;
	_ =	sdelay $0x1  }
0x1fe: {  	v4 =	vadd.s32 v1, v4;
	_ =	sdelay $0x4  }
0x1ff: {  	[tilespmem:s29], [sflag:$0x6] =	stream.indirect_vreg.gather [hbm4b:s2+s3], $0x80, v4, vm0, $0xb8;
	[tilespmem:$0x18200] =	vst v63  }
0x200: {  	s31 =	simm.s32 $0x14A00;
	v3 =	vperm.xlane v3, v2  }
0x201: {  	[tilespmem:s31], [sflag:$0x6] =	stream.indirect_vreg.gather [hbm4b:s5+s3], $0x80, v4, vm0, $0xb8;
	[tilespmem:$0x18200] =	vst v63  }
0x202: {  	s20 =	simm.s32 $0x15200;
	v3 =	vadd.s32 v1, v3  }
0x203: {  	[tilespmem:s20], [sflag:$0x6] =	stream.indirect_vreg.gather [hbm4b:s6+s3], $0x80, v4, vm0, $0xb8;
	[tilespmem:$0x18200] =	vst v63  }
0x204: {  	s26 =	simm.s32 $0x15A00  }
0x205: {  	[tilespmem:s26], [sflag:$0x6] =	stream.indirect_vreg.gather [hbm4b:s7+s3], $0x80, v4, vm0, $0xb8;
	[tilespmem:$0x18200] =	vst v63  }
0x206: {  	s29 =	simm.s32 $0x16200  }
0x207: {  	[tilespmem:s29], [sflag:$0x6] =	stream.indirect_vreg.gather [hbm4b:s2+s3], $0x80, v3, vm0, $0xb8;
	[tilespmem:$0x18200] =	vst v63  }
0x208: {  	s31 =	simm.s32 $0x16A00  }
0x209: {  	[tilespmem:s31], [sflag:$0x6] =	stream.indirect_vreg.gather [hbm4b:s5+s3], $0x80, v3, vm0, $0xb8;
	[tilespmem:$0x18200] =	vst v63  }
0x20a: {  	s20 =	simm.s32 $0x17200  }
0x20b: {  	[tilespmem:s20], [sflag:$0x6] =	stream.indirect_vreg.gather [hbm4b:s6+s3], $0x80, v3, vm0, $0xb8;
	[tilespmem:$0x18200] =	vst v63  }
0x20c: {  	s26 =	simm.s32 $0x17A00  }
0x20d: {  	[tilespmem:s26], [sflag:$0x6] =	stream.indirect_vreg.gather [hbm4b:s7+s3], $0x80, v3, vm0, $0xb8;
	[tilespmem:$0x18200] =	vst v63  }
0x20e: {  	_ =	swait.ge [sflag:s11], $0x4000  }
0x20f: {  	[sflag:s11] =	ssyncset.done $0x0  }
0x210: {  	s29 =	rddreg [dreg:$0x11];
	[sflag:s11] =	ssyncadd.s32 $0xFFFFC000  }
0x211: {  	[hbm4b:s29+s3] =	stream.linear.scatter [tilespmem:s25], [sflag:$0x7], $0x4000, $0x38;
	[tilespmem:$0x18200] =	vst v63  }
0x212: {  	_ =	swait.ge [sflag:s9], $0x4000  }
0x213: {  	[sflag:s9] =	ssyncset.done $0x0  }
0x214: {  	[sflag:s9] =	ssyncadd.s32 $0xFFFFC000  }
0x215: {  	v3 =	vld [tilespmem:$0x120];
	_ =	sdelay $0x4  }
0x216: {  	v50 =	vshll.u32 v3, $0x3  }
0x217: {  	v3 =	vand.u32 $0x7, v3;
	v4 =	vand.u32 $0xFFFFFFC0, v50  }
0x218: {  	v3 =	vor.u32 v3, v4  }
0x219: {  	v4 =	vperm.xlane v3, v0;
	_ =	sdelay $0x1  }
0x21a: {  	v4 =	vadd.s32 v1, v4;
	_ =	sdelay $0x4  }
0x21b: {  	[tilespmem:s25], [sflag:$0x1] =	stream.indirect_vreg.gather [hbm4b:s2+s3], $0x80, v4, vm0, $0xb8;
	[tilespmem:$0x18200] =	vst v63  }
0x21c: {  	s31 =	simm.s32 $0xA00;
	v3 =	vperm.xlane v3, v2  }
0x21d: {  	[tilespmem:s31], [sflag:$0x1] =	stream.indirect_vreg.gather [hbm4b:s5+s3], $0x80, v4, vm0, $0xb8;
	[tilespmem:$0x18200] =	vst v63  }
0x21e: {  	s20 =	simm.s32 $0x1200;
	v3 =	vadd.s32 v1, v3  }
0x21f: {  	[tilespmem:s20], [sflag:$0x1] =	stream.indirect_vreg.gather [hbm4b:s6+s3], $0x80, v4, vm0, $0xb8;
	[tilespmem:$0x18200] =	vst v63  }
0x220: {  	s26 =	simm.s32 $0x1A00  }
0x221: {  	[tilespmem:s26], [sflag:$0x1] =	stream.indirect_vreg.gather [hbm4b:s7+s3], $0x80, v4, vm0, $0xb8;
	[tilespmem:$0x18200] =	vst v63  }
0x222: {  	s29 =	simm.s32 $0x2200  }
0x223: {  	[tilespmem:s29], [sflag:$0x1] =	stream.indirect_vreg.gather [hbm4b:s2+s3], $0x80, v3, vm0, $0xb8;
	[tilespmem:$0x18200] =	vst v63  }
0x224: {  	s26 =	simm.s32 $0x2A00  }
0x225: {  	[tilespmem:s26], [sflag:$0x1] =	stream.indirect_vreg.gather [hbm4b:s5+s3], $0x80, v3, vm0, $0xb8;
	[tilespmem:$0x18200] =	vst v63  }
0x226: {  	s29 =	simm.s32 $0x3200  }
0x227: {  	[tilespmem:s29], [sflag:$0x1] =	stream.indirect_vreg.gather [hbm4b:s6+s3], $0x80, v3, vm0, $0xb8;
	[tilespmem:$0x18200] =	vst v63  }
0x228: {  	s31 =	simm.s32 $0x3A00  }
0x229: {  	[tilespmem:s31], [sflag:$0x1] =	stream.indirect_vreg.gather [hbm4b:s7+s3], $0x80, v3, vm0, $0xb8;
	[tilespmem:$0x18200] =	vst v63  }
0x22a: {  	_ =	swait.ge [sflag:s30], $0x4000  }
0x22b: {  	[sflag:s30] =	ssyncset.done $0x0  }
0x22c: {  	s31 =	simm.s32 $0x4200;
	s4 =	rddreg [dreg:$0x12];
	[sflag:s30] =	ssyncadd.s32 $0xFFFFC000  }
0x22d: {  	[hbm4b:s4+s3] =	stream.linear.scatter [tilespmem:s31], [sflag:$0x8], $0x4000, $0x38;
	[tilespmem:$0x18200] =	vst v63  }
0x22e: {  	_ =	swait.ge [sflag:s0], $0x4000  }
0x22f: {  	[sflag:s0] =	ssyncset.done $0x0  }
0x230: {  	[sflag:s0] =	ssyncadd.s32 $0xFFFFC000  }
0x231: {  	v3 =	vld [tilespmem:$0x130];
	_ =	sdelay $0x4  }
0x232: {  	v51 =	vshll.u32 v3, $0x3  }
0x233: {  	v3 =	vand.u32 $0x7, v3;
	v4 =	vand.u32 $0xFFFFFFC0, v51  }
0x234: {  	v3 =	vor.u32 v3, v4  }
0x235: {  	v4 =	vperm.xlane v3, v0;
	_ =	sdelay $0x1  }
0x236: {  	v4 =	vadd.s32 v1, v4;
	_ =	sdelay $0x4  }
0x237: {  	[tilespmem:s31], [sflag:$0x2] =	stream.indirect_vreg.gather [hbm4b:s2+s3], $0x80, v4, vm0, $0xb8;
	[tilespmem:$0x18200] =	vst v63  }
0x238: {  	v3 =	vperm.xlane v3, v2;
	s31 =	simm.s32 $0x4A00  }
0x239: {  	[tilespmem:s31], [sflag:$0x2] =	stream.indirect_vreg.gather [hbm4b:s5+s3], $0x80, v4, vm0, $0xb8;
	[tilespmem:$0x18200] =	vst v63  }
0x23a: {  	s4 =	simm.s32 $0x5200;
	v3 =	vadd.s32 v1, v3  }
0x23b: {  	[tilespmem:s4], [sflag:$0x2] =	stream.indirect_vreg.gather [hbm4b:s6+s3], $0x80, v4, vm0, $0xb8;
	[tilespmem:$0x18200] =	vst v63  }
0x23c: {  	s31 =	simm.s32 $0x5A00  }
0x23d: {  	[tilespmem:s31], [sflag:$0x2] =	stream.indirect_vreg.gather [hbm4b:s7+s3], $0x80, v4, vm0, $0xb8;
	[tilespmem:$0x18200] =	vst v63  }
0x23e: {  	s20 =	simm.s32 $0x6200  }
0x23f: {  	[tilespmem:s20], [sflag:$0x2] =	stream.indirect_vreg.gather [hbm4b:s2+s3], $0x80, v3, vm0, $0xb8;
	[tilespmem:$0x18200] =	vst v63  }
0x240: {  	s20 =	simm.s32 $0x6A00  }
0x241: {  	[tilespmem:s20], [sflag:$0x2] =	stream.indirect_vreg.gather [hbm4b:s5+s3], $0x80, v3, vm0, $0xb8;
	[tilespmem:$0x18200] =	vst v63  }
0x242: {  	s20 =	simm.s32 $0x7200  }
0x243: {  	[tilespmem:s20], [sflag:$0x2] =	stream.indirect_vreg.gather [hbm4b:s6+s3], $0x80, v3, vm0, $0xb8;
	[tilespmem:$0x18200] =	vst v63  }
0x244: {  	s20 =	simm.s32 $0x7A00  }
0x245: {  	[tilespmem:s20], [sflag:$0x2] =	stream.indirect_vreg.gather [hbm4b:s7+s3], $0x80, v3, vm0, $0xb8;
	[tilespmem:$0x18200] =	vst v63  }
0x246: {  	_ =	swait.ge [sflag:s23], $0x4000  }
0x247: {  	[sflag:s23] =	ssyncset.done $0x0  }
0x248: {  	s19 =	simm.s32 $0x8200;
	s20 =	rddreg [dreg:$0x13];
	[sflag:s23] =	ssyncadd.s32 $0xFFFFC000  }
0x249: {  	[hbm4b:s20+s3] =	stream.linear.scatter [tilespmem:s19], [sflag:$0x9], $0x4000, $0x38;
	[tilespmem:$0x18200] =	vst v63  }
0x24a: {  	_ =	swait.ge [sflag:s12], $0x4000  }
0x24b: {  	[sflag:s12] =	ssyncset.done $0x0  }
0x24c: {  	[sflag:s12] =	ssyncadd.s32 $0xFFFFC000  }
0x24d: {  	v3 =	vld [tilespmem:$0x140];
	_ =	sdelay $0x4  }
0x24e: {  	v52 =	vshll.u32 v3, $0x3  }
0x24f: {  	v3 =	vand.u32 $0x7, v3;
	v4 =	vand.u32 $0xFFFFFFC0, v52  }
0x250: {  	v3 =	vor.u32 v3, v4  }
0x251: {  	v4 =	vperm.xlane v3, v0;
	_ =	sdelay $0x1  }
0x252: {  	v4 =	vadd.s32 v1, v4;
	_ =	sdelay $0x4  }
0x253: {  	[tilespmem:s19], [sflag:$0x3] =	stream.indirect_vreg.gather [hbm4b:s2+s3], $0x80, v4, vm0, $0xb8;
	[tilespmem:$0x18200] =	vst v63  }
0x254: {  	s20 =	simm.s32 $0x8A00;
	v3 =	vperm.xlane v3, v2  }
0x255: {  	[tilespmem:s20], [sflag:$0x3] =	stream.indirect_vreg.gather [hbm4b:s5+s3], $0x80, v4, vm0, $0xb8;
	[tilespmem:$0x18200] =	vst v63  }
0x256: {  	v3 =	vadd.s32 v1, v3  }
0x257: {  	[tilespmem:s28], [sflag:$0x3] =	stream.indirect_vreg.gather [hbm4b:s6+s3], $0x80, v4, vm0, $0xb8;
	[tilespmem:$0x18200] =	vst v63  }
0x258: {  	s20 =	simm.s32 $0x9A00  }
0x259: {  	[tilespmem:s20], [sflag:$0x3] =	stream.indirect_vreg.gather [hbm4b:s7+s3], $0x80, v4, vm0, $0xb8;
	[tilespmem:$0x18200] =	vst v63  }
0x25a: {  	s20 =	simm.s32 $0xA200  }
0x25b: {  	[tilespmem:s20], [sflag:$0x3] =	stream.indirect_vreg.gather [hbm4b:s2+s3], $0x80, v3, vm0, $0xb8;
	[tilespmem:$0x18200] =	vst v63  }
0x25c: {  	s20 =	simm.s32 $0xAA00  }
0x25d: {  	[tilespmem:s20], [sflag:$0x3] =	stream.indirect_vreg.gather [hbm4b:s5+s3], $0x80, v3, vm0, $0xb8;
	[tilespmem:$0x18200] =	vst v63  }
0x25e: {  	s20 =	simm.s32 $0xB200  }
0x25f: {  	[tilespmem:s20], [sflag:$0x3] =	stream.indirect_vreg.gather [hbm4b:s6+s3], $0x80, v3, vm0, $0xb8;
	[tilespmem:$0x18200] =	vst v63  }
0x260: {  	s20 =	simm.s32 $0xBA00  }
0x261: {  	[tilespmem:s20], [sflag:$0x3] =	stream.indirect_vreg.gather [hbm4b:s7+s3], $0x80, v3, vm0, $0xb8;
	[tilespmem:$0x18200] =	vst v63  }
0x262: {  	_ =	swait.ge [sflag:s13], $0x4000  }
0x263: {  	[sflag:s13] =	ssyncset.done $0x0  }
0x264: {  	s21 =	simm.s32 $0xC200;
	s19 =	rddreg [dreg:$0x14];
	[sflag:s13] =	ssyncadd.s32 $0xFFFFC000  }
0x265: {  	[hbm4b:s19+s3] =	stream.linear.scatter [tilespmem:s21], [sflag:$0xA], $0x4000, $0x38;
	[tilespmem:$0x18200] =	vst v63  }
0x266: {  	_ =	swait.ge [sflag:s14], $0x4000  }
0x267: {  	[sflag:s14] =	ssyncset.done $0x0  }
0x268: {  	[sflag:s14] =	ssyncadd.s32 $0xFFFFC000  }
0x269: {  	v3 =	vld [tilespmem:$0x150];
	_ =	sdelay $0x4  }
0x26a: {  	v53 =	vshll.u32 v3, $0x3  }
0x26b: {  	v3 =	vand.u32 $0x7, v3;
	v4 =	vand.u32 $0xFFFFFFC0, v53  }
0x26c: {  	v3 =	vor.u32 v3, v4  }
0x26d: {  	v4 =	vperm.xlane v3, v0;
	_ =	sdelay $0x1  }
0x26e: {  	v4 =	vadd.s32 v1, v4;
	_ =	sdelay $0x4  }
0x26f: {  	[tilespmem:s21], [sflag:$0x4] =	stream.indirect_vreg.gather [hbm4b:s2+s3], $0x80, v4, vm0, $0xb8;
	[tilespmem:$0x18200] =	vst v63  }
0x270: {  	v3 =	vperm.xlane v3, v2  }
0x271: {  	[tilespmem:s24], [sflag:$0x4] =	stream.indirect_vreg.gather [hbm4b:s5+s3], $0x80, v4, vm0, $0xb8;
	[tilespmem:$0x18200] =	vst v63  }
0x272: {  	v3 =	vadd.s32 v1, v3;
	s21 =	simm.s32 $0xD200  }
0x273: {  	[tilespmem:s21], [sflag:$0x4] =	stream.indirect_vreg.gather [hbm4b:s6+s3], $0x80, v4, vm0, $0xb8;
	[tilespmem:$0x18200] =	vst v63  }
0x274: {  	s19 =	simm.s32 $0xDA00  }
0x275: {  	[tilespmem:s19], [sflag:$0x4] =	stream.indirect_vreg.gather [hbm4b:s7+s3], $0x80, v4, vm0, $0xb8;
	[tilespmem:$0x18200] =	vst v63  }
0x276: {  	s21 =	simm.s32 $0xE200  }
0x277: {  	[tilespmem:s21], [sflag:$0x4] =	stream.indirect_vreg.gather [hbm4b:s2+s3], $0x80, v3, vm0, $0xb8;
	[tilespmem:$0x18200] =	vst v63  }
0x278: {  	_ = 	snop  }
0x279: {  	[tilespmem:s22], [sflag:$0x4] =	stream.indirect_vreg.gather [hbm4b:s5+s3], $0x80, v3, vm0, $0xb8;
	[tilespmem:$0x18200] =	vst v63  }
0x27a: {  	s22 =	simm.s32 $0xF200  }
0x27b: {  	[tilespmem:s22], [sflag:$0x4] =	stream.indirect_vreg.gather [hbm4b:s6+s3], $0x80, v3, vm0, $0xb8;
	[tilespmem:$0x18200] =	vst v63  }
0x27c: {  	_ = 	snop  }
0x27d: {  	[tilespmem:s8], [sflag:$0x4] =	stream.indirect_vreg.gather [hbm4b:s7+s3], $0x80, v3, vm0, $0xb8;
	[tilespmem:$0x18200] =	vst v63  }
0x27e: {  	_ =	swait.ge [sflag:s15], $0x4000  }
0x27f: {  	[sflag:s15] =	ssyncset.done $0x0  }
0x280: {  	s1 =	simm.s32 $0x10200;
	s8 =	rddreg [dreg:$0x15];
	[sflag:s15] =	ssyncadd.s32 $0xFFFFC000  }
0x281: {  	[hbm4b:s8+s3] =	stream.linear.scatter [tilespmem:s1], [sflag:$0xB], $0x4000, $0x38;
	[tilespmem:$0x18200] =	vst v63  }
0x282: {  	_ =	swait.ge [sflag:s16], $0x4000  }
0x283: {  	[sflag:s16] =	ssyncset.done $0x0  }
0x284: {  	[sflag:s16] =	ssyncadd.s32 $0xFFFFC000  }
0x285: {  	v3 =	vld [tilespmem:$0x160];
	_ =	sdelay $0x4  }
0x286: {  	v54 =	vshll.u32 v3, $0x3  }
0x287: {  	v3 =	vand.u32 $0x7, v3;
	v4 =	vand.u32 $0xFFFFFFC0, v54  }
0x288: {  	v3 =	vor.u32 v3, v4  }
0x289: {  	v4 =	vperm.xlane v3, v0;
	_ =	sdelay $0x1  }
0x28a: {  	v4 =	vadd.s32 v1, v4;
	_ =	sdelay $0x4  }
0x28b: {  	[tilespmem:s1], [sflag:$0x5] =	stream.indirect_vreg.gather [hbm4b:s2+s3], $0x80, v4, vm0, $0xb8;
	[tilespmem:$0x18200] =	vst v63  }
0x28c: {  	s19 =	simm.s32 $0x10A00;
	v3 =	vperm.xlane v3, v2  }
0x28d: {  	[tilespmem:s19], [sflag:$0x5] =	stream.indirect_vreg.gather [hbm4b:s5+s3], $0x80, v4, vm0, $0xb8;
	[tilespmem:$0x18200] =	vst v63  }
0x28e: {  	s21 =	simm.s32 $0x11200;
	v3 =	vadd.s32 v1, v3  }
0x28f: {  	[tilespmem:s21], [sflag:$0x5] =	stream.indirect_vreg.gather [hbm4b:s6+s3], $0x80, v4, vm0, $0xb8;
	[tilespmem:$0x18200] =	vst v63  }
0x290: {  	s8 =	simm.s32 $0x11A00  }
0x291: {  	[tilespmem:s8], [sflag:$0x5] =	stream.indirect_vreg.gather [hbm4b:s7+s3], $0x80, v4, vm0, $0xb8;
	[tilespmem:$0x18200] =	vst v63  }
0x292: {  	s19 =	simm.s32 $0x12200  }
0x293: {  	[tilespmem:s19], [sflag:$0x5] =	stream.indirect_vreg.gather [hbm4b:s2+s3], $0x80, v3, vm0, $0xb8;
	[tilespmem:$0x18200] =	vst v63  }
0x294: {  	s20 =	simm.s32 $0x12A00  }
0x295: {  	[tilespmem:s20], [sflag:$0x5] =	stream.indirect_vreg.gather [hbm4b:s5+s3], $0x80, v3, vm0, $0xb8;
	[tilespmem:$0x18200] =	vst v63  }
0x296: {  	s21 =	simm.s32 $0x13200  }
0x297: {  	[tilespmem:s21], [sflag:$0x5] =	stream.indirect_vreg.gather [hbm4b:s6+s3], $0x80, v3, vm0, $0xb8;
	[tilespmem:$0x18200] =	vst v63  }
0x298: {  	s8 =	simm.s32 $0x13A00  }
0x299: {  	[tilespmem:s8], [sflag:$0x5] =	stream.indirect_vreg.gather [hbm4b:s7+s3], $0x80, v3, vm0, $0xb8;
	[tilespmem:$0x18200] =	vst v63  }
0x29a: {  	_ =	swait.ge [sflag:s17], $0x4000  }
0x29b: {  	[sflag:s17] =	ssyncset.done $0x0  }
0x29c: {  	s10 =	simm.s32 $0x14200;
	s19 =	rddreg [dreg:$0x16];
	[sflag:s17] =	ssyncadd.s32 $0xFFFFC000  }
0x29d: {  	[hbm4b:s19+s3] =	stream.linear.scatter [tilespmem:s10], [sflag:$0xC], $0x4000, $0x38;
	[tilespmem:$0x18200] =	vst v63  }
0x29e: {  	_ =	swait.ge [sflag:s18], $0x4000  }
0x29f: {  	[sflag:s18] =	ssyncset.done $0x0  }
0x2a0: {  	[sflag:s18] =	ssyncadd.s32 $0xFFFFC000  }
0x2a1: {  	v3 =	vld [tilespmem:$0x170];
	_ =	sdelay $0x4  }
0x2a2: {  	v55 =	vshll.u32 v3, $0x3  }
0x2a3: {  	v3 =	vand.u32 $0x7, v3;
	v4 =	vand.u32 $0xFFFFFFC0, v55  }
0x2a4: {  	v3 =	vor.u32 v3, v4  }
0x2a5: {  	v4 =	vperm.xlane v3, v0;
	_ =	sdelay $0x1  }
0x2a6: {  	v4 =	vadd.s32 v1, v4;
	_ =	sdelay $0x4  }
0x2a7: {  	[tilespmem:s10], [sflag:$0x6] =	stream.indirect_vreg.gather [hbm4b:s2+s3], $0x80, v4, vm0, $0xb8;
	[tilespmem:$0x18200] =	vst v63  }
0x2a8: {  	s21 =	simm.s32 $0x14A00;
	v3 =	vperm.xlane v3, v2  }
0x2a9: {  	[tilespmem:s21], [sflag:$0x6] =	stream.indirect_vreg.gather [hbm4b:s5+s3], $0x80, v4, vm0, $0xb8;
	[tilespmem:$0x18200] =	vst v63  }
0x2aa: {  	s1 =	simm.s32 $0x15200;
	v3 =	vadd.s32 v1, v3  }
0x2ab: {  	[tilespmem:s1], [sflag:$0x6] =	stream.indirect_vreg.gather [hbm4b:s6+s3], $0x80, v4, vm0, $0xb8;
	[tilespmem:$0x18200] =	vst v63  }
0x2ac: {  	s8 =	simm.s32 $0x15A00  }
0x2ad: {  	[tilespmem:s8], [sflag:$0x6] =	stream.indirect_vreg.gather [hbm4b:s7+s3], $0x80, v4, vm0, $0xb8;
	[tilespmem:$0x18200] =	vst v63  }
0x2ae: {  	s10 =	simm.s32 $0x16200  }
0x2af: {  	[tilespmem:s10], [sflag:$0x6] =	stream.indirect_vreg.gather [hbm4b:s2+s3], $0x80, v3, vm0, $0xb8;
	[tilespmem:$0x18200] =	vst v63  }
0x2b0: {  	s19 =	simm.s32 $0x16A00  }
0x2b1: {  	[tilespmem:s19], [sflag:$0x6] =	stream.indirect_vreg.gather [hbm4b:s5+s3], $0x80, v3, vm0, $0xb8;
	[tilespmem:$0x18200] =	vst v63  }
0x2b2: {  	s21 =	simm.s32 $0x17200  }
0x2b3: {  	[tilespmem:s21], [sflag:$0x6] =	stream.indirect_vreg.gather [hbm4b:s6+s3], $0x80, v3, vm0, $0xb8;
	[tilespmem:$0x18200] =	vst v63  }
0x2b4: {  	s1 =	simm.s32 $0x17A00  }
0x2b5: {  	[tilespmem:s1], [sflag:$0x6] =	stream.indirect_vreg.gather [hbm4b:s7+s3], $0x80, v3, vm0, $0xb8;
	[tilespmem:$0x18200] =	vst v63  }
0x2b6: {  	_ =	swait.ge [sflag:s11], $0x4000  }
0x2b7: {  	[sflag:s11] =	ssyncset.done $0x0  }
0x2b8: {  	s8 =	rddreg [dreg:$0x17];
	[sflag:s11] =	ssyncadd.s32 $0xFFFFC000  }
0x2b9: {  	[hbm4b:s8+s3] =	stream.linear.scatter [tilespmem:s25], [sflag:$0x7], $0x4000, $0x38;
	[tilespmem:$0x18200] =	vst v63  }
0x2ba: {  	_ =	swait.ge [sflag:s9], $0x4000  }
0x2bb: {  	[sflag:s9] =	ssyncset.done $0x0  }
0x2bc: {  	[sflag:s9] =	ssyncadd.s32 $0xFFFFC000  }
0x2bd: {  	v3 =	vld [tilespmem:$0x180];
	_ =	sdelay $0x4  }
0x2be: {  	v56 =	vshll.u32 v3, $0x3  }
0x2bf: {  	v3 =	vand.u32 $0x7, v3;
	v4 =	vand.u32 $0xFFFFFFC0, v56  }
0x2c0: {  	v3 =	vor.u32 v3, v4  }
0x2c1: {  	v4 =	vperm.xlane v3, v0;
	_ =	sdelay $0x1  }
0x2c2: {  	v4 =	vadd.s32 v1, v4;
	_ =	sdelay $0x4  }
0x2c3: {  	[tilespmem:s25], [sflag:$0x1] =	stream.indirect_vreg.gather [hbm4b:s2+s3], $0x80, v4, vm0, $0xb8;
	[tilespmem:$0x18200] =	vst v63  }
0x2c4: {  	s10 =	simm.s32 $0xA00;
	v3 =	vperm.xlane v3, v2  }
0x2c5: {  	[tilespmem:s10], [sflag:$0x1] =	stream.indirect_vreg.gather [hbm4b:s5+s3], $0x80, v4, vm0, $0xb8;
	[tilespmem:$0x18200] =	vst v63  }
0x2c6: {  	s19 =	simm.s32 $0x1200;
	v3 =	vadd.s32 v1, v3  }
0x2c7: {  	[tilespmem:s19], [sflag:$0x1] =	stream.indirect_vreg.gather [hbm4b:s6+s3], $0x80, v4, vm0, $0xb8;
	[tilespmem:$0x18200] =	vst v63  }
0x2c8: {  	s20 =	simm.s32 $0x1A00  }
0x2c9: {  	[tilespmem:s20], [sflag:$0x1] =	stream.indirect_vreg.gather [hbm4b:s7+s3], $0x80, v4, vm0, $0xb8;
	[tilespmem:$0x18200] =	vst v63  }
0x2ca: {  	s21 =	simm.s32 $0x2200  }
0x2cb: {  	[tilespmem:s21], [sflag:$0x1] =	stream.indirect_vreg.gather [hbm4b:s2+s3], $0x80, v3, vm0, $0xb8;
	[tilespmem:$0x18200] =	vst v63  }
0x2cc: {  	_ = 	snop  }
0x2cd: {  	[tilespmem:s26], [sflag:$0x1] =	stream.indirect_vreg.gather [hbm4b:s5+s3], $0x80, v3, vm0, $0xb8;
	[tilespmem:$0x18200] =	vst v63  }
0x2ce: {  	_ = 	snop  }
0x2cf: {  	[tilespmem:s29], [sflag:$0x1] =	stream.indirect_vreg.gather [hbm4b:s6+s3], $0x80, v3, vm0, $0xb8;
	[tilespmem:$0x18200] =	vst v63  }
0x2d0: {  	s8 =	simm.s32 $0x3A00  }
0x2d1: {  	[tilespmem:s8], [sflag:$0x1] =	stream.indirect_vreg.gather [hbm4b:s7+s3], $0x80, v3, vm0, $0xb8;
	[tilespmem:$0x18200] =	vst v63  }
0x2d2: {  	_ =	swait.ge [sflag:s30], $0x4000  }
0x2d3: {  	[sflag:s30] =	ssyncset.done $0x0  }
0x2d4: {  	s8 =	simm.s32 $0x4200;
	s1 =	rddreg [dreg:$0x18];
	[sflag:s30] =	ssyncadd.s32 $0xFFFFC000  }
0x2d5: {  	[hbm4b:s1+s3] =	stream.linear.scatter [tilespmem:s8], [sflag:$0x8], $0x4000, $0x38;
	[tilespmem:$0x18200] =	vst v63  }
0x2d6: {  	_ =	swait.ge [sflag:s0], $0x4000  }
0x2d7: {  	[sflag:s0] =	ssyncset.done $0x0  }
0x2d8: {  	[sflag:s0] =	ssyncadd.s32 $0xFFFFC000  }
0x2d9: {  	v3 =	vld [tilespmem:$0x190];
	_ =	sdelay $0x4  }
0x2da: {  	v57 =	vshll.u32 v3, $0x3  }
0x2db: {  	v3 =	vand.u32 $0x7, v3;
	v4 =	vand.u32 $0xFFFFFFC0, v57  }
0x2dc: {  	v3 =	vor.u32 v3, v4  }
0x2dd: {  	v4 =	vperm.xlane v3, v0;
	_ =	sdelay $0x1  }
0x2de: {  	v4 =	vadd.s32 v1, v4;
	_ =	sdelay $0x4  }
0x2df: {  	[tilespmem:s8], [sflag:$0x2] =	stream.indirect_vreg.gather [hbm4b:s2+s3], $0x80, v4, vm0, $0xb8;
	[tilespmem:$0x18200] =	vst v63  }
0x2e0: {  	s1 =	simm.s32 $0x4A00;
	v3 =	vperm.xlane v3, v2  }
0x2e1: {  	[tilespmem:s1], [sflag:$0x2] =	stream.indirect_vreg.gather [hbm4b:s5+s3], $0x80, v4, vm0, $0xb8;
	[tilespmem:$0x18200] =	vst v63  }
0x2e2: {  	v3 =	vadd.s32 v1, v3  }
0x2e3: {  	[tilespmem:s4], [sflag:$0x2] =	stream.indirect_vreg.gather [hbm4b:s6+s3], $0x80, v4, vm0, $0xb8;
	[tilespmem:$0x18200] =	vst v63  }
0x2e4: {  	_ = 	snop  }
0x2e5: {  	[tilespmem:s31], [sflag:$0x2] =	stream.indirect_vreg.gather [hbm4b:s7+s3], $0x80, v4, vm0, $0xb8;
	[tilespmem:$0x18200] =	vst v63  }
0x2e6: {  	s1 =	simm.s32 $0x6200  }
0x2e7: {  	[tilespmem:s1], [sflag:$0x2] =	stream.indirect_vreg.gather [hbm4b:s2+s3], $0x80, v3, vm0, $0xb8;
	[tilespmem:$0x18200] =	vst v63  }
0x2e8: {  	s20 =	simm.s32 $0x6A00  }
0x2e9: {  	[tilespmem:s20], [sflag:$0x2] =	stream.indirect_vreg.gather [hbm4b:s5+s3], $0x80, v3, vm0, $0xb8;
	[tilespmem:$0x18200] =	vst v63  }
0x2ea: {  	s1 =	simm.s32 $0x7200  }
0x2eb: {  	[tilespmem:s1], [sflag:$0x2] =	stream.indirect_vreg.gather [hbm4b:s6+s3], $0x80, v3, vm0, $0xb8;
	[tilespmem:$0x18200] =	vst v63  }
0x2ec: {  	s20 =	simm.s32 $0x7A00  }
0x2ed: {  	[tilespmem:s20], [sflag:$0x2] =	stream.indirect_vreg.gather [hbm4b:s7+s3], $0x80, v3, vm0, $0xb8;
	[tilespmem:$0x18200] =	vst v63  }
0x2ee: {  	_ =	swait.ge [sflag:s23], $0x4000  }
0x2ef: {  	[sflag:s23] =	ssyncset.done $0x0  }
0x2f0: {  	s4 =	simm.s32 $0x8200;
	s1 =	rddreg [dreg:$0x19];
	[sflag:s23] =	ssyncadd.s32 $0xFFFFC000  }
0x2f1: {  	[hbm4b:s1+s3] =	stream.linear.scatter [tilespmem:s4], [sflag:$0x9], $0x4000, $0x38;
	[tilespmem:$0x18200] =	vst v63  }
0x2f2: {  	_ =	swait.ge [sflag:s12], $0x4000  }
0x2f3: {  	[sflag:s12] =	ssyncset.done $0x0  }
0x2f4: {  	[sflag:s12] =	ssyncadd.s32 $0xFFFFC000  }
0x2f5: {  	v3 =	vld [tilespmem:$0x1A0];
	_ =	sdelay $0x4  }
0x2f6: {  	v58 =	vshll.u32 v3, $0x3  }
0x2f7: {  	v3 =	vand.u32 $0x7, v3;
	v4 =	vand.u32 $0xFFFFFFC0, v58  }
0x2f8: {  	v3 =	vor.u32 v3, v4  }
0x2f9: {  	v4 =	vperm.xlane v3, v0;
	_ =	sdelay $0x1  }
0x2fa: {  	v4 =	vadd.s32 v1, v4;
	_ =	sdelay $0x4  }
0x2fb: {  	[tilespmem:s4], [sflag:$0x3] =	stream.indirect_vreg.gather [hbm4b:s2+s3], $0x80, v4, vm0, $0xb8;
	[tilespmem:$0x18200] =	vst v63  }
0x2fc: {  	s20 =	simm.s32 $0x8A00;
	v3 =	vperm.xlane v3, v2  }
0x2fd: {  	[tilespmem:s20], [sflag:$0x3] =	stream.indirect_vreg.gather [hbm4b:s5+s3], $0x80, v4, vm0, $0xb8;
	[tilespmem:$0x18200] =	vst v63  }
0x2fe: {  	s28 =	simm.s32 $0x9200;
	v3 =	vadd.s32 v1, v3  }
0x2ff: {  	[tilespmem:s28], [sflag:$0x3] =	stream.indirect_vreg.gather [hbm4b:s6+s3], $0x80, v4, vm0, $0xb8;
	[tilespmem:$0x18200] =	vst v63  }
0x300: {  	s28 =	simm.s32 $0x9A00  }
0x301: {  	[tilespmem:s28], [sflag:$0x3] =	stream.indirect_vreg.gather [hbm4b:s7+s3], $0x80, v4, vm0, $0xb8;
	[tilespmem:$0x18200] =	vst v63  }
0x302: {  	s20 =	simm.s32 $0xA200  }
0x303: {  	[tilespmem:s20], [sflag:$0x3] =	stream.indirect_vreg.gather [hbm4b:s2+s3], $0x80, v3, vm0, $0xb8;
	[tilespmem:$0x18200] =	vst v63  }
0x304: {  	s28 =	simm.s32 $0xAA00  }
0x305: {  	[tilespmem:s28], [sflag:$0x3] =	stream.indirect_vreg.gather [hbm4b:s5+s3], $0x80, v3, vm0, $0xb8;
	[tilespmem:$0x18200] =	vst v63  }
0x306: {  	s20 =	simm.s32 $0xB200  }
0x307: {  	[tilespmem:s20], [sflag:$0x3] =	stream.indirect_vreg.gather [hbm4b:s6+s3], $0x80, v3, vm0, $0xb8;
	[tilespmem:$0x18200] =	vst v63  }
0x308: {  	s28 =	simm.s32 $0xBA00  }
0x309: {  	[tilespmem:s28], [sflag:$0x3] =	stream.indirect_vreg.gather [hbm4b:s7+s3], $0x80, v3, vm0, $0xb8;
	[tilespmem:$0x18200] =	vst v63  }
0x30a: {  	_ =	swait.ge [sflag:s13], $0x4000  }
0x30b: {  	[sflag:s13] =	ssyncset.done $0x0  }
0x30c: {  	s28 =	simm.s32 $0xC200;
	s4 =	rddreg [dreg:$0x1a];
	[sflag:s13] =	ssyncadd.s32 $0xFFFFC000  }
0x30d: {  	[hbm4b:s4+s3] =	stream.linear.scatter [tilespmem:s28], [sflag:$0xA], $0x4000, $0x38;
	[tilespmem:$0x18200] =	vst v63  }
0x30e: {  	_ =	swait.ge [sflag:s14], $0x4000  }
0x30f: {  	[sflag:s14] =	ssyncset.done $0x0  }
0x310: {  	[sflag:s14] =	ssyncadd.s32 $0xFFFFC000  }
0x311: {  	v3 =	vld [tilespmem:$0x1B0];
	_ =	sdelay $0x4  }
0x312: {  	v59 =	vshll.u32 v3, $0x3  }
0x313: {  	v3 =	vand.u32 $0x7, v3;
	v4 =	vand.u32 $0xFFFFFFC0, v59  }
0x314: {  	v3 =	vor.u32 v3, v4  }
0x315: {  	v4 =	vperm.xlane v3, v0;
	_ =	sdelay $0x1  }
0x316: {  	v4 =	vadd.s32 v1, v4;
	_ =	sdelay $0x4  }
0x317: {  	[tilespmem:s28], [sflag:$0x4] =	stream.indirect_vreg.gather [hbm4b:s2+s3], $0x80, v4, vm0, $0xb8;
	[tilespmem:$0x18200] =	vst v63  }
0x318: {  	s24 =	simm.s32 $0xCA00;
	v3 =	vperm.xlane v3, v2  }
0x319: {  	[tilespmem:s24], [sflag:$0x4] =	stream.indirect_vreg.gather [hbm4b:s5+s3], $0x80, v4, vm0, $0xb8;
	[tilespmem:$0x18200] =	vst v63  }
0x31a: {  	v3 =	vadd.s32 v1, v3;
	s24 =	simm.s32 $0xD200  }
0x31b: {  	[tilespmem:s24], [sflag:$0x4] =	stream.indirect_vreg.gather [hbm4b:s6+s3], $0x80, v4, vm0, $0xb8;
	[tilespmem:$0x18200] =	vst v63  }
0x31c: {  	s20 =	simm.s32 $0xDA00  }
0x31d: {  	[tilespmem:s20], [sflag:$0x4] =	stream.indirect_vreg.gather [hbm4b:s7+s3], $0x80, v4, vm0, $0xb8;
	[tilespmem:$0x18200] =	vst v63  }
0x31e: {  	s24 =	simm.s32 $0xE200  }
0x31f: {  	[tilespmem:s24], [sflag:$0x4] =	stream.indirect_vreg.gather [hbm4b:s2+s3], $0x80, v3, vm0, $0xb8;
	[tilespmem:$0x18200] =	vst v63  }
0x320: {  	s20 =	simm.s32 $0xEA00  }
0x321: {  	[tilespmem:s20], [sflag:$0x4] =	stream.indirect_vreg.gather [hbm4b:s5+s3], $0x80, v3, vm0, $0xb8;
	[tilespmem:$0x18200] =	vst v63  }
0x322: {  	s22 =	simm.s32 $0xF200  }
0x323: {  	[tilespmem:s22], [sflag:$0x4] =	stream.indirect_vreg.gather [hbm4b:s6+s3], $0x80, v3, vm0, $0xb8;
	[tilespmem:$0x18200] =	vst v63  }
0x324: {  	s24 =	simm.s32 $0xFA00  }
0x325: {  	[tilespmem:s24], [sflag:$0x4] =	stream.indirect_vreg.gather [hbm4b:s7+s3], $0x80, v3, vm0, $0xb8;
	[tilespmem:$0x18200] =	vst v63  }
0x326: {  	_ =	swait.ge [sflag:s15], $0x4000  }
0x327: {  	[sflag:s15] =	ssyncset.done $0x0  }
0x328: {  	s22 =	simm.s32 $0x10200;
	s4 =	rddreg [dreg:$0x1b];
	[sflag:s15] =	ssyncadd.s32 $0xFFFFC000  }
0x329: {  	[hbm4b:s4+s3] =	stream.linear.scatter [tilespmem:s22], [sflag:$0xB], $0x4000, $0x38;
	[tilespmem:$0x18200] =	vst v63  }
0x32a: {  	_ =	swait.ge [sflag:s16], $0x4000  }
0x32b: {  	[sflag:s16] =	ssyncset.done $0x0  }
0x32c: {  	[sflag:s16] =	ssyncadd.s32 $0xFFFFC000  }
0x32d: {  	v3 =	vld [tilespmem:$0x1C0];
	_ =	sdelay $0x4  }
0x32e: {  	v60 =	vshll.u32 v3, $0x3  }
0x32f: {  	v3 =	vand.u32 $0x7, v3;
	v4 =	vand.u32 $0xFFFFFFC0, v60  }
0x330: {  	v3 =	vor.u32 v3, v4  }
0x331: {  	v4 =	vperm.xlane v3, v0;
	_ =	sdelay $0x1  }
0x332: {  	v4 =	vadd.s32 v1, v4;
	_ =	sdelay $0x4  }
0x333: {  	[tilespmem:s22], [sflag:$0x5] =	stream.indirect_vreg.gather [hbm4b:s2+s3], $0x80, v4, vm0, $0xb8;
	[tilespmem:$0x18200] =	vst v63  }
0x334: {  	s24 =	simm.s32 $0x10A00;
	v3 =	vperm.xlane v3, v2  }
0x335: {  	[tilespmem:s24], [sflag:$0x5] =	stream.indirect_vreg.gather [hbm4b:s5+s3], $0x80, v4, vm0, $0xb8;
	[tilespmem:$0x18200] =	vst v63  }
0x336: {  	s20 =	simm.s32 $0x11200;
	v3 =	vadd.s32 v1, v3  }
0x337: {  	[tilespmem:s20], [sflag:$0x5] =	stream.indirect_vreg.gather [hbm4b:s6+s3], $0x80, v4, vm0, $0xb8;
	[tilespmem:$0x18200] =	vst v63  }
0x338: {  	s24 =	simm.s32 $0x11A00  }
0x339: {  	[tilespmem:s24], [sflag:$0x5] =	stream.indirect_vreg.gather [hbm4b:s7+s3], $0x80, v4, vm0, $0xb8;
	[tilespmem:$0x18200] =	vst v63  }
0x33a: {  	s20 =	simm.s32 $0x12200  }
0x33b: {  	[tilespmem:s20], [sflag:$0x5] =	stream.indirect_vreg.gather [hbm4b:s2+s3], $0x80, v3, vm0, $0xb8;
	[tilespmem:$0x18200] =	vst v63  }
0x33c: {  	s24 =	simm.s32 $0x12A00  }
0x33d: {  	[tilespmem:s24], [sflag:$0x5] =	stream.indirect_vreg.gather [hbm4b:s5+s3], $0x80, v3, vm0, $0xb8;
	[tilespmem:$0x18200] =	vst v63  }
0x33e: {  	s24 =	simm.s32 $0x13200  }
0x33f: {  	[tilespmem:s24], [sflag:$0x5] =	stream.indirect_vreg.gather [hbm4b:s6+s3], $0x80, v3, vm0, $0xb8;
	[tilespmem:$0x18200] =	vst v63  }
0x340: {  	s24 =	simm.s32 $0x13A00  }
0x341: {  	[tilespmem:s24], [sflag:$0x5] =	stream.indirect_vreg.gather [hbm4b:s7+s3], $0x80, v3, vm0, $0xb8;
	[tilespmem:$0x18200] =	vst v63  }
0x342: {  	s4 =	sld [smem:$0x7F7];
	_ =	swait.ge [sflag:s17], $0x4000  }
0x343: {  	[sflag:s17] =	ssyncset.done $0x0  }
0x344: {  	s24 =	simm.s32 $0x14200;
	s20 =	rddreg [dreg:$0x1c];
	[sflag:s17] =	ssyncadd.s32 $0xFFFFC000  }
0x345: {  	[hbm4b:s20+s3] =	stream.linear.scatter [tilespmem:s24], [sflag:$0xC], $0x4000, $0x38;
	[tilespmem:$0x18200] =	vst v63  }
0x346: {  	_ =	swait.ge [sflag:s18], $0x4000  }
0x347: {  	[sflag:s18] =	ssyncset.done $0x0  }
0x348: {  	[sflag:s18] =	ssyncadd.s32 $0xFFFFC000  }
0x349: {  	v3 =	vld [tilespmem:$0x1D0];
	_ =	sdelay $0x4  }
0x34a: {  	v61 =	vshll.u32 v3, $0x3  }
0x34b: {  	v3 =	vand.u32 $0x7, v3;
	v4 =	vand.u32 $0xFFFFFFC0, v61  }
0x34c: {  	v3 =	vor.u32 v3, v4  }
0x34d: {  	v4 =	vperm.xlane v3, v0;
	_ =	sdelay $0x1  }
0x34e: {  	v4 =	vadd.s32 v1, v4;
	_ =	sdelay $0x4  }
0x34f: {  	[tilespmem:s24], [sflag:$0x6] =	stream.indirect_vreg.gather [hbm4b:s2+s3], $0x80, v4, vm0, $0xb8;
	[tilespmem:$0x18200] =	vst v63  }
0x350: {  	s20 =	simm.s32 $0x14A00;
	v3 =	vperm.xlane v3, v2  }
0x351: {  	[tilespmem:s20], [sflag:$0x6] =	stream.indirect_vreg.gather [hbm4b:s5+s3], $0x80, v4, vm0, $0xb8;
	[tilespmem:$0x18200] =	vst v63  }
0x352: {  	v3 =	vadd.s32 v1, v3;
	s20 =	simm.s32 $0x15200  }
0x353: {  	[tilespmem:s20], [sflag:$0x6] =	stream.indirect_vreg.gather [hbm4b:s6+s3], $0x80, v4, vm0, $0xb8;
	[tilespmem:$0x18200] =	vst v63  }
0x354: {  	s20 =	simm.s32 $0x15A00  }
0x355: {  	[tilespmem:s20], [sflag:$0x6] =	stream.indirect_vreg.gather [hbm4b:s7+s3], $0x80, v4, vm0, $0xb8;
	[tilespmem:$0x18200] =	vst v63  }
0x356: {  	s20 =	simm.s32 $0x16200  }
0x357: {  	[tilespmem:s20], [sflag:$0x6] =	stream.indirect_vreg.gather [hbm4b:s2+s3], $0x80, v3, vm0, $0xb8;
	[tilespmem:$0x18200] =	vst v63  }
0x358: {  	s20 =	simm.s32 $0x16A00  }
0x359: {  	[tilespmem:s20], [sflag:$0x6] =	stream.indirect_vreg.gather [hbm4b:s5+s3], $0x80, v3, vm0, $0xb8;
	[tilespmem:$0x18200] =	vst v63  }
0x35a: {  	s20 =	simm.s32 $0x17200  }
0x35b: {  	[tilespmem:s20], [sflag:$0x6] =	stream.indirect_vreg.gather [hbm4b:s6+s3], $0x80, v3, vm0, $0xb8;
	[tilespmem:$0x18200] =	vst v63  }
0x35c: {  	s20 =	simm.s32 $0x17A00  }
0x35d: {  	[tilespmem:s20], [sflag:$0x6] =	stream.indirect_vreg.gather [hbm4b:s7+s3], $0x80, v3, vm0, $0xb8;
	[tilespmem:$0x18200] =	vst v63  }
0x35e: {  	_ =	swait.ge [sflag:s11], $0x4000  }
0x35f: {  	[sflag:s11] =	ssyncset.done $0x0  }
0x360: {  	s20 =	rddreg [dreg:$0x1d];
	[sflag:s11] =	ssyncadd.s32 $0xFFFFC000  }
0x361: {  	[hbm4b:s20+s3] =	stream.linear.scatter [tilespmem:s25], [sflag:$0x7], $0x4000, $0x38;
	[tilespmem:$0x18200] =	vst v63  }
0x362: {  	_ =	swait.ge [sflag:s9], $0x4000  }
0x363: {  	[sflag:s9] =	ssyncset.done $0x0  }
0x364: {  	[sflag:s9] =	ssyncadd.s32 $0xFFFFC000  }
0x365: {  	v3 =	vld [tilespmem:$0x1E0];
	_ =	sdelay $0x4  }
0x366: {  	v62 =	vshll.u32 v3, $0x3  }
0x367: {  	v3 =	vand.u32 $0x7, v3;
	v4 =	vand.u32 $0xFFFFFFC0, v62  }
0x368: {  	v3 =	vor.u32 v3, v4  }
0x369: {  	v4 =	vperm.xlane v3, v0;
	_ =	sdelay $0x1  }
0x36a: {  	v4 =	vadd.s32 v1, v4;
	_ =	sdelay $0x4  }
0x36b: {  	[tilespmem:s25], [sflag:$0x1] =	stream.indirect_vreg.gather [hbm4b:s2+s3], $0x80, v4, vm0, $0xb8;
	[tilespmem:$0x18200] =	vst v63  }
0x36c: {  	s20 =	simm.s32 $0xA00;
	v3 =	vperm.xlane v3, v2  }
0x36d: {  	[tilespmem:s20], [sflag:$0x1] =	stream.indirect_vreg.gather [hbm4b:s5+s3], $0x80, v4, vm0, $0xb8;
	[tilespmem:$0x18200] =	vst v63  }
0x36e: {  	s10 =	simm.s32 $0x1200;
	v3 =	vadd.s32 v1, v3  }
0x36f: {  	[tilespmem:s10], [sflag:$0x1] =	stream.indirect_vreg.gather [hbm4b:s6+s3], $0x80, v4, vm0, $0xb8;
	[tilespmem:$0x18200] =	vst v63  }
0x370: {  	s19 =	simm.s32 $0x1A00  }
0x371: {  	[tilespmem:s19], [sflag:$0x1] =	stream.indirect_vreg.gather [hbm4b:s7+s3], $0x80, v4, vm0, $0xb8;
	[tilespmem:$0x18200] =	vst v63  }
0x372: {  	s21 =	simm.s32 $0x2200  }
0x373: {  	[tilespmem:s21], [sflag:$0x1] =	stream.indirect_vreg.gather [hbm4b:s2+s3], $0x80, v3, vm0, $0xb8;
	[tilespmem:$0x18200] =	vst v63  }
0x374: {  	s26 =	simm.s32 $0x2A00  }
0x375: {  	[tilespmem:s26], [sflag:$0x1] =	stream.indirect_vreg.gather [hbm4b:s5+s3], $0x80, v3, vm0, $0xb8;
	[tilespmem:$0x18200] =	vst v63  }
0x376: {  	s29 =	simm.s32 $0x3200  }
0x377: {  	[tilespmem:s29], [sflag:$0x1] =	stream.indirect_vreg.gather [hbm4b:s6+s3], $0x80, v3, vm0, $0xb8;
	[tilespmem:$0x18200] =	vst v63  }
0x378: {  	s29 =	simm.s32 $0x3A00  }
0x379: {  	[tilespmem:s29], [sflag:$0x1] =	stream.indirect_vreg.gather [hbm4b:s7+s3], $0x80, v3, vm0, $0xb8;
	[tilespmem:$0x18200] =	vst v63  }
0x37a: {  	_ =	swait.ge [sflag:s30], $0x4000  }
0x37b: {  	[sflag:s30] =	ssyncset.done $0x0  }
0x37c: {  	s8 =	simm.s32 $0x4200;
	s10 =	rddreg [dreg:$0x1e];
	[sflag:s30] =	ssyncadd.s32 $0xFFFFC000  }
0x37d: {  	[hbm4b:s10+s3] =	stream.linear.scatter [tilespmem:s8], [sflag:$0x8], $0x4000, $0x38;
	[tilespmem:$0x18200] =	vst v63  }
0x37e: {  	_ =	swait.ge [sflag:s0], $0x4000  }
0x37f: {  	[sflag:s0] =	ssyncset.done $0x0  }
0x380: {  	[sflag:s0] =	ssyncadd.s32 $0xFFFFC000  }
0x381: {  	v3 =	vld [tilespmem:$0x1F0];
	_ =	sdelay $0x4  }
0x382: {  	v63 =	vshll.u32 v3, $0x3  }
0x383: {  	v3 =	vand.u32 $0x7, v3;
	v4 =	vand.u32 $0xFFFFFFC0, v63  }
0x384: {  	v3 =	vor.u32 v3, v4  }
0x385: {  	v4 =	vperm.xlane v3, v0;
	_ =	sdelay $0x1  }
0x386: {  	v4 =	vadd.s32 v1, v4;
	_ =	sdelay $0x4  }
0x387: {  	[tilespmem:s8], [sflag:$0x2] =	stream.indirect_vreg.gather [hbm4b:s2+s3], $0x80, v4, vm0, $0xb8;
	[tilespmem:$0x18200] =	vst v63  }
0x388: {  	s19 =	simm.s32 $0x4A00;
	v3 =	vperm.xlane v3, v2  }
0x389: {  	[tilespmem:s19], [sflag:$0x2] =	stream.indirect_vreg.gather [hbm4b:s5+s3], $0x80, v4, vm0, $0xb8;
	[tilespmem:$0x18200] =	vst v63  }
0x38a: {  	s20 =	simm.s32 $0x5200;
	v3 =	vadd.s32 v1, v3  }
0x38b: {  	[tilespmem:s20], [sflag:$0x2] =	stream.indirect_vreg.gather [hbm4b:s6+s3], $0x80, v4, vm0, $0xb8;
	[tilespmem:$0x18200] =	vst v63  }
0x38c: {  	s31 =	simm.s32 $0x5A00  }
0x38d: {  	[tilespmem:s31], [sflag:$0x2] =	stream.indirect_vreg.gather [hbm4b:s7+s3], $0x80, v4, vm0, $0xb8;
	[tilespmem:$0x18200] =	vst v63  }
0x38e: {  	s21 =	simm.s32 $0x6200  }
0x38f: {  	[tilespmem:s21], [sflag:$0x2] =	stream.indirect_vreg.gather [hbm4b:s2+s3], $0x80, v3, vm0, $0xb8;
	[tilespmem:$0x18200] =	vst v63  }
0x390: {  	s26 =	simm.s32 $0x6A00  }
0x391: {  	[tilespmem:s26], [sflag:$0x2] =	stream.indirect_vreg.gather [hbm4b:s5+s3], $0x80, v3, vm0, $0xb8;
	[tilespmem:$0x18200] =	vst v63  }
0x392: {  	s29 =	simm.s32 $0x7200  }
0x393: {  	[tilespmem:s29], [sflag:$0x2] =	stream.indirect_vreg.gather [hbm4b:s6+s3], $0x80, v3, vm0, $0xb8;
	[tilespmem:$0x18200] =	vst v63  }
0x394: {  	s31 =	simm.s32 $0x7A00  }
0x395: {  	[tilespmem:s31], [sflag:$0x2] =	stream.indirect_vreg.gather [hbm4b:s7+s3], $0x80, v3, vm0, $0xb8;
	[tilespmem:$0x18200] =	vst v63  }
0x396: {  	_ =	swait.ge [sflag:s23], $0x4000  }
0x397: {  	[sflag:s23] =	ssyncset.done $0x0  }
0x398: {  	s1 =	simm.s32 $0x8200;
	s19 =	rddreg [dreg:$0x1f];
	[sflag:s23] =	ssyncadd.s32 $0xFFFFC000  }
0x399: {  	[hbm4b:s19+s3] =	stream.linear.scatter [tilespmem:s1], [sflag:$0x9], $0x4000, $0x38;
	[tilespmem:$0x18200] =	vst v63  }
0x39a: {  	_ =	swait.ge [sflag:s13], $0x4000  }
0x39b: {  	s21 =	sld [smem:$0x7F8]  }
0x39c: {  	[sflag:s13] =	ssyncset.done $0x0  }
0x39d: {  	s28 =	simm.s32 $0xC200;
	[sflag:s13] =	ssyncadd.s32 $0xFFFFC000  }
0x39e: {  	[hbm4b:s21+s3] =	stream.linear.scatter [tilespmem:s28], [sflag:$0xA], $0x4000, $0x38;
	[tilespmem:$0x18200] =	vst v63  }
0x39f: {  	_ =	swait.ge [sflag:s15], $0x4000  }
0x3a0: {  	s26 =	sld [smem:$0x7F9]  }
0x3a1: {  	[sflag:s15] =	ssyncset.done $0x0  }
0x3a2: {  	s22 =	simm.s32 $0x10200;
	[sflag:s15] =	ssyncadd.s32 $0xFFFFC000  }
0x3a3: {  	[hbm4b:s26+s3] =	stream.linear.scatter [tilespmem:s22], [sflag:$0xB], $0x4000, $0x38;
	[tilespmem:$0x18200] =	vst v63  }
0x3a4: {  	_ =	swait.ge [sflag:s17], $0x4000  }
0x3a5: {  	s28 =	sld [smem:$0x7FA]  }
0x3a6: {  	[sflag:s17] =	ssyncset.done $0x0  }
0x3a7: {  	s24 =	simm.s32 $0x14200;
	[sflag:s17] =	ssyncadd.s32 $0xFFFFC000  }
0x3a8: {  	[hbm4b:s28+s3] =	stream.linear.scatter [tilespmem:s24], [sflag:$0xC], $0x4000, $0x38;
	[tilespmem:$0x18200] =	vst v63  }
0x3a9: {  	_ =	swait.ge [sflag:s11], $0x4000  }
0x3aa: {  	s29 =	sld [smem:$0x7FB]  }
0x3ab: {  	[sflag:s11] =	ssyncset.done $0x0  }
0x3ac: {  	[sflag:s11] =	ssyncadd.s32 $0xFFFFC000  }
0x3ad: {  	[hbm4b:s29+s3] =	stream.linear.scatter [tilespmem:s25], [sflag:$0x7], $0x4000, $0x38;
	[tilespmem:$0x18200] =	vst v63  }
0x3ae: {  	_ =	swait.ge [sflag:s30], $0x4000  }
0x3af: {  	s31 =	sld [smem:$0x7FD]  }
0x3b0: {  	[sflag:s30] =	ssyncset.done $0x0  }
0x3b1: {  	[sflag:s30] =	ssyncadd.s32 $0xFFFFC000  }
0x3b2: {  	[hbm4b:s31+s3] =	stream.linear.scatter [tilespmem:s8], [sflag:$0x8], $0x4000, $0x38;
	[tilespmem:$0x18200] =	vst v63  }
0x3b3: {  	_ =	swait.ge [sflag:s12], $0x4000  }
0x3b4: {  	[sflag:s12] =	ssyncset.done $0x0  }
0x3b5: {  	[sflag:s12] =	ssyncadd.s32 $0xFFFFC000  }
0x3b6: {  	_ =	swait.ge [sflag:s14], $0x4000  }
0x3b7: {  	[sflag:s14] =	ssyncset.done $0x0  }
0x3b8: {  	[sflag:s14] =	ssyncadd.s32 $0xFFFFC000  }
0x3b9: {  	_ =	swait.ge [sflag:s16], $0x4000  }
0x3ba: {  	[sflag:s16] =	ssyncset.done $0x0  }
0x3bb: {  	[sflag:s16] =	ssyncadd.s32 $0xFFFFC000  }
0x3bc: {  	_ =	swait.ge [sflag:s18], $0x4000  }
0x3bd: {  	[sflag:s18] =	ssyncset.done $0x0  }
0x3be: {  	[sflag:s18] =	ssyncadd.s32 $0xFFFFC000  }
0x3bf: {  	p0 =	sne.s32 s4, $0x1;
	_ =	swait.ge [sflag:s9], $0x4000  }
.Ltmp0:
0x3c0: {  	[sflag:s9] =	ssyncset.done $0x0;
	(pc) =	sbr.rel @p0 .LBB2_1-.Ltmp0, $4  }
0x3c1: {  	[sflag:s9] =	ssyncadd.s32 $0xFFFFC000  }
0x3c2: {  	_ =	swait.ge [sflag:s0], $0x4000  }
0x3c3: {  	[sflag:s0] =	ssyncset.done $0x0  }
0x3c4: {  	s4 =	sadd.s32 $0xFFFFFFFF, s4;
	[sflag:s0] =	ssyncadd.s32 $0xFFFFC000  }
0x3c5: {  	_ =	sfence.sel $0x180000  }
0x3c6: {  	[bflag:$0x0] =	sbarrier.arrive $0xFFFF  }
0x3c7: {  	_ =	strace $0x90000047  }
0x3c8: {  	s0 =	stileid.u32;
	[bflag:$0x2] =	sbarrier.arrive $0xFFFF  }
0x3c9: {  	p0 =	sne.s32 s0, $0x0;
	s0 =	rddreg [dreg:$0x3]  }
0x3ca: {  	s0 =	sadd.s32 @!p0 $0x100000, s0  }
0x3cb: {  	[sflag:s0] =	ssyncadd.tile.s32 @!p0 $0x1;
	_ =	shalt  }
.Lfunc_end2:
_tile_overlayer_lowered:
.L_overlay_start_2:
0x3cc: {  	(tag) =	ssettag $0x2  }
0x3cd: {  	s0 =	rddreg [dreg:$0x0];
	s2 =	stileid.u32  }
0x3ce: {  	s1 =	rddreg [dreg:$0x1];
	p0 =	sne.s32 s2, $0x0  }
0x3cf: {  	s3 =	rddreg [dreg:$0x2];
	[bflag:$0x3] =	sbarrier.arrive $0xFFFF;
	s2 =	simm.s32 @!p0 $0x1C0E  }
0x3d0: {  	[timem:s3], [sflag:s2] =	dma.local @!p0 [hbm:s0], s1  }
0x3d1: {  	s0 =	simm.s32 @!p0 $0xE  }
0x3d2: {  	_ =	swait.ge @!p0 [sflag:s0], s1  }
0x3d3: {  	s1 =	ssub.s32 @!p0 $0x0, s1;
	[sflag:s0] =	ssyncset.done @!p0 $0x0  }
0x3d4: {  	[sflag:s0] =	ssyncadd.s32 @!p0 s1  }
0x3d5: {  	[bflag:$0x3] =	sbarrier.arrive $0xFFFF  }
0x3d6: {  	_ =	shalt  }

</sc_bundles>
